<compile_context>
chip_gen: v7x
topology: tpu7x:2x2x1
jax: 0.10.2.dev20260603
libtpu: 0.0.44.dev20260713+nightly
codegen_flags: <defaults>
</compile_context>

<pallas_src>
import functools

import jax
import jax.numpy as jnp
from jax import lax
from jax.experimental import pallas as pl
from jax.experimental.pallas import tpu as pltpu
from jax.experimental.pallas import tpu_sc as plsc

N = 10000
E = 320000
D_IN = 128
D_H = 128
D_OUT = 64

NPAD = 10240
EPAD = 327680
EROWS = EPAD // 128
NW = 32
EROWS_W = EROWS // NW
ROWS_TILE = NPAD // 16
DEG_W = 128

_mesh = plsc.VectorSubcoreMesh(core_axis_name="c", subcore_axis_name="s")


def _zero_fill(ref, nrows, ncols):
    z = jnp.zeros((16,), jnp.float32)
    kcols = ncols // 16

    def body(t, carry):
        i = t // kcols
        k = t % kcols
        ref[i, pl.ds(k * 16, 16)] = z
        return carry

    lax.fori_loop(0, nrows * kcols, body, 0)


_CH = 16


def _sc_scatter_sum(m, srcs, dsts, zeros, dm):

    nslot = 2

    @functools.partial(
        pl.kernel,
        out_type=jax.ShapeDtypeStruct((2 * NPAD, dm), jnp.float32),
        mesh=_mesh,
        scratch_types=[
            pltpu.VMEM((_CH, 128), jnp.int32),
            pltpu.VMEM((_CH, 128), jnp.int32),
            pltpu.VMEM((nslot, 128, dm), jnp.float32),
            pltpu.VMEM_SHARED((NPAD, dm), jnp.float32),
            pltpu.SemaphoreType.DMA((nslot,)),
            pltpu.SemaphoreType.DMA((nslot,)),
        ],
    )
    def scat(m_hbm, srcs_hbm, dsts_hbm, zeros_hbm, out_hbm, sidx, didx, rows, acc, gsem, ssem):
        cid = lax.axis_index("c")
        sid = lax.axis_index("s")
        wid = cid * 16 + sid
        base = wid * EROWS_W

        pltpu.sync_copy(
            zeros_hbm.at[pl.ds(sid * ROWS_TILE, ROWS_TILE)],
            acc.at[pl.ds(sid * ROWS_TILE, ROWS_TILE)],
        )
        plsc.subcore_barrier()

        def chunk(ci, carry):
            pltpu.sync_copy(srcs_hbm.at[pl.ds(base + ci * _CH, _CH)], sidx)
            pltpu.sync_copy(dsts_hbm.at[pl.ds(base + ci * _CH, _CH)], didx)

            for s in range(nslot):
                pltpu.async_copy(m_hbm.at[sidx.at[s]], rows.at[s], gsem.at[s])

            def body(i, c2):
                for s in range(nslot):
                    j = i * nslot + s
                    pltpu.make_async_copy(m_hbm.at[sidx.at[j]], rows.at[s], gsem.at[s]).wait()
                    pltpu.async_copy(rows.at[s], acc.at[didx.at[j]], ssem.at[s], add=True)
                for s in range(nslot):
                    j = i * nslot + s

                    @pl.when(j + nslot < _CH)
                    def _():
                        pltpu.make_async_copy(rows.at[s], acc.at[didx.at[j]], ssem.at[s]).wait()
                        pltpu.async_copy(m_hbm.at[sidx.at[j + nslot]], rows.at[s], gsem.at[s])

                return c2

            lax.fori_loop(0, _CH // nslot, body, 0)
            for s in range(nslot):
                pltpu.make_async_copy(rows.at[s], acc.at[didx.at[s]], ssem.at[s]).wait()
            return carry

        lax.fori_loop(0, EROWS_W // _CH, chunk, 0)
        plsc.subcore_barrier()

        pltpu.sync_copy(
            acc.at[pl.ds(sid * ROWS_TILE, ROWS_TILE)],
            out_hbm.at[pl.ds(cid * NPAD + sid * ROWS_TILE, ROWS_TILE)],
        )

    return scat(m, srcs, dsts, zeros)


def _sc_degree(dsts):

    @functools.partial(
        pl.kernel,
        out_type=jax.ShapeDtypeStruct((2 * NPAD, DEG_W), jnp.float32),
        mesh=_mesh,
        scratch_types=[
            pltpu.VMEM((EROWS_W, 128), jnp.int32),
            pltpu.VMEM((128, DEG_W), jnp.float32),
            pltpu.VMEM((64, DEG_W), jnp.float32),
            pltpu.VMEM_SHARED((NPAD, DEG_W), jnp.float32),
            pltpu.SemaphoreType.DMA,
        ],
    )
    def degk(dsts_hbm, out_hbm, didx, ones, zbuf, acc, sem):
        cid = lax.axis_index("c")
        sid = lax.axis_index("s")
        wid = cid * 16 + sid
        base = wid * EROWS_W

        pltpu.sync_copy(dsts_hbm.at[pl.ds(base, EROWS_W)], didx)

        one = jnp.ones((16,), jnp.float32)
        kcols = DEG_W // 16

        def fill_ones(t, carry):
            ones[t // kcols, pl.ds((t % kcols) * 16, 16)] = one
            return carry

        lax.fori_loop(0, 128 * kcols, fill_ones, 0)
        _zero_fill(zbuf, 64, DEG_W)
        for t in range(ROWS_TILE // 64):
            pltpu.sync_copy(zbuf, acc.at[pl.ds(sid * ROWS_TILE + t * 64, 64)])
        plsc.subcore_barrier()

        def body(j, carry):
            pltpu.sync_copy(ones, acc.at[didx.at[j]], add=True)
            return carry

        lax.fori_loop(0, EROWS_W, body, 0)
        plsc.subcore_barrier()

        pltpu.sync_copy(
            acc.at[pl.ds(sid * ROWS_TILE, ROWS_TILE)],
            out_hbm.at[pl.ds(cid * NPAD + sid * ROWS_TILE, ROWS_TILE)],
        )

    return degk(dsts)


_R = 1024


def _row_mask(pid):
    rows = lax.broadcasted_iota(jnp.int32, (_R, 1), 0) + pid * _R
    return rows < N


def _tc_in(x, W_in, b_in, Wl0, Wr0, b0):

    def body(x_ref, wi_ref, bi_ref, wl_ref, wr_ref, b0_ref, inp_ref, m_ref, r_ref):
        t = jnp.dot(x_ref[...], wi_ref[...], preferred_element_type=jnp.float32)
        t = t + bi_ref[...][None, :]
        inp_ref[...] = t
        h = jnp.maximum(t, 0.0)
        m = jnp.dot(h, wl_ref[...], preferred_element_type=jnp.float32)
        m_ref[...] = jnp.where(_row_mask(pl.program_id(0)), m, 0.0)
        r_ref[...] = jnp.dot(h, wr_ref[...], preferred_element_type=jnp.float32) + b0_ref[...][None, :]

    grid = NPAD // _R
    blk = lambda d: pl.BlockSpec((_R, d), lambda i: (i, 0))
    wblk = lambda a, b: pl.BlockSpec((a, b), lambda i: (0, 0))
    vblk = lambda d: pl.BlockSpec((d,), lambda i: (0,))
    return pl.pallas_call(
        body,
        grid=(grid,),
        in_specs=[blk(D_IN), wblk(D_IN, D_H), vblk(D_H), wblk(D_H, D_H), wblk(D_H, D_H), vblk(D_H)],
        out_specs=[blk(D_H), blk(D_H), blk(D_H)],
        out_shape=[
            jax.ShapeDtypeStruct((NPAD, D_H), jnp.float32),
            jax.ShapeDtypeStruct((NPAD, D_H), jnp.float32),
            jax.ShapeDtypeStruct((NPAD, D_H), jnp.float32),
        ],
    )(x, W_in, b_in, Wl0, Wr0, b0)


def _tc_mid(S0, S1, d0, d1, r, inp, Wl, Wr, b, dout):

    def body(s0_ref, s1_ref, d0_ref, d1_ref, r_ref, inp_ref, wl_ref, wr_ref, b_ref,
             m_ref, rn_ref):
        deg = d0_ref[...][:, :1] + d1_ref[...][:, :1]
        scale = 1.0 / jnp.maximum(deg, 1.0)
        agg = (s0_ref[...] + s1_ref[...]) * scale
        h = jnp.maximum(agg + r_ref[...], 0.0) + 0.2 * inp_ref[...]
        m = jnp.dot(h, wl_ref[...], preferred_element_type=jnp.float32)
        m_ref[...] = jnp.where(_row_mask(pl.program_id(0)), m, 0.0)
        rn_ref[...] = jnp.dot(h, wr_ref[...], preferred_element_type=jnp.float32) + b_ref[...][None, :]

    grid = NPAD // _R
    blk = lambda d: pl.BlockSpec((_R, d), lambda i: (i, 0))
    wblk = lambda a, b: pl.BlockSpec((a, b), lambda i: (0, 0))
    vblk = lambda d: pl.BlockSpec((d,), lambda i: (0,))
    return pl.pallas_call(
        body,
        grid=(grid,),
        in_specs=[blk(D_H), blk(D_H), blk(DEG_W), blk(DEG_W), blk(D_H), blk(D_H),
                  wblk(D_H, dout), wblk(D_H, dout), vblk(dout)],
        out_specs=[blk(dout), blk(dout)],
        out_shape=[
            jax.ShapeDtypeStruct((NPAD, dout), jnp.float32),
            jax.ShapeDtypeStruct((NPAD, dout), jnp.float32),
        ],
    )(S0, S1, d0, d1, r, inp, Wl, Wr, b)


def _tc_final(S0, S1, d0, d1, r):

    def body(s0_ref, s1_ref, d0_ref, d1_ref, r_ref, o_ref):
        deg = d0_ref[...][:, :1] + d1_ref[...][:, :1]
        scale = 1.0 / jnp.maximum(deg, 1.0)
        logits = (s0_ref[...] + s1_ref[...]) * scale + r_ref[...]
        mx = jnp.max(logits, axis=-1, keepdims=True)
        sh = logits - mx
        lse = jnp.log(jnp.sum(jnp.exp(sh), axis=-1, keepdims=True))
        o_ref[...] = sh - lse

    grid = NPAD // _R
    blk = lambda d: pl.BlockSpec((_R, d), lambda i: (i, 0))
    return pl.pallas_call(
        body,
        grid=(grid,),
        in_specs=[blk(D_OUT), blk(D_OUT), blk(DEG_W), blk(DEG_W), blk(D_OUT)],
        out_specs=blk(D_OUT),
        out_shape=jax.ShapeDtypeStruct((NPAD, D_OUT), jnp.float32),
    )(S0, S1, d0, d1, r)


def kernel(x, edge_index, W_in, b_in, Wl0, Wr0, b0, Wl1, Wr1, b1, Wl2, Wr2, b2):
    src = edge_index[0]
    dst = edge_index[1]
    pad = jnp.full((EPAD - E,), N, jnp.int32)
    srcs = jnp.concatenate([src, pad]).reshape(EROWS, 128)
    dsts = jnp.concatenate([dst, pad]).reshape(EROWS, 128)
    x_pad = jnp.pad(x, ((0, NPAD - N), (0, 0)))
    zeros = jnp.zeros((NPAD, D_H), jnp.float32)

    degp = _sc_degree(dsts)
    d0, d1 = degp[:NPAD], degp[NPAD:]

    inp, m0, r0 = _tc_in(x_pad, W_in, b_in, Wl0, Wr0, b0)

    S = _sc_scatter_sum(m0, srcs, dsts, zeros, D_H)
    m1, r1 = _tc_mid(S[:NPAD], S[NPAD:], d0, d1, r0, inp, Wl1, Wr1, b1, D_H)

    S = _sc_scatter_sum(m1, srcs, dsts, zeros, D_H)
    Wl2p = jnp.pad(Wl2, ((0, 0), (0, D_H - D_OUT)))
    Wr2p = jnp.pad(Wr2, ((0, 0), (0, D_H - D_OUT)))
    b2p = jnp.pad(b2, (0, D_H - D_OUT))
    m2, r2 = _tc_mid(S[:NPAD], S[NPAD:], d0, d1, r1, inp, Wl2p, Wr2p, b2p, D_H)

    S = _sc_scatter_sum(m2, srcs, dsts, zeros, D_H)
    out = _tc_final(S[:NPAD, :D_OUT], S[NPAD:NPAD + NPAD, :D_OUT], d0, d1, r2[:, :D_OUT])
    return out[:N]

# --- scband reference (transcript-rebuilt; emitter-appended) ---
"""Pipeline reference for scband-gcn-81140522156704 (READ-ONLY COPY).

The authoritative reference and input builder live on the scoring server;
editing this copy changes nothing except your own understanding.
"""

import jax, jax.numpy as jnp
import numpy as np

N = 10000
E = 320000
D_IN = 128
D_H = 128
D_OUT = 64


def _glorot(key, shape):
    fan_in = shape[0]
    return jax.random.normal(key, shape, jnp.float32) * (1.0 / np.sqrt(fan_in))


def setup_inputs(seed: int = 0) -> dict:
    key = jax.random.key(seed)
    ks = jax.random.split(key, 16)
    x = jax.random.normal(ks[0], (N, D_IN), jnp.float32)
    edge_index = jax.random.randint(ks[1], (2, E), 0, N, dtype=jnp.int32)
    # inProj: Linear(D_IN, D_H)
    W_in = _glorot(ks[2], (D_IN, D_H))
    b_in = jnp.zeros((D_H,), jnp.float32)
    # SAGEConv 0: D_H -> D_H (lin_l on aggregated neighbors w/ bias, lin_r on root)
    Wl0 = _glorot(ks[3], (D_H, D_H)); Wr0 = _glorot(ks[4], (D_H, D_H)); b0 = jnp.zeros((D_H,), jnp.float32)
    # SAGEConv 1: D_H -> D_H
    Wl1 = _glorot(ks[5], (D_H, D_H)); Wr1 = _glorot(ks[6], (D_H, D_H)); b1 = jnp.zeros((D_H,), jnp.float32)
    # SAGEConv 2 (final): D_H -> D_OUT
    Wl2 = _glorot(ks[7], (D_H, D_OUT)); Wr2 = _glorot(ks[8], (D_H, D_OUT)); b2 = jnp.zeros((D_OUT,), jnp.float32)
    return {
        "x": x, "edge_index": edge_index,
        "W_in": W_in, "b_in": b_in,
        "Wl0": Wl0, "Wr0": Wr0, "b0": b0,
        "Wl1": Wl1, "Wr1": Wr1, "b1": b1,
        "Wl2": Wl2, "Wr2": Wr2, "b2": b2,
    }


def _sage_conv(h, src, dst, Wl, Wr, b):
    # mean aggregation of source features at destination nodes
    msgs = jnp.take(h, src, axis=0)
    agg = jax.ops.segment_sum(msgs, dst, num_segments=N)
    deg = jax.ops.segment_sum(jnp.ones((src.shape[0], 1), jnp.float32), dst, num_segments=N)
    agg = agg / jnp.clip(deg, 1.0, None)
    return agg @ Wl + h @ Wr + b


def reference(x, edge_index, W_in, b_in, Wl0, Wr0, b0, Wl1, Wr1, b1, Wl2, Wr2, b2):
    src = edge_index[0]
    dst = edge_index[1]
    h = x @ W_in + b_in
    inp = h
    h = jax.nn.relu(h)
    # conv 0
    h = _sage_conv(h, src, dst, Wl0, Wr0, b0)
    h = jax.nn.relu(h)
    # dropout is identity in eval mode
    h = h + 0.2 * inp
    # conv 1
    h = _sage_conv(h, src, dst, Wl1, Wr1, b1)
    h = jax.nn.relu(h)
    h = h + 0.2 * inp
    # conv 2 (final, no residual/activation)
    h = _sage_conv(h, src, dst, Wl2, Wr2, b2)
    return jax.nn.log_softmax(h, axis=-1)

if __name__ == "__main__":
    import jax
    _d = setup_inputs()
    print(jax.jit(kernel)(*tuple(_d.values())))

</pallas_src>

<mosaic_0001>
#map = affine_map<(d0, d1) -> (0, 0)>
module attributes {stable_mosaic.version = 14 : i64} {
  func.func @scat(%arg0: i32, %arg1: i32, %arg2: memref<10240x128xf32, #tpu.memory_space<hbm>>, %arg3: memref<2560x128xi32, #tpu.memory_space<hbm>>, %arg4: memref<2560x128xi32, #tpu.memory_space<hbm>>, %arg5: memref<10240x128xf32, #tpu.memory_space<hbm>>, %arg6: memref<20480x128xf32, #tpu.memory_space<hbm>>, %arg7: memref<16x128xi32, #tpu.memory_space<vmem>>, %arg8: memref<16x128xi32, #tpu.memory_space<vmem>>, %arg9: memref<2x128x128xf32, #tpu.memory_space<vmem>>, %arg10: memref<10240x128xf32, #tpu.memory_space<vmem_shared>>, %arg11: memref<2x!tpu.dma_semaphore, #tpu.memory_space<semaphore_mem>>, %arg12: memref<2x!tpu.dma_semaphore, #tpu.memory_space<semaphore_mem>>) attributes {dimension_semantics = [#tpu.dimension_semantics<core_parallel>, #tpu.dimension_semantics<subcore_parallel>], iteration_bounds = array<i64: 2, 16>, scalar_prefetch = 0 : i64, scratch_operands = 6 : i64, tpu.core_type = #tpu.core_type<sc_vector_subcore>, window_params = [{transform_indices = #map}, {transform_indices = #map}, {transform_indices = #map}, {transform_indices = #map}, {transform_indices = #map}]} {
    %mul3A = arith.constant 16 : i32
    %mul3A_0 = arith.muli %arg0, %mul3A : i32
    %add3A = arith.addi %mul3A_0, %arg1 : i32
    %mul3A_1 = arith.constant 80 : i32
    %mul3A_2 = arith.muli %add3A, %mul3A_1 : i32
    %mul3A_3 = arith.constant 640 : i32
    %mul3A_4 = arith.muli %arg1, %mul3A_3 : i32
    %mul3A_5 = arith.constant 640 : i32
    %mul3A_6 = arith.muli %arg1, %mul3A_5 : i32
    "tpu.region"() ({
      %run_scoped3A = tpu.sem_alloc : memref<!tpu.dma_semaphore, #tpu.memory_space<semaphore_mem>>
      %dma_start3A = arith.constant 0 : i32
      %dma_start3A_20 = tpu.memref_slice %arg10[%mul3A_6, %dma_start3A] : memref<10240x128xf32, #tpu.memory_space<vmem_shared>> -> memref<640x128xf32, #tpu.memory_space<vmem_shared>>
      %dma_start3A_21 = arith.constant 0 : i32
      %dma_start3A_22 = tpu.memref_slice %arg5[%mul3A_4, %dma_start3A_21] : memref<10240x128xf32, #tpu.memory_space<hbm>> -> memref<640x128xf32, #tpu.memory_space<hbm>>
      tpu.enqueue_dma source(%dma_start3A_22 : memref<640x128xf32, #tpu.memory_space<hbm>>) target(%dma_start3A_20 : memref<640x128xf32, #tpu.memory_space<vmem_shared>>) target_semaphore(%run_scoped3A : memref<!tpu.dma_semaphore, #tpu.memory_space<semaphore_mem>>)
      %dma_wait3A = arith.constant 0 : i32
      %dma_wait3A_23 = tpu.memref_slice %arg10[%mul3A_6, %dma_wait3A] : memref<10240x128xf32, #tpu.memory_space<vmem_shared>> -> memref<640x128xf32, #tpu.memory_space<vmem_shared>>
      %dma_wait3A_24 = arith.constant 0 : i32
      %dma_wait3A_25 = tpu.memref_slice %arg5[%mul3A_4, %dma_wait3A_24] : memref<10240x128xf32, #tpu.memory_space<hbm>> -> memref<640x128xf32, #tpu.memory_space<hbm>>
      tpu.wait_dma2 semaphore(%run_scoped3A : memref<!tpu.dma_semaphore, #tpu.memory_space<semaphore_mem>>) src(%dma_wait3A_25 : memref<640x128xf32, #tpu.memory_space<hbm>>) dst(%dma_wait3A_23 : memref<640x128xf32, #tpu.memory_space<vmem_shared>>)
      tpu.yield
    }) : () -> ()
    %barrier3A = arith.constant 0 : index
    tpu.barrier barrier_id(%barrier3A)
    %scan3A = arith.constant 0 : i32
    %scan3A_7 = arith.constant 0 : i32
    %scan3A_8 = arith.constant 5 : i32
    %scan3A_9 = arith.addi %scan3A_7, %scan3A_8 : i32
    %scan3A_10 = arith.constant 1 : i32
    scf.for %scan3A_20 = %scan3A_7 to %scan3A_9 step %scan3A_10  : i32 {
      %mul3A_21 = arith.constant 16 : i32
      %mul3A_22 = arith.muli %scan3A_20, %mul3A_21 : i32
      %add3A_23 = arith.addi %mul3A_2, %mul3A_22 : i32
      "tpu.region"() ({
        %run_scoped3A = tpu.sem_alloc : memref<!tpu.dma_semaphore, #tpu.memory_space<semaphore_mem>>
        %dma_start3A_91 = arith.constant 0 : i32
        %dma_start3A_92 = tpu.memref_slice %arg3[%add3A_23, %dma_start3A_91] : memref<2560x128xi32, #tpu.memory_space<hbm>> -> memref<16x128xi32, #tpu.memory_space<hbm>>
        %dma_start3A_93 = arith.constant 0 : i32
        %dma_start3A_94 = tpu.memref_slice %arg3[%add3A_23, %dma_start3A_93] : memref<2560x128xi32, #tpu.memory_space<hbm>> -> memref<16x128xi32, #tpu.memory_space<hbm>>
        tpu.enqueue_dma source(%dma_start3A_94 : memref<16x128xi32, #tpu.memory_space<hbm>>) target(%arg7 : memref<16x128xi32, #tpu.memory_space<vmem>>) target_semaphore(%run_scoped3A : memref<!tpu.dma_semaphore, #tpu.memory_space<semaphore_mem>>)
        %dma_wait3A_95 = arith.constant 0 : i32
        %dma_wait3A_96 = tpu.memref_slice %arg3[%add3A_23, %dma_wait3A_95] : memref<2560x128xi32, #tpu.memory_space<hbm>> -> memref<16x128xi32, #tpu.memory_space<hbm>>
        %dma_wait3A_97 = arith.constant 0 : i32
        %dma_wait3A_98 = tpu.memref_slice %arg3[%add3A_23, %dma_wait3A_97] : memref<2560x128xi32, #tpu.memory_space<hbm>> -> memref<16x128xi32, #tpu.memory_space<hbm>>
        tpu.wait_dma2 semaphore(%run_scoped3A : memref<!tpu.dma_semaphore, #tpu.memory_space<semaphore_mem>>) src(%dma_wait3A_98 : memref<16x128xi32, #tpu.memory_space<hbm>>) dst(%arg7 : memref<16x128xi32, #tpu.memory_space<vmem>>)
        tpu.yield
      }) : () -> ()
      %mul3A_24 = arith.constant 16 : i32
      %mul3A_25 = arith.muli %scan3A_20, %mul3A_24 : i32
      %add3A_26 = arith.addi %mul3A_2, %mul3A_25 : i32
      "tpu.region"() ({
        %run_scoped3A = tpu.sem_alloc : memref<!tpu.dma_semaphore, #tpu.memory_space<semaphore_mem>>
        %dma_start3A_91 = arith.constant 0 : i32
        %dma_start3A_92 = tpu.memref_slice %arg4[%add3A_26, %dma_start3A_91] : memref<2560x128xi32, #tpu.memory_space<hbm>> -> memref<16x128xi32, #tpu.memory_space<hbm>>
        %dma_start3A_93 = arith.constant 0 : i32
        %dma_start3A_94 = tpu.memref_slice %arg4[%add3A_26, %dma_start3A_93] : memref<2560x128xi32, #tpu.memory_space<hbm>> -> memref<16x128xi32, #tpu.memory_space<hbm>>
        tpu.enqueue_dma source(%dma_start3A_94 : memref<16x128xi32, #tpu.memory_space<hbm>>) target(%arg8 : memref<16x128xi32, #tpu.memory_space<vmem>>) target_semaphore(%run_scoped3A : memref<!tpu.dma_semaphore, #tpu.memory_space<semaphore_mem>>)
        %dma_wait3A_95 = arith.constant 0 : i32
        %dma_wait3A_96 = tpu.memref_slice %arg4[%add3A_26, %dma_wait3A_95] : memref<2560x128xi32, #tpu.memory_space<hbm>> -> memref<16x128xi32, #tpu.memory_space<hbm>>
        %dma_wait3A_97 = arith.constant 0 : i32
        %dma_wait3A_98 = tpu.memref_slice %arg4[%add3A_26, %dma_wait3A_97] : memref<2560x128xi32, #tpu.memory_space<hbm>> -> memref<16x128xi32, #tpu.memory_space<hbm>>
        tpu.wait_dma2 semaphore(%run_scoped3A : memref<!tpu.dma_semaphore, #tpu.memory_space<semaphore_mem>>) src(%dma_wait3A_98 : memref<16x128xi32, #tpu.memory_space<hbm>>) dst(%arg8 : memref<16x128xi32, #tpu.memory_space<vmem>>)
        tpu.yield
      }) : () -> ()
      %dma_start3A = arith.constant 0 : i32
      %dma_start3A_27 = arith.constant 0 : i32
      %dma_start3A_28 = arith.constant 0 : i32
      %dma_start3A_29 = arith.constant 0 : i32
      %dma_start3A_30 = arith.constant 0 : i32
      %dma_start3A_31 = tpu.memref_slice %arg9[%dma_start3A_27, %dma_start3A_29, %dma_start3A_30] : memref<2x128x128xf32, #tpu.memory_space<vmem>> -> memref<1x128x128xf32, #tpu.memory_space<vmem>>
      %dma_start3A_32 = tpu.memref_squeeze %dma_start3A_31 : memref<1x128x128xf32, #tpu.memory_space<vmem>> -> memref<128x128xf32, #tpu.memory_space<vmem>>
      %dma_start3A_33 = arith.constant 0 : i32
      %dma_start3A_34 = tpu.memref_slice %arg7[%dma_start3A, %dma_start3A_33] : memref<16x128xi32, #tpu.memory_space<vmem>> -> memref<1x128xi32, #tpu.memory_space<vmem>>
      %dma_start3A_35 = tpu.memref_squeeze %dma_start3A_34 : memref<1x128xi32, #tpu.memory_space<vmem>> -> memref<128xi32, #tpu.memory_space<vmem>>
      %dma_start3A_36 = arith.constant 0 : i32
      %dma_start3A_37 = arith.constant 0 : i32
      %dma_start3A_38 = tpu.memref_slice %arg2[%dma_start3A_36, %dma_start3A_37] : memref<10240x128xf32, #tpu.memory_space<hbm>> -> memref<10240x128xf32, #tpu.memory_space<hbm>>
      %dma_start3A_39 = tpu.memref_slice %arg11[%dma_start3A_28] : memref<2x!tpu.dma_semaphore, #tpu.memory_space<semaphore_mem>> -> memref<1x!tpu.dma_semaphore, #tpu.memory_space<semaphore_mem>>
      %dma_start3A_40 = tpu.memref_squeeze %dma_start3A_39 : memref<1x!tpu.dma_semaphore, #tpu.memory_space<semaphore_mem>> -> memref<!tpu.dma_semaphore, #tpu.memory_space<semaphore_mem>>
      tpu.enqueue_indirect_dma source(%dma_start3A_38 : memref<10240x128xf32, #tpu.memory_space<hbm>>) target(%dma_start3A_32 : memref<128x128xf32, #tpu.memory_space<vmem>>) offsets(%dma_start3A_35 : memref<128xi32, #tpu.memory_space<vmem>>) semaphore(%dma_start3A_40 : memref<!tpu.dma_semaphore, #tpu.memory_space<semaphore_mem>>)
      %dma_start3A_41 = arith.constant 1 : i32
      %dma_start3A_42 = arith.constant 1 : i32
      %dma_start3A_43 = arith.constant 1 : i32
      %dma_start3A_44 = arith.constant 0 : i32
      %dma_start3A_45 = arith.constant 0 : i32
      %dma_start3A_46 = tpu.memref_slice %arg9[%dma_start3A_42, %dma_start3A_44, %dma_start3A_45] : memref<2x128x128xf32, #tpu.memory_space<vmem>> -> memref<1x128x128xf32, #tpu.memory_space<vmem>>
      %dma_start3A_47 = tpu.memref_squeeze %dma_start3A_46 : memref<1x128x128xf32, #tpu.memory_space<vmem>> -> memref<128x128xf32, #tpu.memory_space<vmem>>
      %dma_start3A_48 = arith.constant 0 : i32
      %dma_start3A_49 = tpu.memref_slice %arg7[%dma_start3A_41, %dma_start3A_48] : memref<16x128xi32, #tpu.memory_space<vmem>> -> memref<1x128xi32, #tpu.memory_space<vmem>>
      %dma_start3A_50 = tpu.memref_squeeze %dma_start3A_49 : memref<1x128xi32, #tpu.memory_space<vmem>> -> memref<128xi32, #tpu.memory_space<vmem>>
      %dma_start3A_51 = arith.constant 0 : i32
      %dma_start3A_52 = arith.constant 0 : i32
      %dma_start3A_53 = tpu.memref_slice %arg2[%dma_start3A_51, %dma_start3A_52] : memref<10240x128xf32, #tpu.memory_space<hbm>> -> memref<10240x128xf32, #tpu.memory_space<hbm>>
      %dma_start3A_54 = tpu.memref_slice %arg11[%dma_start3A_43] : memref<2x!tpu.dma_semaphore, #tpu.memory_space<semaphore_mem>> -> memref<1x!tpu.dma_semaphore, #tpu.memory_space<semaphore_mem>>
      %dma_start3A_55 = tpu.memref_squeeze %dma_start3A_54 : memref<1x!tpu.dma_semaphore, #tpu.memory_space<semaphore_mem>> -> memref<!tpu.dma_semaphore, #tpu.memory_space<semaphore_mem>>
      tpu.enqueue_indirect_dma source(%dma_start3A_53 : memref<10240x128xf32, #tpu.memory_space<hbm>>) target(%dma_start3A_47 : memref<128x128xf32, #tpu.memory_space<vmem>>) offsets(%dma_start3A_50 : memref<128xi32, #tpu.memory_space<vmem>>) semaphore(%dma_start3A_55 : memref<!tpu.dma_semaphore, #tpu.memory_space<semaphore_mem>>)
      %scan3A_56 = arith.constant 0 : i32
      %scan3A_57 = arith.constant 0 : i32
      %scan3A_58 = arith.constant 8 : i32
      %scan3A_59 = arith.addi %scan3A_57, %scan3A_58 : i32
      %scan3A_60 = arith.constant 1 : i32
      scf.for %scan3A_91 = %scan3A_57 to %scan3A_59 step %scan3A_60  : i32 {
        %mul3A_92 = arith.constant 2 : i32
        %mul3A_93 = arith.muli %scan3A_91, %mul3A_92 : i32
        %add3A_94 = arith.constant 0 : i32
        %add3A_95 = arith.addi %mul3A_93, %add3A_94 : i32
        %dma_wait3A_96 = arith.constant 0 : i32
        %dma_wait3A_97 = arith.constant 0 : i32
        %dma_wait3A_98 = arith.constant 0 : i32
        %dma_wait3A_99 = arith.constant 0 : i32
        %dma_wait3A_100 = tpu.memref_slice %arg9[%dma_wait3A_96, %dma_wait3A_98, %dma_wait3A_99] : memref<2x128x128xf32, #tpu.memory_space<vmem>> -> memref<1x128x128xf32, #tpu.memory_space<vmem>>
        %dma_wait3A_101 = tpu.memref_squeeze %dma_wait3A_100 : memref<1x128x128xf32, #tpu.memory_space<vmem>> -> memref<128x128xf32, #tpu.memory_space<vmem>>
        %dma_wait3A_102 = arith.constant 0 : i32
        %dma_wait3A_103 = tpu.memref_slice %arg7[%add3A_95, %dma_wait3A_102] : memref<16x128xi32, #tpu.memory_space<vmem>> -> memref<1x128xi32, #tpu.memory_space<vmem>>
        %dma_wait3A_104 = tpu.memref_squeeze %dma_wait3A_103 : memref<1x128xi32, #tpu.memory_space<vmem>> -> memref<128xi32, #tpu.memory_space<vmem>>
        %dma_wait3A_105 = arith.constant 0 : i32
        %dma_wait3A_106 = arith.constant 0 : i32
        %dma_wait3A_107 = tpu.memref_slice %arg2[%dma_wait3A_105, %dma_wait3A_106] : memref<10240x128xf32, #tpu.memory_space<hbm>> -> memref<10240x128xf32, #tpu.memory_space<hbm>>
        %dma_wait3A_108 = tpu.memref_slice %arg11[%dma_wait3A_97] : memref<2x!tpu.dma_semaphore, #tpu.memory_space<semaphore_mem>> -> memref<1x!tpu.dma_semaphore, #tpu.memory_space<semaphore_mem>>
        %dma_wait3A_109 = tpu.memref_squeeze %dma_wait3A_108 : memref<1x!tpu.dma_semaphore, #tpu.memory_space<semaphore_mem>> -> memref<!tpu.dma_semaphore, #tpu.memory_space<semaphore_mem>>
        tpu.wait_indirect_dma semaphore(%dma_wait3A_109 : memref<!tpu.dma_semaphore, #tpu.memory_space<semaphore_mem>>) src(%dma_wait3A_107 : memref<10240x128xf32, #tpu.memory_space<hbm>>) dst(%dma_wait3A_101 : memref<128x128xf32, #tpu.memory_space<vmem>>)
        %dma_start3A_110 = arith.constant 0 : i32
        %dma_start3A_111 = arith.constant 0 : i32
        %dma_start3A_112 = arith.constant 0 : i32
        %dma_start3A_113 = arith.constant 0 : i32
        %dma_start3A_114 = tpu.memref_slice %arg9[%dma_start3A_110, %dma_start3A_112, %dma_start3A_113] : memref<2x128x128xf32, #tpu.memory_space<vmem>> -> memref<1x128x128xf32, #tpu.memory_space<vmem>>
        %dma_start3A_115 = tpu.memref_squeeze %dma_start3A_114 : memref<1x128x128xf32, #tpu.memory_space<vmem>> -> memref<128x128xf32, #tpu.memory_space<vmem>>
        %dma_start3A_116 = arith.constant 0 : i32
        %dma_start3A_117 = tpu.memref_slice %arg8[%add3A_95, %dma_start3A_116] : memref<16x128xi32, #tpu.memory_space<vmem>> -> memref<1x128xi32, #tpu.memory_space<vmem>>
        %dma_start3A_118 = tpu.memref_squeeze %dma_start3A_117 : memref<1x128xi32, #tpu.memory_space<vmem>> -> memref<128xi32, #tpu.memory_space<vmem>>
        %dma_start3A_119 = arith.constant 0 : i32
        %dma_start3A_120 = arith.constant 0 : i32
        %dma_start3A_121 = tpu.memref_slice %arg10[%dma_start3A_119, %dma_start3A_120] : memref<10240x128xf32, #tpu.memory_space<vmem_shared>> -> memref<10240x128xf32, #tpu.memory_space<vmem_shared>>
        %dma_start3A_122 = tpu.memref_slice %arg12[%dma_start3A_111] : memref<2x!tpu.dma_semaphore, #tpu.memory_space<semaphore_mem>> -> memref<1x!tpu.dma_semaphore, #tpu.memory_space<semaphore_mem>>
        %dma_start3A_123 = tpu.memref_squeeze %dma_start3A_122 : memref<1x!tpu.dma_semaphore, #tpu.memory_space<semaphore_mem>> -> memref<!tpu.dma_semaphore, #tpu.memory_space<semaphore_mem>>
        tpu.enqueue_indirect_dma source(%dma_start3A_115 : memref<128x128xf32, #tpu.memory_space<vmem>>) target(%dma_start3A_121 : memref<10240x128xf32, #tpu.memory_space<vmem_shared>>) offsets(%dma_start3A_118 : memref<128xi32, #tpu.memory_space<vmem>>) semaphore(%dma_start3A_123 : memref<!tpu.dma_semaphore, #tpu.memory_space<semaphore_mem>>) {add = true}
        %mul3A_124 = arith.constant 2 : i32
        %mul3A_125 = arith.muli %scan3A_91, %mul3A_124 : i32
        %add3A_126 = arith.constant 1 : i32
        %add3A_127 = arith.addi %mul3A_125, %add3A_126 : i32
        %dma_wait3A_128 = arith.constant 1 : i32
        %dma_wait3A_129 = arith.constant 1 : i32
        %dma_wait3A_130 = arith.constant 0 : i32
        %dma_wait3A_131 = arith.constant 0 : i32
        %dma_wait3A_132 = tpu.memref_slice %arg9[%dma_wait3A_128, %dma_wait3A_130, %dma_wait3A_131] : memref<2x128x128xf32, #tpu.memory_space<vmem>> -> memref<1x128x128xf32, #tpu.memory_space<vmem>>
        %dma_wait3A_133 = tpu.memref_squeeze %dma_wait3A_132 : memref<1x128x128xf32, #tpu.memory_space<vmem>> -> memref<128x128xf32, #tpu.memory_space<vmem>>
        %dma_wait3A_134 = arith.constant 0 : i32
        %dma_wait3A_135 = tpu.memref_slice %arg7[%add3A_127, %dma_wait3A_134] : memref<16x128xi32, #tpu.memory_space<vmem>> -> memref<1x128xi32, #tpu.memory_space<vmem>>
        %dma_wait3A_136 = tpu.memref_squeeze %dma_wait3A_135 : memref<1x128xi32, #tpu.memory_space<vmem>> -> memref<128xi32, #tpu.memory_space<vmem>>
        %dma_wait3A_137 = arith.constant 0 : i32
        %dma_wait3A_138 = arith.constant 0 : i32
        %dma_wait3A_139 = tpu.memref_slice %arg2[%dma_wait3A_137, %dma_wait3A_138] : memref<10240x128xf32, #tpu.memory_space<hbm>> -> memref<10240x128xf32, #tpu.memory_space<hbm>>
        %dma_wait3A_140 = tpu.memref_slice %arg11[%dma_wait3A_129] : memref<2x!tpu.dma_semaphore, #tpu.memory_space<semaphore_mem>> -> memref<1x!tpu.dma_semaphore, #tpu.memory_space<semaphore_mem>>
        %dma_wait3A_141 = tpu.memref_squeeze %dma_wait3A_140 : memref<1x!tpu.dma_semaphore, #tpu.memory_space<semaphore_mem>> -> memref<!tpu.dma_semaphore, #tpu.memory_space<semaphore_mem>>
        tpu.wait_indirect_dma semaphore(%dma_wait3A_141 : memref<!tpu.dma_semaphore, #tpu.memory_space<semaphore_mem>>) src(%dma_wait3A_139 : memref<10240x128xf32, #tpu.memory_space<hbm>>) dst(%dma_wait3A_133 : memref<128x128xf32, #tpu.memory_space<vmem>>)
        %dma_start3A_142 = arith.constant 1 : i32
        %dma_start3A_143 = arith.constant 1 : i32
        %dma_start3A_144 = arith.constant 0 : i32
        %dma_start3A_145 = arith.constant 0 : i32
        %dma_start3A_146 = tpu.memref_slice %arg9[%dma_start3A_142, %dma_start3A_144, %dma_start3A_145] : memref<2x128x128xf32, #tpu.memory_space<vmem>> -> memref<1x128x128xf32, #tpu.memory_space<vmem>>
        %dma_start3A_147 = tpu.memref_squeeze %dma_start3A_146 : memref<1x128x128xf32, #tpu.memory_space<vmem>> -> memref<128x128xf32, #tpu.memory_space<vmem>>
        %dma_start3A_148 = arith.constant 0 : i32
        %dma_start3A_149 = tpu.memref_slice %arg8[%add3A_127, %dma_start3A_148] : memref<16x128xi32, #tpu.memory_space<vmem>> -> memref<1x128xi32, #tpu.memory_space<vmem>>
        %dma_start3A_150 = tpu.memref_squeeze %dma_start3A_149 : memref<1x128xi32, #tpu.memory_space<vmem>> -> memref<128xi32, #tpu.memory_space<vmem>>
        %dma_start3A_151 = arith.constant 0 : i32
        %dma_start3A_152 = arith.constant 0 : i32
        %dma_start3A_153 = tpu.memref_slice %arg10[%dma_start3A_151, %dma_start3A_152] : memref<10240x128xf32, #tpu.memory_space<vmem_shared>> -> memref<10240x128xf32, #tpu.memory_space<vmem_shared>>
        %dma_start3A_154 = tpu.memref_slice %arg12[%dma_start3A_143] : memref<2x!tpu.dma_semaphore, #tpu.memory_space<semaphore_mem>> -> memref<1x!tpu.dma_semaphore, #tpu.memory_space<semaphore_mem>>
        %dma_start3A_155 = tpu.memref_squeeze %dma_start3A_154 : memref<1x!tpu.dma_semaphore, #tpu.memory_space<semaphore_mem>> -> memref<!tpu.dma_semaphore, #tpu.memory_space<semaphore_mem>>
        tpu.enqueue_indirect_dma source(%dma_start3A_147 : memref<128x128xf32, #tpu.memory_space<vmem>>) target(%dma_start3A_153 : memref<10240x128xf32, #tpu.memory_space<vmem_shared>>) offsets(%dma_start3A_150 : memref<128xi32, #tpu.memory_space<vmem>>) semaphore(%dma_start3A_155 : memref<!tpu.dma_semaphore, #tpu.memory_space<semaphore_mem>>) {add = true}
        %mul3A_156 = arith.constant 2 : i32
        %mul3A_157 = arith.muli %scan3A_91, %mul3A_156 : i32
        %add3A_158 = arith.constant 0 : i32
        %add3A_159 = arith.addi %mul3A_157, %add3A_158 : i32
        %add3A_160 = arith.constant 2 : i32
        %add3A_161 = arith.addi %add3A_159, %add3A_160 : i32
        %lt3A = arith.constant 16 : i32
        %lt3A_162 = arith.cmpi slt, %add3A_161, %lt3A : i32
        %convert_element_type3A = arith.extui %lt3A_162 : i1 to i32
        %cond3A = arith.constant 0 : i32
        %cond3A_163 = arith.cmpi ne, %convert_element_type3A, %cond3A : i32
        scf.if %cond3A_163 {
          %dma_wait3A_175 = arith.constant 0 : i32
          %dma_wait3A_176 = arith.constant 0 : i32
          %dma_wait3A_177 = arith.constant 0 : i32
          %dma_wait3A_178 = arith.constant 0 : i32
          %dma_wait3A_179 = tpu.memref_slice %arg9[%dma_wait3A_175, %dma_wait3A_177, %dma_wait3A_178] : memref<2x128x128xf32, #tpu.memory_space<vmem>> -> memref<1x128x128xf32, #tpu.memory_space<vmem>>
          %dma_wait3A_180 = tpu.memref_squeeze %dma_wait3A_179 : memref<1x128x128xf32, #tpu.memory_space<vmem>> -> memref<128x128xf32, #tpu.memory_space<vmem>>
          %dma_wait3A_181 = arith.constant 0 : i32
          %dma_wait3A_182 = tpu.memref_slice %arg8[%add3A_159, %dma_wait3A_181] : memref<16x128xi32, #tpu.memory_space<vmem>> -> memref<1x128xi32, #tpu.memory_space<vmem>>
          %dma_wait3A_183 = tpu.memref_squeeze %dma_wait3A_182 : memref<1x128xi32, #tpu.memory_space<vmem>> -> memref<128xi32, #tpu.memory_space<vmem>>
          %dma_wait3A_184 = arith.constant 0 : i32
          %dma_wait3A_185 = arith.constant 0 : i32
          %dma_wait3A_186 = tpu.memref_slice %arg10[%dma_wait3A_184, %dma_wait3A_185] : memref<10240x128xf32, #tpu.memory_space<vmem_shared>> -> memref<10240x128xf32, #tpu.memory_space<vmem_shared>>
          %dma_wait3A_187 = tpu.memref_slice %arg12[%dma_wait3A_176] : memref<2x!tpu.dma_semaphore, #tpu.memory_space<semaphore_mem>> -> memref<1x!tpu.dma_semaphore, #tpu.memory_space<semaphore_mem>>
          %dma_wait3A_188 = tpu.memref_squeeze %dma_wait3A_187 : memref<1x!tpu.dma_semaphore, #tpu.memory_space<semaphore_mem>> -> memref<!tpu.dma_semaphore, #tpu.memory_space<semaphore_mem>>
          tpu.wait_indirect_dma semaphore(%dma_wait3A_188 : memref<!tpu.dma_semaphore, #tpu.memory_space<semaphore_mem>>) src(%dma_wait3A_180 : memref<128x128xf32, #tpu.memory_space<vmem>>) dst(%dma_wait3A_186 : memref<10240x128xf32, #tpu.memory_space<vmem_shared>>)
          %add3A_189 = arith.constant 2 : i32
          %add3A_190 = arith.addi %add3A_159, %add3A_189 : i32
          %dma_start3A_191 = arith.constant 0 : i32
          %dma_start3A_192 = arith.constant 0 : i32
          %dma_start3A_193 = arith.constant 0 : i32
          %dma_start3A_194 = arith.constant 0 : i32
          %dma_start3A_195 = tpu.memref_slice %arg9[%dma_start3A_191, %dma_start3A_193, %dma_start3A_194] : memref<2x128x128xf32, #tpu.memory_space<vmem>> -> memref<1x128x128xf32, #tpu.memory_space<vmem>>
          %dma_start3A_196 = tpu.memref_squeeze %dma_start3A_195 : memref<1x128x128xf32, #tpu.memory_space<vmem>> -> memref<128x128xf32, #tpu.memory_space<vmem>>
          %dma_start3A_197 = arith.constant 0 : i32
          %dma_start3A_198 = tpu.memref_slice %arg7[%add3A_190, %dma_start3A_197] : memref<16x128xi32, #tpu.memory_space<vmem>> -> memref<1x128xi32, #tpu.memory_space<vmem>>
          %dma_start3A_199 = tpu.memref_squeeze %dma_start3A_198 : memref<1x128xi32, #tpu.memory_space<vmem>> -> memref<128xi32, #tpu.memory_space<vmem>>
          %dma_start3A_200 = arith.constant 0 : i32
          %dma_start3A_201 = arith.constant 0 : i32
          %dma_start3A_202 = tpu.memref_slice %arg2[%dma_start3A_200, %dma_start3A_201] : memref<10240x128xf32, #tpu.memory_space<hbm>> -> memref<10240x128xf32, #tpu.memory_space<hbm>>
          %dma_start3A_203 = tpu.memref_slice %arg11[%dma_start3A_192] : memref<2x!tpu.dma_semaphore, #tpu.memory_space<semaphore_mem>> -> memref<1x!tpu.dma_semaphore, #tpu.memory_space<semaphore_mem>>
          %dma_start3A_204 = tpu.memref_squeeze %dma_start3A_203 : memref<1x!tpu.dma_semaphore, #tpu.memory_space<semaphore_mem>> -> memref<!tpu.dma_semaphore, #tpu.memory_space<semaphore_mem>>
          tpu.enqueue_indirect_dma source(%dma_start3A_202 : memref<10240x128xf32, #tpu.memory_space<hbm>>) target(%dma_start3A_196 : memref<128x128xf32, #tpu.memory_space<vmem>>) offsets(%dma_start3A_199 : memref<128xi32, #tpu.memory_space<vmem>>) semaphore(%dma_start3A_204 : memref<!tpu.dma_semaphore, #tpu.memory_space<semaphore_mem>>)
        } else {
        }
        %mul3A_164 = arith.constant 2 : i32
        %mul3A_165 = arith.muli %scan3A_91, %mul3A_164 : i32
        %add3A_166 = arith.constant 1 : i32
        %add3A_167 = arith.addi %mul3A_165, %add3A_166 : i32
        %add3A_168 = arith.constant 2 : i32
        %add3A_169 = arith.addi %add3A_167, %add3A_168 : i32
        %lt3A_170 = arith.constant 16 : i32
        %lt3A_171 = arith.cmpi slt, %add3A_169, %lt3A_170 : i32
        %convert_element_type3A_172 = arith.extui %lt3A_171 : i1 to i32
        %cond3A_173 = arith.constant 0 : i32
        %cond3A_174 = arith.cmpi ne, %convert_element_type3A_172, %cond3A_173 : i32
        scf.if %cond3A_174 {
          %dma_wait3A_175 = arith.constant 1 : i32
          %dma_wait3A_176 = arith.constant 1 : i32
          %dma_wait3A_177 = arith.constant 0 : i32
          %dma_wait3A_178 = arith.constant 0 : i32
          %dma_wait3A_179 = tpu.memref_slice %arg9[%dma_wait3A_175, %dma_wait3A_177, %dma_wait3A_178] : memref<2x128x128xf32, #tpu.memory_space<vmem>> -> memref<1x128x128xf32, #tpu.memory_space<vmem>>
          %dma_wait3A_180 = tpu.memref_squeeze %dma_wait3A_179 : memref<1x128x128xf32, #tpu.memory_space<vmem>> -> memref<128x128xf32, #tpu.memory_space<vmem>>
          %dma_wait3A_181 = arith.constant 0 : i32
          %dma_wait3A_182 = tpu.memref_slice %arg8[%add3A_167, %dma_wait3A_181] : memref<16x128xi32, #tpu.memory_space<vmem>> -> memref<1x128xi32, #tpu.memory_space<vmem>>
          %dma_wait3A_183 = tpu.memref_squeeze %dma_wait3A_182 : memref<1x128xi32, #tpu.memory_space<vmem>> -> memref<128xi32, #tpu.memory_space<vmem>>
          %dma_wait3A_184 = arith.constant 0 : i32
          %dma_wait3A_185 = arith.constant 0 : i32
          %dma_wait3A_186 = tpu.memref_slice %arg10[%dma_wait3A_184, %dma_wait3A_185] : memref<10240x128xf32, #tpu.memory_space<vmem_shared>> -> memref<10240x128xf32, #tpu.memory_space<vmem_shared>>
          %dma_wait3A_187 = tpu.memref_slice %arg12[%dma_wait3A_176] : memref<2x!tpu.dma_semaphore, #tpu.memory_space<semaphore_mem>> -> memref<1x!tpu.dma_semaphore, #tpu.memory_space<semaphore_mem>>
          %dma_wait3A_188 = tpu.memref_squeeze %dma_wait3A_187 : memref<1x!tpu.dma_semaphore, #tpu.memory_space<semaphore_mem>> -> memref<!tpu.dma_semaphore, #tpu.memory_space<semaphore_mem>>
          tpu.wait_indirect_dma semaphore(%dma_wait3A_188 : memref<!tpu.dma_semaphore, #tpu.memory_space<semaphore_mem>>) src(%dma_wait3A_180 : memref<128x128xf32, #tpu.memory_space<vmem>>) dst(%dma_wait3A_186 : memref<10240x128xf32, #tpu.memory_space<vmem_shared>>)
          %add3A_189 = arith.constant 2 : i32
          %add3A_190 = arith.addi %add3A_167, %add3A_189 : i32
          %dma_start3A_191 = arith.constant 1 : i32
          %dma_start3A_192 = arith.constant 1 : i32
          %dma_start3A_193 = arith.constant 0 : i32
          %dma_start3A_194 = arith.constant 0 : i32
          %dma_start3A_195 = tpu.memref_slice %arg9[%dma_start3A_191, %dma_start3A_193, %dma_start3A_194] : memref<2x128x128xf32, #tpu.memory_space<vmem>> -> memref<1x128x128xf32, #tpu.memory_space<vmem>>
          %dma_start3A_196 = tpu.memref_squeeze %dma_start3A_195 : memref<1x128x128xf32, #tpu.memory_space<vmem>> -> memref<128x128xf32, #tpu.memory_space<vmem>>
          %dma_start3A_197 = arith.constant 0 : i32
          %dma_start3A_198 = tpu.memref_slice %arg7[%add3A_190, %dma_start3A_197] : memref<16x128xi32, #tpu.memory_space<vmem>> -> memref<1x128xi32, #tpu.memory_space<vmem>>
          %dma_start3A_199 = tpu.memref_squeeze %dma_start3A_198 : memref<1x128xi32, #tpu.memory_space<vmem>> -> memref<128xi32, #tpu.memory_space<vmem>>
          %dma_start3A_200 = arith.constant 0 : i32
          %dma_start3A_201 = arith.constant 0 : i32
          %dma_start3A_202 = tpu.memref_slice %arg2[%dma_start3A_200, %dma_start3A_201] : memref<10240x128xf32, #tpu.memory_space<hbm>> -> memref<10240x128xf32, #tpu.memory_space<hbm>>
          %dma_start3A_203 = tpu.memref_slice %arg11[%dma_start3A_192] : memref<2x!tpu.dma_semaphore, #tpu.memory_space<semaphore_mem>> -> memref<1x!tpu.dma_semaphore, #tpu.memory_space<semaphore_mem>>
          %dma_start3A_204 = tpu.memref_squeeze %dma_start3A_203 : memref<1x!tpu.dma_semaphore, #tpu.memory_space<semaphore_mem>> -> memref<!tpu.dma_semaphore, #tpu.memory_space<semaphore_mem>>
          tpu.enqueue_indirect_dma source(%dma_start3A_202 : memref<10240x128xf32, #tpu.memory_space<hbm>>) target(%dma_start3A_196 : memref<128x128xf32, #tpu.memory_space<vmem>>) offsets(%dma_start3A_199 : memref<128xi32, #tpu.memory_space<vmem>>) semaphore(%dma_start3A_204 : memref<!tpu.dma_semaphore, #tpu.memory_space<semaphore_mem>>)
        } else {
        }
      }
      %scan3A_61 = arith.constant 8 : i32
      %dma_wait3A = arith.constant 0 : i32
      %dma_wait3A_62 = arith.constant 0 : i32
      %dma_wait3A_63 = arith.constant 0 : i32
      %dma_wait3A_64 = arith.constant 0 : i32
      %dma_wait3A_65 = arith.constant 0 : i32
      %dma_wait3A_66 = tpu.memref_slice %arg9[%dma_wait3A, %dma_wait3A_64, %dma_wait3A_65] : memref<2x128x128xf32, #tpu.memory_space<vmem>> -> memref<1x128x128xf32, #tpu.memory_space<vmem>>
      %dma_wait3A_67 = tpu.memref_squeeze %dma_wait3A_66 : memref<1x128x128xf32, #tpu.memory_space<vmem>> -> memref<128x128xf32, #tpu.memory_space<vmem>>
      %dma_wait3A_68 = arith.constant 0 : i32
      %dma_wait3A_69 = tpu.memref_slice %arg8[%dma_wait3A_62, %dma_wait3A_68] : memref<16x128xi32, #tpu.memory_space<vmem>> -> memref<1x128xi32, #tpu.memory_space<vmem>>
      %dma_wait3A_70 = tpu.memref_squeeze %dma_wait3A_69 : memref<1x128xi32, #tpu.memory_space<vmem>> -> memref<128xi32, #tpu.memory_space<vmem>>
      %dma_wait3A_71 = arith.constant 0 : i32
      %dma_wait3A_72 = arith.constant 0 : i32
      %dma_wait3A_73 = tpu.memref_slice %arg10[%dma_wait3A_71, %dma_wait3A_72] : memref<10240x128xf32, #tpu.memory_space<vmem_shared>> -> memref<10240x128xf32, #tpu.memory_space<vmem_shared>>
      %dma_wait3A_74 = tpu.memref_slice %arg12[%dma_wait3A_63] : memref<2x!tpu.dma_semaphore, #tpu.memory_space<semaphore_mem>> -> memref<1x!tpu.dma_semaphore, #tpu.memory_space<semaphore_mem>>
      %dma_wait3A_75 = tpu.memref_squeeze %dma_wait3A_74 : memref<1x!tpu.dma_semaphore, #tpu.memory_space<semaphore_mem>> -> memref<!tpu.dma_semaphore, #tpu.memory_space<semaphore_mem>>
      tpu.wait_indirect_dma semaphore(%dma_wait3A_75 : memref<!tpu.dma_semaphore, #tpu.memory_space<semaphore_mem>>) src(%dma_wait3A_67 : memref<128x128xf32, #tpu.memory_space<vmem>>) dst(%dma_wait3A_73 : memref<10240x128xf32, #tpu.memory_space<vmem_shared>>)
      %dma_wait3A_76 = arith.constant 1 : i32
      %dma_wait3A_77 = arith.constant 1 : i32
      %dma_wait3A_78 = arith.constant 1 : i32
      %dma_wait3A_79 = arith.constant 0 : i32
      %dma_wait3A_80 = arith.constant 0 : i32
      %dma_wait3A_81 = tpu.memref_slice %arg9[%dma_wait3A_76, %dma_wait3A_79, %dma_wait3A_80] : memref<2x128x128xf32, #tpu.memory_space<vmem>> -> memref<1x128x128xf32, #tpu.memory_space<vmem>>
      %dma_wait3A_82 = tpu.memref_squeeze %dma_wait3A_81 : memref<1x128x128xf32, #tpu.memory_space<vmem>> -> memref<128x128xf32, #tpu.memory_space<vmem>>
      %dma_wait3A_83 = arith.constant 0 : i32
      %dma_wait3A_84 = tpu.memref_slice %arg8[%dma_wait3A_77, %dma_wait3A_83] : memref<16x128xi32, #tpu.memory_space<vmem>> -> memref<1x128xi32, #tpu.memory_space<vmem>>
      %dma_wait3A_85 = tpu.memref_squeeze %dma_wait3A_84 : memref<1x128xi32, #tpu.memory_space<vmem>> -> memref<128xi32, #tpu.memory_space<vmem>>
      %dma_wait3A_86 = arith.constant 0 : i32
      %dma_wait3A_87 = arith.constant 0 : i32
      %dma_wait3A_88 = tpu.memref_slice %arg10[%dma_wait3A_86, %dma_wait3A_87] : memref<10240x128xf32, #tpu.memory_space<vmem_shared>> -> memref<10240x128xf32, #tpu.memory_space<vmem_shared>>
      %dma_wait3A_89 = tpu.memref_slice %arg12[%dma_wait3A_78] : memref<2x!tpu.dma_semaphore, #tpu.memory_space<semaphore_mem>> -> memref<1x!tpu.dma_semaphore, #tpu.memory_space<semaphore_mem>>
      %dma_wait3A_90 = tpu.memref_squeeze %dma_wait3A_89 : memref<1x!tpu.dma_semaphore, #tpu.memory_space<semaphore_mem>> -> memref<!tpu.dma_semaphore, #tpu.memory_space<semaphore_mem>>
      tpu.wait_indirect_dma semaphore(%dma_wait3A_90 : memref<!tpu.dma_semaphore, #tpu.memory_space<semaphore_mem>>) src(%dma_wait3A_82 : memref<128x128xf32, #tpu.memory_space<vmem>>) dst(%dma_wait3A_88 : memref<10240x128xf32, #tpu.memory_space<vmem_shared>>)
    }
    %scan3A_11 = arith.constant 5 : i32
    %barrier3A_12 = arith.constant 0 : index
    tpu.barrier barrier_id(%barrier3A_12)
    %mul3A_13 = arith.constant 640 : i32
    %mul3A_14 = arith.muli %arg1, %mul3A_13 : i32
    %mul3A_15 = arith.constant 10240 : i32
    %mul3A_16 = arith.muli %arg0, %mul3A_15 : i32
    %mul3A_17 = arith.constant 640 : i32
    %mul3A_18 = arith.muli %arg1, %mul3A_17 : i32
    %add3A_19 = arith.addi %mul3A_16, %mul3A_18 : i32
    "tpu.region"() ({
      %run_scoped3A = tpu.sem_alloc : memref<!tpu.dma_semaphore, #tpu.memory_space<semaphore_mem>>
      %dma_start3A = arith.constant 0 : i32
      %dma_start3A_20 = tpu.memref_slice %arg6[%add3A_19, %dma_start3A] : memref<20480x128xf32, #tpu.memory_space<hbm>> -> memref<640x128xf32, #tpu.memory_space<hbm>>
      %dma_start3A_21 = arith.constant 0 : i32
      %dma_start3A_22 = tpu.memref_slice %arg10[%mul3A_14, %dma_start3A_21] : memref<10240x128xf32, #tpu.memory_space<vmem_shared>> -> memref<640x128xf32, #tpu.memory_space<vmem_shared>>
      tpu.enqueue_dma source(%dma_start3A_22 : memref<640x128xf32, #tpu.memory_space<vmem_shared>>) target(%dma_start3A_20 : memref<640x128xf32, #tpu.memory_space<hbm>>) target_semaphore(%run_scoped3A : memref<!tpu.dma_semaphore, #tpu.memory_space<semaphore_mem>>)
      %dma_wait3A = arith.constant 0 : i32
      %dma_wait3A_23 = tpu.memref_slice %arg6[%add3A_19, %dma_wait3A] : memref<20480x128xf32, #tpu.memory_space<hbm>> -> memref<640x128xf32, #tpu.memory_space<hbm>>
      %dma_wait3A_24 = arith.constant 0 : i32
      %dma_wait3A_25 = tpu.memref_slice %arg10[%mul3A_14, %dma_wait3A_24] : memref<10240x128xf32, #tpu.memory_space<vmem_shared>> -> memref<640x128xf32, #tpu.memory_space<vmem_shared>>
      tpu.wait_dma2 semaphore(%run_scoped3A : memref<!tpu.dma_semaphore, #tpu.memory_space<semaphore_mem>>) src(%dma_wait3A_25 : memref<640x128xf32, #tpu.memory_space<vmem_shared>>) dst(%dma_wait3A_23 : memref<640x128xf32, #tpu.memory_space<hbm>>)
      tpu.yield
    }) : () -> ()
    return
  }
}

#map = affine_map<(d0, d1) -> (0, 0)>
module attributes {stable_mosaic.version = 14 : i64} {
  func.func @scat(%arg0: i32, %arg1: i32, %arg2: memref<10240x128xf32, #tpu.memory_space<hbm>>, %arg3: memref<2560x128xi32, #tpu.memory_space<hbm>>, %arg4: memref<2560x128xi32, #tpu.memory_space<hbm>>, %arg5: memref<10240x128xf32, #tpu.memory_space<hbm>>, %arg6: memref<20480x128xf32, #tpu.memory_space<hbm>>, %arg7: memref<16x128xi32, #tpu.memory_space<vmem>>, %arg8: memref<16x128xi32, #tpu.memory_space<vmem>>, %arg9: memref<2x128x128xf32, #tpu.memory_space<vmem>>, %arg10: memref<10240x128xf32, #tpu.memory_space<vmem_shared>>, %arg11: memref<2x!tpu.dma_semaphore, #tpu.memory_space<semaphore_mem>>, %arg12: memref<2x!tpu.dma_semaphore, #tpu.memory_space<semaphore_mem>>) attributes {dimension_semantics = [#tpu.dimension_semantics<core_parallel>, #tpu.dimension_semantics<subcore_parallel>], iteration_bounds = array<i64: 2, 16>, scalar_prefetch = 0 : i64, scratch_operands = 6 : i64, tpu.core_type = #tpu.core_type<sc_vector_subcore>, window_params = [{transform_indices = #map}, {transform_indices = #map}, {transform_indices = #map}, {transform_indices = #map}, {transform_indices = #map}]} {
    %mul3A = arith.constant 16 : i32
    %mul3A_0 = arith.muli %arg0, %mul3A : i32
    %add3A = arith.addi %mul3A_0, %arg1 : i32
    %mul3A_1 = arith.constant 80 : i32
    %mul3A_2 = arith.muli %add3A, %mul3A_1 : i32
    %mul3A_3 = arith.constant 640 : i32
    %mul3A_4 = arith.muli %arg1, %mul3A_3 : i32
    %mul3A_5 = arith.constant 640 : i32
    %mul3A_6 = arith.muli %arg1, %mul3A_5 : i32
    "tpu.region"() ({
      %run_scoped3A = tpu.sem_alloc : memref<!tpu.dma_semaphore, #tpu.memory_space<semaphore_mem>>
      %dma_start3A = arith.constant 0 : i32
      %dma_start3A_20 = tpu.memref_slice %arg10[%mul3A_6, %dma_start3A] : memref<10240x128xf32, #tpu.memory_space<vmem_shared>> -> memref<640x128xf32, #tpu.memory_space<vmem_shared>>
      %dma_start3A_21 = arith.constant 0 : i32
      %dma_start3A_22 = tpu.memref_slice %arg5[%mul3A_4, %dma_start3A_21] : memref<10240x128xf32, #tpu.memory_space<hbm>> -> memref<640x128xf32, #tpu.memory_space<hbm>>
      tpu.enqueue_dma source(%dma_start3A_22 : memref<640x128xf32, #tpu.memory_space<hbm>>) target(%dma_start3A_20 : memref<640x128xf32, #tpu.memory_space<vmem_shared>>) target_semaphore(%run_scoped3A : memref<!tpu.dma_semaphore, #tpu.memory_space<semaphore_mem>>)
      %dma_wait3A = arith.constant 0 : i32
      %dma_wait3A_23 = tpu.memref_slice %arg10[%mul3A_6, %dma_wait3A] : memref<10240x128xf32, #tpu.memory_space<vmem_shared>> -> memref<640x128xf32, #tpu.memory_space<vmem_shared>>
      %dma_wait3A_24 = arith.constant 0 : i32
      %dma_wait3A_25 = tpu.memref_slice %arg5[%mul3A_4, %dma_wait3A_24] : memref<10240x128xf32, #tpu.memory_space<hbm>> -> memref<640x128xf32, #tpu.memory_space<hbm>>
      tpu.wait_dma2 semaphore(%run_scoped3A : memref<!tpu.dma_semaphore, #tpu.memory_space<semaphore_mem>>) src(%dma_wait3A_25 : memref<640x128xf32, #tpu.memory_space<hbm>>) dst(%dma_wait3A_23 : memref<640x128xf32, #tpu.memory_space<vmem_shared>>)
      tpu.yield
    }) : () -> ()
    %barrier3A = arith.constant 0 : index
    tpu.barrier barrier_id(%barrier3A)
    %scan3A = arith.constant 0 : i32
    %scan3A_7 = arith.constant 0 : i32
    %scan3A_8 = arith.constant 5 : i32
    %scan3A_9 = arith.addi %scan3A_7, %scan3A_8 : i32
    %scan3A_10 = arith.constant 1 : i32
    scf.for %scan3A_20 = %scan3A_7 to %scan3A_9 step %scan3A_10  : i32 {
      %mul3A_21 = arith.constant 16 : i32
      %mul3A_22 = arith.muli %scan3A_20, %mul3A_21 : i32
      %add3A_23 = arith.addi %mul3A_2, %mul3A_22 : i32
      "tpu.region"() ({
        %run_scoped3A = tpu.sem_alloc : memref<!tpu.dma_semaphore, #tpu.memory_space<semaphore_mem>>
        %dma_start3A_91 = arith.constant 0 : i32
        %dma_start3A_92 = tpu.memref_slice %arg3[%add3A_23, %dma_start3A_91] : memref<2560x128xi32, #tpu.memory_space<hbm>> -> memref<16x128xi32, #tpu.memory_space<hbm>>
        %dma_start3A_93 = arith.constant 0 : i32
        %dma_start3A_94 = tpu.memref_slice %arg3[%add3A_23, %dma_start3A_93] : memref<2560x128xi32, #tpu.memory_space<hbm>> -> memref<16x128xi32, #tpu.memory_space<hbm>>
        tpu.enqueue_dma source(%dma_start3A_94 : memref<16x128xi32, #tpu.memory_space<hbm>>) target(%arg7 : memref<16x128xi32, #tpu.memory_space<vmem>>) target_semaphore(%run_scoped3A : memref<!tpu.dma_semaphore, #tpu.memory_space<semaphore_mem>>)
        %dma_wait3A_95 = arith.constant 0 : i32
        %dma_wait3A_96 = tpu.memref_slice %arg3[%add3A_23, %dma_wait3A_95] : memref<2560x128xi32, #tpu.memory_space<hbm>> -> memref<16x128xi32, #tpu.memory_space<hbm>>
        %dma_wait3A_97 = arith.constant 0 : i32
        %dma_wait3A_98 = tpu.memref_slice %arg3[%add3A_23, %dma_wait3A_97] : memref<2560x128xi32, #tpu.memory_space<hbm>> -> memref<16x128xi32, #tpu.memory_space<hbm>>
        tpu.wait_dma2 semaphore(%run_scoped3A : memref<!tpu.dma_semaphore, #tpu.memory_space<semaphore_mem>>) src(%dma_wait3A_98 : memref<16x128xi32, #tpu.memory_space<hbm>>) dst(%arg7 : memref<16x128xi32, #tpu.memory_space<vmem>>)
        tpu.yield
      }) : () -> ()
      %mul3A_24 = arith.constant 16 : i32
      %mul3A_25 = arith.muli %scan3A_20, %mul3A_24 : i32
      %add3A_26 = arith.addi %mul3A_2, %mul3A_25 : i32
      "tpu.region"() ({
        %run_scoped3A = tpu.sem_alloc : memref<!tpu.dma_semaphore, #tpu.memory_space<semaphore_mem>>
        %dma_start3A_91 = arith.constant 0 : i32
        %dma_start3A_92 = tpu.memref_slice %arg4[%add3A_26, %dma_start3A_91] : memref<2560x128xi32, #tpu.memory_space<hbm>> -> memref<16x128xi32, #tpu.memory_space<hbm>>
        %dma_start3A_93 = arith.constant 0 : i32
        %dma_start3A_94 = tpu.memref_slice %arg4[%add3A_26, %dma_start3A_93] : memref<2560x128xi32, #tpu.memory_space<hbm>> -> memref<16x128xi32, #tpu.memory_space<hbm>>
        tpu.enqueue_dma source(%dma_start3A_94 : memref<16x128xi32, #tpu.memory_space<hbm>>) target(%arg8 : memref<16x128xi32, #tpu.memory_space<vmem>>) target_semaphore(%run_scoped3A : memref<!tpu.dma_semaphore, #tpu.memory_space<semaphore_mem>>)
        %dma_wait3A_95 = arith.constant 0 : i32
        %dma_wait3A_96 = tpu.memref_slice %arg4[%add3A_26, %dma_wait3A_95] : memref<2560x128xi32, #tpu.memory_space<hbm>> -> memref<16x128xi32, #tpu.memory_space<hbm>>
        %dma_wait3A_97 = arith.constant 0 : i32
        %dma_wait3A_98 = tpu.memref_slice %arg4[%add3A_26, %dma_wait3A_97] : memref<2560x128xi32, #tpu.memory_space<hbm>> -> memref<16x128xi32, #tpu.memory_space<hbm>>
        tpu.wait_dma2 semaphore(%run_scoped3A : memref<!tpu.dma_semaphore, #tpu.memory_space<semaphore_mem>>) src(%dma_wait3A_98 : memref<16x128xi32, #tpu.memory_space<hbm>>) dst(%arg8 : memref<16x128xi32, #tpu.memory_space<vmem>>)
        tpu.yield
      }) : () -> ()
      %dma_start3A = arith.constant 0 : i32
      %dma_start3A_27 = arith.constant 0 : i32
      %dma_start3A_28 = arith.constant 0 : i32
      %dma_start3A_29 = arith.constant 0 : i32
      %dma_start3A_30 = arith.constant 0 : i32
      %dma_start3A_31 = tpu.memref_slice %arg9[%dma_start3A_27, %dma_start3A_29, %dma_start3A_30] : memref<2x128x128xf32, #tpu.memory_space<vmem>> -> memref<1x128x128xf32, #tpu.memory_space<vmem>>
      %dma_start3A_32 = tpu.memref_squeeze %dma_start3A_31 : memref<1x128x128xf32, #tpu.memory_space<vmem>> -> memref<128x128xf32, #tpu.memory_space<vmem>>
      %dma_start3A_33 = arith.constant 0 : i32
      %dma_start3A_34 = tpu.memref_slice %arg7[%dma_start3A, %dma_start3A_33] : memref<16x128xi32, #tpu.memory_space<vmem>> -> memref<1x128xi32, #tpu.memory_space<vmem>>
      %dma_start3A_35 = tpu.memref_squeeze %dma_start3A_34 : memref<1x128xi32, #tpu.memory_space<vmem>> -> memref<128xi32, #tpu.memory_space<vmem>>
      %dma_start3A_36 = arith.constant 0 : i32
      %dma_start3A_37 = arith.constant 0 : i32
      %dma_start3A_38 = tpu.memref_slice %arg2[%dma_start3A_36, %dma_start3A_37] : memref<10240x128xf32, #tpu.memory_space<hbm>> -> memref<10240x128xf32, #tpu.memory_space<hbm>>
      %dma_start3A_39 = tpu.memref_slice %arg11[%dma_start3A_28] : memref<2x!tpu.dma_semaphore, #tpu.memory_space<semaphore_mem>> -> memref<1x!tpu.dma_semaphore, #tpu.memory_space<semaphore_mem>>
      %dma_start3A_40 = tpu.memref_squeeze %dma_start3A_39 : memref<1x!tpu.dma_semaphore, #tpu.memory_space<semaphore_mem>> -> memref<!tpu.dma_semaphore, #tpu.memory_space<semaphore_mem>>
      tpu.enqueue_indirect_dma source(%dma_start3A_38 : memref<10240x128xf32, #tpu.memory_space<hbm>>) target(%dma_start3A_32 : memref<128x128xf32, #tpu.memory_space<vmem>>) offsets(%dma_start3A_35 : memref<128xi32, #tpu.memory_space<vmem>>) semaphore(%dma_start3A_40 : memref<!tpu.dma_semaphore, #tpu.memory_space<semaphore_mem>>)
      %dma_start3A_41 = arith.constant 1 : i32
      %dma_start3A_42 = arith.constant 1 : i32
      %dma_start3A_43 = arith.constant 1 : i32
      %dma_start3A_44 = arith.constant 0 : i32
      %dma_start3A_45 = arith.constant 0 : i32
      %dma_start3A_46 = tpu.memref_slice %arg9[%dma_start3A_42, %dma_start3A_44, %dma_start3A_45] : memref<2x128x128xf32, #tpu.memory_space<vmem>> -> memref<1x128x128xf32, #tpu.memory_space<vmem>>
      %dma_start3A_47 = tpu.memref_squeeze %dma_start3A_46 : memref<1x128x128xf32, #tpu.memory_space<vmem>> -> memref<128x128xf32, #tpu.memory_space<vmem>>
      %dma_start3A_48 = arith.constant 0 : i32
      %dma_start3A_49 = tpu.memref_slice %arg7[%dma_start3A_41, %dma_start3A_48] : memref<16x128xi32, #tpu.memory_space<vmem>> -> memref<1x128xi32, #tpu.memory_space<vmem>>
      %dma_start3A_50 = tpu.memref_squeeze %dma_start3A_49 : memref<1x128xi32, #tpu.memory_space<vmem>> -> memref<128xi32, #tpu.memory_space<vmem>>
      %dma_start3A_51 = arith.constant 0 : i32
      %dma_start3A_52 = arith.constant 0 : i32
      %dma_start3A_53 = tpu.memref_slice %arg2[%dma_start3A_51, %dma_start3A_52] : memref<10240x128xf32, #tpu.memory_space<hbm>> -> memref<10240x128xf32, #tpu.memory_space<hbm>>
      %dma_start3A_54 = tpu.memref_slice %arg11[%dma_start3A_43] : memref<2x!tpu.dma_semaphore, #tpu.memory_space<semaphore_mem>> -> memref<1x!tpu.dma_semaphore, #tpu.memory_space<semaphore_mem>>
      %dma_start3A_55 = tpu.memref_squeeze %dma_start3A_54 : memref<1x!tpu.dma_semaphore, #tpu.memory_space<semaphore_mem>> -> memref<!tpu.dma_semaphore, #tpu.memory_space<semaphore_mem>>
      tpu.enqueue_indirect_dma source(%dma_start3A_53 : memref<10240x128xf32, #tpu.memory_space<hbm>>) target(%dma_start3A_47 : memref<128x128xf32, #tpu.memory_space<vmem>>) offsets(%dma_start3A_50 : memref<128xi32, #tpu.memory_space<vmem>>) semaphore(%dma_start3A_55 : memref<!tpu.dma_semaphore, #tpu.memory_space<semaphore_mem>>)
      %scan3A_56 = arith.constant 0 : i32
      %scan3A_57 = arith.constant 0 : i32
      %scan3A_58 = arith.constant 8 : i32
      %scan3A_59 = arith.addi %scan3A_57, %scan3A_58 : i32
      %scan3A_60 = arith.constant 1 : i32
      scf.for %scan3A_91 = %scan3A_57 to %scan3A_59 step %scan3A_60  : i32 {
        %mul3A_92 = arith.constant 2 : i32
        %mul3A_93 = arith.muli %scan3A_91, %mul3A_92 : i32
        %add3A_94 = arith.constant 0 : i32
        %add3A_95 = arith.addi %mul3A_93, %add3A_94 : i32
        %dma_wait3A_96 = arith.constant 0 : i32
        %dma_wait3A_97 = arith.constant 0 : i32
        %dma_wait3A_98 = arith.constant 0 : i32
        %dma_wait3A_99 = arith.constant 0 : i32
        %dma_wait3A_100 = tpu.memref_slice %arg9[%dma_wait3A_96, %dma_wait3A_98, %dma_wait3A_99] : memref<2x128x128xf32, #tpu.memory_space<vmem>> -> memref<1x128x128xf32, #tpu.memory_space<vmem>>
        %dma_wait3A_101 = tpu.memref_squeeze %dma_wait3A_100 : memref<1x128x128xf32, #tpu.memory_space<vmem>> -> memref<128x128xf32, #tpu.memory_space<vmem>>
        %dma_wait3A_102 = arith.constant 0 : i32
        %dma_wait3A_103 = tpu.memref_slice %arg7[%add3A_95, %dma_wait3A_102] : memref<16x128xi32, #tpu.memory_space<vmem>> -> memref<1x128xi32, #tpu.memory_space<vmem>>
        %dma_wait3A_104 = tpu.memref_squeeze %dma_wait3A_103 : memref<1x128xi32, #tpu.memory_space<vmem>> -> memref<128xi32, #tpu.memory_space<vmem>>
        %dma_wait3A_105 = arith.constant 0 : i32
        %dma_wait3A_106 = arith.constant 0 : i32
        %dma_wait3A_107 = tpu.memref_slice %arg2[%dma_wait3A_105, %dma_wait3A_106] : memref<10240x128xf32, #tpu.memory_space<hbm>> -> memref<10240x128xf32, #tpu.memory_space<hbm>>
        %dma_wait3A_108 = tpu.memref_slice %arg11[%dma_wait3A_97] : memref<2x!tpu.dma_semaphore, #tpu.memory_space<semaphore_mem>> -> memref<1x!tpu.dma_semaphore, #tpu.memory_space<semaphore_mem>>
        %dma_wait3A_109 = tpu.memref_squeeze %dma_wait3A_108 : memref<1x!tpu.dma_semaphore, #tpu.memory_space<semaphore_mem>> -> memref<!tpu.dma_semaphore, #tpu.memory_space<semaphore_mem>>
        tpu.wait_indirect_dma semaphore(%dma_wait3A_109 : memref<!tpu.dma_semaphore, #tpu.memory_space<semaphore_mem>>) src(%dma_wait3A_107 : memref<10240x128xf32, #tpu.memory_space<hbm>>) dst(%dma_wait3A_101 : memref<128x128xf32, #tpu.memory_space<vmem>>)
        %dma_start3A_110 = arith.constant 0 : i32
        %dma_start3A_111 = arith.constant 0 : i32
        %dma_start3A_112 = arith.constant 0 : i32
        %dma_start3A_113 = arith.constant 0 : i32
        %dma_start3A_114 = tpu.memref_slice %arg9[%dma_start3A_110, %dma_start3A_112, %dma_start3A_113] : memref<2x128x128xf32, #tpu.memory_space<vmem>> -> memref<1x128x128xf32, #tpu.memory_space<vmem>>
        %dma_start3A_115 = tpu.memref_squeeze %dma_start3A_114 : memref<1x128x128xf32, #tpu.memory_space<vmem>> -> memref<128x128xf32, #tpu.memory_space<vmem>>
        %dma_start3A_116 = arith.constant 0 : i32
        %dma_start3A_117 = tpu.memref_slice %arg8[%add3A_95, %dma_start3A_116] : memref<16x128xi32, #tpu.memory_space<vmem>> -> memref<1x128xi32, #tpu.memory_space<vmem>>
        %dma_start3A_118 = tpu.memref_squeeze %dma_start3A_117 : memref<1x128xi32, #tpu.memory_space<vmem>> -> memref<128xi32, #tpu.memory_space<vmem>>
        %dma_start3A_119 = arith.constant 0 : i32
        %dma_start3A_120 = arith.constant 0 : i32
        %dma_start3A_121 = tpu.memref_slice %arg10[%dma_start3A_119, %dma_start3A_120] : memref<10240x128xf32, #tpu.memory_space<vmem_shared>> -> memref<10240x128xf32, #tpu.memory_space<vmem_shared>>
        %dma_start3A_122 = tpu.memref_slice %arg12[%dma_start3A_111] : memref<2x!tpu.dma_semaphore, #tpu.memory_space<semaphore_mem>> -> memref<1x!tpu.dma_semaphore, #tpu.memory_space<semaphore_mem>>
        %dma_start3A_123 = tpu.memref_squeeze %dma_start3A_122 : memref<1x!tpu.dma_semaphore, #tpu.memory_space<semaphore_mem>> -> memref<!tpu.dma_semaphore, #tpu.memory_space<semaphore_mem>>
        tpu.enqueue_indirect_dma source(%dma_start3A_115 : memref<128x128xf32, #tpu.memory_space<vmem>>) target(%dma_start3A_121 : memref<10240x128xf32, #tpu.memory_space<vmem_shared>>) offsets(%dma_start3A_118 : memref<128xi32, #tpu.memory_space<vmem>>) semaphore(%dma_start3A_123 : memref<!tpu.dma_semaphore, #tpu.memory_space<semaphore_mem>>) {add = true}
        %mul3A_124 = arith.constant 2 : i32
        %mul3A_125 = arith.muli %scan3A_91, %mul3A_124 : i32
        %add3A_126 = arith.constant 1 : i32
        %add3A_127 = arith.addi %mul3A_125, %add3A_126 : i32
        %dma_wait3A_128 = arith.constant 1 : i32
        %dma_wait3A_129 = arith.constant 1 : i32
        %dma_wait3A_130 = arith.constant 0 : i32
        %dma_wait3A_131 = arith.constant 0 : i32
        %dma_wait3A_132 = tpu.memref_slice %arg9[%dma_wait3A_128, %dma_wait3A_130, %dma_wait3A_131] : memref<2x128x128xf32, #tpu.memory_space<vmem>> -> memref<1x128x128xf32, #tpu.memory_space<vmem>>
        %dma_wait3A_133 = tpu.memref_squeeze %dma_wait3A_132 : memref<1x128x128xf32, #tpu.memory_space<vmem>> -> memref<128x128xf32, #tpu.memory_space<vmem>>
        %dma_wait3A_134 = arith.constant 0 : i32
        %dma_wait3A_135 = tpu.memref_slice %arg7[%add3A_127, %dma_wait3A_134] : memref<16x128xi32, #tpu.memory_space<vmem>> -> memref<1x128xi32, #tpu.memory_space<vmem>>
        %dma_wait3A_136 = tpu.memref_squeeze %dma_wait3A_135 : memref<1x128xi32, #tpu.memory_space<vmem>> -> memref<128xi32, #tpu.memory_space<vmem>>
        %dma_wait3A_137 = arith.constant 0 : i32
        %dma_wait3A_138 = arith.constant 0 : i32
        %dma_wait3A_139 = tpu.memref_slice %arg2[%dma_wait3A_137, %dma_wait3A_138] : memref<10240x128xf32, #tpu.memory_space<hbm>> -> memref<10240x128xf32, #tpu.memory_space<hbm>>
        %dma_wait3A_140 = tpu.memref_slice %arg11[%dma_wait3A_129] : memref<2x!tpu.dma_semaphore, #tpu.memory_space<semaphore_mem>> -> memref<1x!tpu.dma_semaphore, #tpu.memory_space<semaphore_mem>>
        %dma_wait3A_141 = tpu.memref_squeeze %dma_wait3A_140 : memref<1x!tpu.dma_semaphore, #tpu.memory_space<semaphore_mem>> -> memref<!tpu.dma_semaphore, #tpu.memory_space<semaphore_mem>>
        tpu.wait_indirect_dma semaphore(%dma_wait3A_141 : memref<!tpu.dma_semaphore, #tpu.memory_space<semaphore_mem>>) src(%dma_wait3A_139 : memref<10240x128xf32, #tpu.memory_space<hbm>>) dst(%dma_wait3A_133 : memref<128x128xf32, #tpu.memory_space<vmem>>)
        %dma_start3A_142 = arith.constant 1 : i32
        %dma_start3A_143 = arith.constant 1 : i32
        %dma_start3A_144 = arith.constant 0 : i32
        %dma_start3A_145 = arith.constant 0 : i32
        %dma_start3A_146 = tpu.memref_slice %arg9[%dma_start3A_142, %dma_start3A_144, %dma_start3A_145] : memref<2x128x128xf32, #tpu.memory_space<vmem>> -> memref<1x128x128xf32, #tpu.memory_space<vmem>>
        %dma_start3A_147 = tpu.memref_squeeze %dma_start3A_146 : memref<1x128x128xf32, #tpu.memory_space<vmem>> -> memref<128x128xf32, #tpu.memory_space<vmem>>
        %dma_start3A_148 = arith.constant 0 : i32
        %dma_start3A_149 = tpu.memref_slice %arg8[%add3A_127, %dma_start3A_148] : memref<16x128xi32, #tpu.memory_space<vmem>> -> memref<1x128xi32, #tpu.memory_space<vmem>>
        %dma_start3A_150 = tpu.memref_squeeze %dma_start3A_149 : memref<1x128xi32, #tpu.memory_space<vmem>> -> memref<128xi32, #tpu.memory_space<vmem>>
        %dma_start3A_151 = arith.constant 0 : i32
        %dma_start3A_152 = arith.constant 0 : i32
        %dma_start3A_153 = tpu.memref_slice %arg10[%dma_start3A_151, %dma_start3A_152] : memref<10240x128xf32, #tpu.memory_space<vmem_shared>> -> memref<10240x128xf32, #tpu.memory_space<vmem_shared>>
        %dma_start3A_154 = tpu.memref_slice %arg12[%dma_start3A_143] : memref<2x!tpu.dma_semaphore, #tpu.memory_space<semaphore_mem>> -> memref<1x!tpu.dma_semaphore, #tpu.memory_space<semaphore_mem>>
        %dma_start3A_155 = tpu.memref_squeeze %dma_start3A_154 : memref<1x!tpu.dma_semaphore, #tpu.memory_space<semaphore_mem>> -> memref<!tpu.dma_semaphore, #tpu.memory_space<semaphore_mem>>
        tpu.enqueue_indirect_dma source(%dma_start3A_147 : memref<128x128xf32, #tpu.memory_space<vmem>>) target(%dma_start3A_153 : memref<10240x128xf32, #tpu.memory_space<vmem_shared>>) offsets(%dma_start3A_150 : memref<128xi32, #tpu.memory_space<vmem>>) semaphore(%dma_start3A_155 : memref<!tpu.dma_semaphore, #tpu.memory_space<semaphore_mem>>) {add = true}
        %mul3A_156 = arith.constant 2 : i32
        %mul3A_157 = arith.muli %scan3A_91, %mul3A_156 : i32
        %add3A_158 = arith.constant 0 : i32
        %add3A_159 = arith.addi %mul3A_157, %add3A_158 : i32
        %add3A_160 = arith.constant 2 : i32
        %add3A_161 = arith.addi %add3A_159, %add3A_160 : i32
        %lt3A = arith.constant 16 : i32
        %lt3A_162 = arith.cmpi slt, %add3A_161, %lt3A : i32
        %convert_element_type3A = arith.extui %lt3A_162 : i1 to i32
        %cond3A = arith.constant 0 : i32
        %cond3A_163 = arith.cmpi ne, %convert_element_type3A, %cond3A : i32
        scf.if %cond3A_163 {
          %dma_wait3A_175 = arith.constant 0 : i32
          %dma_wait3A_176 = arith.constant 0 : i32
          %dma_wait3A_177 = arith.constant 0 : i32
          %dma_wait3A_178 = arith.constant 0 : i32
          %dma_wait3A_179 = tpu.memref_slice %arg9[%dma_wait3A_175, %dma_wait3A_177, %dma_wait3A_178] : memref<2x128x128xf32, #tpu.memory_space<vmem>> -> memref<1x128x128xf32, #tpu.memory_space<vmem>>
          %dma_wait3A_180 = tpu.memref_squeeze %dma_wait3A_179 : memref<1x128x128xf32, #tpu.memory_space<vmem>> -> memref<128x128xf32, #tpu.memory_space<vmem>>
          %dma_wait3A_181 = arith.constant 0 : i32
          %dma_wait3A_182 = tpu.memref_slice %arg8[%add3A_159, %dma_wait3A_181] : memref<16x128xi32, #tpu.memory_space<vmem>> -> memref<1x128xi32, #tpu.memory_space<vmem>>
          %dma_wait3A_183 = tpu.memref_squeeze %dma_wait3A_182 : memref<1x128xi32, #tpu.memory_space<vmem>> -> memref<128xi32, #tpu.memory_space<vmem>>
          %dma_wait3A_184 = arith.constant 0 : i32
          %dma_wait3A_185 = arith.constant 0 : i32
          %dma_wait3A_186 = tpu.memref_slice %arg10[%dma_wait3A_184, %dma_wait3A_185] : memref<10240x128xf32, #tpu.memory_space<vmem_shared>> -> memref<10240x128xf32, #tpu.memory_space<vmem_shared>>
          %dma_wait3A_187 = tpu.memref_slice %arg12[%dma_wait3A_176] : memref<2x!tpu.dma_semaphore, #tpu.memory_space<semaphore_mem>> -> memref<1x!tpu.dma_semaphore, #tpu.memory_space<semaphore_mem>>
          %dma_wait3A_188 = tpu.memref_squeeze %dma_wait3A_187 : memref<1x!tpu.dma_semaphore, #tpu.memory_space<semaphore_mem>> -> memref<!tpu.dma_semaphore, #tpu.memory_space<semaphore_mem>>
          tpu.wait_indirect_dma semaphore(%dma_wait3A_188 : memref<!tpu.dma_semaphore, #tpu.memory_space<semaphore_mem>>) src(%dma_wait3A_180 : memref<128x128xf32, #tpu.memory_space<vmem>>) dst(%dma_wait3A_186 : memref<10240x128xf32, #tpu.memory_space<vmem_shared>>)
          %add3A_189 = arith.constant 2 : i32
          %add3A_190 = arith.addi %add3A_159, %add3A_189 : i32
          %dma_start3A_191 = arith.constant 0 : i32
          %dma_start3A_192 = arith.constant 0 : i32
          %dma_start3A_193 = arith.constant 0 : i32
          %dma_start3A_194 = arith.constant 0 : i32
          %dma_start3A_195 = tpu.memref_slice %arg9[%dma_start3A_191, %dma_start3A_193, %dma_start3A_194] : memref<2x128x128xf32, #tpu.memory_space<vmem>> -> memref<1x128x128xf32, #tpu.memory_space<vmem>>
          %dma_start3A_196 = tpu.memref_squeeze %dma_start3A_195 : memref<1x128x128xf32, #tpu.memory_space<vmem>> -> memref<128x128xf32, #tpu.memory_space<vmem>>
          %dma_start3A_197 = arith.constant 0 : i32
          %dma_start3A_198 = tpu.memref_slice %arg7[%add3A_190, %dma_start3A_197] : memref<16x128xi32, #tpu.memory_space<vmem>> -> memref<1x128xi32, #tpu.memory_space<vmem>>
          %dma_start3A_199 = tpu.memref_squeeze %dma_start3A_198 : memref<1x128xi32, #tpu.memory_space<vmem>> -> memref<128xi32, #tpu.memory_space<vmem>>
          %dma_start3A_200 = arith.constant 0 : i32
          %dma_start3A_201 = arith.constant 0 : i32
          %dma_start3A_202 = tpu.memref_slice %arg2[%dma_start3A_200, %dma_start3A_201] : memref<10240x128xf32, #tpu.memory_space<hbm>> -> memref<10240x128xf32, #tpu.memory_space<hbm>>
          %dma_start3A_203 = tpu.memref_slice %arg11[%dma_start3A_192] : memref<2x!tpu.dma_semaphore, #tpu.memory_space<semaphore_mem>> -> memref<1x!tpu.dma_semaphore, #tpu.memory_space<semaphore_mem>>
          %dma_start3A_204 = tpu.memref_squeeze %dma_start3A_203 : memref<1x!tpu.dma_semaphore, #tpu.memory_space<semaphore_mem>> -> memref<!tpu.dma_semaphore, #tpu.memory_space<semaphore_mem>>
          tpu.enqueue_indirect_dma source(%dma_start3A_202 : memref<10240x128xf32, #tpu.memory_space<hbm>>) target(%dma_start3A_196 : memref<128x128xf32, #tpu.memory_space<vmem>>) offsets(%dma_start3A_199 : memref<128xi32, #tpu.memory_space<vmem>>) semaphore(%dma_start3A_204 : memref<!tpu.dma_semaphore, #tpu.memory_space<semaphore_mem>>)
        } else {
        }
        %mul3A_164 = arith.constant 2 : i32
        %mul3A_165 = arith.muli %scan3A_91, %mul3A_164 : i32
        %add3A_166 = arith.constant 1 : i32
        %add3A_167 = arith.addi %mul3A_165, %add3A_166 : i32
        %add3A_168 = arith.constant 2 : i32
        %add3A_169 = arith.addi %add3A_167, %add3A_168 : i32
        %lt3A_170 = arith.constant 16 : i32
        %lt3A_171 = arith.cmpi slt, %add3A_169, %lt3A_170 : i32
        %convert_element_type3A_172 = arith.extui %lt3A_171 : i1 to i32
        %cond3A_173 = arith.constant 0 : i32
        %cond3A_174 = arith.cmpi ne, %convert_element_type3A_172, %cond3A_173 : i32
        scf.if %cond3A_174 {
          %dma_wait3A_175 = arith.constant 1 : i32
          %dma_wait3A_176 = arith.constant 1 : i32
          %dma_wait3A_177 = arith.constant 0 : i32
          %dma_wait3A_178 = arith.constant 0 : i32
          %dma_wait3A_179 = tpu.memref_slice %arg9[%dma_wait3A_175, %dma_wait3A_177, %dma_wait3A_178] : memref<2x128x128xf32, #tpu.memory_space<vmem>> -> memref<1x128x128xf32, #tpu.memory_space<vmem>>
          %dma_wait3A_180 = tpu.memref_squeeze %dma_wait3A_179 : memref<1x128x128xf32, #tpu.memory_space<vmem>> -> memref<128x128xf32, #tpu.memory_space<vmem>>
          %dma_wait3A_181 = arith.constant 0 : i32
          %dma_wait3A_182 = tpu.memref_slice %arg8[%add3A_167, %dma_wait3A_181] : memref<16x128xi32, #tpu.memory_space<vmem>> -> memref<1x128xi32, #tpu.memory_space<vmem>>
          %dma_wait3A_183 = tpu.memref_squeeze %dma_wait3A_182 : memref<1x128xi32, #tpu.memory_space<vmem>> -> memref<128xi32, #tpu.memory_space<vmem>>
          %dma_wait3A_184 = arith.constant 0 : i32
          %dma_wait3A_185 = arith.constant 0 : i32
          %dma_wait3A_186 = tpu.memref_slice %arg10[%dma_wait3A_184, %dma_wait3A_185] : memref<10240x128xf32, #tpu.memory_space<vmem_shared>> -> memref<10240x128xf32, #tpu.memory_space<vmem_shared>>
          %dma_wait3A_187 = tpu.memref_slice %arg12[%dma_wait3A_176] : memref<2x!tpu.dma_semaphore, #tpu.memory_space<semaphore_mem>> -> memref<1x!tpu.dma_semaphore, #tpu.memory_space<semaphore_mem>>
          %dma_wait3A_188 = tpu.memref_squeeze %dma_wait3A_187 : memref<1x!tpu.dma_semaphore, #tpu.memory_space<semaphore_mem>> -> memref<!tpu.dma_semaphore, #tpu.memory_space<semaphore_mem>>
          tpu.wait_indirect_dma semaphore(%dma_wait3A_188 : memref<!tpu.dma_semaphore, #tpu.memory_space<semaphore_mem>>) src(%dma_wait3A_180 : memref<128x128xf32, #tpu.memory_space<vmem>>) dst(%dma_wait3A_186 : memref<10240x128xf32, #tpu.memory_space<vmem_shared>>)
          %add3A_189 = arith.constant 2 : i32
          %add3A_190 = arith.addi %add3A_167, %add3A_189 : i32
          %dma_start3A_191 = arith.constant 1 : i32
          %dma_start3A_192 = arith.constant 1 : i32
          %dma_start3A_193 = arith.constant 0 : i32
          %dma_start3A_194 = arith.constant 0 : i32
          %dma_start3A_195 = tpu.memref_slice %arg9[%dma_start3A_191, %dma_start3A_193, %dma_start3A_194] : memref<2x128x128xf32, #tpu.memory_space<vmem>> -> memref<1x128x128xf32, #tpu.memory_space<vmem>>
          %dma_start3A_196 = tpu.memref_squeeze %dma_start3A_195 : memref<1x128x128xf32, #tpu.memory_space<vmem>> -> memref<128x128xf32, #tpu.memory_space<vmem>>
          %dma_start3A_197 = arith.constant 0 : i32
          %dma_start3A_198 = tpu.memref_slice %arg7[%add3A_190, %dma_start3A_197] : memref<16x128xi32, #tpu.memory_space<vmem>> -> memref<1x128xi32, #tpu.memory_space<vmem>>
          %dma_start3A_199 = tpu.memref_squeeze %dma_start3A_198 : memref<1x128xi32, #tpu.memory_space<vmem>> -> memref<128xi32, #tpu.memory_space<vmem>>
          %dma_start3A_200 = arith.constant 0 : i32
          %dma_start3A_201 = arith.constant 0 : i32
          %dma_start3A_202 = tpu.memref_slice %arg2[%dma_start3A_200, %dma_start3A_201] : memref<10240x128xf32, #tpu.memory_space<hbm>> -> memref<10240x128xf32, #tpu.memory_space<hbm>>
          %dma_start3A_203 = tpu.memref_slice %arg11[%dma_start3A_192] : memref<2x!tpu.dma_semaphore, #tpu.memory_space<semaphore_mem>> -> memref<1x!tpu.dma_semaphore, #tpu.memory_space<semaphore_mem>>
          %dma_start3A_204 = tpu.memref_squeeze %dma_start3A_203 : memref<1x!tpu.dma_semaphore, #tpu.memory_space<semaphore_mem>> -> memref<!tpu.dma_semaphore, #tpu.memory_space<semaphore_mem>>
          tpu.enqueue_indirect_dma source(%dma_start3A_202 : memref<10240x128xf32, #tpu.memory_space<hbm>>) target(%dma_start3A_196 : memref<128x128xf32, #tpu.memory_space<vmem>>) offsets(%dma_start3A_199 : memref<128xi32, #tpu.memory_space<vmem>>) semaphore(%dma_start3A_204 : memref<!tpu.dma_semaphore, #tpu.memory_space<semaphore_mem>>)
        } else {
        }
      }
      %scan3A_61 = arith.constant 8 : i32
      %dma_wait3A = arith.constant 0 : i32
      %dma_wait3A_62 = arith.constant 0 : i32
      %dma_wait3A_63 = arith.constant 0 : i32
      %dma_wait3A_64 = arith.constant 0 : i32
      %dma_wait3A_65 = arith.constant 0 : i32
      %dma_wait3A_66 = tpu.memref_slice %arg9[%dma_wait3A, %dma_wait3A_64, %dma_wait3A_65] : memref<2x128x128xf32, #tpu.memory_space<vmem>> -> memref<1x128x128xf32, #tpu.memory_space<vmem>>
      %dma_wait3A_67 = tpu.memref_squeeze %dma_wait3A_66 : memref<1x128x128xf32, #tpu.memory_space<vmem>> -> memref<128x128xf32, #tpu.memory_space<vmem>>
      %dma_wait3A_68 = arith.constant 0 : i32
      %dma_wait3A_69 = tpu.memref_slice %arg8[%dma_wait3A_62, %dma_wait3A_68] : memref<16x128xi32, #tpu.memory_space<vmem>> -> memref<1x128xi32, #tpu.memory_space<vmem>>
      %dma_wait3A_70 = tpu.memref_squeeze %dma_wait3A_69 : memref<1x128xi32, #tpu.memory_space<vmem>> -> memref<128xi32, #tpu.memory_space<vmem>>
      %dma_wait3A_71 = arith.constant 0 : i32
      %dma_wait3A_72 = arith.constant 0 : i32
      %dma_wait3A_73 = tpu.memref_slice %arg10[%dma_wait3A_71, %dma_wait3A_72] : memref<10240x128xf32, #tpu.memory_space<vmem_shared>> -> memref<10240x128xf32, #tpu.memory_space<vmem_shared>>
      %dma_wait3A_74 = tpu.memref_slice %arg12[%dma_wait3A_63] : memref<2x!tpu.dma_semaphore, #tpu.memory_space<semaphore_mem>> -> memref<1x!tpu.dma_semaphore, #tpu.memory_space<semaphore_mem>>
      %dma_wait3A_75 = tpu.memref_squeeze %dma_wait3A_74 : memref<1x!tpu.dma_semaphore, #tpu.memory_space<semaphore_mem>> -> memref<!tpu.dma_semaphore, #tpu.memory_space<semaphore_mem>>
      tpu.wait_indirect_dma semaphore(%dma_wait3A_75 : memref<!tpu.dma_semaphore, #tpu.memory_space<semaphore_mem>>) src(%dma_wait3A_67 : memref<128x128xf32, #tpu.memory_space<vmem>>) dst(%dma_wait3A_73 : memref<10240x128xf32, #tpu.memory_space<vmem_shared>>)
      %dma_wait3A_76 = arith.constant 1 : i32
      %dma_wait3A_77 = arith.constant 1 : i32
      %dma_wait3A_78 = arith.constant 1 : i32
      %dma_wait3A_79 = arith.constant 0 : i32
      %dma_wait3A_80 = arith.constant 0 : i32
      %dma_wait3A_81 = tpu.memref_slice %arg9[%dma_wait3A_76, %dma_wait3A_79, %dma_wait3A_80] : memref<2x128x128xf32, #tpu.memory_space<vmem>> -> memref<1x128x128xf32, #tpu.memory_space<vmem>>
      %dma_wait3A_82 = tpu.memref_squeeze %dma_wait3A_81 : memref<1x128x128xf32, #tpu.memory_space<vmem>> -> memref<128x128xf32, #tpu.memory_space<vmem>>
      %dma_wait3A_83 = arith.constant 0 : i32
      %dma_wait3A_84 = tpu.memref_slice %arg8[%dma_wait3A_77, %dma_wait3A_83] : memref<16x128xi32, #tpu.memory_space<vmem>> -> memref<1x128xi32, #tpu.memory_space<vmem>>
      %dma_wait3A_85 = tpu.memref_squeeze %dma_wait3A_84 : memref<1x128xi32, #tpu.memory_space<vmem>> -> memref<128xi32, #tpu.memory_space<vmem>>
      %dma_wait3A_86 = arith.constant 0 : i32
      %dma_wait3A_87 = arith.constant 0 : i32
      %dma_wait3A_88 = tpu.memref_slice %arg10[%dma_wait3A_86, %dma_wait3A_87] : memref<10240x128xf32, #tpu.memory_space<vmem_shared>> -> memref<10240x128xf32, #tpu.memory_space<vmem_shared>>
      %dma_wait3A_89 = tpu.memref_slice %arg12[%dma_wait3A_78] : memref<2x!tpu.dma_semaphore, #tpu.memory_space<semaphore_mem>> -> memref<1x!tpu.dma_semaphore, #tpu.memory_space<semaphore_mem>>
      %dma_wait3A_90 = tpu.memref_squeeze %dma_wait3A_89 : memref<1x!tpu.dma_semaphore, #tpu.memory_space<semaphore_mem>> -> memref<!tpu.dma_semaphore, #tpu.memory_space<semaphore_mem>>
      tpu.wait_indirect_dma semaphore(%dma_wait3A_90 : memref<!tpu.dma_semaphore, #tpu.memory_space<semaphore_mem>>) src(%dma_wait3A_82 : memref<128x128xf32, #tpu.memory_space<vmem>>) dst(%dma_wait3A_88 : memref<10240x128xf32, #tpu.memory_space<vmem_shared>>)
    }
    %scan3A_11 = arith.constant 5 : i32
    %barrier3A_12 = arith.constant 0 : index
    tpu.barrier barrier_id(%barrier3A_12)
    %mul3A_13 = arith.constant 640 : i32
    %mul3A_14 = arith.muli %arg1, %mul3A_13 : i32
    %mul3A_15 = arith.constant 10240 : i32
    %mul3A_16 = arith.muli %arg0, %mul3A_15 : i32
    %mul3A_17 = arith.constant 640 : i32
    %mul3A_18 = arith.muli %arg1, %mul3A_17 : i32
    %add3A_19 = arith.addi %mul3A_16, %mul3A_18 : i32
    "tpu.region"() ({
      %run_scoped3A = tpu.sem_alloc : memref<!tpu.dma_semaphore, #tpu.memory_space<semaphore_mem>>
      %dma_start3A = arith.constant 0 : i32
      %dma_start3A_20 = tpu.memref_slice %arg6[%add3A_19, %dma_start3A] : memref<20480x128xf32, #tpu.memory_space<hbm>> -> memref<640x128xf32, #tpu.memory_space<hbm>>
      %dma_start3A_21 = arith.constant 0 : i32
      %dma_start3A_22 = tpu.memref_slice %arg10[%mul3A_14, %dma_start3A_21] : memref<10240x128xf32, #tpu.memory_space<vmem_shared>> -> memref<640x128xf32, #tpu.memory_space<vmem_shared>>
      tpu.enqueue_dma source(%dma_start3A_22 : memref<640x128xf32, #tpu.memory_space<vmem_shared>>) target(%dma_start3A_20 : memref<640x128xf32, #tpu.memory_space<hbm>>) target_semaphore(%run_scoped3A : memref<!tpu.dma_semaphore, #tpu.memory_space<semaphore_mem>>)
      %dma_wait3A = arith.constant 0 : i32
      %dma_wait3A_23 = tpu.memref_slice %arg6[%add3A_19, %dma_wait3A] : memref<20480x128xf32, #tpu.memory_space<hbm>> -> memref<640x128xf32, #tpu.memory_space<hbm>>
      %dma_wait3A_24 = arith.constant 0 : i32
      %dma_wait3A_25 = tpu.memref_slice %arg10[%mul3A_14, %dma_wait3A_24] : memref<10240x128xf32, #tpu.memory_space<vmem_shared>> -> memref<640x128xf32, #tpu.memory_space<vmem_shared>>
      tpu.wait_dma2 semaphore(%run_scoped3A : memref<!tpu.dma_semaphore, #tpu.memory_space<semaphore_mem>>) src(%dma_wait3A_25 : memref<640x128xf32, #tpu.memory_space<vmem_shared>>) dst(%dma_wait3A_23 : memref<640x128xf32, #tpu.memory_space<hbm>>)
      tpu.yield
    }) : () -> ()
    return
  }
}

#map = affine_map<(d0, d1) -> (0, 0)>
module attributes {stable_mosaic.version = 14 : i64} {
  func.func @scat(%arg0: i32, %arg1: i32, %arg2: memref<10240x128xf32, #tpu.memory_space<hbm>>, %arg3: memref<2560x128xi32, #tpu.memory_space<hbm>>, %arg4: memref<2560x128xi32, #tpu.memory_space<hbm>>, %arg5: memref<10240x128xf32, #tpu.memory_space<hbm>>, %arg6: memref<20480x128xf32, #tpu.memory_space<hbm>>, %arg7: memref<16x128xi32, #tpu.memory_space<vmem>>, %arg8: memref<16x128xi32, #tpu.memory_space<vmem>>, %arg9: memref<2x128x128xf32, #tpu.memory_space<vmem>>, %arg10: memref<10240x128xf32, #tpu.memory_space<vmem_shared>>, %arg11: memref<2x!tpu.dma_semaphore, #tpu.memory_space<semaphore_mem>>, %arg12: memref<2x!tpu.dma_semaphore, #tpu.memory_space<semaphore_mem>>) attributes {dimension_semantics = [#tpu.dimension_semantics<core_parallel>, #tpu.dimension_semantics<subcore_parallel>], iteration_bounds = array<i64: 2, 16>, scalar_prefetch = 0 : i64, scratch_operands = 6 : i64, tpu.core_type = #tpu.core_type<sc_vector_subcore>, window_params = [{transform_indices = #map}, {transform_indices = #map}, {transform_indices = #map}, {transform_indices = #map}, {transform_indices = #map}]} {
    %mul3A = arith.constant 16 : i32
    %mul3A_0 = arith.muli %arg0, %mul3A : i32
    %add3A = arith.addi %mul3A_0, %arg1 : i32
    %mul3A_1 = arith.constant 80 : i32
    %mul3A_2 = arith.muli %add3A, %mul3A_1 : i32
    %mul3A_3 = arith.constant 640 : i32
    %mul3A_4 = arith.muli %arg1, %mul3A_3 : i32
    %mul3A_5 = arith.constant 640 : i32
    %mul3A_6 = arith.muli %arg1, %mul3A_5 : i32
    "tpu.region"() ({
      %run_scoped3A = tpu.sem_alloc : memref<!tpu.dma_semaphore, #tpu.memory_space<semaphore_mem>>
      %dma_start3A = arith.constant 0 : i32
      %dma_start3A_20 = tpu.memref_slice %arg10[%mul3A_6, %dma_start3A] : memref<10240x128xf32, #tpu.memory_space<vmem_shared>> -> memref<640x128xf32, #tpu.memory_space<vmem_shared>>
      %dma_start3A_21 = arith.constant 0 : i32
      %dma_start3A_22 = tpu.memref_slice %arg5[%mul3A_4, %dma_start3A_21] : memref<10240x128xf32, #tpu.memory_space<hbm>> -> memref<640x128xf32, #tpu.memory_space<hbm>>
      tpu.enqueue_dma source(%dma_start3A_22 : memref<640x128xf32, #tpu.memory_space<hbm>>) target(%dma_start3A_20 : memref<640x128xf32, #tpu.memory_space<vmem_shared>>) target_semaphore(%run_scoped3A : memref<!tpu.dma_semaphore, #tpu.memory_space<semaphore_mem>>)
      %dma_wait3A = arith.constant 0 : i32
      %dma_wait3A_23 = tpu.memref_slice %arg10[%mul3A_6, %dma_wait3A] : memref<10240x128xf32, #tpu.memory_space<vmem_shared>> -> memref<640x128xf32, #tpu.memory_space<vmem_shared>>
      %dma_wait3A_24 = arith.constant 0 : i32
      %dma_wait3A_25 = tpu.memref_slice %arg5[%mul3A_4, %dma_wait3A_24] : memref<10240x128xf32, #tpu.memory_space<hbm>> -> memref<640x128xf32, #tpu.memory_space<hbm>>
      tpu.wait_dma2 semaphore(%run_scoped3A : memref<!tpu.dma_semaphore, #tpu.memory_space<semaphore_mem>>) src(%dma_wait3A_25 : memref<640x128xf32, #tpu.memory_space<hbm>>) dst(%dma_wait3A_23 : memref<640x128xf32, #tpu.memory_space<vmem_shared>>)
      tpu.yield
    }) : () -> ()
    %barrier3A = arith.constant 0 : index
    tpu.barrier barrier_id(%barrier3A)
    %scan3A = arith.constant 0 : i32
    %scan3A_7 = arith.constant 0 : i32
    %scan3A_8 = arith.constant 5 : i32
    %scan3A_9 = arith.addi %scan3A_7, %scan3A_8 : i32
    %scan3A_10 = arith.constant 1 : i32
    scf.for %scan3A_20 = %scan3A_7 to %scan3A_9 step %scan3A_10  : i32 {
      %mul3A_21 = arith.constant 16 : i32
      %mul3A_22 = arith.muli %scan3A_20, %mul3A_21 : i32
      %add3A_23 = arith.addi %mul3A_2, %mul3A_22 : i32
      "tpu.region"() ({
        %run_scoped3A = tpu.sem_alloc : memref<!tpu.dma_semaphore, #tpu.memory_space<semaphore_mem>>
        %dma_start3A_91 = arith.constant 0 : i32
        %dma_start3A_92 = tpu.memref_slice %arg3[%add3A_23, %dma_start3A_91] : memref<2560x128xi32, #tpu.memory_space<hbm>> -> memref<16x128xi32, #tpu.memory_space<hbm>>
        %dma_start3A_93 = arith.constant 0 : i32
        %dma_start3A_94 = tpu.memref_slice %arg3[%add3A_23, %dma_start3A_93] : memref<2560x128xi32, #tpu.memory_space<hbm>> -> memref<16x128xi32, #tpu.memory_space<hbm>>
        tpu.enqueue_dma source(%dma_start3A_94 : memref<16x128xi32, #tpu.memory_space<hbm>>) target(%arg7 : memref<16x128xi32, #tpu.memory_space<vmem>>) target_semaphore(%run_scoped3A : memref<!tpu.dma_semaphore, #tpu.memory_space<semaphore_mem>>)
        %dma_wait3A_95 = arith.constant 0 : i32
        %dma_wait3A_96 = tpu.memref_slice %arg3[%add3A_23, %dma_wait3A_95] : memref<2560x128xi32, #tpu.memory_space<hbm>> -> memref<16x128xi32, #tpu.memory_space<hbm>>
        %dma_wait3A_97 = arith.constant 0 : i32
        %dma_wait3A_98 = tpu.memref_slice %arg3[%add3A_23, %dma_wait3A_97] : memref<2560x128xi32, #tpu.memory_space<hbm>> -> memref<16x128xi32, #tpu.memory_space<hbm>>
        tpu.wait_dma2 semaphore(%run_scoped3A : memref<!tpu.dma_semaphore, #tpu.memory_space<semaphore_mem>>) src(%dma_wait3A_98 : memref<16x128xi32, #tpu.memory_space<hbm>>) dst(%arg7 : memref<16x128xi32, #tpu.memory_space<vmem>>)
        tpu.yield
      }) : () -> ()
      %mul3A_24 = arith.constant 16 : i32
      %mul3A_25 = arith.muli %scan3A_20, %mul3A_24 : i32
      %add3A_26 = arith.addi %mul3A_2, %mul3A_25 : i32
      "tpu.region"() ({
        %run_scoped3A = tpu.sem_alloc : memref<!tpu.dma_semaphore, #tpu.memory_space<semaphore_mem>>
        %dma_start3A_91 = arith.constant 0 : i32
        %dma_start3A_92 = tpu.memref_slice %arg4[%add3A_26, %dma_start3A_91] : memref<2560x128xi32, #tpu.memory_space<hbm>> -> memref<16x128xi32, #tpu.memory_space<hbm>>
        %dma_start3A_93 = arith.constant 0 : i32
        %dma_start3A_94 = tpu.memref_slice %arg4[%add3A_26, %dma_start3A_93] : memref<2560x128xi32, #tpu.memory_space<hbm>> -> memref<16x128xi32, #tpu.memory_space<hbm>>
        tpu.enqueue_dma source(%dma_start3A_94 : memref<16x128xi32, #tpu.memory_space<hbm>>) target(%arg8 : memref<16x128xi32, #tpu.memory_space<vmem>>) target_semaphore(%run_scoped3A : memref<!tpu.dma_semaphore, #tpu.memory_space<semaphore_mem>>)
        %dma_wait3A_95 = arith.constant 0 : i32
        %dma_wait3A_96 = tpu.memref_slice %arg4[%add3A_26, %dma_wait3A_95] : memref<2560x128xi32, #tpu.memory_space<hbm>> -> memref<16x128xi32, #tpu.memory_space<hbm>>
        %dma_wait3A_97 = arith.constant 0 : i32
        %dma_wait3A_98 = tpu.memref_slice %arg4[%add3A_26, %dma_wait3A_97] : memref<2560x128xi32, #tpu.memory_space<hbm>> -> memref<16x128xi32, #tpu.memory_space<hbm>>
        tpu.wait_dma2 semaphore(%run_scoped3A : memref<!tpu.dma_semaphore, #tpu.memory_space<semaphore_mem>>) src(%dma_wait3A_98 : memref<16x128xi32, #tpu.memory_space<hbm>>) dst(%arg8 : memref<16x128xi32, #tpu.memory_space<vmem>>)
        tpu.yield
      }) : () -> ()
      %dma_start3A = arith.constant 0 : i32
      %dma_start3A_27 = arith.constant 0 : i32
      %dma_start3A_28 = arith.constant 0 : i32
      %dma_start3A_29 = arith.constant 0 : i32
      %dma_start3A_30 = arith.constant 0 : i32
      %dma_start3A_31 = tpu.memref_slice %arg9[%dma_start3A_27, %dma_start3A_29, %dma_start3A_30] : memref<2x128x128xf32, #tpu.memory_space<vmem>> -> memref<1x128x128xf32, #tpu.memory_space<vmem>>
      %dma_start3A_32 = tpu.memref_squeeze %dma_start3A_31 : memref<1x128x128xf32, #tpu.memory_space<vmem>> -> memref<128x128xf32, #tpu.memory_space<vmem>>
      %dma_start3A_33 = arith.constant 0 : i32
      %dma_start3A_34 = tpu.memref_slice %arg7[%dma_start3A, %dma_start3A_33] : memref<16x128xi32, #tpu.memory_space<vmem>> -> memref<1x128xi32, #tpu.memory_space<vmem>>
      %dma_start3A_35 = tpu.memref_squeeze %dma_start3A_34 : memref<1x128xi32, #tpu.memory_space<vmem>> -> memref<128xi32, #tpu.memory_space<vmem>>
      %dma_start3A_36 = arith.constant 0 : i32
      %dma_start3A_37 = arith.constant 0 : i32
      %dma_start3A_38 = tpu.memref_slice %arg2[%dma_start3A_36, %dma_start3A_37] : memref<10240x128xf32, #tpu.memory_space<hbm>> -> memref<10240x128xf32, #tpu.memory_space<hbm>>
      %dma_start3A_39 = tpu.memref_slice %arg11[%dma_start3A_28] : memref<2x!tpu.dma_semaphore, #tpu.memory_space<semaphore_mem>> -> memref<1x!tpu.dma_semaphore, #tpu.memory_space<semaphore_mem>>
      %dma_start3A_40 = tpu.memref_squeeze %dma_start3A_39 : memref<1x!tpu.dma_semaphore, #tpu.memory_space<semaphore_mem>> -> memref<!tpu.dma_semaphore, #tpu.memory_space<semaphore_mem>>
      tpu.enqueue_indirect_dma source(%dma_start3A_38 : memref<10240x128xf32, #tpu.memory_space<hbm>>) target(%dma_start3A_32 : memref<128x128xf32, #tpu.memory_space<vmem>>) offsets(%dma_start3A_35 : memref<128xi32, #tpu.memory_space<vmem>>) semaphore(%dma_start3A_40 : memref<!tpu.dma_semaphore, #tpu.memory_space<semaphore_mem>>)
      %dma_start3A_41 = arith.constant 1 : i32
      %dma_start3A_42 = arith.constant 1 : i32
      %dma_start3A_43 = arith.constant 1 : i32
      %dma_start3A_44 = arith.constant 0 : i32
      %dma_start3A_45 = arith.constant 0 : i32
      %dma_start3A_46 = tpu.memref_slice %arg9[%dma_start3A_42, %dma_start3A_44, %dma_start3A_45] : memref<2x128x128xf32, #tpu.memory_space<vmem>> -> memref<1x128x128xf32, #tpu.memory_space<vmem>>
      %dma_start3A_47 = tpu.memref_squeeze %dma_start3A_46 : memref<1x128x128xf32, #tpu.memory_space<vmem>> -> memref<128x128xf32, #tpu.memory_space<vmem>>
      %dma_start3A_48 = arith.constant 0 : i32
      %dma_start3A_49 = tpu.memref_slice %arg7[%dma_start3A_41, %dma_start3A_48] : memref<16x128xi32, #tpu.memory_space<vmem>> -> memref<1x128xi32, #tpu.memory_space<vmem>>
      %dma_start3A_50 = tpu.memref_squeeze %dma_start3A_49 : memref<1x128xi32, #tpu.memory_space<vmem>> -> memref<128xi32, #tpu.memory_space<vmem>>
      %dma_start3A_51 = arith.constant 0 : i32
      %dma_start3A_52 = arith.constant 0 : i32
      %dma_start3A_53 = tpu.memref_slice %arg2[%dma_start3A_51, %dma_start3A_52] : memref<10240x128xf32, #tpu.memory_space<hbm>> -> memref<10240x128xf32, #tpu.memory_space<hbm>>
      %dma_start3A_54 = tpu.memref_slice %arg11[%dma_start3A_43] : memref<2x!tpu.dma_semaphore, #tpu.memory_space<semaphore_mem>> -> memref<1x!tpu.dma_semaphore, #tpu.memory_space<semaphore_mem>>
      %dma_start3A_55 = tpu.memref_squeeze %dma_start3A_54 : memref<1x!tpu.dma_semaphore, #tpu.memory_space<semaphore_mem>> -> memref<!tpu.dma_semaphore, #tpu.memory_space<semaphore_mem>>
      tpu.enqueue_indirect_dma source(%dma_start3A_53 : memref<10240x128xf32, #tpu.memory_space<hbm>>) target(%dma_start3A_47 : memref<128x128xf32, #tpu.memory_space<vmem>>) offsets(%dma_start3A_50 : memref<128xi32, #tpu.memory_space<vmem>>) semaphore(%dma_start3A_55 : memref<!tpu.dma_semaphore, #tpu.memory_space<semaphore_mem>>)
      %scan3A_56 = arith.constant 0 : i32
      %scan3A_57 = arith.constant 0 : i32
      %scan3A_58 = arith.constant 8 : i32
      %scan3A_59 = arith.addi %scan3A_57, %scan3A_58 : i32
      %scan3A_60 = arith.constant 1 : i32
      scf.for %scan3A_91 = %scan3A_57 to %scan3A_59 step %scan3A_60  : i32 {
        %mul3A_92 = arith.constant 2 : i32
        %mul3A_93 = arith.muli %scan3A_91, %mul3A_92 : i32
        %add3A_94 = arith.constant 0 : i32
        %add3A_95 = arith.addi %mul3A_93, %add3A_94 : i32
        %dma_wait3A_96 = arith.constant 0 : i32
        %dma_wait3A_97 = arith.constant 0 : i32
        %dma_wait3A_98 = arith.constant 0 : i32
        %dma_wait3A_99 = arith.constant 0 : i32
        %dma_wait3A_100 = tpu.memref_slice %arg9[%dma_wait3A_96, %dma_wait3A_98, %dma_wait3A_99] : memref<2x128x128xf32, #tpu.memory_space<vmem>> -> memref<1x128x128xf32, #tpu.memory_space<vmem>>
        %dma_wait3A_101 = tpu.memref_squeeze %dma_wait3A_100 : memref<1x128x128xf32, #tpu.memory_space<vmem>> -> memref<128x128xf32, #tpu.memory_space<vmem>>
        %dma_wait3A_102 = arith.constant 0 : i32
        %dma_wait3A_103 = tpu.memref_slice %arg7[%add3A_95, %dma_wait3A_102] : memref<16x128xi32, #tpu.memory_space<vmem>> -> memref<1x128xi32, #tpu.memory_space<vmem>>
        %dma_wait3A_104 = tpu.memref_squeeze %dma_wait3A_103 : memref<1x128xi32, #tpu.memory_space<vmem>> -> memref<128xi32, #tpu.memory_space<vmem>>
        %dma_wait3A_105 = arith.constant 0 : i32
        %dma_wait3A_106 = arith.constant 0 : i32
        %dma_wait3A_107 = tpu.memref_slice %arg2[%dma_wait3A_105, %dma_wait3A_106] : memref<10240x128xf32, #tpu.memory_space<hbm>> -> memref<10240x128xf32, #tpu.memory_space<hbm>>
        %dma_wait3A_108 = tpu.memref_slice %arg11[%dma_wait3A_97] : memref<2x!tpu.dma_semaphore, #tpu.memory_space<semaphore_mem>> -> memref<1x!tpu.dma_semaphore, #tpu.memory_space<semaphore_mem>>
        %dma_wait3A_109 = tpu.memref_squeeze %dma_wait3A_108 : memref<1x!tpu.dma_semaphore, #tpu.memory_space<semaphore_mem>> -> memref<!tpu.dma_semaphore, #tpu.memory_space<semaphore_mem>>
        tpu.wait_indirect_dma semaphore(%dma_wait3A_109 : memref<!tpu.dma_semaphore, #tpu.memory_space<semaphore_mem>>) src(%dma_wait3A_107 : memref<10240x128xf32, #tpu.memory_space<hbm>>) dst(%dma_wait3A_101 : memref<128x128xf32, #tpu.memory_space<vmem>>)
        %dma_start3A_110 = arith.constant 0 : i32
        %dma_start3A_111 = arith.constant 0 : i32
        %dma_start3A_112 = arith.constant 0 : i32
        %dma_start3A_113 = arith.constant 0 : i32
        %dma_start3A_114 = tpu.memref_slice %arg9[%dma_start3A_110, %dma_start3A_112, %dma_start3A_113] : memref<2x128x128xf32, #tpu.memory_space<vmem>> -> memref<1x128x128xf32, #tpu.memory_space<vmem>>
        %dma_start3A_115 = tpu.memref_squeeze %dma_start3A_114 : memref<1x128x128xf32, #tpu.memory_space<vmem>> -> memref<128x128xf32, #tpu.memory_space<vmem>>
        %dma_start3A_116 = arith.constant 0 : i32
        %dma_start3A_117 = tpu.memref_slice %arg8[%add3A_95, %dma_start3A_116] : memref<16x128xi32, #tpu.memory_space<vmem>> -> memref<1x128xi32, #tpu.memory_space<vmem>>
        %dma_start3A_118 = tpu.memref_squeeze %dma_start3A_117 : memref<1x128xi32, #tpu.memory_space<vmem>> -> memref<128xi32, #tpu.memory_space<vmem>>
        %dma_start3A_119 = arith.constant 0 : i32
        %dma_start3A_120 = arith.constant 0 : i32
        %dma_start3A_121 = tpu.memref_slice %arg10[%dma_start3A_119, %dma_start3A_120] : memref<10240x128xf32, #tpu.memory_space<vmem_shared>> -> memref<10240x128xf32, #tpu.memory_space<vmem_shared>>
        %dma_start3A_122 = tpu.memref_slice %arg12[%dma_start3A_111] : memref<2x!tpu.dma_semaphore, #tpu.memory_space<semaphore_mem>> -> memref<1x!tpu.dma_semaphore, #tpu.memory_space<semaphore_mem>>
        %dma_start3A_123 = tpu.memref_squeeze %dma_start3A_122 : memref<1x!tpu.dma_semaphore, #tpu.memory_space<semaphore_mem>> -> memref<!tpu.dma_semaphore, #tpu.memory_space<semaphore_mem>>
        tpu.enqueue_indirect_dma source(%dma_start3A_115 : memref<128x128xf32, #tpu.memory_space<vmem>>) target(%dma_start3A_121 : memref<10240x128xf32, #tpu.memory_space<vmem_shared>>) offsets(%dma_start3A_118 : memref<128xi32, #tpu.memory_space<vmem>>) semaphore(%dma_start3A_123 : memref<!tpu.dma_semaphore, #tpu.memory_space<semaphore_mem>>) {add = true}
        %mul3A_124 = arith.constant 2 : i32
        %mul3A_125 = arith.muli %scan3A_91, %mul3A_124 : i32
        %add3A_126 = arith.constant 1 : i32
        %add3A_127 = arith.addi %mul3A_125, %add3A_126 : i32
        %dma_wait3A_128 = arith.constant 1 : i32
        %dma_wait3A_129 = arith.constant 1 : i32
        %dma_wait3A_130 = arith.constant 0 : i32
        %dma_wait3A_131 = arith.constant 0 : i32
        %dma_wait3A_132 = tpu.memref_slice %arg9[%dma_wait3A_128, %dma_wait3A_130, %dma_wait3A_131] : memref<2x128x128xf32, #tpu.memory_space<vmem>> -> memref<1x128x128xf32, #tpu.memory_space<vmem>>
        %dma_wait3A_133 = tpu.memref_squeeze %dma_wait3A_132 : memref<1x128x128xf32, #tpu.memory_space<vmem>> -> memref<128x128xf32, #tpu.memory_space<vmem>>
        %dma_wait3A_134 = arith.constant 0 : i32
        %dma_wait3A_135 = tpu.memref_slice %arg7[%add3A_127, %dma_wait3A_134] : memref<16x128xi32, #tpu.memory_space<vmem>> -> memref<1x128xi32, #tpu.memory_space<vmem>>
        %dma_wait3A_136 = tpu.memref_squeeze %dma_wait3A_135 : memref<1x128xi32, #tpu.memory_space<vmem>> -> memref<128xi32, #tpu.memory_space<vmem>>
        %dma_wait3A_137 = arith.constant 0 : i32
        %dma_wait3A_138 = arith.constant 0 : i32
        %dma_wait3A_139 = tpu.memref_slice %arg2[%dma_wait3A_137, %dma_wait3A_138] : memref<10240x128xf32, #tpu.memory_space<hbm>> -> memref<10240x128xf32, #tpu.memory_space<hbm>>
        %dma_wait3A_140 = tpu.memref_slice %arg11[%dma_wait3A_129] : memref<2x!tpu.dma_semaphore, #tpu.memory_space<semaphore_mem>> -> memref<1x!tpu.dma_semaphore, #tpu.memory_space<semaphore_mem>>
        %dma_wait3A_141 = tpu.memref_squeeze %dma_wait3A_140 : memref<1x!tpu.dma_semaphore, #tpu.memory_space<semaphore_mem>> -> memref<!tpu.dma_semaphore, #tpu.memory_space<semaphore_mem>>
        tpu.wait_indirect_dma semaphore(%dma_wait3A_141 : memref<!tpu.dma_semaphore, #tpu.memory_space<semaphore_mem>>) src(%dma_wait3A_139 : memref<10240x128xf32, #tpu.memory_space<hbm>>) dst(%dma_wait3A_133 : memref<128x128xf32, #tpu.memory_space<vmem>>)
        %dma_start3A_142 = arith.constant 1 : i32
        %dma_start3A_143 = arith.constant 1 : i32
        %dma_start3A_144 = arith.constant 0 : i32
        %dma_start3A_145 = arith.constant 0 : i32
        %dma_start3A_146 = tpu.memref_slice %arg9[%dma_start3A_142, %dma_start3A_144, %dma_start3A_145] : memref<2x128x128xf32, #tpu.memory_space<vmem>> -> memref<1x128x128xf32, #tpu.memory_space<vmem>>
        %dma_start3A_147 = tpu.memref_squeeze %dma_start3A_146 : memref<1x128x128xf32, #tpu.memory_space<vmem>> -> memref<128x128xf32, #tpu.memory_space<vmem>>
        %dma_start3A_148 = arith.constant 0 : i32
        %dma_start3A_149 = tpu.memref_slice %arg8[%add3A_127, %dma_start3A_148] : memref<16x128xi32, #tpu.memory_space<vmem>> -> memref<1x128xi32, #tpu.memory_space<vmem>>
        %dma_start3A_150 = tpu.memref_squeeze %dma_start3A_149 : memref<1x128xi32, #tpu.memory_space<vmem>> -> memref<128xi32, #tpu.memory_space<vmem>>
        %dma_start3A_151 = arith.constant 0 : i32
        %dma_start3A_152 = arith.constant 0 : i32
        %dma_start3A_153 = tpu.memref_slice %arg10[%dma_start3A_151, %dma_start3A_152] : memref<10240x128xf32, #tpu.memory_space<vmem_shared>> -> memref<10240x128xf32, #tpu.memory_space<vmem_shared>>
        %dma_start3A_154 = tpu.memref_slice %arg12[%dma_start3A_143] : memref<2x!tpu.dma_semaphore, #tpu.memory_space<semaphore_mem>> -> memref<1x!tpu.dma_semaphore, #tpu.memory_space<semaphore_mem>>
        %dma_start3A_155 = tpu.memref_squeeze %dma_start3A_154 : memref<1x!tpu.dma_semaphore, #tpu.memory_space<semaphore_mem>> -> memref<!tpu.dma_semaphore, #tpu.memory_space<semaphore_mem>>
        tpu.enqueue_indirect_dma source(%dma_start3A_147 : memref<128x128xf32, #tpu.memory_space<vmem>>) target(%dma_start3A_153 : memref<10240x128xf32, #tpu.memory_space<vmem_shared>>) offsets(%dma_start3A_150 : memref<128xi32, #tpu.memory_space<vmem>>) semaphore(%dma_start3A_155 : memref<!tpu.dma_semaphore, #tpu.memory_space<semaphore_mem>>) {add = true}
        %mul3A_156 = arith.constant 2 : i32
        %mul3A_157 = arith.muli %scan3A_91, %mul3A_156 : i32
        %add3A_158 = arith.constant 0 : i32
        %add3A_159 = arith.addi %mul3A_157, %add3A_158 : i32
        %add3A_160 = arith.constant 2 : i32
        %add3A_161 = arith.addi %add3A_159, %add3A_160 : i32
        %lt3A = arith.constant 16 : i32
        %lt3A_162 = arith.cmpi slt, %add3A_161, %lt3A : i32
        %convert_element_type3A = arith.extui %lt3A_162 : i1 to i32
        %cond3A = arith.constant 0 : i32
        %cond3A_163 = arith.cmpi ne, %convert_element_type3A, %cond3A : i32
        scf.if %cond3A_163 {
          %dma_wait3A_175 = arith.constant 0 : i32
          %dma_wait3A_176 = arith.constant 0 : i32
          %dma_wait3A_177 = arith.constant 0 : i32
          %dma_wait3A_178 = arith.constant 0 : i32
          %dma_wait3A_179 = tpu.memref_slice %arg9[%dma_wait3A_175, %dma_wait3A_177, %dma_wait3A_178] : memref<2x128x128xf32, #tpu.memory_space<vmem>> -> memref<1x128x128xf32, #tpu.memory_space<vmem>>
          %dma_wait3A_180 = tpu.memref_squeeze %dma_wait3A_179 : memref<1x128x128xf32, #tpu.memory_space<vmem>> -> memref<128x128xf32, #tpu.memory_space<vmem>>
          %dma_wait3A_181 = arith.constant 0 : i32
          %dma_wait3A_182 = tpu.memref_slice %arg8[%add3A_159, %dma_wait3A_181] : memref<16x128xi32, #tpu.memory_space<vmem>> -> memref<1x128xi32, #tpu.memory_space<vmem>>
          %dma_wait3A_183 = tpu.memref_squeeze %dma_wait3A_182 : memref<1x128xi32, #tpu.memory_space<vmem>> -> memref<128xi32, #tpu.memory_space<vmem>>
          %dma_wait3A_184 = arith.constant 0 : i32
          %dma_wait3A_185 = arith.constant 0 : i32
          %dma_wait3A_186 = tpu.memref_slice %arg10[%dma_wait3A_184, %dma_wait3A_185] : memref<10240x128xf32, #tpu.memory_space<vmem_shared>> -> memref<10240x128xf32, #tpu.memory_space<vmem_shared>>
          %dma_wait3A_187 = tpu.memref_slice %arg12[%dma_wait3A_176] : memref<2x!tpu.dma_semaphore, #tpu.memory_space<semaphore_mem>> -> memref<1x!tpu.dma_semaphore, #tpu.memory_space<semaphore_mem>>
          %dma_wait3A_188 = tpu.memref_squeeze %dma_wait3A_187 : memref<1x!tpu.dma_semaphore, #tpu.memory_space<semaphore_mem>> -> memref<!tpu.dma_semaphore, #tpu.memory_space<semaphore_mem>>
          tpu.wait_indirect_dma semaphore(%dma_wait3A_188 : memref<!tpu.dma_semaphore, #tpu.memory_space<semaphore_mem>>) src(%dma_wait3A_180 : memref<128x128xf32, #tpu.memory_space<vmem>>) dst(%dma_wait3A_186 : memref<10240x128xf32, #tpu.memory_space<vmem_shared>>)
          %add3A_189 = arith.constant 2 : i32
          %add3A_190 = arith.addi %add3A_159, %add3A_189 : i32
          %dma_start3A_191 = arith.constant 0 : i32
          %dma_start3A_192 = arith.constant 0 : i32
          %dma_start3A_193 = arith.constant 0 : i32
          %dma_start3A_194 = arith.constant 0 : i32
          %dma_start3A_195 = tpu.memref_slice %arg9[%dma_start3A_191, %dma_start3A_193, %dma_start3A_194] : memref<2x128x128xf32, #tpu.memory_space<vmem>> -> memref<1x128x128xf32, #tpu.memory_space<vmem>>
          %dma_start3A_196 = tpu.memref_squeeze %dma_start3A_195 : memref<1x128x128xf32, #tpu.memory_space<vmem>> -> memref<128x128xf32, #tpu.memory_space<vmem>>
          %dma_start3A_197 = arith.constant 0 : i32
          %dma_start3A_198 = tpu.memref_slice %arg7[%add3A_190, %dma_start3A_197] : memref<16x128xi32, #tpu.memory_space<vmem>> -> memref<1x128xi32, #tpu.memory_space<vmem>>
          %dma_start3A_199 = tpu.memref_squeeze %dma_start3A_198 : memref<1x128xi32, #tpu.memory_space<vmem>> -> memref<128xi32, #tpu.memory_space<vmem>>
          %dma_start3A_200 = arith.constant 0 : i32
          %dma_start3A_201 = arith.constant 0 : i32
          %dma_start3A_202 = tpu.memref_slice %arg2[%dma_start3A_200, %dma_start3A_201] : memref<10240x128xf32, #tpu.memory_space<hbm>> -> memref<10240x128xf32, #tpu.memory_space<hbm>>
          %dma_start3A_203 = tpu.memref_slice %arg11[%dma_start3A_192] : memref<2x!tpu.dma_semaphore, #tpu.memory_space<semaphore_mem>> -> memref<1x!tpu.dma_semaphore, #tpu.memory_space<semaphore_mem>>
          %dma_start3A_204 = tpu.memref_squeeze %dma_start3A_203 : memref<1x!tpu.dma_semaphore, #tpu.memory_space<semaphore_mem>> -> memref<!tpu.dma_semaphore, #tpu.memory_space<semaphore_mem>>
          tpu.enqueue_indirect_dma source(%dma_start3A_202 : memref<10240x128xf32, #tpu.memory_space<hbm>>) target(%dma_start3A_196 : memref<128x128xf32, #tpu.memory_space<vmem>>) offsets(%dma_start3A_199 : memref<128xi32, #tpu.memory_space<vmem>>) semaphore(%dma_start3A_204 : memref<!tpu.dma_semaphore, #tpu.memory_space<semaphore_mem>>)
        } else {
        }
        %mul3A_164 = arith.constant 2 : i32
        %mul3A_165 = arith.muli %scan3A_91, %mul3A_164 : i32
        %add3A_166 = arith.constant 1 : i32
        %add3A_167 = arith.addi %mul3A_165, %add3A_166 : i32
        %add3A_168 = arith.constant 2 : i32
        %add3A_169 = arith.addi %add3A_167, %add3A_168 : i32
        %lt3A_170 = arith.constant 16 : i32
        %lt3A_171 = arith.cmpi slt, %add3A_169, %lt3A_170 : i32
        %convert_element_type3A_172 = arith.extui %lt3A_171 : i1 to i32
        %cond3A_173 = arith.constant 0 : i32
        %cond3A_174 = arith.cmpi ne, %convert_element_type3A_172, %cond3A_173 : i32
        scf.if %cond3A_174 {
          %dma_wait3A_175 = arith.constant 1 : i32
          %dma_wait3A_176 = arith.constant 1 : i32
          %dma_wait3A_177 = arith.constant 0 : i32
          %dma_wait3A_178 = arith.constant 0 : i32
          %dma_wait3A_179 = tpu.memref_slice %arg9[%dma_wait3A_175, %dma_wait3A_177, %dma_wait3A_178] : memref<2x128x128xf32, #tpu.memory_space<vmem>> -> memref<1x128x128xf32, #tpu.memory_space<vmem>>
          %dma_wait3A_180 = tpu.memref_squeeze %dma_wait3A_179 : memref<1x128x128xf32, #tpu.memory_space<vmem>> -> memref<128x128xf32, #tpu.memory_space<vmem>>
          %dma_wait3A_181 = arith.constant 0 : i32
          %dma_wait3A_182 = tpu.memref_slice %arg8[%add3A_167, %dma_wait3A_181] : memref<16x128xi32, #tpu.memory_space<vmem>> -> memref<1x128xi32, #tpu.memory_space<vmem>>
          %dma_wait3A_183 = tpu.memref_squeeze %dma_wait3A_182 : memref<1x128xi32, #tpu.memory_space<vmem>> -> memref<128xi32, #tpu.memory_space<vmem>>
          %dma_wait3A_184 = arith.constant 0 : i32
          %dma_wait3A_185 = arith.constant 0 : i32
          %dma_wait3A_186 = tpu.memref_slice %arg10[%dma_wait3A_184, %dma_wait3A_185] : memref<10240x128xf32, #tpu.memory_space<vmem_shared>> -> memref<10240x128xf32, #tpu.memory_space<vmem_shared>>
          %dma_wait3A_187 = tpu.memref_slice %arg12[%dma_wait3A_176] : memref<2x!tpu.dma_semaphore, #tpu.memory_space<semaphore_mem>> -> memref<1x!tpu.dma_semaphore, #tpu.memory_space<semaphore_mem>>
          %dma_wait3A_188 = tpu.memref_squeeze %dma_wait3A_187 : memref<1x!tpu.dma_semaphore, #tpu.memory_space<semaphore_mem>> -> memref<!tpu.dma_semaphore, #tpu.memory_space<semaphore_mem>>
          tpu.wait_indirect_dma semaphore(%dma_wait3A_188 : memref<!tpu.dma_semaphore, #tpu.memory_space<semaphore_mem>>) src(%dma_wait3A_180 : memref<128x128xf32, #tpu.memory_space<vmem>>) dst(%dma_wait3A_186 : memref<10240x128xf32, #tpu.memory_space<vmem_shared>>)
          %add3A_189 = arith.constant 2 : i32
          %add3A_190 = arith.addi %add3A_167, %add3A_189 : i32
          %dma_start3A_191 = arith.constant 1 : i32
          %dma_start3A_192 = arith.constant 1 : i32
          %dma_start3A_193 = arith.constant 0 : i32
          %dma_start3A_194 = arith.constant 0 : i32
          %dma_start3A_195 = tpu.memref_slice %arg9[%dma_start3A_191, %dma_start3A_193, %dma_start3A_194] : memref<2x128x128xf32, #tpu.memory_space<vmem>> -> memref<1x128x128xf32, #tpu.memory_space<vmem>>
          %dma_start3A_196 = tpu.memref_squeeze %dma_start3A_195 : memref<1x128x128xf32, #tpu.memory_space<vmem>> -> memref<128x128xf32, #tpu.memory_space<vmem>>
          %dma_start3A_197 = arith.constant 0 : i32
          %dma_start3A_198 = tpu.memref_slice %arg7[%add3A_190, %dma_start3A_197] : memref<16x128xi32, #tpu.memory_space<vmem>> -> memref<1x128xi32, #tpu.memory_space<vmem>>
          %dma_start3A_199 = tpu.memref_squeeze %dma_start3A_198 : memref<1x128xi32, #tpu.memory_space<vmem>> -> memref<128xi32, #tpu.memory_space<vmem>>
          %dma_start3A_200 = arith.constant 0 : i32
          %dma_start3A_201 = arith.constant 0 : i32
          %dma_start3A_202 = tpu.memref_slice %arg2[%dma_start3A_200, %dma_start3A_201] : memref<10240x128xf32, #tpu.memory_space<hbm>> -> memref<10240x128xf32, #tpu.memory_space<hbm>>
          %dma_start3A_203 = tpu.memref_slice %arg11[%dma_start3A_192] : memref<2x!tpu.dma_semaphore, #tpu.memory_space<semaphore_mem>> -> memref<1x!tpu.dma_semaphore, #tpu.memory_space<semaphore_mem>>
          %dma_start3A_204 = tpu.memref_squeeze %dma_start3A_203 : memref<1x!tpu.dma_semaphore, #tpu.memory_space<semaphore_mem>> -> memref<!tpu.dma_semaphore, #tpu.memory_space<semaphore_mem>>
          tpu.enqueue_indirect_dma source(%dma_start3A_202 : memref<10240x128xf32, #tpu.memory_space<hbm>>) target(%dma_start3A_196 : memref<128x128xf32, #tpu.memory_space<vmem>>) offsets(%dma_start3A_199 : memref<128xi32, #tpu.memory_space<vmem>>) semaphore(%dma_start3A_204 : memref<!tpu.dma_semaphore, #tpu.memory_space<semaphore_mem>>)
        } else {
        }
      }
      %scan3A_61 = arith.constant 8 : i32
      %dma_wait3A = arith.constant 0 : i32
      %dma_wait3A_62 = arith.constant 0 : i32
      %dma_wait3A_63 = arith.constant 0 : i32
      %dma_wait3A_64 = arith.constant 0 : i32
      %dma_wait3A_65 = arith.constant 0 : i32
      %dma_wait3A_66 = tpu.memref_slice %arg9[%dma_wait3A, %dma_wait3A_64, %dma_wait3A_65] : memref<2x128x128xf32, #tpu.memory_space<vmem>> -> memref<1x128x128xf32, #tpu.memory_space<vmem>>
      %dma_wait3A_67 = tpu.memref_squeeze %dma_wait3A_66 : memref<1x128x128xf32, #tpu.memory_space<vmem>> -> memref<128x128xf32, #tpu.memory_space<vmem>>
      %dma_wait3A_68 = arith.constant 0 : i32
      %dma_wait3A_69 = tpu.memref_slice %arg8[%dma_wait3A_62, %dma_wait3A_68] : memref<16x128xi32, #tpu.memory_space<vmem>> -> memref<1x128xi32, #tpu.memory_space<vmem>>
      %dma_wait3A_70 = tpu.memref_squeeze %dma_wait3A_69 : memref<1x128xi32, #tpu.memory_space<vmem>> -> memref<128xi32, #tpu.memory_space<vmem>>
      %dma_wait3A_71 = arith.constant 0 : i32
      %dma_wait3A_72 = arith.constant 0 : i32
      %dma_wait3A_73 = tpu.memref_slice %arg10[%dma_wait3A_71, %dma_wait3A_72] : memref<10240x128xf32, #tpu.memory_space<vmem_shared>> -> memref<10240x128xf32, #tpu.memory_space<vmem_shared>>
      %dma_wait3A_74 = tpu.memref_slice %arg12[%dma_wait3A_63] : memref<2x!tpu.dma_semaphore, #tpu.memory_space<semaphore_mem>> -> memref<1x!tpu.dma_semaphore, #tpu.memory_space<semaphore_mem>>
      %dma_wait3A_75 = tpu.memref_squeeze %dma_wait3A_74 : memref<1x!tpu.dma_semaphore, #tpu.memory_space<semaphore_mem>> -> memref<!tpu.dma_semaphore, #tpu.memory_space<semaphore_mem>>
      tpu.wait_indirect_dma semaphore(%dma_wait3A_75 : memref<!tpu.dma_semaphore, #tpu.memory_space<semaphore_mem>>) src(%dma_wait3A_67 : memref<128x128xf32, #tpu.memory_space<vmem>>) dst(%dma_wait3A_73 : memref<10240x128xf32, #tpu.memory_space<vmem_shared>>)
      %dma_wait3A_76 = arith.constant 1 : i32
      %dma_wait3A_77 = arith.constant 1 : i32
      %dma_wait3A_78 = arith.constant 1 : i32
      %dma_wait3A_79 = arith.constant 0 : i32
      %dma_wait3A_80 = arith.constant 0 : i32
      %dma_wait3A_81 = tpu.memref_slice %arg9[%dma_wait3A_76, %dma_wait3A_79, %dma_wait3A_80] : memref<2x128x128xf32, #tpu.memory_space<vmem>> -> memref<1x128x128xf32, #tpu.memory_space<vmem>>
      %dma_wait3A_82 = tpu.memref_squeeze %dma_wait3A_81 : memref<1x128x128xf32, #tpu.memory_space<vmem>> -> memref<128x128xf32, #tpu.memory_space<vmem>>
      %dma_wait3A_83 = arith.constant 0 : i32
      %dma_wait3A_84 = tpu.memref_slice %arg8[%dma_wait3A_77, %dma_wait3A_83] : memref<16x128xi32, #tpu.memory_space<vmem>> -> memref<1x128xi32, #tpu.memory_space<vmem>>
      %dma_wait3A_85 = tpu.memref_squeeze %dma_wait3A_84 : memref<1x128xi32, #tpu.memory_space<vmem>> -> memref<128xi32, #tpu.memory_space<vmem>>
      %dma_wait3A_86 = arith.constant 0 : i32
      %dma_wait3A_87 = arith.constant 0 : i32
      %dma_wait3A_88 = tpu.memref_slice %arg10[%dma_wait3A_86, %dma_wait3A_87] : memref<10240x128xf32, #tpu.memory_space<vmem_shared>> -> memref<10240x128xf32, #tpu.memory_space<vmem_shared>>
      %dma_wait3A_89 = tpu.memref_slice %arg12[%dma_wait3A_78] : memref<2x!tpu.dma_semaphore, #tpu.memory_space<semaphore_mem>> -> memref<1x!tpu.dma_semaphore, #tpu.memory_space<semaphore_mem>>
      %dma_wait3A_90 = tpu.memref_squeeze %dma_wait3A_89 : memref<1x!tpu.dma_semaphore, #tpu.memory_space<semaphore_mem>> -> memref<!tpu.dma_semaphore, #tpu.memory_space<semaphore_mem>>
      tpu.wait_indirect_dma semaphore(%dma_wait3A_90 : memref<!tpu.dma_semaphore, #tpu.memory_space<semaphore_mem>>) src(%dma_wait3A_82 : memref<128x128xf32, #tpu.memory_space<vmem>>) dst(%dma_wait3A_88 : memref<10240x128xf32, #tpu.memory_space<vmem_shared>>)
    }
    %scan3A_11 = arith.constant 5 : i32
    %barrier3A_12 = arith.constant 0 : index
    tpu.barrier barrier_id(%barrier3A_12)
    %mul3A_13 = arith.constant 640 : i32
    %mul3A_14 = arith.muli %arg1, %mul3A_13 : i32
    %mul3A_15 = arith.constant 10240 : i32
    %mul3A_16 = arith.muli %arg0, %mul3A_15 : i32
    %mul3A_17 = arith.constant 640 : i32
    %mul3A_18 = arith.muli %arg1, %mul3A_17 : i32
    %add3A_19 = arith.addi %mul3A_16, %mul3A_18 : i32
    "tpu.region"() ({
      %run_scoped3A = tpu.sem_alloc : memref<!tpu.dma_semaphore, #tpu.memory_space<semaphore_mem>>
      %dma_start3A = arith.constant 0 : i32
      %dma_start3A_20 = tpu.memref_slice %arg6[%add3A_19, %dma_start3A] : memref<20480x128xf32, #tpu.memory_space<hbm>> -> memref<640x128xf32, #tpu.memory_space<hbm>>
      %dma_start3A_21 = arith.constant 0 : i32
      %dma_start3A_22 = tpu.memref_slice %arg10[%mul3A_14, %dma_start3A_21] : memref<10240x128xf32, #tpu.memory_space<vmem_shared>> -> memref<640x128xf32, #tpu.memory_space<vmem_shared>>
      tpu.enqueue_dma source(%dma_start3A_22 : memref<640x128xf32, #tpu.memory_space<vmem_shared>>) target(%dma_start3A_20 : memref<640x128xf32, #tpu.memory_space<hbm>>) target_semaphore(%run_scoped3A : memref<!tpu.dma_semaphore, #tpu.memory_space<semaphore_mem>>)
      %dma_wait3A = arith.constant 0 : i32
      %dma_wait3A_23 = tpu.memref_slice %arg6[%add3A_19, %dma_wait3A] : memref<20480x128xf32, #tpu.memory_space<hbm>> -> memref<640x128xf32, #tpu.memory_space<hbm>>
      %dma_wait3A_24 = arith.constant 0 : i32
      %dma_wait3A_25 = tpu.memref_slice %arg10[%mul3A_14, %dma_wait3A_24] : memref<10240x128xf32, #tpu.memory_space<vmem_shared>> -> memref<640x128xf32, #tpu.memory_space<vmem_shared>>
      tpu.wait_dma2 semaphore(%run_scoped3A : memref<!tpu.dma_semaphore, #tpu.memory_space<semaphore_mem>>) src(%dma_wait3A_25 : memref<640x128xf32, #tpu.memory_space<vmem_shared>>) dst(%dma_wait3A_23 : memref<640x128xf32, #tpu.memory_space<hbm>>)
      tpu.yield
    }) : () -> ()
    return
  }
}

#map = affine_map<(d0, d1) -> (0, 0)>
module attributes {stable_mosaic.version = 14 : i64} {
  func.func @degk(%arg0: i32, %arg1: i32, %arg2: memref<2560x128xi32, #tpu.memory_space<hbm>>, %arg3: memref<20480x128xf32, #tpu.memory_space<hbm>>, %arg4: memref<80x128xi32, #tpu.memory_space<vmem>>, %arg5: memref<128x128xf32, #tpu.memory_space<vmem>>, %arg6: memref<64x128xf32, #tpu.memory_space<vmem>>, %arg7: memref<10240x128xf32, #tpu.memory_space<vmem_shared>>, %arg8: memref<!tpu.dma_semaphore, #tpu.memory_space<semaphore_mem>>) attributes {dimension_semantics = [#tpu.dimension_semantics<core_parallel>, #tpu.dimension_semantics<subcore_parallel>], iteration_bounds = array<i64: 2, 16>, scalar_prefetch = 0 : i64, scratch_operands = 5 : i64, tpu.core_type = #tpu.core_type<sc_vector_subcore>, window_params = [{transform_indices = #map}, {transform_indices = #map}]} {
    %mul3A = arith.constant 16 : i32
    %mul3A_0 = arith.muli %arg0, %mul3A : i32
    %add3A = arith.addi %mul3A_0, %arg1 : i32
    %mul3A_1 = arith.constant 80 : i32
    %mul3A_2 = arith.muli %add3A, %mul3A_1 : i32
    "tpu.region"() ({
      %run_scoped3A = tpu.sem_alloc : memref<!tpu.dma_semaphore, #tpu.memory_space<semaphore_mem>>
      %dma_start3A = arith.constant 0 : i32
      %dma_start3A_71 = tpu.memref_slice %arg2[%mul3A_2, %dma_start3A] : memref<2560x128xi32, #tpu.memory_space<hbm>> -> memref<80x128xi32, #tpu.memory_space<hbm>>
      %dma_start3A_72 = arith.constant 0 : i32
      %dma_start3A_73 = tpu.memref_slice %arg2[%mul3A_2, %dma_start3A_72] : memref<2560x128xi32, #tpu.memory_space<hbm>> -> memref<80x128xi32, #tpu.memory_space<hbm>>
      tpu.enqueue_dma source(%dma_start3A_73 : memref<80x128xi32, #tpu.memory_space<hbm>>) target(%arg4 : memref<80x128xi32, #tpu.memory_space<vmem>>) target_semaphore(%run_scoped3A : memref<!tpu.dma_semaphore, #tpu.memory_space<semaphore_mem>>)
      %dma_wait3A = arith.constant 0 : i32
      %dma_wait3A_74 = tpu.memref_slice %arg2[%mul3A_2, %dma_wait3A] : memref<2560x128xi32, #tpu.memory_space<hbm>> -> memref<80x128xi32, #tpu.memory_space<hbm>>
      %dma_wait3A_75 = arith.constant 0 : i32
      %dma_wait3A_76 = tpu.memref_slice %arg2[%mul3A_2, %dma_wait3A_75] : memref<2560x128xi32, #tpu.memory_space<hbm>> -> memref<80x128xi32, #tpu.memory_space<hbm>>
      tpu.wait_dma2 semaphore(%run_scoped3A : memref<!tpu.dma_semaphore, #tpu.memory_space<semaphore_mem>>) src(%dma_wait3A_76 : memref<80x128xi32, #tpu.memory_space<hbm>>) dst(%arg4 : memref<80x128xi32, #tpu.memory_space<vmem>>)
      tpu.yield
    }) : () -> ()
    %broadcast_in_dim3A = arith.constant 1.000000e+00 : f32
    %broadcast_in_dim3A_3 = vector.broadcast %broadcast_in_dim3A : f32 to vector<16xf32>
    %scan3A = arith.constant 0 : i32
    %scan3A_4 = arith.constant 0 : i32
    %scan3A_5 = arith.constant 1024 : i32
    %scan3A_6 = arith.addi %scan3A_4, %scan3A_5 : i32
    %scan3A_7 = arith.constant 1 : i32
    scf.for %scan3A_71 = %scan3A_4 to %scan3A_6 step %scan3A_7  : i32 {
      %jit3A = arith.constant 8 : i32
      %div3A = arith.divsi %scan3A_71, %jit3A : i32
      %sign3A = arith.constant 0 : i32
      %sign3A_72 = arith.cmpi sgt, %scan3A_71, %sign3A : i32
      %sign3A_73 = arith.extui %sign3A_72 : i1 to i32
      %sign3A_74 = arith.constant 0 : i32
      %sign3A_75 = arith.cmpi slt, %scan3A_71, %sign3A_74 : i32
      %sign3A_76 = arith.extui %sign3A_75 : i1 to i32
      %sign3A_77 = arith.subi %sign3A_73, %sign3A_76 : i32
      %sign3A_78 = arith.constant 0 : i32
      %sign3A_79 = arith.cmpi sgt, %jit3A, %sign3A_78 : i32
      %sign3A_80 = arith.extui %sign3A_79 : i1 to i32
      %sign3A_81 = arith.constant 0 : i32
      %sign3A_82 = arith.cmpi slt, %jit3A, %sign3A_81 : i32
      %sign3A_83 = arith.extui %sign3A_82 : i1 to i32
      %sign3A_84 = arith.subi %sign3A_80, %sign3A_83 : i32
      %ne3A = arith.cmpi ne, %sign3A_77, %sign3A_84 : i32
      %rem3A = arith.remsi %scan3A_71, %jit3A : i32
      %ne3A_85 = arith.constant 0 : i32
      %ne3A_86 = arith.cmpi ne, %rem3A, %ne3A_85 : i32
      %and3A = arith.andi %ne3A, %ne3A_86 : i1
      %sub3A = arith.constant 1 : i32
      %sub3A_87 = arith.subi %div3A, %sub3A : i32
      %select_n3A = arith.select %and3A, %sub3A_87, %div3A : i32
      %jit3A_88 = arith.constant 8 : i32
      %eq3A = arith.constant 0 : i32
      %eq3A_89 = arith.cmpi eq, %jit3A_88, %eq3A : i32
      %jit3A_90 = arith.constant 1 : i32
      %select_n3A_91 = arith.select %eq3A_89, %jit3A_90, %jit3A_88 : i32
      %rem3A_92 = arith.remsi %scan3A_71, %select_n3A_91 : i32
      %ne3A_93 = arith.constant 0 : i32
      %ne3A_94 = arith.cmpi ne, %rem3A_92, %ne3A_93 : i32
      %lt3A = arith.constant 0 : i32
      %lt3A_95 = arith.cmpi slt, %rem3A_92, %lt3A : i32
      %lt3A_96 = arith.constant 0 : i32
      %lt3A_97 = arith.cmpi slt, %select_n3A_91, %lt3A_96 : i32
      %ne3A_98 = arith.xori %lt3A_95, %lt3A_97 : i1
      %and3A_99 = arith.andi %ne3A_98, %ne3A_94 : i1
      %add3A_100 = arith.addi %rem3A_92, %select_n3A_91 : i32
      %select_n3A_101 = arith.select %and3A_99, %add3A_100, %rem3A_92 : i32
      %mul3A_102 = arith.constant 16 : i32
      %mul3A_103 = arith.muli %select_n3A_101, %mul3A_102 : i32
      %swap3A = arith.index_cast %select_n3A : i32 to index
      %swap3A_104 = arith.index_cast %mul3A_103 : i32 to index
      %swap3A_105 = tpu.vector_load %arg5[%swap3A, %swap3A_104] {strides = array<i32>} : memref<128x128xf32, #tpu.memory_space<vmem>>, vector<1x16xf32>,
      %swap3A_106 = vector.shape_cast %swap3A_105 : vector<1x16xf32> to vector<16xf32>
      %swap3A_107 = vector.shape_cast %broadcast_in_dim3A_3 : vector<16xf32> to vector<1x16xf32>
      tpu.vector_store %arg5[%swap3A, %swap3A_104], %swap3A_107 {strides = array<i32>} : memref<128x128xf32, #tpu.memory_space<vmem>>, vector<1x16xf32>,
    }
    %scan3A_8 = arith.constant 1024 : i32
    %broadcast_in_dim3A_9 = arith.constant 0.000000e+00 : f32
    %broadcast_in_dim3A_10 = vector.broadcast %broadcast_in_dim3A_9 : f32 to vector<16xf32>
    %scan3A_11 = arith.constant 0 : i32
    %scan3A_12 = arith.constant 0 : i32
    %scan3A_13 = arith.constant 512 : i32
    %scan3A_14 = arith.addi %scan3A_12, %scan3A_13 : i32
    %scan3A_15 = arith.constant 1 : i32
    scf.for %scan3A_71 = %scan3A_12 to %scan3A_14 step %scan3A_15  : i32 {
      %jit3A = arith.constant 8 : i32
      %div3A = arith.divsi %scan3A_71, %jit3A : i32
      %sign3A = arith.constant 0 : i32
      %sign3A_72 = arith.cmpi sgt, %scan3A_71, %sign3A : i32
      %sign3A_73 = arith.extui %sign3A_72 : i1 to i32
      %sign3A_74 = arith.constant 0 : i32
      %sign3A_75 = arith.cmpi slt, %scan3A_71, %sign3A_74 : i32
      %sign3A_76 = arith.extui %sign3A_75 : i1 to i32
      %sign3A_77 = arith.subi %sign3A_73, %sign3A_76 : i32
      %sign3A_78 = arith.constant 0 : i32
      %sign3A_79 = arith.cmpi sgt, %jit3A, %sign3A_78 : i32
      %sign3A_80 = arith.extui %sign3A_79 : i1 to i32
      %sign3A_81 = arith.constant 0 : i32
      %sign3A_82 = arith.cmpi slt, %jit3A, %sign3A_81 : i32
      %sign3A_83 = arith.extui %sign3A_82 : i1 to i32
      %sign3A_84 = arith.subi %sign3A_80, %sign3A_83 : i32
      %ne3A = arith.cmpi ne, %sign3A_77, %sign3A_84 : i32
      %rem3A = arith.remsi %scan3A_71, %jit3A : i32
      %ne3A_85 = arith.constant 0 : i32
      %ne3A_86 = arith.cmpi ne, %rem3A, %ne3A_85 : i32
      %and3A = arith.andi %ne3A, %ne3A_86 : i1
      %sub3A = arith.constant 1 : i32
      %sub3A_87 = arith.subi %div3A, %sub3A : i32
      %select_n3A = arith.select %and3A, %sub3A_87, %div3A : i32
      %jit3A_88 = arith.constant 8 : i32
      %eq3A = arith.constant 0 : i32
      %eq3A_89 = arith.cmpi eq, %jit3A_88, %eq3A : i32
      %jit3A_90 = arith.constant 1 : i32
      %select_n3A_91 = arith.select %eq3A_89, %jit3A_90, %jit3A_88 : i32
      %rem3A_92 = arith.remsi %scan3A_71, %select_n3A_91 : i32
      %ne3A_93 = arith.constant 0 : i32
      %ne3A_94 = arith.cmpi ne, %rem3A_92, %ne3A_93 : i32
      %lt3A = arith.constant 0 : i32
      %lt3A_95 = arith.cmpi slt, %rem3A_92, %lt3A : i32
      %lt3A_96 = arith.constant 0 : i32
      %lt3A_97 = arith.cmpi slt, %select_n3A_91, %lt3A_96 : i32
      %ne3A_98 = arith.xori %lt3A_95, %lt3A_97 : i1
      %and3A_99 = arith.andi %ne3A_98, %ne3A_94 : i1
      %add3A_100 = arith.addi %rem3A_92, %select_n3A_91 : i32
      %select_n3A_101 = arith.select %and3A_99, %add3A_100, %rem3A_92 : i32
      %mul3A_102 = arith.constant 16 : i32
      %mul3A_103 = arith.muli %select_n3A_101, %mul3A_102 : i32
      %swap3A = arith.index_cast %select_n3A : i32 to index
      %swap3A_104 = arith.index_cast %mul3A_103 : i32 to index
      %swap3A_105 = tpu.vector_load %arg6[%swap3A, %swap3A_104] {strides = array<i32>} : memref<64x128xf32, #tpu.memory_space<vmem>>, vector<1x16xf32>,
      %swap3A_106 = vector.shape_cast %swap3A_105 : vector<1x16xf32> to vector<16xf32>
      %swap3A_107 = vector.shape_cast %broadcast_in_dim3A_10 : vector<16xf32> to vector<1x16xf32>
      tpu.vector_store %arg6[%swap3A, %swap3A_104], %swap3A_107 {strides = array<i32>} : memref<64x128xf32, #tpu.memory_space<vmem>>, vector<1x16xf32>,
    }
    %scan3A_16 = arith.constant 512 : i32
    %mul3A_17 = arith.constant 640 : i32
    %mul3A_18 = arith.muli %arg1, %mul3A_17 : i32
    %add3A_19 = arith.constant 0 : i32
    %add3A_20 = arith.addi %mul3A_18, %add3A_19 : i32
    "tpu.region"() ({
      %run_scoped3A = tpu.sem_alloc : memref<!tpu.dma_semaphore, #tpu.memory_space<semaphore_mem>>
      %dma_start3A = arith.constant 0 : i32
      %dma_start3A_71 = tpu.memref_slice %arg7[%add3A_20, %dma_start3A] : memref<10240x128xf32, #tpu.memory_space<vmem_shared>> -> memref<64x128xf32, #tpu.memory_space<vmem_shared>>
      %dma_start3A_72 = arith.constant 0 : i32
      %dma_start3A_73 = tpu.memref_slice %arg7[%add3A_20, %dma_start3A_72] : memref<10240x128xf32, #tpu.memory_space<vmem_shared>> -> memref<64x128xf32, #tpu.memory_space<vmem_shared>>
      tpu.enqueue_dma source(%arg6 : memref<64x128xf32, #tpu.memory_space<vmem>>) target(%dma_start3A_73 : memref<64x128xf32, #tpu.memory_space<vmem_shared>>) target_semaphore(%run_scoped3A : memref<!tpu.dma_semaphore, #tpu.memory_space<semaphore_mem>>)
      %dma_wait3A = arith.constant 0 : i32
      %dma_wait3A_74 = tpu.memref_slice %arg7[%add3A_20, %dma_wait3A] : memref<10240x128xf32, #tpu.memory_space<vmem_shared>> -> memref<64x128xf32, #tpu.memory_space<vmem_shared>>
      %dma_wait3A_75 = arith.constant 0 : i32
      %dma_wait3A_76 = tpu.memref_slice %arg7[%add3A_20, %dma_wait3A_75] : memref<10240x128xf32, #tpu.memory_space<vmem_shared>> -> memref<64x128xf32, #tpu.memory_space<vmem_shared>>
      tpu.wait_dma2 semaphore(%run_scoped3A : memref<!tpu.dma_semaphore, #tpu.memory_space<semaphore_mem>>) src(%arg6 : memref<64x128xf32, #tpu.memory_space<vmem>>) dst(%dma_wait3A_76 : memref<64x128xf32, #tpu.memory_space<vmem_shared>>)
      tpu.yield
    }) : () -> ()
    %mul3A_21 = arith.constant 640 : i32
    %mul3A_22 = arith.muli %arg1, %mul3A_21 : i32
    %add3A_23 = arith.constant 64 : i32
    %add3A_24 = arith.addi %mul3A_22, %add3A_23 : i32
    "tpu.region"() ({
      %run_scoped3A = tpu.sem_alloc : memref<!tpu.dma_semaphore, #tpu.memory_space<semaphore_mem>>
      %dma_start3A = arith.constant 0 : i32
      %dma_start3A_71 = tpu.memref_slice %arg7[%add3A_24, %dma_start3A] : memref<10240x128xf32, #tpu.memory_space<vmem_shared>> -> memref<64x128xf32, #tpu.memory_space<vmem_shared>>
      %dma_start3A_72 = arith.constant 0 : i32
      %dma_start3A_73 = tpu.memref_slice %arg7[%add3A_24, %dma_start3A_72] : memref<10240x128xf32, #tpu.memory_space<vmem_shared>> -> memref<64x128xf32, #tpu.memory_space<vmem_shared>>
      tpu.enqueue_dma source(%arg6 : memref<64x128xf32, #tpu.memory_space<vmem>>) target(%dma_start3A_73 : memref<64x128xf32, #tpu.memory_space<vmem_shared>>) target_semaphore(%run_scoped3A : memref<!tpu.dma_semaphore, #tpu.memory_space<semaphore_mem>>)
      %dma_wait3A = arith.constant 0 : i32
      %dma_wait3A_74 = tpu.memref_slice %arg7[%add3A_24, %dma_wait3A] : memref<10240x128xf32, #tpu.memory_space<vmem_shared>> -> memref<64x128xf32, #tpu.memory_space<vmem_shared>>
      %dma_wait3A_75 = arith.constant 0 : i32
      %dma_wait3A_76 = tpu.memref_slice %arg7[%add3A_24, %dma_wait3A_75] : memref<10240x128xf32, #tpu.memory_space<vmem_shared>> -> memref<64x128xf32, #tpu.memory_space<vmem_shared>>
      tpu.wait_dma2 semaphore(%run_scoped3A : memref<!tpu.dma_semaphore, #tpu.memory_space<semaphore_mem>>) src(%arg6 : memref<64x128xf32, #tpu.memory_space<vmem>>) dst(%dma_wait3A_76 : memref<64x128xf32, #tpu.memory_space<vmem_shared>>)
      tpu.yield
    }) : () -> ()
    %mul3A_25 = arith.constant 640 : i32
    %mul3A_26 = arith.muli %arg1, %mul3A_25 : i32
    %add3A_27 = arith.constant 128 : i32
    %add3A_28 = arith.addi %mul3A_26, %add3A_27 : i32
    "tpu.region"() ({
      %run_scoped3A = tpu.sem_alloc : memref<!tpu.dma_semaphore, #tpu.memory_space<semaphore_mem>>
      %dma_start3A = arith.constant 0 : i32
      %dma_start3A_71 = tpu.memref_slice %arg7[%add3A_28, %dma_start3A] : memref<10240x128xf32, #tpu.memory_space<vmem_shared>> -> memref<64x128xf32, #tpu.memory_space<vmem_shared>>
      %dma_start3A_72 = arith.constant 0 : i32
      %dma_start3A_73 = tpu.memref_slice %arg7[%add3A_28, %dma_start3A_72] : memref<10240x128xf32, #tpu.memory_space<vmem_shared>> -> memref<64x128xf32, #tpu.memory_space<vmem_shared>>
      tpu.enqueue_dma source(%arg6 : memref<64x128xf32, #tpu.memory_space<vmem>>) target(%dma_start3A_73 : memref<64x128xf32, #tpu.memory_space<vmem_shared>>) target_semaphore(%run_scoped3A : memref<!tpu.dma_semaphore, #tpu.memory_space<semaphore_mem>>)
      %dma_wait3A = arith.constant 0 : i32
      %dma_wait3A_74 = tpu.memref_slice %arg7[%add3A_28, %dma_wait3A] : memref<10240x128xf32, #tpu.memory_space<vmem_shared>> -> memref<64x128xf32, #tpu.memory_space<vmem_shared>>
      %dma_wait3A_75 = arith.constant 0 : i32
      %dma_wait3A_76 = tpu.memref_slice %arg7[%add3A_28, %dma_wait3A_75] : memref<10240x128xf32, #tpu.memory_space<vmem_shared>> -> memref<64x128xf32, #tpu.memory_space<vmem_shared>>
      tpu.wait_dma2 semaphore(%run_scoped3A : memref<!tpu.dma_semaphore, #tpu.memory_space<semaphore_mem>>) src(%arg6 : memref<64x128xf32, #tpu.memory_space<vmem>>) dst(%dma_wait3A_76 : memref<64x128xf32, #tpu.memory_space<vmem_shared>>)
      tpu.yield
    }) : () -> ()
    %mul3A_29 = arith.constant 640 : i32
    %mul3A_30 = arith.muli %arg1, %mul3A_29 : i32
    %add3A_31 = arith.constant 192 : i32
    %add3A_32 = arith.addi %mul3A_30, %add3A_31 : i32
    "tpu.region"() ({
      %run_scoped3A = tpu.sem_alloc : memref<!tpu.dma_semaphore, #tpu.memory_space<semaphore_mem>>
      %dma_start3A = arith.constant 0 : i32
      %dma_start3A_71 = tpu.memref_slice %arg7[%add3A_32, %dma_start3A] : memref<10240x128xf32, #tpu.memory_space<vmem_shared>> -> memref<64x128xf32, #tpu.memory_space<vmem_shared>>
      %dma_start3A_72 = arith.constant 0 : i32
      %dma_start3A_73 = tpu.memref_slice %arg7[%add3A_32, %dma_start3A_72] : memref<10240x128xf32, #tpu.memory_space<vmem_shared>> -> memref<64x128xf32, #tpu.memory_space<vmem_shared>>
      tpu.enqueue_dma source(%arg6 : memref<64x128xf32, #tpu.memory_space<vmem>>) target(%dma_start3A_73 : memref<64x128xf32, #tpu.memory_space<vmem_shared>>) target_semaphore(%run_scoped3A : memref<!tpu.dma_semaphore, #tpu.memory_space<semaphore_mem>>)
      %dma_wait3A = arith.constant 0 : i32
      %dma_wait3A_74 = tpu.memref_slice %arg7[%add3A_32, %dma_wait3A] : memref<10240x128xf32, #tpu.memory_space<vmem_shared>> -> memref<64x128xf32, #tpu.memory_space<vmem_shared>>
      %dma_wait3A_75 = arith.constant 0 : i32
      %dma_wait3A_76 = tpu.memref_slice %arg7[%add3A_32, %dma_wait3A_75] : memref<10240x128xf32, #tpu.memory_space<vmem_shared>> -> memref<64x128xf32, #tpu.memory_space<vmem_shared>>
      tpu.wait_dma2 semaphore(%run_scoped3A : memref<!tpu.dma_semaphore, #tpu.memory_space<semaphore_mem>>) src(%arg6 : memref<64x128xf32, #tpu.memory_space<vmem>>) dst(%dma_wait3A_76 : memref<64x128xf32, #tpu.memory_space<vmem_shared>>)
      tpu.yield
    }) : () -> ()
    %mul3A_33 = arith.constant 640 : i32
    %mul3A_34 = arith.muli %arg1, %mul3A_33 : i32
    %add3A_35 = arith.constant 256 : i32
    %add3A_36 = arith.addi %mul3A_34, %add3A_35 : i32
    "tpu.region"() ({
      %run_scoped3A = tpu.sem_alloc : memref<!tpu.dma_semaphore, #tpu.memory_space<semaphore_mem>>
      %dma_start3A = arith.constant 0 : i32
      %dma_start3A_71 = tpu.memref_slice %arg7[%add3A_36, %dma_start3A] : memref<10240x128xf32, #tpu.memory_space<vmem_shared>> -> memref<64x128xf32, #tpu.memory_space<vmem_shared>>
      %dma_start3A_72 = arith.constant 0 : i32
      %dma_start3A_73 = tpu.memref_slice %arg7[%add3A_36, %dma_start3A_72] : memref<10240x128xf32, #tpu.memory_space<vmem_shared>> -> memref<64x128xf32, #tpu.memory_space<vmem_shared>>
      tpu.enqueue_dma source(%arg6 : memref<64x128xf32, #tpu.memory_space<vmem>>) target(%dma_start3A_73 : memref<64x128xf32, #tpu.memory_space<vmem_shared>>) target_semaphore(%run_scoped3A : memref<!tpu.dma_semaphore, #tpu.memory_space<semaphore_mem>>)
      %dma_wait3A = arith.constant 0 : i32
      %dma_wait3A_74 = tpu.memref_slice %arg7[%add3A_36, %dma_wait3A] : memref<10240x128xf32, #tpu.memory_space<vmem_shared>> -> memref<64x128xf32, #tpu.memory_space<vmem_shared>>
      %dma_wait3A_75 = arith.constant 0 : i32
      %dma_wait3A_76 = tpu.memref_slice %arg7[%add3A_36, %dma_wait3A_75] : memref<10240x128xf32, #tpu.memory_space<vmem_shared>> -> memref<64x128xf32, #tpu.memory_space<vmem_shared>>
      tpu.wait_dma2 semaphore(%run_scoped3A : memref<!tpu.dma_semaphore, #tpu.memory_space<semaphore_mem>>) src(%arg6 : memref<64x128xf32, #tpu.memory_space<vmem>>) dst(%dma_wait3A_76 : memref<64x128xf32, #tpu.memory_space<vmem_shared>>)
      tpu.yield
    }) : () -> ()
    %mul3A_37 = arith.constant 640 : i32
    %mul3A_38 = arith.muli %arg1, %mul3A_37 : i32
    %add3A_39 = arith.constant 320 : i32
    %add3A_40 = arith.addi %mul3A_38, %add3A_39 : i32
    "tpu.region"() ({
      %run_scoped3A = tpu.sem_alloc : memref<!tpu.dma_semaphore, #tpu.memory_space<semaphore_mem>>
      %dma_start3A = arith.constant 0 : i32
      %dma_start3A_71 = tpu.memref_slice %arg7[%add3A_40, %dma_start3A] : memref<10240x128xf32, #tpu.memory_space<vmem_shared>> -> memref<64x128xf32, #tpu.memory_space<vmem_shared>>
      %dma_start3A_72 = arith.constant 0 : i32
      %dma_start3A_73 = tpu.memref_slice %arg7[%add3A_40, %dma_start3A_72] : memref<10240x128xf32, #tpu.memory_space<vmem_shared>> -> memref<64x128xf32, #tpu.memory_space<vmem_shared>>
      tpu.enqueue_dma source(%arg6 : memref<64x128xf32, #tpu.memory_space<vmem>>) target(%dma_start3A_73 : memref<64x128xf32, #tpu.memory_space<vmem_shared>>) target_semaphore(%run_scoped3A : memref<!tpu.dma_semaphore, #tpu.memory_space<semaphore_mem>>)
      %dma_wait3A = arith.constant 0 : i32
      %dma_wait3A_74 = tpu.memref_slice %arg7[%add3A_40, %dma_wait3A] : memref<10240x128xf32, #tpu.memory_space<vmem_shared>> -> memref<64x128xf32, #tpu.memory_space<vmem_shared>>
      %dma_wait3A_75 = arith.constant 0 : i32
      %dma_wait3A_76 = tpu.memref_slice %arg7[%add3A_40, %dma_wait3A_75] : memref<10240x128xf32, #tpu.memory_space<vmem_shared>> -> memref<64x128xf32, #tpu.memory_space<vmem_shared>>
      tpu.wait_dma2 semaphore(%run_scoped3A : memref<!tpu.dma_semaphore, #tpu.memory_space<semaphore_mem>>) src(%arg6 : memref<64x128xf32, #tpu.memory_space<vmem>>) dst(%dma_wait3A_76 : memref<64x128xf32, #tpu.memory_space<vmem_shared>>)
      tpu.yield
    }) : () -> ()
    %mul3A_41 = arith.constant 640 : i32
    %mul3A_42 = arith.muli %arg1, %mul3A_41 : i32
    %add3A_43 = arith.constant 384 : i32
    %add3A_44 = arith.addi %mul3A_42, %add3A_43 : i32
    "tpu.region"() ({
      %run_scoped3A = tpu.sem_alloc : memref<!tpu.dma_semaphore, #tpu.memory_space<semaphore_mem>>
      %dma_start3A = arith.constant 0 : i32
      %dma_start3A_71 = tpu.memref_slice %arg7[%add3A_44, %dma_start3A] : memref<10240x128xf32, #tpu.memory_space<vmem_shared>> -> memref<64x128xf32, #tpu.memory_space<vmem_shared>>
      %dma_start3A_72 = arith.constant 0 : i32
      %dma_start3A_73 = tpu.memref_slice %arg7[%add3A_44, %dma_start3A_72] : memref<10240x128xf32, #tpu.memory_space<vmem_shared>> -> memref<64x128xf32, #tpu.memory_space<vmem_shared>>
      tpu.enqueue_dma source(%arg6 : memref<64x128xf32, #tpu.memory_space<vmem>>) target(%dma_start3A_73 : memref<64x128xf32, #tpu.memory_space<vmem_shared>>) target_semaphore(%run_scoped3A : memref<!tpu.dma_semaphore, #tpu.memory_space<semaphore_mem>>)
      %dma_wait3A = arith.constant 0 : i32
      %dma_wait3A_74 = tpu.memref_slice %arg7[%add3A_44, %dma_wait3A] : memref<10240x128xf32, #tpu.memory_space<vmem_shared>> -> memref<64x128xf32, #tpu.memory_space<vmem_shared>>
      %dma_wait3A_75 = arith.constant 0 : i32
      %dma_wait3A_76 = tpu.memref_slice %arg7[%add3A_44, %dma_wait3A_75] : memref<10240x128xf32, #tpu.memory_space<vmem_shared>> -> memref<64x128xf32, #tpu.memory_space<vmem_shared>>
      tpu.wait_dma2 semaphore(%run_scoped3A : memref<!tpu.dma_semaphore, #tpu.memory_space<semaphore_mem>>) src(%arg6 : memref<64x128xf32, #tpu.memory_space<vmem>>) dst(%dma_wait3A_76 : memref<64x128xf32, #tpu.memory_space<vmem_shared>>)
      tpu.yield
    }) : () -> ()
    %mul3A_45 = arith.constant 640 : i32
    %mul3A_46 = arith.muli %arg1, %mul3A_45 : i32
    %add3A_47 = arith.constant 448 : i32
    %add3A_48 = arith.addi %mul3A_46, %add3A_47 : i32
    "tpu.region"() ({
      %run_scoped3A = tpu.sem_alloc : memref<!tpu.dma_semaphore, #tpu.memory_space<semaphore_mem>>
      %dma_start3A = arith.constant 0 : i32
      %dma_start3A_71 = tpu.memref_slice %arg7[%add3A_48, %dma_start3A] : memref<10240x128xf32, #tpu.memory_space<vmem_shared>> -> memref<64x128xf32, #tpu.memory_space<vmem_shared>>
      %dma_start3A_72 = arith.constant 0 : i32
      %dma_start3A_73 = tpu.memref_slice %arg7[%add3A_48, %dma_start3A_72] : memref<10240x128xf32, #tpu.memory_space<vmem_shared>> -> memref<64x128xf32, #tpu.memory_space<vmem_shared>>
      tpu.enqueue_dma source(%arg6 : memref<64x128xf32, #tpu.memory_space<vmem>>) target(%dma_start3A_73 : memref<64x128xf32, #tpu.memory_space<vmem_shared>>) target_semaphore(%run_scoped3A : memref<!tpu.dma_semaphore, #tpu.memory_space<semaphore_mem>>)
      %dma_wait3A = arith.constant 0 : i32
      %dma_wait3A_74 = tpu.memref_slice %arg7[%add3A_48, %dma_wait3A] : memref<10240x128xf32, #tpu.memory_space<vmem_shared>> -> memref<64x128xf32, #tpu.memory_space<vmem_shared>>
      %dma_wait3A_75 = arith.constant 0 : i32
      %dma_wait3A_76 = tpu.memref_slice %arg7[%add3A_48, %dma_wait3A_75] : memref<10240x128xf32, #tpu.memory_space<vmem_shared>> -> memref<64x128xf32, #tpu.memory_space<vmem_shared>>
      tpu.wait_dma2 semaphore(%run_scoped3A : memref<!tpu.dma_semaphore, #tpu.memory_space<semaphore_mem>>) src(%arg6 : memref<64x128xf32, #tpu.memory_space<vmem>>) dst(%dma_wait3A_76 : memref<64x128xf32, #tpu.memory_space<vmem_shared>>)
      tpu.yield
    }) : () -> ()
    %mul3A_49 = arith.constant 640 : i32
    %mul3A_50 = arith.muli %arg1, %mul3A_49 : i32
    %add3A_51 = arith.constant 512 : i32
    %add3A_52 = arith.addi %mul3A_50, %add3A_51 : i32
    "tpu.region"() ({
      %run_scoped3A = tpu.sem_alloc : memref<!tpu.dma_semaphore, #tpu.memory_space<semaphore_mem>>
      %dma_start3A = arith.constant 0 : i32
      %dma_start3A_71 = tpu.memref_slice %arg7[%add3A_52, %dma_start3A] : memref<10240x128xf32, #tpu.memory_space<vmem_shared>> -> memref<64x128xf32, #tpu.memory_space<vmem_shared>>
      %dma_start3A_72 = arith.constant 0 : i32
      %dma_start3A_73 = tpu.memref_slice %arg7[%add3A_52, %dma_start3A_72] : memref<10240x128xf32, #tpu.memory_space<vmem_shared>> -> memref<64x128xf32, #tpu.memory_space<vmem_shared>>
      tpu.enqueue_dma source(%arg6 : memref<64x128xf32, #tpu.memory_space<vmem>>) target(%dma_start3A_73 : memref<64x128xf32, #tpu.memory_space<vmem_shared>>) target_semaphore(%run_scoped3A : memref<!tpu.dma_semaphore, #tpu.memory_space<semaphore_mem>>)
      %dma_wait3A = arith.constant 0 : i32
      %dma_wait3A_74 = tpu.memref_slice %arg7[%add3A_52, %dma_wait3A] : memref<10240x128xf32, #tpu.memory_space<vmem_shared>> -> memref<64x128xf32, #tpu.memory_space<vmem_shared>>
      %dma_wait3A_75 = arith.constant 0 : i32
      %dma_wait3A_76 = tpu.memref_slice %arg7[%add3A_52, %dma_wait3A_75] : memref<10240x128xf32, #tpu.memory_space<vmem_shared>> -> memref<64x128xf32, #tpu.memory_space<vmem_shared>>
      tpu.wait_dma2 semaphore(%run_scoped3A : memref<!tpu.dma_semaphore, #tpu.memory_space<semaphore_mem>>) src(%arg6 : memref<64x128xf32, #tpu.memory_space<vmem>>) dst(%dma_wait3A_76 : memref<64x128xf32, #tpu.memory_space<vmem_shared>>)
      tpu.yield
    }) : () -> ()
    %mul3A_53 = arith.constant 640 : i32
    %mul3A_54 = arith.muli %arg1, %mul3A_53 : i32
    %add3A_55 = arith.constant 576 : i32
    %add3A_56 = arith.addi %mul3A_54, %add3A_55 : i32
    "tpu.region"() ({
      %run_scoped3A = tpu.sem_alloc : memref<!tpu.dma_semaphore, #tpu.memory_space<semaphore_mem>>
      %dma_start3A = arith.constant 0 : i32
      %dma_start3A_71 = tpu.memref_slice %arg7[%add3A_56, %dma_start3A] : memref<10240x128xf32, #tpu.memory_space<vmem_shared>> -> memref<64x128xf32, #tpu.memory_space<vmem_shared>>
      %dma_start3A_72 = arith.constant 0 : i32
      %dma_start3A_73 = tpu.memref_slice %arg7[%add3A_56, %dma_start3A_72] : memref<10240x128xf32, #tpu.memory_space<vmem_shared>> -> memref<64x128xf32, #tpu.memory_space<vmem_shared>>
      tpu.enqueue_dma source(%arg6 : memref<64x128xf32, #tpu.memory_space<vmem>>) target(%dma_start3A_73 : memref<64x128xf32, #tpu.memory_space<vmem_shared>>) target_semaphore(%run_scoped3A : memref<!tpu.dma_semaphore, #tpu.memory_space<semaphore_mem>>)
      %dma_wait3A = arith.constant 0 : i32
      %dma_wait3A_74 = tpu.memref_slice %arg7[%add3A_56, %dma_wait3A] : memref<10240x128xf32, #tpu.memory_space<vmem_shared>> -> memref<64x128xf32, #tpu.memory_space<vmem_shared>>
      %dma_wait3A_75 = arith.constant 0 : i32
      %dma_wait3A_76 = tpu.memref_slice %arg7[%add3A_56, %dma_wait3A_75] : memref<10240x128xf32, #tpu.memory_space<vmem_shared>> -> memref<64x128xf32, #tpu.memory_space<vmem_shared>>
      tpu.wait_dma2 semaphore(%run_scoped3A : memref<!tpu.dma_semaphore, #tpu.memory_space<semaphore_mem>>) src(%arg6 : memref<64x128xf32, #tpu.memory_space<vmem>>) dst(%dma_wait3A_76 : memref<64x128xf32, #tpu.memory_space<vmem_shared>>)
      tpu.yield
    }) : () -> ()
    %barrier3A = arith.constant 0 : index
    tpu.barrier barrier_id(%barrier3A)
    %scan3A_57 = arith.constant 0 : i32
    %scan3A_58 = arith.constant 0 : i32
    %scan3A_59 = arith.constant 80 : i32
    %scan3A_60 = arith.addi %scan3A_58, %scan3A_59 : i32
    %scan3A_61 = arith.constant 1 : i32
    scf.for %scan3A_71 = %scan3A_58 to %scan3A_60 step %scan3A_61  : i32 {
      "tpu.region"() ({
        %run_scoped3A = tpu.sem_alloc : memref<!tpu.dma_semaphore, #tpu.memory_space<semaphore_mem>>
        %dma_start3A = arith.constant 0 : i32
        %dma_start3A_72 = tpu.memref_slice %arg4[%scan3A_71, %dma_start3A] : memref<80x128xi32, #tpu.memory_space<vmem>> -> memref<1x128xi32, #tpu.memory_space<vmem>>
        %dma_start3A_73 = tpu.memref_squeeze %dma_start3A_72 : memref<1x128xi32, #tpu.memory_space<vmem>> -> memref<128xi32, #tpu.memory_space<vmem>>
        %dma_start3A_74 = arith.constant 0 : i32
        %dma_start3A_75 = arith.constant 0 : i32
        %dma_start3A_76 = tpu.memref_slice %arg7[%dma_start3A_74, %dma_start3A_75] : memref<10240x128xf32, #tpu.memory_space<vmem_shared>> -> memref<10240x128xf32, #tpu.memory_space<vmem_shared>>
        tpu.enqueue_indirect_dma source(%arg5 : memref<128x128xf32, #tpu.memory_space<vmem>>) target(%dma_start3A_76 : memref<10240x128xf32, #tpu.memory_space<vmem_shared>>) offsets(%dma_start3A_73 : memref<128xi32, #tpu.memory_space<vmem>>) semaphore(%run_scoped3A : memref<!tpu.dma_semaphore, #tpu.memory_space<semaphore_mem>>) {add = true}
        %dma_wait3A = arith.constant 0 : i32
        %dma_wait3A_77 = tpu.memref_slice %arg4[%scan3A_71, %dma_wait3A] : memref<80x128xi32, #tpu.memory_space<vmem>> -> memref<1x128xi32, #tpu.memory_space<vmem>>
        %dma_wait3A_78 = tpu.memref_squeeze %dma_wait3A_77 : memref<1x128xi32, #tpu.memory_space<vmem>> -> memref<128xi32, #tpu.memory_space<vmem>>
        %dma_wait3A_79 = arith.constant 0 : i32
        %dma_wait3A_80 = arith.constant 0 : i32
        %dma_wait3A_81 = tpu.memref_slice %arg7[%dma_wait3A_79, %dma_wait3A_80] : memref<10240x128xf32, #tpu.memory_space<vmem_shared>> -> memref<10240x128xf32, #tpu.memory_space<vmem_shared>>
        tpu.wait_indirect_dma semaphore(%run_scoped3A : memref<!tpu.dma_semaphore, #tpu.memory_space<semaphore_mem>>) src(%arg5 : memref<128x128xf32, #tpu.memory_space<vmem>>) dst(%dma_wait3A_81 : memref<10240x128xf32, #tpu.memory_space<vmem_shared>>)
        tpu.yield
      }) : () -> ()
    }
    %scan3A_62 = arith.constant 80 : i32
    %barrier3A_63 = arith.constant 0 : index
    tpu.barrier barrier_id(%barrier3A_63)
    %mul3A_64 = arith.constant 640 : i32
    %mul3A_65 = arith.muli %arg1, %mul3A_64 : i32
    %mul3A_66 = arith.constant 10240 : i32
    %mul3A_67 = arith.muli %arg0, %mul3A_66 : i32
    %mul3A_68 = arith.constant 640 : i32
    %mul3A_69 = arith.muli %arg1, %mul3A_68 : i32
    %add3A_70 = arith.addi %mul3A_67, %mul3A_69 : i32
    "tpu.region"() ({
      %run_scoped3A = tpu.sem_alloc : memref<!tpu.dma_semaphore, #tpu.memory_space<semaphore_mem>>
      %dma_start3A = arith.constant 0 : i32
      %dma_start3A_71 = tpu.memref_slice %arg3[%add3A_70, %dma_start3A] : memref<20480x128xf32, #tpu.memory_space<hbm>> -> memref<640x128xf32, #tpu.memory_space<hbm>>
      %dma_start3A_72 = arith.constant 0 : i32
      %dma_start3A_73 = tpu.memref_slice %arg7[%mul3A_65, %dma_start3A_72] : memref<10240x128xf32, #tpu.memory_space<vmem_shared>> -> memref<640x128xf32, #tpu.memory_space<vmem_shared>>
      tpu.enqueue_dma source(%dma_start3A_73 : memref<640x128xf32, #tpu.memory_space<vmem_shared>>) target(%dma_start3A_71 : memref<640x128xf32, #tpu.memory_space<hbm>>) target_semaphore(%run_scoped3A : memref<!tpu.dma_semaphore, #tpu.memory_space<semaphore_mem>>)
      %dma_wait3A = arith.constant 0 : i32
      %dma_wait3A_74 = tpu.memref_slice %arg3[%add3A_70, %dma_wait3A] : memref<20480x128xf32, #tpu.memory_space<hbm>> -> memref<640x128xf32, #tpu.memory_space<hbm>>
      %dma_wait3A_75 = arith.constant 0 : i32
      %dma_wait3A_76 = tpu.memref_slice %arg7[%mul3A_65, %dma_wait3A_75] : memref<10240x128xf32, #tpu.memory_space<vmem_shared>> -> memref<640x128xf32, #tpu.memory_space<vmem_shared>>
      tpu.wait_dma2 semaphore(%run_scoped3A : memref<!tpu.dma_semaphore, #tpu.memory_space<semaphore_mem>>) src(%dma_wait3A_76 : memref<640x128xf32, #tpu.memory_space<vmem_shared>>) dst(%dma_wait3A_74 : memref<640x128xf32, #tpu.memory_space<hbm>>)
      tpu.yield
    }) : () -> ()
    return
  }
}

module attributes {stable_mosaic.version = 14 : i64} {
  func.func @body(%arg0: i32, %arg1: memref<1024x128xf32, #tpu.memory_space<vmem>>, %arg2: memref<128x128xf32, #tpu.memory_space<vmem>>, %arg3: memref<128xf32, #tpu.memory_space<vmem>>, %arg4: memref<128x128xf32, #tpu.memory_space<vmem>>, %arg5: memref<128x128xf32, #tpu.memory_space<vmem>>, %arg6: memref<128xf32, #tpu.memory_space<vmem>>, %arg7: memref<1024x128xf32, #tpu.memory_space<vmem>>, %arg8: memref<1024x128xf32, #tpu.memory_space<vmem>>, %arg9: memref<1024x128xf32, #tpu.memory_space<vmem>>) attributes {dimension_semantics = [#tpu.dimension_semantics<arbitrary>], iteration_bounds = array<i64: 10>, scalar_prefetch = 0 : i64, scratch_operands = 0 : i64, tpu.core_type = #tpu.core_type<tc>, window_params = [{transform_indices = @transform_0, window_bounds = array<i64: 1024, 128>}, {pipeline_mode = #tpu.pipeline_mode<synchronous>, transform_indices = @transform_1, window_bounds = array<i64: 128, 128>}, {pipeline_mode = #tpu.pipeline_mode<synchronous>, transform_indices = @transform_2, window_bounds = array<i64: 128>}, {pipeline_mode = #tpu.pipeline_mode<synchronous>, transform_indices = @transform_3, window_bounds = array<i64: 128, 128>}, {pipeline_mode = #tpu.pipeline_mode<synchronous>, transform_indices = @transform_4, window_bounds = array<i64: 128, 128>}, {pipeline_mode = #tpu.pipeline_mode<synchronous>, transform_indices = @transform_5, window_bounds = array<i64: 128>}, {transform_indices = @transform_6, window_bounds = array<i64: 1024, 128>}, {transform_indices = @transform_7, window_bounds = array<i64: 1024, 128>}, {transform_indices = @transform_8, window_bounds = array<i64: 1024, 128>}]} {
    %get3A = arith.constant 0 : index
    %get3A_0 = arith.constant 0 : index
    %get3A_1 = vector.load %arg1[%get3A, %get3A_0] : memref<1024x128xf32, #tpu.memory_space<vmem>>, vector<1024x128xf32>
    %get3A_2 = arith.constant 0 : index
    %get3A_3 = arith.constant 0 : index
    %get3A_4 = vector.load %arg2[%get3A_2, %get3A_3] : memref<128x128xf32, #tpu.memory_space<vmem>>, vector<128x128xf32>
    %dot_general3A = arith.constant dense<0.000000e+00> : vector<1024x128xf32>
    %dot_general3A_5 = tpu.matmul %get3A_1, %get3A_4, %dot_general3A {dimension_numbers = #tpu.dot_dimension_numbers<[1], [0], [0], [1], [0, 0, 1, 1], [], []>, transpose_lhs_hint = false} : vector<1024x128xf32>, vector<128x128xf32>, vector<1024x128xf32> -> vector<1024x128xf32>
    %get3A_6 = arith.constant 0 : index
    %get3A_7 = vector.load %arg3[%get3A_6] : memref<128xf32, #tpu.memory_space<vmem>>, vector<128xf32>
    %broadcast_in_dim3A = vector.shape_cast %get3A_7 : vector<128xf32> to vector<1x128xf32>
    %add3A = vector.broadcast %broadcast_in_dim3A : vector<1x128xf32> to vector<1024x128xf32>
    %add3A_8 = arith.addf %dot_general3A_5, %add3A : vector<1024x128xf32>
    %swap3A = arith.constant 0 : index
    %swap3A_9 = arith.constant 0 : index
    %swap3A_10 = vector.load %arg7[%swap3A, %swap3A_9] : memref<1024x128xf32, #tpu.memory_space<vmem>>, vector<1024x128xf32>
    tpu.vector_store %arg7[%swap3A, %swap3A_9], %add3A_8 {strides = array<i32>} : memref<1024x128xf32, #tpu.memory_space<vmem>>, vector<1024x128xf32>,
    %max3A = arith.constant 0.000000e+00 : f32
    %max3A_11 = vector.broadcast %max3A : f32 to vector<1024x128xf32>
    %max3A_12 = arith.maximumf %add3A_8, %max3A_11 : vector<1024x128xf32>
    %get3A_13 = arith.constant 0 : index
    %get3A_14 = arith.constant 0 : index
    %get3A_15 = vector.load %arg4[%get3A_13, %get3A_14] : memref<128x128xf32, #tpu.memory_space<vmem>>, vector<128x128xf32>
    %dot_general3A_16 = arith.constant dense<0.000000e+00> : vector<1024x128xf32>
    %dot_general3A_17 = tpu.matmul %max3A_12, %get3A_15, %dot_general3A_16 {dimension_numbers = #tpu.dot_dimension_numbers<[1], [0], [0], [1], [0, 0, 1, 1], [], []>, transpose_lhs_hint = false} : vector<1024x128xf32>, vector<128x128xf32>, vector<1024x128xf32> -> vector<1024x128xf32>
    %iota3A = tpu.iota {dimensions = array<i32: 0>} : vector<1024x1xi32>
    %mul3A = arith.constant 1024 : i32
    %mul3A_18 = arith.muli %arg0, %mul3A : i32
    %add3A_19 = vector.broadcast %mul3A_18 : i32 to vector<1024x1xi32>
    %add3A_20 = arith.addi %iota3A, %add3A_19 : vector<1024x1xi32>
    %lt3A = arith.constant 10000 : i32
    %lt3A_21 = vector.broadcast %lt3A : i32 to vector<1024x1xi32>
    %lt3A_22 = arith.cmpi slt, %add3A_20, %lt3A_21 : vector<1024x1xi32>
    %jit3A = arith.constant 0.000000e+00 : f32
    %broadcast_in_dim3A_23 = vector.shape_cast %lt3A_22 : vector<1024x1xi1> to vector<1024x1xi1>
    %broadcast_in_dim3A_24 = vector.broadcast %broadcast_in_dim3A_23 : vector<1024x1xi1> to vector<1024x128xi1>
    %broadcast_in_dim3A_25 = vector.broadcast %jit3A : f32 to vector<1024x128xf32>
    %select_n3A = arith.select %broadcast_in_dim3A_24, %dot_general3A_17, %broadcast_in_dim3A_25 : vector<1024x128xi1>, vector<1024x128xf32>
    %swap3A_26 = arith.constant 0 : index
    %swap3A_27 = arith.constant 0 : index
    %swap3A_28 = vector.load %arg8[%swap3A_26, %swap3A_27] : memref<1024x128xf32, #tpu.memory_space<vmem>>, vector<1024x128xf32>
    tpu.vector_store %arg8[%swap3A_26, %swap3A_27], %select_n3A {strides = array<i32>} : memref<1024x128xf32, #tpu.memory_space<vmem>>, vector<1024x128xf32>,
    %get3A_29 = arith.constant 0 : index
    %get3A_30 = arith.constant 0 : index
    %get3A_31 = vector.load %arg5[%get3A_29, %get3A_30] : memref<128x128xf32, #tpu.memory_space<vmem>>, vector<128x128xf32>
    %dot_general3A_32 = arith.constant dense<0.000000e+00> : vector<1024x128xf32>
    %dot_general3A_33 = tpu.matmul %max3A_12, %get3A_31, %dot_general3A_32 {dimension_numbers = #tpu.dot_dimension_numbers<[1], [0], [0], [1], [0, 0, 1, 1], [], []>, transpose_lhs_hint = false} : vector<1024x128xf32>, vector<128x128xf32>, vector<1024x128xf32> -> vector<1024x128xf32>
    %get3A_34 = arith.constant 0 : index
    %get3A_35 = vector.load %arg6[%get3A_34] : memref<128xf32, #tpu.memory_space<vmem>>, vector<128xf32>
    %broadcast_in_dim3A_36 = vector.shape_cast %get3A_35 : vector<128xf32> to vector<1x128xf32>
    %add3A_37 = vector.broadcast %broadcast_in_dim3A_36 : vector<1x128xf32> to vector<1024x128xf32>
    %add3A_38 = arith.addf %dot_general3A_33, %add3A_37 : vector<1024x128xf32>
    %swap3A_39 = arith.constant 0 : index
    %swap3A_40 = arith.constant 0 : index
    %swap3A_41 = vector.load %arg9[%swap3A_39, %swap3A_40] : memref<1024x128xf32, #tpu.memory_space<vmem>>, vector<1024x128xf32>
    tpu.vector_store %arg9[%swap3A_39, %swap3A_40], %add3A_38 {strides = array<i32>} : memref<1024x128xf32, #tpu.memory_space<vmem>>, vector<1024x128xf32>,
    return
  }
  func.func @transform_0(%arg0: i32) -> (i32, i32) {
    %c0_i32 = arith.constant 0 : i32
    %c0_i32_0 = arith.constant 0 : i32
    return %arg0, %c0_i32 : i32, i32
  }
  func.func @transform_1(%arg0: i32) -> (i32, i32) {
    %c0_i32 = arith.constant 0 : i32
    %c0_i32_0 = arith.constant 0 : i32
    %c0_i32_1 = arith.constant 0 : i32
    return %c0_i32, %c0_i32_0 : i32, i32
  }
  func.func @transform_2(%arg0: i32) -> i32 {
    %c0_i32 = arith.constant 0 : i32
    %c0_i32_0 = arith.constant 0 : i32
    return %c0_i32 : i32
  }
  func.func @transform_3(%arg0: i32) -> (i32, i32) {
    %c0_i32 = arith.constant 0 : i32
    %c0_i32_0 = arith.constant 0 : i32
    %c0_i32_1 = arith.constant 0 : i32
    return %c0_i32, %c0_i32_0 : i32, i32
  }
  func.func @transform_4(%arg0: i32) -> (i32, i32) {
    %c0_i32 = arith.constant 0 : i32
    %c0_i32_0 = arith.constant 0 : i32
    %c0_i32_1 = arith.constant 0 : i32
    return %c0_i32, %c0_i32_0 : i32, i32
  }
  func.func @transform_5(%arg0: i32) -> i32 {
    %c0_i32 = arith.constant 0 : i32
    %c0_i32_0 = arith.constant 0 : i32
    return %c0_i32 : i32
  }
  func.func @transform_6(%arg0: i32) -> (i32, i32) {
    %c0_i32 = arith.constant 0 : i32
    %c0_i32_0 = arith.constant 0 : i32
    return %arg0, %c0_i32 : i32, i32
  }
  func.func @transform_7(%arg0: i32) -> (i32, i32) {
    %c0_i32 = arith.constant 0 : i32
    %c0_i32_0 = arith.constant 0 : i32
    return %arg0, %c0_i32 : i32, i32
  }
  func.func @transform_8(%arg0: i32) -> (i32, i32) {
    %c0_i32 = arith.constant 0 : i32
    %c0_i32_0 = arith.constant 0 : i32
    return %arg0, %c0_i32 : i32, i32
  }
}

module attributes {stable_mosaic.version = 14 : i64} {
  func.func @body(%arg0: i32, %arg1: memref<1024x128xf32, #tpu.memory_space<vmem>>, %arg2: memref<1024x128xf32, #tpu.memory_space<vmem>>, %arg3: memref<1024x128xf32, #tpu.memory_space<vmem>>, %arg4: memref<1024x128xf32, #tpu.memory_space<vmem>>, %arg5: memref<1024x128xf32, #tpu.memory_space<vmem>>, %arg6: memref<1024x128xf32, #tpu.memory_space<vmem>>, %arg7: memref<128x128xf32, #tpu.memory_space<vmem>>, %arg8: memref<128x128xf32, #tpu.memory_space<vmem>>, %arg9: memref<128xf32, #tpu.memory_space<vmem>>, %arg10: memref<1024x128xf32, #tpu.memory_space<vmem>>, %arg11: memref<1024x128xf32, #tpu.memory_space<vmem>>) attributes {dimension_semantics = [#tpu.dimension_semantics<arbitrary>], iteration_bounds = array<i64: 10>, scalar_prefetch = 0 : i64, scratch_operands = 0 : i64, tpu.core_type = #tpu.core_type<tc>, window_params = [{transform_indices = @transform_0, window_bounds = array<i64: 1024, 128>}, {transform_indices = @transform_1, window_bounds = array<i64: 1024, 128>}, {transform_indices = @transform_2, window_bounds = array<i64: 1024, 128>}, {transform_indices = @transform_3, window_bounds = array<i64: 1024, 128>}, {transform_indices = @transform_4, window_bounds = array<i64: 1024, 128>}, {transform_indices = @transform_5, window_bounds = array<i64: 1024, 128>}, {pipeline_mode = #tpu.pipeline_mode<synchronous>, transform_indices = @transform_6, window_bounds = array<i64: 128, 128>}, {pipeline_mode = #tpu.pipeline_mode<synchronous>, transform_indices = @transform_7, window_bounds = array<i64: 128, 128>}, {pipeline_mode = #tpu.pipeline_mode<synchronous>, transform_indices = @transform_8, window_bounds = array<i64: 128>}, {transform_indices = @transform_9, window_bounds = array<i64: 1024, 128>}, {transform_indices = @transform_10, window_bounds = array<i64: 1024, 128>}]} {
    %get3A = arith.constant 0 : index
    %get3A_0 = arith.constant 0 : index
    %get3A_1 = vector.load %arg3[%get3A, %get3A_0] : memref<1024x128xf32, #tpu.memory_space<vmem>>, vector<1024x128xf32>
    %slice3A = vector.extract_strided_slice %get3A_1 {offsets = [0, 0], sizes = [1024, 1], strides = [1, 1]} : vector<1024x128xf32> to vector<1024x1xf32>
    %get3A_2 = arith.constant 0 : index
    %get3A_3 = arith.constant 0 : index
    %get3A_4 = vector.load %arg4[%get3A_2, %get3A_3] : memref<1024x128xf32, #tpu.memory_space<vmem>>, vector<1024x128xf32>
    %slice3A_5 = vector.extract_strided_slice %get3A_4 {offsets = [0, 0], sizes = [1024, 1], strides = [1, 1]} : vector<1024x128xf32> to vector<1024x1xf32>
    %add3A = arith.addf %slice3A, %slice3A_5 : vector<1024x1xf32>
    %max3A = arith.constant 1.000000e+00 : f32
    %max3A_6 = vector.broadcast %max3A : f32 to vector<1024x1xf32>
    %max3A_7 = arith.maximumf %add3A, %max3A_6 : vector<1024x1xf32>
    %div3A = arith.constant 1.000000e+00 : f32
    %div3A_8 = vector.broadcast %div3A : f32 to vector<1024x1xf32>
    %div3A_9 = arith.divf %div3A_8, %max3A_7 : vector<1024x1xf32>
    %get3A_10 = arith.constant 0 : index
    %get3A_11 = arith.constant 0 : index
    %get3A_12 = vector.load %arg1[%get3A_10, %get3A_11] : memref<1024x128xf32, #tpu.memory_space<vmem>>, vector<1024x128xf32>
    %get3A_13 = arith.constant 0 : index
    %get3A_14 = arith.constant 0 : index
    %get3A_15 = vector.load %arg2[%get3A_13, %get3A_14] : memref<1024x128xf32, #tpu.memory_space<vmem>>, vector<1024x128xf32>
    %add3A_16 = arith.addf %get3A_12, %get3A_15 : vector<1024x128xf32>
    %mul3A = vector.broadcast %div3A_9 : vector<1024x1xf32> to vector<1024x128xf32>
    %mul3A_17 = arith.mulf %add3A_16, %mul3A : vector<1024x128xf32>
    %get3A_18 = arith.constant 0 : index
    %get3A_19 = arith.constant 0 : index
    %get3A_20 = vector.load %arg5[%get3A_18, %get3A_19] : memref<1024x128xf32, #tpu.memory_space<vmem>>, vector<1024x128xf32>
    %add3A_21 = arith.addf %mul3A_17, %get3A_20 : vector<1024x128xf32>
    %max3A_22 = arith.constant 0.000000e+00 : f32
    %max3A_23 = vector.broadcast %max3A_22 : f32 to vector<1024x128xf32>
    %max3A_24 = arith.maximumf %add3A_21, %max3A_23 : vector<1024x128xf32>
    %get3A_25 = arith.constant 0 : index
    %get3A_26 = arith.constant 0 : index
    %get3A_27 = vector.load %arg6[%get3A_25, %get3A_26] : memref<1024x128xf32, #tpu.memory_space<vmem>>, vector<1024x128xf32>
    %mul3A_28 = arith.constant 2.000000e-01 : f32
    %mul3A_29 = vector.broadcast %mul3A_28 : f32 to vector<1024x128xf32>
    %mul3A_30 = arith.mulf %mul3A_29, %get3A_27 : vector<1024x128xf32>
    %add3A_31 = arith.addf %max3A_24, %mul3A_30 : vector<1024x128xf32>
    %get3A_32 = arith.constant 0 : index
    %get3A_33 = arith.constant 0 : index
    %get3A_34 = vector.load %arg7[%get3A_32, %get3A_33] : memref<128x128xf32, #tpu.memory_space<vmem>>, vector<128x128xf32>
    %dot_general3A = arith.constant dense<0.000000e+00> : vector<1024x128xf32>
    %dot_general3A_35 = tpu.matmul %add3A_31, %get3A_34, %dot_general3A {dimension_numbers = #tpu.dot_dimension_numbers<[1], [0], [0], [1], [0, 0, 1, 1], [], []>, transpose_lhs_hint = false} : vector<1024x128xf32>, vector<128x128xf32>, vector<1024x128xf32> -> vector<1024x128xf32>
    %iota3A = tpu.iota {dimensions = array<i32: 0>} : vector<1024x1xi32>
    %mul3A_36 = arith.constant 1024 : i32
    %mul3A_37 = arith.muli %arg0, %mul3A_36 : i32
    %add3A_38 = vector.broadcast %mul3A_37 : i32 to vector<1024x1xi32>
    %add3A_39 = arith.addi %iota3A, %add3A_38 : vector<1024x1xi32>
    %lt3A = arith.constant 10000 : i32
    %lt3A_40 = vector.broadcast %lt3A : i32 to vector<1024x1xi32>
    %lt3A_41 = arith.cmpi slt, %add3A_39, %lt3A_40 : vector<1024x1xi32>
    %jit3A = arith.constant 0.000000e+00 : f32
    %broadcast_in_dim3A = vector.shape_cast %lt3A_41 : vector<1024x1xi1> to vector<1024x1xi1>
    %broadcast_in_dim3A_42 = vector.broadcast %broadcast_in_dim3A : vector<1024x1xi1> to vector<1024x128xi1>
    %broadcast_in_dim3A_43 = vector.broadcast %jit3A : f32 to vector<1024x128xf32>
    %select_n3A = arith.select %broadcast_in_dim3A_42, %dot_general3A_35, %broadcast_in_dim3A_43 : vector<1024x128xi1>, vector<1024x128xf32>
    %swap3A = arith.constant 0 : index
    %swap3A_44 = arith.constant 0 : index
    %swap3A_45 = vector.load %arg10[%swap3A, %swap3A_44] : memref<1024x128xf32, #tpu.memory_space<vmem>>, vector<1024x128xf32>
    tpu.vector_store %arg10[%swap3A, %swap3A_44], %select_n3A {strides = array<i32>} : memref<1024x128xf32, #tpu.memory_space<vmem>>, vector<1024x128xf32>,
    %get3A_46 = arith.constant 0 : index
    %get3A_47 = arith.constant 0 : index
    %get3A_48 = vector.load %arg8[%get3A_46, %get3A_47] : memref<128x128xf32, #tpu.memory_space<vmem>>, vector<128x128xf32>
    %dot_general3A_49 = arith.constant dense<0.000000e+00> : vector<1024x128xf32>
    %dot_general3A_50 = tpu.matmul %add3A_31, %get3A_48, %dot_general3A_49 {dimension_numbers = #tpu.dot_dimension_numbers<[1], [0], [0], [1], [0, 0, 1, 1], [], []>, transpose_lhs_hint = false} : vector<1024x128xf32>, vector<128x128xf32>, vector<1024x128xf32> -> vector<1024x128xf32>
    %get3A_51 = arith.constant 0 : index
    %get3A_52 = vector.load %arg9[%get3A_51] : memref<128xf32, #tpu.memory_space<vmem>>, vector<128xf32>
    %broadcast_in_dim3A_53 = vector.shape_cast %get3A_52 : vector<128xf32> to vector<1x128xf32>
    %add3A_54 = vector.broadcast %broadcast_in_dim3A_53 : vector<1x128xf32> to vector<1024x128xf32>
    %add3A_55 = arith.addf %dot_general3A_50, %add3A_54 : vector<1024x128xf32>
    %swap3A_56 = arith.constant 0 : index
    %swap3A_57 = arith.constant 0 : index
    %swap3A_58 = vector.load %arg11[%swap3A_56, %swap3A_57] : memref<1024x128xf32, #tpu.memory_space<vmem>>, vector<1024x128xf32>
    tpu.vector_store %arg11[%swap3A_56, %swap3A_57], %add3A_55 {strides = array<i32>} : memref<1024x128xf32, #tpu.memory_space<vmem>>, vector<1024x128xf32>,
    return
  }
  func.func @transform_0(%arg0: i32) -> (i32, i32) {
    %c0_i32 = arith.constant 0 : i32
    %c0_i32_0 = arith.constant 0 : i32
    return %arg0, %c0_i32 : i32, i32
  }
  func.func @transform_1(%arg0: i32) -> (i32, i32) {
    %c0_i32 = arith.constant 0 : i32
    %c0_i32_0 = arith.constant 0 : i32
    return %arg0, %c0_i32 : i32, i32
  }
  func.func @transform_2(%arg0: i32) -> (i32, i32) {
    %c0_i32 = arith.constant 0 : i32
    %c0_i32_0 = arith.constant 0 : i32
    return %arg0, %c0_i32 : i32, i32
  }
  func.func @transform_3(%arg0: i32) -> (i32, i32) {
    %c0_i32 = arith.constant 0 : i32
    %c0_i32_0 = arith.constant 0 : i32
    return %arg0, %c0_i32 : i32, i32
  }
  func.func @transform_4(%arg0: i32) -> (i32, i32) {
    %c0_i32 = arith.constant 0 : i32
    %c0_i32_0 = arith.constant 0 : i32
    return %arg0, %c0_i32 : i32, i32
  }
  func.func @transform_5(%arg0: i32) -> (i32, i32) {
    %c0_i32 = arith.constant 0 : i32
    %c0_i32_0 = arith.constant 0 : i32
    return %arg0, %c0_i32 : i32, i32
  }
  func.func @transform_6(%arg0: i32) -> (i32, i32) {
    %c0_i32 = arith.constant 0 : i32
    %c0_i32_0 = arith.constant 0 : i32
    %c0_i32_1 = arith.constant 0 : i32
    return %c0_i32, %c0_i32_0 : i32, i32
  }
  func.func @transform_7(%arg0: i32) -> (i32, i32) {
    %c0_i32 = arith.constant 0 : i32
    %c0_i32_0 = arith.constant 0 : i32
    %c0_i32_1 = arith.constant 0 : i32
    return %c0_i32, %c0_i32_0 : i32, i32
  }
  func.func @transform_8(%arg0: i32) -> i32 {
    %c0_i32 = arith.constant 0 : i32
    %c0_i32_0 = arith.constant 0 : i32
    return %c0_i32 : i32
  }
  func.func @transform_9(%arg0: i32) -> (i32, i32) {
    %c0_i32 = arith.constant 0 : i32
    %c0_i32_0 = arith.constant 0 : i32
    return %arg0, %c0_i32 : i32, i32
  }
  func.func @transform_10(%arg0: i32) -> (i32, i32) {
    %c0_i32 = arith.constant 0 : i32
    %c0_i32_0 = arith.constant 0 : i32
    return %arg0, %c0_i32 : i32, i32
  }
}

module attributes {stable_mosaic.version = 14 : i64} {
  func.func @body(%arg0: i32, %arg1: memref<1024x64xf32, #tpu.memory_space<vmem>>, %arg2: memref<1024x64xf32, #tpu.memory_space<vmem>>, %arg3: memref<1024x128xf32, #tpu.memory_space<vmem>>, %arg4: memref<1024x128xf32, #tpu.memory_space<vmem>>, %arg5: memref<1024x64xf32, #tpu.memory_space<vmem>>, %arg6: memref<1024x64xf32, #tpu.memory_space<vmem>>) attributes {dimension_semantics = [#tpu.dimension_semantics<arbitrary>], iteration_bounds = array<i64: 10>, scalar_prefetch = 0 : i64, scratch_operands = 0 : i64, tpu.core_type = #tpu.core_type<tc>, window_params = [{transform_indices = @transform_0, window_bounds = array<i64: 1024, 64>}, {transform_indices = @transform_1, window_bounds = array<i64: 1024, 64>}, {transform_indices = @transform_2, window_bounds = array<i64: 1024, 128>}, {transform_indices = @transform_3, window_bounds = array<i64: 1024, 128>}, {transform_indices = @transform_4, window_bounds = array<i64: 1024, 64>}, {transform_indices = @transform_5, window_bounds = array<i64: 1024, 64>}]} {
    %get3A = arith.constant 0 : index
    %get3A_0 = arith.constant 0 : index
    %get3A_1 = vector.load %arg3[%get3A, %get3A_0] : memref<1024x128xf32, #tpu.memory_space<vmem>>, vector<1024x128xf32>
    %slice3A = vector.extract_strided_slice %get3A_1 {offsets = [0, 0], sizes = [1024, 1], strides = [1, 1]} : vector<1024x128xf32> to vector<1024x1xf32>
    %get3A_2 = arith.constant 0 : index
    %get3A_3 = arith.constant 0 : index
    %get3A_4 = vector.load %arg4[%get3A_2, %get3A_3] : memref<1024x128xf32, #tpu.memory_space<vmem>>, vector<1024x128xf32>
    %slice3A_5 = vector.extract_strided_slice %get3A_4 {offsets = [0, 0], sizes = [1024, 1], strides = [1, 1]} : vector<1024x128xf32> to vector<1024x1xf32>
    %add3A = arith.addf %slice3A, %slice3A_5 : vector<1024x1xf32>
    %max3A = arith.constant 1.000000e+00 : f32
    %max3A_6 = vector.broadcast %max3A : f32 to vector<1024x1xf32>
    %max3A_7 = arith.maximumf %add3A, %max3A_6 : vector<1024x1xf32>
    %div3A = arith.constant 1.000000e+00 : f32
    %div3A_8 = vector.broadcast %div3A : f32 to vector<1024x1xf32>
    %div3A_9 = arith.divf %div3A_8, %max3A_7 : vector<1024x1xf32>
    %get3A_10 = arith.constant 0 : index
    %get3A_11 = arith.constant 0 : index
    %get3A_12 = vector.load %arg1[%get3A_10, %get3A_11] : memref<1024x64xf32, #tpu.memory_space<vmem>>, vector<1024x64xf32>
    %get3A_13 = arith.constant 0 : index
    %get3A_14 = arith.constant 0 : index
    %get3A_15 = vector.load %arg2[%get3A_13, %get3A_14] : memref<1024x64xf32, #tpu.memory_space<vmem>>, vector<1024x64xf32>
    %add3A_16 = arith.addf %get3A_12, %get3A_15 : vector<1024x64xf32>
    %mul3A = vector.broadcast %div3A_9 : vector<1024x1xf32> to vector<1024x64xf32>
    %mul3A_17 = arith.mulf %add3A_16, %mul3A : vector<1024x64xf32>
    %get3A_18 = arith.constant 0 : index
    %get3A_19 = arith.constant 0 : index
    %get3A_20 = vector.load %arg5[%get3A_18, %get3A_19] : memref<1024x64xf32, #tpu.memory_space<vmem>>, vector<1024x64xf32>
    %add3A_21 = arith.addf %mul3A_17, %get3A_20 : vector<1024x64xf32>
    %reduce_max3A = arith.constant dense<0xFF800000> : vector<1024xf32>
    %reduce_max3A_22 = vector.multi_reduction <maximumf>, %add3A_21, %reduce_max3A [1] : vector<1024x64xf32> to vector<1024xf32>
    %broadcast_in_dim3A = vector.shape_cast %reduce_max3A_22 : vector<1024xf32> to vector<1024x1xf32>
    %sub3A = vector.broadcast %broadcast_in_dim3A : vector<1024x1xf32> to vector<1024x64xf32>
    %sub3A_23 = arith.subf %add3A_21, %sub3A : vector<1024x64xf32>
    %exp3A = math.exp %sub3A_23 : vector<1024x64xf32>
    %reduce_sum3A = arith.constant dense<0.000000e+00> : vector<1024xf32>
    %reduce_sum3A_24 = vector.multi_reduction <add>, %exp3A, %reduce_sum3A [1] : vector<1024x64xf32> to vector<1024xf32>
    %broadcast_in_dim3A_25 = vector.shape_cast %reduce_sum3A_24 : vector<1024xf32> to vector<1024x1xf32>
    %log3A = math.log %broadcast_in_dim3A_25 : vector<1024x1xf32>
    %sub3A_26 = vector.broadcast %log3A : vector<1024x1xf32> to vector<1024x64xf32>
    %sub3A_27 = arith.subf %sub3A_23, %sub3A_26 : vector<1024x64xf32>
    %swap3A = arith.constant 0 : index
    %swap3A_28 = arith.constant 0 : index
    %swap3A_29 = vector.load %arg6[%swap3A, %swap3A_28] : memref<1024x64xf32, #tpu.memory_space<vmem>>, vector<1024x64xf32>
    tpu.vector_store %arg6[%swap3A, %swap3A_28], %sub3A_27 {strides = array<i32>} : memref<1024x64xf32, #tpu.memory_space<vmem>>, vector<1024x64xf32>,
    return
  }
  func.func @transform_0(%arg0: i32) -> (i32, i32) {
    %c0_i32 = arith.constant 0 : i32
    %c0_i32_0 = arith.constant 0 : i32
    return %arg0, %c0_i32 : i32, i32
  }
  func.func @transform_1(%arg0: i32) -> (i32, i32) {
    %c0_i32 = arith.constant 0 : i32
    %c0_i32_0 = arith.constant 0 : i32
    return %arg0, %c0_i32 : i32, i32
  }
  func.func @transform_2(%arg0: i32) -> (i32, i32) {
    %c0_i32 = arith.constant 0 : i32
    %c0_i32_0 = arith.constant 0 : i32
    return %arg0, %c0_i32 : i32, i32
  }
  func.func @transform_3(%arg0: i32) -> (i32, i32) {
    %c0_i32 = arith.constant 0 : i32
    %c0_i32_0 = arith.constant 0 : i32
    return %arg0, %c0_i32 : i32, i32
  }
  func.func @transform_4(%arg0: i32) -> (i32, i32) {
    %c0_i32 = arith.constant 0 : i32
    %c0_i32_0 = arith.constant 0 : i32
    return %arg0, %c0_i32 : i32, i32
  }
  func.func @transform_5(%arg0: i32) -> (i32, i32) {
    %c0_i32 = arith.constant 0 : i32
    %c0_i32_0 = arith.constant 0 : i32
    return %arg0, %c0_i32 : i32, i32
  }
}

</mosaic_0001>

<sc_bundles>
// kernel: kernel.10.cloned.1.call-start
scs
__scs_entry_jumppad:
0x0: {  	(pc) =	sbr.rel $0x88, $3  }
0x1: {  	(tag) =	ssettag $0x0;
	lr =	simm.s32 $0x1  }
0x2: {  	[smem:$0x3F94] =	sst lr;
	_ =	strace $0xD0000000  }
0x3: {  	_ = 	snop  }
0x4: {  	_ = 	snop  }
0x5: {  	_ = 	snop  }
0x6: {  	_ = 	snop  }
0x7: {  	_ = 	snop  }
__scs_overlays_trampoline_lowered:
0x8: {  	[smem:$0x3FA3] =	sst s0  }
0x9: {  	[smem:$0x3FA4] =	sst s1  }
0xa: {  	[smem:$0x3FA5] =	sst s2  }
0xb: {  	[smem:$0x3FA6] =	sst s3  }
0xc: {  	[smem:$0x3FA7] =	sst s4  }
0xd: {  	[smem:$0x3FA8] =	sst s5  }
0xe: {  	[smem:$0x3FA9] =	sst s6  }
0xf: {  	[smem:$0x3FAA] =	sst s7  }
0x10: {  	[smem:$0x3FAB] =	sst s8  }
0x11: {  	[smem:$0x3FAC] =	sst s9;
	s0 =	simm.s32 @!p0 $0x0  }
0x12: {  	s1 =	sld [smem:$0x3F92];
	s0 =	simm.s32 @p0 $0x1  }
0x13: {  	[smem:$0x3FAD] =	sst s0;
	s0 =	simm.s32 @!p1 $0x0  }
0x14: {  	s2 =	sld [smem:$0x3F91];
	s0 =	simm.s32 @p1 $0x1  }
0x15: {  	[smem:$0x3FAE] =	sst s0;
	s0 =	simm.s32 @!p2 $0x0  }
0x16: {  	s3 =	sld [smem:$0x3FDB];
	s0 =	simm.s32 @p2 $0x1  }
0x17: {  	s4 =	simm.s32 $0x1BF5;
	[smem:$0x3FB0] =	sst s0  }
0x18: {  	s0 =	sld [smem:$0x3F93];
	_ =	swait.ge [sflag:s4], $0x0  }
0x19: {  	s7 =	sld [smem:$0x3F94]  }
0x1a: {  	s8 =	sadd.s32 $0xFFFFE003, lr  }
0x1b: {  	s9 =	sadd.s32 $0xFFFFFEF7, lr;
	s5 =	simm.s32 $0xFFFFFFFF;
	p2 =	slt.u32 s8, $0xFFFFF086  }
0x1c: {  	p1 =	slt.u32 s9, $0xF7A;
	s5 =	simm.s32 @!p2 $0x0  }
0x1d: {  	s5 =	simm.s32 @p1 $0x1;
	p0 =	seq.s32 s7, s2  }
0x1e: {  	s7 =	smul.u32 @!p0 $0xF7A, s2;
	p2 =	seq.s32 @!p0 s5, $0x0  }
0x1f: {  	s9 =	smul.u32 $0xF7A, s1;
	s8 =	simm.s32 @!p0 $0x1BF5;
	p2 =	por !p2, p0  }
0x20: {  	[sflag:s8] =	ssyncset.s32 @!p0 $0xFFFFF086;
	s6 =	sadd.s32 @!p0 s3, s7;
	s7 =	simm.s32 @!p0 $0x108  }
0x21: {  	s3 =	sadd.s32 s3, s9;
	s6 =	sadd.s32 @!p0 $0x88, s6;
	s7 =	simm.s32 @p2 $0x1082  }
0x22: {  	[simem:s7], [sflag:s8] =	dma.local @!p0 [hbm:s6], $0xF7A  }
0x23: {  	s9 =	sor.u32 $0xD0000000, s2;
	s6 =	simm.s32 $0x108;
	_ =	swait.ge @!p0 [sflag:s8], $0x0  }
0x24: {  	s3 =	sadd.s32 $0x88, s3;
	s6 =	simm.s32 @!p1 $0x1082;
	[sflag:s4] =	ssyncset.s32 $0xFFFFF086  }
0x25: {  	[simem:s6], [sflag:s4] =	dma.local [hbm:s3], $0xF7A  }
0x26: {  	[smem:$0x3F94] =	sst s1;
	(tag) =	ssettag s2;
	_ =	strace s9  }
0x27: {  	s1 =	sld [smem:$0x3FA4]  }
0x28: {  	s2 =	sld [smem:$0x3FA5]  }
0x29: {  	s4 =	sld [smem:$0x3FA7]  }
0x2a: {  	p0 =	seq.s32 s5, $0x0;
	s5 =	sld [smem:$0x3FA8]  }
0x2b: {  	s6 =	sld [smem:$0x3FA9]  }
0x2c: {  	s7 =	sld [smem:$0x3FAA]  }
0x2d: {  	s3 =	simm.s32 $0x108;
	s8 =	sld [smem:$0x3FAB]  }
0x2e: {  	s3 =	simm.s32 @!p0 $0x1082;
	s9 =	sld [smem:$0x3FAC]  }
0x2f: {  	lr =	sadd.s32 s0, s3;
	s0 =	sld [smem:$0x3FA3]  }
0x30: {  	s3 =	sld [smem:$0x3FA6]  }
0x31: {  	[smem:$0x3FAF] =	sst s10  }
0x32: {  	s10 =	sld [smem:$0x3FAD];
	_ =	sdelay $0x3  }
0x33: {  	p0 =	seq.s32 s10, $0x1;
	s10 =	sld [smem:$0x3FAF];
	_ =	sdelay $0x3  }
0x34: {  	[smem:$0x3FAF] =	sst s10  }
0x35: {  	s10 =	sld [smem:$0x3FAE];
	_ =	sdelay $0x3  }
0x36: {  	p1 =	seq.s32 s10, $0x1;
	s10 =	sld [smem:$0x3FAF];
	_ =	sdelay $0x3  }
0x37: {  	[smem:$0x3FAF] =	sst s10  }
0x38: {  	s10 =	sld [smem:$0x3FB0]  }
0x39: {  	_ = 	snop;
	(pc) =	sbr.ind lr, $3  }
0x3a: {  	_ = 	snop  }
0x3b: {  	_ = 	snop  }
0x3c: {  	p2 =	seq.s32 s10, $0x1;
	s10 =	sld [smem:$0x3FAF]  }
0x3d: {  	_ =	shalt  }
0x3e: {  	_ =	shalt  }
0x3f: {  	_ =	shalt  }
0x40: {  	_ =	shalt  }
0x41: {  	_ =	shalt  }
0x42: {  	_ =	shalt  }
0x43: {  	_ =	shalt  }
0x44: {  	_ =	shalt  }
0x45: {  	_ =	shalt  }
0x46: {  	_ =	shalt  }
0x47: {  	_ =	shalt  }
0x48: {  	_ =	shalt  }
0x49: {  	_ =	shalt  }
0x4a: {  	_ =	shalt  }
0x4b: {  	_ =	shalt  }
0x4c: {  	_ =	shalt  }
0x4d: {  	_ =	shalt  }
0x4e: {  	_ =	shalt  }
0x4f: {  	_ =	shalt  }
0x50: {  	_ =	shalt  }
0x51: {  	_ =	shalt  }
0x52: {  	_ =	shalt  }
0x53: {  	_ =	shalt  }
0x54: {  	_ =	shalt  }
0x55: {  	_ =	shalt  }
0x56: {  	_ =	shalt  }
0x57: {  	_ =	shalt  }
0x58: {  	_ =	shalt  }
0x59: {  	_ =	shalt  }
0x5a: {  	_ =	shalt  }
0x5b: {  	_ =	shalt  }
0x5c: {  	_ =	shalt  }
0x5d: {  	_ =	shalt  }
0x5e: {  	_ =	shalt  }
0x5f: {  	_ =	shalt  }
0x60: {  	_ =	shalt  }
0x61: {  	_ =	shalt  }
0x62: {  	_ =	shalt  }
0x63: {  	_ =	shalt  }
0x64: {  	_ =	shalt  }
0x65: {  	_ =	shalt  }
0x66: {  	_ =	shalt  }
0x67: {  	_ =	shalt  }
0x68: {  	_ =	shalt  }
0x69: {  	_ =	shalt  }
0x6a: {  	_ =	shalt  }
0x6b: {  	_ =	shalt  }
0x6c: {  	_ =	shalt  }
0x6d: {  	_ =	shalt  }
0x6e: {  	_ =	shalt  }
0x6f: {  	_ =	shalt  }
0x70: {  	_ =	shalt  }
0x71: {  	_ =	shalt  }
0x72: {  	_ =	shalt  }
0x73: {  	_ =	shalt  }
0x74: {  	_ =	shalt  }
0x75: {  	_ =	shalt  }
0x76: {  	_ =	shalt  }
0x77: {  	_ =	shalt  }
0x78: {  	_ =	shalt  }
0x79: {  	_ =	shalt  }
0x7a: {  	_ =	shalt  }
0x7b: {  	_ =	shalt  }
0x7c: {  	_ =	shalt  }
0x7d: {  	_ =	shalt  }
0x7e: {  	_ =	shalt  }
0x7f: {  	_ =	shalt  }
0x80: {  	_ =	shalt  }
0x81: {  	_ =	shalt  }
0x82: {  	_ =	shalt  }
0x83: {  	_ =	shalt  }
0x84: {  	_ =	shalt  }
0x85: {  	_ =	shalt  }
0x86: {  	_ =	shalt  }
0x87: {  	_ =	shalt  }
.Lfunc_end0:
.L_simem_size_0:
called_computation_lowered:
.L_overlay_start_0:
0x88: {  	s2 =	sld [smem:$0x3FD9]  }
0x89: {  	s3 =	sld [smem:$0x3FFE];
	_ =	sdelay $0x1  }
0x8a: {  	s1 =	srdreg.scid  }
0x8b: {  	s0 =	sand.u32 $0x1, s1  }
0x8c: {  	s17 =	sshll.u32 s0, $0xA;
	s2 =	sadd.s32 s3, s2  }
0x8d: {  	s2 =	sadd.s32 s2, s17  }
0x8e: {  	[smem:$0x3FBB] =	sst s2  }
0x8f: {  	_ = 	snop  }
0x90: {  	s18 =	sld [smem:$0x3FD0];
	(tm) =	ssettm $0x1  }
0x91: {  	s19 =	sld [smem:$0x3FFB];
	_ =	sdelay $0x3  }
0x92: {  	_ =	strace s19  }
0x93: {  	s2 =	sld [smem:$0x3FFC];
	_ =	sdelay $0x3  }
0x94: {  	_ =	strace s2  }
0x95: {  	s2 =	sld [smem:$0x3FFD];
	_ =	sdelay $0x3  }
0x96: {  	_ =	strace s2  }
0x97: {  	_ =	strace $0x8FFFFFFF  }
0x98: {  	s20 =	sld [smem:$0x3FDB];
	_ =	sdelay $0x1  }
0x99: {  	s4 =	simm.s32 $_scs_section_size  }
0x9a: {  	s5 =	simm.s32 $_size__tile_overlayer_lowered;
	s6 =	simm.s32 $_tile_overlayer_lowered  }
0x9b: {  	s7 =	simm.s32 $0x1BFF;
	s21 =	sshll.u32 s6, $0x1;
	s4 =	sadd.s32 s4, s20  }
0x9c: {  	s22 =	simm.s32 $0x0;
	s5 =	sshll.u32 s5, $0x1;
	s6 =	sadd.s32 s21, s4  }
0x9d: {  	[timem:s22], [sflag:s7] =	dma.local [hbm:s6], s5  }
0x9e: {  	_ =	swait.ge [sflag:s7], s5  }
0x9f: {  	s5 =	ssub.s32 $0x0, s5;
	[sflag:s7] =	ssyncset.done $0x0  }
0xa0: {  	[sflag:s7] =	ssyncadd.s32 s5;
	_ =	sdelay $0x1  }
0xa1: {  	s23 =	simm.s32 $0x1B8B  }
0xa2: {  	_ =	swait.ge [sflag:s23], $0x1  }
0xa3: {  	[sflag:s23] =	ssyncset.done $0x0  }
0xa4: {  	[sflag:s23] =	ssyncadd.s32 $0xFFFFFFFF  }
0xa5: {  	s5 =	sld [smem:$0x0]  }
0xa6: {  	s6 =	sand.u32 $0xFFFFFFFE, s1  }
0xa7: {  	p0 =	sne.s32 s1, s6  }
0xa8: {  	s6 =	sshll.u32 @p0 s6, $0xE  }
0xa9: {  	s6 =	sadd.s32 @p0 $0x11B8D, s6;
	s7 =	sshll.u32 @p0 s5, $0x11  }
0xaa: {  	s6 =	sor.u32 @p0 s7, s6  }
0xab: {  	[sflag:s6] =	ssyncadd.remote.s32 @p0 $0x1;
	_ =	sdelay $0x1  }
0xac: {  	s6 =	simm.s32 @p0 $0x1B8D  }
0xad: {  	_ =	swait.eq @p0 [sflag:s6], $0x1  }
0xae: {  	[sflag:s6] =	ssyncadd.s32 @p0 $0xFFFFFFFF  }
0xaf: {  	s7 =	sshll.u32 @!p0 s1, $0xE  }
0xb0: {  	s7 =	sor.u32 @!p0 $0x4000, s7;
	s6 =	simm.s32 @!p0 $0x1B8D  }
0xb1: {  	s5 =	sshll.u32 @!p0 s5, $0x11;
	s7 =	sadd.s32 @!p0 $0x11B8D, s7;
	_ =	swait.eq @!p0 [sflag:s6], $0x1  }
0xb2: {  	s5 =	sor.u32 @!p0 s5, s7;
	[sflag:s6] =	ssyncadd.s32 @!p0 $0xFFFFFFFF  }
0xb3: {  	s25 =	simm.s32 $0x1B8E;
	s24 =	sld [smem:$0x3FFE];
	[sflag:s5] =	ssyncadd.remote.s32 @!p0 $0x1  }
0xb4: {  	s26 =	simm.s32 $execute0_lowered;
	[smem:$0x3FD2] =	sst s25  }
0xb5: {  	s6 =	sshll.u32 s26, $0x1;
	_ =	strace $0x80000049;
	[dreg:$0x1] =	wrdreg $0xFFFFFFFF  }
0xb6: {  	s28 =	simm.s32 $_size_execute0_lowered;
	s4 =	sadd.s32 s4, s6;
	[dreg:$0x0] =	wrdreg $0x0  }
0xb7: {  	s6 =	sshll.u32 s28, $0x1;
	[dreg:$0x2] =	wrdreg s4  }
0xb8: {  	[dreg:$0x3] =	wrdreg s6  }
0xb9: {  	[dreg:$0x4] =	wrdreg $0xC0  }
0xba: {  	_ =	task [dreg:s22], $0x5FFFF  }
0xbb: {  	[dreg:$0x1] =	wrdreg $0xFFFFFFFF  }
0xbc: {  	[dreg:$0x0] =	wrdreg $0x60  }
0xbd: {  	[dreg:$0x2] =	wrdreg s18  }
0xbe: {  	[dreg:$0x3] =	wrdreg s24  }
0xbf: {  	[dreg:$0x4] =	wrdreg $0x88000  }
0xc0: {  	[dreg:$0x5] =	wrdreg $0x9  }
0xc1: {  	_ =	task.clear_ibuf [dreg:s22], $0x6FFFF;
	_ =	strace $0x90000049  }
0xc2: {  	s29 =	simm.s32 $0x9;
	_ =	strace $0x8000004B  }
0xc3: {  	_ =	swait.ge [sflag:s29], $0x1  }
0xc4: {  	[sflag:s29] =	ssyncadd.s32 $0xFFFFFFFF  }
0xc5: {  	_ =	strace $0x9000004B  }
0xc6: {  	_ =	sfence  }
0xc7: {  	s30 =	sld [smem:$0x0];
	_ =	sdelay $0x2  }
0xc8: {  	s31 =	sshll.u32 s1, $0xD;
	s1 =	sshrl.u32 s1, $0x2  }
0xc9: {  	s4 =	sand.u32 $0x4000, s31;
	s1 =	sadd.s32 s1, s30  }
0xca: {  	s0 =	sor.u32 s4, s0;
	s1 =	sshll.u32 s1, $0x11  }
0xcb: {  	s0 =	sor.u32 s1, s0  }
0xcc: {  	s0 =	sadd.s32 $0x8F2B, s0  }
0xcd: {  	[sflag:s0] =	ssyncadd.remote.s32 $0x1  }
0xce: {  	_ =	sfence.sel $0xFFFF  }
0xcf: {  	[dreg:$0x0] =	wrdreg $0xFFFFFFFF;
	(pc) =	sbr.abs _section_cstart, $3  }
0xd0: {  	[dreg:$0x1] =	wrdreg $0xFFFFFFFF  }
0xd1: {  	_ =	task.clear_ibuf [dreg:s22], $0x2FFFF;
	_ =	strace $0x9FFFFFFF  }
0xd2: {  	(tm) =	ssettm $0x7FFFFFFF  }
0xd3: {  	_ =	shalt  }
tec
execute0_lowered:
.L_overlay_start_1:
0x0: {  	(tag) =	ssettag $0x1  }
0x1: {  	s5 =	rddreg [dreg:$0x0]  }
0x2: {  	s4 =	rddreg [dreg:$0x1]  }
0x3: {  	s1 =	srdreg.scid;
	s0 =	stileid.u32  }
0x4: {  	s2 =	rddreg [dreg:$0x2];
	s3 =	simm.s32 $0x0;
	s17 =	simm.s32 $0x1  }
0x5: {  	s18 =	simm.s32 $0x6800;
	s19 =	simm.s32 $0x80;
	s20 =	simm.s32 $0x2800  }
0x6: {  	s6 =	sand.u32 $0x1, s1;
	s7 =	smul.u32 $0x2800, s0;
	s1 =	rddreg [dreg:$0x3]  }
0x7: {  	s21 =	simm.s32 $0x0;
	[smem:$0x7FF] =	sst s3;
	s10 =	smul.u32 $0x50000, s0  }
0x8: {  	s8 =	smul.u32 $0x28000, s6;
	s9 =	sshll.u32 s6, $0x4;
	_ =	strace $0x8000004A  }
0x9: {  	s6 =	ssub.s32 $0x2, s6;
	s29 =	sor.u32 s0, s9;
	s30 =	sshrl.u32 s10, $0x2  }
0xa: {  	s31 =	sshrl.u32 s6, $0x1;
	s7 =	sadd.s32 s7, s8;
	s8 =	smul.u32 $0x500, s29  }
0xb: {  	s16 =	ssub.s32 s6, s31;
	s15 =	sadd.s32 s7, s4;
	s4 =	sadd.s32 s30, s2  }
0xc: {  	s16 =	smax.u32 s16, $0x1;
	s5 =	sadd.s32 s5, s8;
	s6 =	sadd.s32 $0x2000, s4  }
0xd: {  	s7 =	sadd.s32 $0x4000, s4;
	s8 =	sadd.s32 $0x6000, s4;
	s9 =	sadd.s32 $0x8000, s4  }
0xe: {  	s10 =	sadd.s32 $0xA000, s4;
	s11 =	sadd.s32 $0xC000, s4;
	s12 =	sadd.s32 $0xE000, s4  }
0xf: {  	v0 =	vimm.f32 $1.000000000e+00;
	v1 =	vimm.f32 $0.0e+00;
	s13 =	sadd.s32 $0x10000, s4;
	s14 =	sadd.s32 $0x12000, s4;
	s15 =	sadd.s32 $0xFE600, s15  }
.LBB2_1:
0x10: {  	[tilespmem:s3], [sflag:$0x1] =	stream.linear.gather [hbm4b:s5+s3], $0x2800, $0x38;
	[tilespmem:$0x1C800] =	vst v63  }
0x11: {  	_ =	swait.ge [sflag:s17], $0x2800  }
0x12: {  	[sflag:s17] =	ssyncset.done $0x0  }
0x13: {  	s22 =	simm.s32 $0x0;
	s23 =	simm.s32 $0x0;
	[sflag:s17] =	ssyncadd.s32 $0xFFFFD800  }
.LBB2_2:
0x14: {  	p0 =	sne.s32 s23, $0xFFC0  }
.Ltmp0:
0x15: {  	_ = 	snop;
	(pc) =	sbr.rel @p0 .LBB2_2-.Ltmp0, $4  }
0x16: {  	s24 =	sand.u32 $0xFE00, s23  }
0x17: {  	s25 =	sand.u32 $0x70, s22;
	s24 =	sshrl.u32 s24, $0x2  }
0x18: {  	s24 =	sor.u32 s25, s24  }
0x19: {  	s22 =	sadd.s32 $0x10, s22;
	s23 =	sadd.s32 $0x40, s23;
	[tilespmem:s24+$0x2800] =	vst v0  }
0x1a: {  	s22 =	simm.s32 $0x0  }
0x1b: {  	s23 =	sand.u32 $0x7E00, s22  }
0x1c: {  	s24 =	sand.u32 $0x70, s22;
	s25 =	sshrl.u32 s23, $0x2  }
0x1d: {  	s23 =	simm.s32 $0x40;
	s24 =	sor.u32 s24, s25  }
.LBB2_4:
0x1e: {  	p0 =	sne.s32 s23, $0x7FC0  }
0x1f: {  	[tilespmem:s24+$0x6800] =	vst v1;
	s22 =	sadd.s32 $0x10, s22;
	s24 =	smov.u32 s23;
	s23 =	sadd.s32 $0x40, s23  }
.Ltmp1:
0x20: {  	(pc) =	sbr.rel @p0 .LBB2_4-.Ltmp1, $4  }
0x21: {  	_ = 	snop  }
0x22: {  	s24 =	sand.u32 $0x7E00, s24  }
0x23: {  	s25 =	sand.u32 $0x70, s22;
	s24 =	sshrl.u32 s24, $0x2  }
0x24: {  	s24 =	sor.u32 s25, s24  }
0x25: {  	[tilespmem:s24+$0x6800] =	vst v1  }
0x26: {  	[spmem:s4] =	stream.linear.scatter [tilespmem:s18], [sflag:$0x1], $0x2000, $0x38;
	[tilespmem:$0x1C800] =	vst v63  }
0x27: {  	_ =	swait.ge [sflag:s17], $0x2000  }
0x28: {  	[sflag:s17] =	ssyncset.done $0x0  }
0x29: {  	[sflag:s17] =	ssyncadd.s32 $0xFFFFE000  }
0x2a: {  	[spmem:s6] =	stream.linear.scatter [tilespmem:s18], [sflag:$0x1], $0x2000, $0x38;
	[tilespmem:$0x1C800] =	vst v63  }
0x2b: {  	_ =	swait.ge [sflag:s17], $0x2000  }
0x2c: {  	[sflag:s17] =	ssyncset.done $0x0  }
0x2d: {  	[sflag:s17] =	ssyncadd.s32 $0xFFFFE000  }
0x2e: {  	[spmem:s7] =	stream.linear.scatter [tilespmem:s18], [sflag:$0x1], $0x2000, $0x38;
	[tilespmem:$0x1C800] =	vst v63  }
0x2f: {  	_ =	swait.ge [sflag:s17], $0x2000  }
0x30: {  	[sflag:s17] =	ssyncset.done $0x0  }
0x31: {  	[sflag:s17] =	ssyncadd.s32 $0xFFFFE000  }
0x32: {  	[spmem:s8] =	stream.linear.scatter [tilespmem:s18], [sflag:$0x1], $0x2000, $0x38;
	[tilespmem:$0x1C800] =	vst v63  }
0x33: {  	_ =	swait.ge [sflag:s17], $0x2000  }
0x34: {  	[sflag:s17] =	ssyncset.done $0x0  }
0x35: {  	[sflag:s17] =	ssyncadd.s32 $0xFFFFE000  }
0x36: {  	[spmem:s9] =	stream.linear.scatter [tilespmem:s18], [sflag:$0x1], $0x2000, $0x38;
	[tilespmem:$0x1C800] =	vst v63  }
0x37: {  	_ =	swait.ge [sflag:s17], $0x2000  }
0x38: {  	[sflag:s17] =	ssyncset.done $0x0  }
0x39: {  	[sflag:s17] =	ssyncadd.s32 $0xFFFFE000  }
0x3a: {  	[spmem:s10] =	stream.linear.scatter [tilespmem:s18], [sflag:$0x1], $0x2000, $0x38;
	[tilespmem:$0x1C800] =	vst v63  }
0x3b: {  	_ =	swait.ge [sflag:s17], $0x2000  }
0x3c: {  	[sflag:s17] =	ssyncset.done $0x0  }
0x3d: {  	[sflag:s17] =	ssyncadd.s32 $0xFFFFE000  }
0x3e: {  	[spmem:s11] =	stream.linear.scatter [tilespmem:s18], [sflag:$0x1], $0x2000, $0x38;
	[tilespmem:$0x1C800] =	vst v63  }
0x3f: {  	_ =	swait.ge [sflag:s17], $0x2000  }
0x40: {  	[sflag:s17] =	ssyncset.done $0x0  }
0x41: {  	[sflag:s17] =	ssyncadd.s32 $0xFFFFE000  }
0x42: {  	[spmem:s12] =	stream.linear.scatter [tilespmem:s18], [sflag:$0x1], $0x2000, $0x38;
	[tilespmem:$0x1C800] =	vst v63  }
0x43: {  	_ =	swait.ge [sflag:s17], $0x2000  }
0x44: {  	[sflag:s17] =	ssyncset.done $0x0  }
0x45: {  	[sflag:s17] =	ssyncadd.s32 $0xFFFFE000  }
0x46: {  	[spmem:s13] =	stream.linear.scatter [tilespmem:s18], [sflag:$0x1], $0x2000, $0x38;
	[tilespmem:$0x1C800] =	vst v63  }
0x47: {  	_ =	swait.ge [sflag:s17], $0x2000  }
0x48: {  	[sflag:s17] =	ssyncset.done $0x0  }
0x49: {  	[sflag:s17] =	ssyncadd.s32 $0xFFFFE000  }
0x4a: {  	[spmem:s14] =	stream.linear.scatter [tilespmem:s18], [sflag:$0x1], $0x2000, $0x38;
	[tilespmem:$0x1C800] =	vst v63  }
0x4b: {  	_ =	swait.ge [sflag:s17], $0x2000  }
0x4c: {  	[sflag:s17] =	ssyncset.done $0x0  }
0x4d: {  	[sflag:s17] =	ssyncadd.s32 $0xFFFFE000  }
0x4e: {  	s22 =	simm.s32 $0x0;
	[bflag:$0x0] =	sbarrier.arrive $0xFFFF  }
0x4f: {  	[spmem:s2] =	stream.indirect.scatter.add.f32 [tilespmem:s20], [sflag:$0x1], $0x80, s22, s19, $0xb8;
	[tilespmem:$0x1C800] =	vst v63  }
0x50: {  	_ =	swait.ge [sflag:s17], $0x4000  }
0x51: {  	s22 =	simm.s32 $0x200;
	[sflag:s17] =	ssyncset.done $0x0  }
.LBB2_6:
0x52: {  	s23 =	sshra.s32 s22, $0x2;
	[sflag:s17] =	ssyncadd.s32 $0xFFFFC000;
	p0 =	sne.s32 s22, $0x9E00  }
0x53: {  	[spmem:s2] =	stream.indirect.scatter.add.f32 [tilespmem:s20], [sflag:$0x1], $0x80, s23, s19, $0xb8;
	[tilespmem:$0x1C800] =	vst v63  }
.Ltmp2:
0x54: {  	_ = 	snop;
	(pc) =	sbr.rel @p0 .LBB2_6-.Ltmp2, $4  }
0x55: {  	_ = 	snop  }
0x56: {  	s22 =	sadd.s32 $0x200, s22  }
0x57: {  	_ =	swait.ge [sflag:s17], $0x4000  }
0x58: {  	[sflag:s17] =	ssyncset.done $0x0  }
0x59: {  	[sflag:s17] =	ssyncadd.s32 $0xFFFFC000;
	s21 =	sadd.s32 $0x1, s21  }
0x5a: {  	s22 =	sshll.u32 s0, $0x6;
	s23 =	sshrl.u32 s4, $0x3;
	p0 =	sne.s32 s21, s16  }
.Ltmp3:
0x5b: {  	[bflag:$0x0] =	sbarrier.arrive $0xFFFF;
	s22 =	sor.u32 $0x1C01, s22;
	(pc) =	sbr.rel @p0 .LBB2_1-.Ltmp3, $4  }
0x5c: {  	[hbm:s15], [sflag:s22] =	dma.local [spmem:s23], $0x2800  }
0x5d: {  	_ =	swait.ge [sflag:s17], $0x2800  }
0x5e: {  	[sflag:s17] =	ssyncset.done $0x0  }
0x5f: {  	[sflag:s17] =	ssyncadd.s32 $0xFFFFD800  }
0x60: {  	_ =	sfence.sel $0x180000  }
0x61: {  	[bflag:$0x0] =	sbarrier.arrive $0xFFFF  }
0x62: {  	p0 =	sne.s32 s0, $0x0;
	_ =	strace $0x9000004A  }
0x63: {  	s0 =	sadd.s32 @!p0 $0x100000, s1;
	[bflag:$0x2] =	sbarrier.arrive $0xFFFF  }
0x64: {  	[sflag:s0] =	ssyncadd.tile.s32 @!p0 $0x1;
	_ =	shalt  }
.Lfunc_end2:
_tile_overlayer_lowered:
.L_overlay_start_2:
0x65: {  	(tag) =	ssettag $0x2  }
0x66: {  	s0 =	rddreg [dreg:$0x0];
	s2 =	stileid.u32  }
0x67: {  	s1 =	rddreg [dreg:$0x1];
	p0 =	sne.s32 s2, $0x0  }
0x68: {  	s3 =	rddreg [dreg:$0x2];
	[bflag:$0x3] =	sbarrier.arrive $0xFFFF;
	s2 =	simm.s32 @!p0 $0x1C01  }
0x69: {  	[timem:s3], [sflag:s2] =	dma.local @!p0 [hbm:s0], s1  }
0x6a: {  	s0 =	simm.s32 @!p0 $0x1  }
0x6b: {  	_ =	swait.ge @!p0 [sflag:s0], s1  }
0x6c: {  	s1 =	ssub.s32 @!p0 $0x0, s1;
	[sflag:s0] =	ssyncset.done @!p0 $0x0  }
0x6d: {  	[sflag:s0] =	ssyncadd.s32 @!p0 s1  }
0x6e: {  	[bflag:$0x3] =	sbarrier.arrive $0xFFFF  }
0x6f: {  	_ =	shalt  }

// kernel: kernel.13.cloned.1.call-start
scs
__scs_entry_jumppad:
0x0: {  	(pc) =	sbr.rel $0x88, $3  }
0x1: {  	(tag) =	ssettag $0x0;
	lr =	simm.s32 $0x1  }
0x2: {  	[smem:$0x3F94] =	sst lr;
	_ =	strace $0xD0000000  }
0x3: {  	_ = 	snop  }
0x4: {  	_ = 	snop  }
0x5: {  	_ = 	snop  }
0x6: {  	_ = 	snop  }
0x7: {  	_ = 	snop  }
__scs_overlays_trampoline_lowered:
0x8: {  	[smem:$0x3FA3] =	sst s0  }
0x9: {  	[smem:$0x3FA4] =	sst s1  }
0xa: {  	[smem:$0x3FA5] =	sst s2  }
0xb: {  	[smem:$0x3FA6] =	sst s3  }
0xc: {  	[smem:$0x3FA7] =	sst s4  }
0xd: {  	[smem:$0x3FA8] =	sst s5  }
0xe: {  	[smem:$0x3FA9] =	sst s6  }
0xf: {  	[smem:$0x3FAA] =	sst s7  }
0x10: {  	[smem:$0x3FAB] =	sst s8  }
0x11: {  	[smem:$0x3FAC] =	sst s9;
	s0 =	simm.s32 @!p0 $0x0  }
0x12: {  	s1 =	sld [smem:$0x3F92];
	s0 =	simm.s32 @p0 $0x1  }
0x13: {  	[smem:$0x3FAD] =	sst s0;
	s0 =	simm.s32 @!p1 $0x0  }
0x14: {  	s2 =	sld [smem:$0x3F91];
	s0 =	simm.s32 @p1 $0x1  }
0x15: {  	[smem:$0x3FAE] =	sst s0;
	s0 =	simm.s32 @!p2 $0x0  }
0x16: {  	s3 =	sld [smem:$0x3FDB];
	s0 =	simm.s32 @p2 $0x1  }
0x17: {  	s4 =	simm.s32 $0x1BF5;
	[smem:$0x3FB0] =	sst s0  }
0x18: {  	s0 =	sld [smem:$0x3F93];
	_ =	swait.ge [sflag:s4], $0x0  }
0x19: {  	s7 =	sld [smem:$0x3F94]  }
0x1a: {  	s8 =	sadd.s32 $0xFFFFE003, lr  }
0x1b: {  	s9 =	sadd.s32 $0xFFFFFEF7, lr;
	s5 =	simm.s32 $0xFFFFFFFF;
	p2 =	slt.u32 s8, $0xFFFFF086  }
0x1c: {  	p1 =	slt.u32 s9, $0xF7A;
	s5 =	simm.s32 @!p2 $0x0  }
0x1d: {  	s5 =	simm.s32 @p1 $0x1;
	p0 =	seq.s32 s7, s2  }
0x1e: {  	s7 =	smul.u32 @!p0 $0xF7A, s2;
	p2 =	seq.s32 @!p0 s5, $0x0  }
0x1f: {  	s9 =	smul.u32 $0xF7A, s1;
	s8 =	simm.s32 @!p0 $0x1BF5;
	p2 =	por !p2, p0  }
0x20: {  	[sflag:s8] =	ssyncset.s32 @!p0 $0xFFFFF086;
	s6 =	sadd.s32 @!p0 s3, s7;
	s7 =	simm.s32 @!p0 $0x108  }
0x21: {  	s3 =	sadd.s32 s3, s9;
	s6 =	sadd.s32 @!p0 $0x88, s6;
	s7 =	simm.s32 @p2 $0x1082  }
0x22: {  	[simem:s7], [sflag:s8] =	dma.local @!p0 [hbm:s6], $0xF7A  }
0x23: {  	s9 =	sor.u32 $0xD0000000, s2;
	s6 =	simm.s32 $0x108;
	_ =	swait.ge @!p0 [sflag:s8], $0x0  }
0x24: {  	s3 =	sadd.s32 $0x88, s3;
	s6 =	simm.s32 @!p1 $0x1082;
	[sflag:s4] =	ssyncset.s32 $0xFFFFF086  }
0x25: {  	[simem:s6], [sflag:s4] =	dma.local [hbm:s3], $0xF7A  }
0x26: {  	[smem:$0x3F94] =	sst s1;
	(tag) =	ssettag s2;
	_ =	strace s9  }
0x27: {  	s1 =	sld [smem:$0x3FA4]  }
0x28: {  	s2 =	sld [smem:$0x3FA5]  }
0x29: {  	s4 =	sld [smem:$0x3FA7]  }
0x2a: {  	p0 =	seq.s32 s5, $0x0;
	s5 =	sld [smem:$0x3FA8]  }
0x2b: {  	s6 =	sld [smem:$0x3FA9]  }
0x2c: {  	s7 =	sld [smem:$0x3FAA]  }
0x2d: {  	s3 =	simm.s32 $0x108;
	s8 =	sld [smem:$0x3FAB]  }
0x2e: {  	s3 =	simm.s32 @!p0 $0x1082;
	s9 =	sld [smem:$0x3FAC]  }
0x2f: {  	lr =	sadd.s32 s0, s3;
	s0 =	sld [smem:$0x3FA3]  }
0x30: {  	s3 =	sld [smem:$0x3FA6]  }
0x31: {  	[smem:$0x3FAF] =	sst s10  }
0x32: {  	s10 =	sld [smem:$0x3FAD];
	_ =	sdelay $0x3  }
0x33: {  	p0 =	seq.s32 s10, $0x1;
	s10 =	sld [smem:$0x3FAF];
	_ =	sdelay $0x3  }
0x34: {  	[smem:$0x3FAF] =	sst s10  }
0x35: {  	s10 =	sld [smem:$0x3FAE];
	_ =	sdelay $0x3  }
0x36: {  	p1 =	seq.s32 s10, $0x1;
	s10 =	sld [smem:$0x3FAF];
	_ =	sdelay $0x3  }
0x37: {  	[smem:$0x3FAF] =	sst s10  }
0x38: {  	s10 =	sld [smem:$0x3FB0]  }
0x39: {  	_ = 	snop;
	(pc) =	sbr.ind lr, $3  }
0x3a: {  	_ = 	snop  }
0x3b: {  	_ = 	snop  }
0x3c: {  	p2 =	seq.s32 s10, $0x1;
	s10 =	sld [smem:$0x3FAF]  }
0x3d: {  	_ =	shalt  }
0x3e: {  	_ =	shalt  }
0x3f: {  	_ =	shalt  }
0x40: {  	_ =	shalt  }
0x41: {  	_ =	shalt  }
0x42: {  	_ =	shalt  }
0x43: {  	_ =	shalt  }
0x44: {  	_ =	shalt  }
0x45: {  	_ =	shalt  }
0x46: {  	_ =	shalt  }
0x47: {  	_ =	shalt  }
0x48: {  	_ =	shalt  }
0x49: {  	_ =	shalt  }
0x4a: {  	_ =	shalt  }
0x4b: {  	_ =	shalt  }
0x4c: {  	_ =	shalt  }
0x4d: {  	_ =	shalt  }
0x4e: {  	_ =	shalt  }
0x4f: {  	_ =	shalt  }
0x50: {  	_ =	shalt  }
0x51: {  	_ =	shalt  }
0x52: {  	_ =	shalt  }
0x53: {  	_ =	shalt  }
0x54: {  	_ =	shalt  }
0x55: {  	_ =	shalt  }
0x56: {  	_ =	shalt  }
0x57: {  	_ =	shalt  }
0x58: {  	_ =	shalt  }
0x59: {  	_ =	shalt  }
0x5a: {  	_ =	shalt  }
0x5b: {  	_ =	shalt  }
0x5c: {  	_ =	shalt  }
0x5d: {  	_ =	shalt  }
0x5e: {  	_ =	shalt  }
0x5f: {  	_ =	shalt  }
0x60: {  	_ =	shalt  }
0x61: {  	_ =	shalt  }
0x62: {  	_ =	shalt  }
0x63: {  	_ =	shalt  }
0x64: {  	_ =	shalt  }
0x65: {  	_ =	shalt  }
0x66: {  	_ =	shalt  }
0x67: {  	_ =	shalt  }
0x68: {  	_ =	shalt  }
0x69: {  	_ =	shalt  }
0x6a: {  	_ =	shalt  }
0x6b: {  	_ =	shalt  }
0x6c: {  	_ =	shalt  }
0x6d: {  	_ =	shalt  }
0x6e: {  	_ =	shalt  }
0x6f: {  	_ =	shalt  }
0x70: {  	_ =	shalt  }
0x71: {  	_ =	shalt  }
0x72: {  	_ =	shalt  }
0x73: {  	_ =	shalt  }
0x74: {  	_ =	shalt  }
0x75: {  	_ =	shalt  }
0x76: {  	_ =	shalt  }
0x77: {  	_ =	shalt  }
0x78: {  	_ =	shalt  }
0x79: {  	_ =	shalt  }
0x7a: {  	_ =	shalt  }
0x7b: {  	_ =	shalt  }
0x7c: {  	_ =	shalt  }
0x7d: {  	_ =	shalt  }
0x7e: {  	_ =	shalt  }
0x7f: {  	_ =	shalt  }
0x80: {  	_ =	shalt  }
0x81: {  	_ =	shalt  }
0x82: {  	_ =	shalt  }
0x83: {  	_ =	shalt  }
0x84: {  	_ =	shalt  }
0x85: {  	_ =	shalt  }
0x86: {  	_ =	shalt  }
0x87: {  	_ =	shalt  }
.Lfunc_end0:
.L_simem_size_0:
called_computation.1_lowered:
.L_overlay_start_0:
0x88: {  	s2 =	sld [smem:$0x3FD9]  }
0x89: {  	s3 =	sld [smem:$0x3FFE];
	_ =	sdelay $0x1  }
0x8a: {  	s1 =	srdreg.scid  }
0x8b: {  	s0 =	sand.u32 $0x1, s1  }
0x8c: {  	s17 =	sshll.u32 s0, $0xA;
	s2 =	sadd.s32 s3, s2  }
0x8d: {  	s2 =	sadd.s32 s2, s17  }
0x8e: {  	[smem:$0x3FBB] =	sst s2  }
0x8f: {  	_ = 	snop  }
0x90: {  	s2 =	sld [smem:$0x3FD0];
	(tm) =	ssettm $0x1  }
0x91: {  	s18 =	sld [smem:$0x3FFB];
	_ =	sdelay $0x3  }
0x92: {  	_ =	strace s18  }
0x93: {  	s3 =	sld [smem:$0x3FFC];
	_ =	sdelay $0x3  }
0x94: {  	_ =	strace s3  }
0x95: {  	s3 =	sld [smem:$0x3FFD];
	_ =	sdelay $0x3  }
0x96: {  	_ =	strace s3  }
0x97: {  	_ =	strace $0x8FFFFFFF  }
0x98: {  	s19 =	sld [smem:$0x3FDB];
	_ =	sdelay $0x1  }
0x99: {  	s4 =	simm.s32 $_scs_section_size  }
0x9a: {  	s5 =	simm.s32 $_size__tile_overlayer_lowered;
	s6 =	simm.s32 $_tile_overlayer_lowered  }
0x9b: {  	s22 =	simm.s32 $0x1BFF;
	s21 =	sshll.u32 s6, $0x1;
	s3 =	sadd.s32 s4, s19  }
0x9c: {  	s7 =	simm.s32 $0x0;
	s20 =	sshll.u32 s5, $0x1;
	s5 =	sadd.s32 s21, s3  }
0x9d: {  	[timem:s7], [sflag:s22] =	dma.local [hbm:s5], s20  }
0x9e: {  	_ =	swait.ge [sflag:s22], s20  }
0x9f: {  	s4 =	ssub.s32 $0x0, s20;
	[sflag:s22] =	ssyncset.done $0x0  }
0xa0: {  	[sflag:s22] =	ssyncadd.s32 s4;
	_ =	sdelay $0x1  }
0xa1: {  	s23 =	simm.s32 $0x1B8B  }
0xa2: {  	_ =	swait.ge [sflag:s23], $0x1  }
0xa3: {  	[sflag:s23] =	ssyncset.done $0x0  }
0xa4: {  	s25 =	simm.s32 $0x1B8E;
	s24 =	sld [smem:$0x3FFE];
	[sflag:s23] =	ssyncadd.s32 $0xFFFFFFFF  }
0xa5: {  	s26 =	simm.s32 $execute0_lowered;
	[smem:$0x3FD2] =	sst s25  }
0xa6: {  	s5 =	sshll.u32 s26, $0x1;
	_ =	strace $0x80000046;
	[dreg:$0x1] =	wrdreg $0xFFFFFFFF  }
0xa7: {  	s28 =	simm.s32 $_size_execute0_lowered;
	s3 =	sadd.s32 s3, s5;
	[dreg:$0x0] =	wrdreg $0x0  }
0xa8: {  	s5 =	sshll.u32 s28, $0x1;
	[dreg:$0x2] =	wrdreg s3  }
0xa9: {  	[dreg:$0x3] =	wrdreg s5  }
0xaa: {  	[dreg:$0x4] =	wrdreg $0xC0  }
0xab: {  	_ =	task [dreg:s7], $0x5FFFF  }
0xac: {  	[dreg:$0x1] =	wrdreg $0xFFFFFFFF  }
0xad: {  	[dreg:$0x0] =	wrdreg $0x60  }
0xae: {  	[dreg:$0x2] =	wrdreg s24  }
0xaf: {  	[dreg:$0x3] =	wrdreg s2  }
0xb0: {  	[dreg:$0x4] =	wrdreg $0x90000  }
0xb1: {  	[dreg:$0x5] =	wrdreg $0xA  }
0xb2: {  	_ =	task.clear_ibuf [dreg:s7], $0x6FFFF;
	_ =	strace $0x90000046  }
0xb3: {  	s29 =	simm.s32 $0xA;
	_ =	strace $0x80000048  }
0xb4: {  	_ =	swait.ge [sflag:s29], $0x1  }
0xb5: {  	[sflag:s29] =	ssyncadd.s32 $0xFFFFFFFF  }
0xb6: {  	_ =	strace $0x90000048  }
0xb7: {  	_ =	sfence  }
0xb8: {  	s30 =	sld [smem:$0x0];
	_ =	sdelay $0x2  }
0xb9: {  	s31 =	sshll.u32 s1, $0xD;
	s1 =	sshrl.u32 s1, $0x2  }
0xba: {  	s3 =	sand.u32 $0x4000, s31;
	s1 =	sadd.s32 s1, s30  }
0xbb: {  	s0 =	sor.u32 s3, s0;
	s1 =	sshll.u32 s1, $0x11  }
0xbc: {  	s0 =	sor.u32 s1, s0  }
0xbd: {  	s0 =	sadd.s32 $0x8F2B, s0  }
0xbe: {  	[sflag:s0] =	ssyncadd.remote.s32 $0x1  }
0xbf: {  	_ =	sfence.sel $0xFFFF  }
0xc0: {  	[dreg:$0x0] =	wrdreg $0xFFFFFFFF;
	(pc) =	sbr.abs _section_cstart, $3  }
0xc1: {  	[dreg:$0x1] =	wrdreg $0xFFFFFFFF  }
0xc2: {  	_ =	task.clear_ibuf [dreg:s7], $0x2FFFF;
	_ =	strace $0x9FFFFFFF  }
0xc3: {  	(tm) =	ssettm $0x7FFFFFFF  }
tec
execute0_lowered:
.L_overlay_start_1:
0x0: {  	(tag) =	ssettag $0x1  }
0x1: {  	s0 =	rddreg [dreg:$0x0];
	s1 =	srdreg.scid  }
0x2: {  	s11 =	stileid.u32;
	s5 =	rddreg [dreg:$0x1]  }
0x3: {  	s2 =	rddreg [dreg:$0x2];
	s3 =	simm.s32 $0x0;
	s12 =	simm.s32 $0x880  }
0x4: {  	s14 =	simm.s32 $0x100;
	s15 =	simm.s32 $0x180;
	s16 =	simm.s32 $0x900  }
0x5: {  	s17 =	simm.s32 $0x980;
	s18 =	simm.s32 $0x200;
	[smem:$0x7FF] =	sst s3  }
0x6: {  	s19 =	simm.s32 $0x280;
	_ =	strace $0x80000047;
	[dreg:$0x6] =	wrdreg s12  }
0x7: {  	s20 =	simm.s32 $0xA00;
	s21 =	simm.s32 $0xA80;
	[dreg:$0x7] =	wrdreg s14  }
0x8: {  	s22 =	simm.s32 $0x300;
	s23 =	simm.s32 $0x380;
	[dreg:$0x8] =	wrdreg s15  }
0x9: {  	s24 =	simm.s32 $0xB00;
	s28 =	simm.s32 $0x680;
	[dreg:$0x9] =	wrdreg s16  }
0xa: {  	s29 =	simm.s32 $0xE00;
	s30 =	simm.s32 $0xE80;
	[dreg:$0xa] =	wrdreg s17  }
0xb: {  	s31 =	simm.s32 $0x700;
	s6 =	smul.u32 $0x2800, s11;
	[dreg:$0xb] =	wrdreg s18  }
0xc: {  	s1 =	sand.u32 $0x1, s1;
	s10 =	smul.u32 $0x50000, s11;
	[dreg:$0xc] =	wrdreg s19  }
0xd: {  	s13 =	sshll.u32 s11, $0x6;
	s11 =	simm.s32 $0x800;
	[dreg:$0xd] =	wrdreg s20  }
0xe: {  	s4 =	smul.u32 $0x28000, s1;
	s1 =	ssub.s32 $0x2, s1;
	[dreg:$0xe] =	wrdreg s21  }
0xf: {  	s12 =	simm.s32 $0x80;
	s14 =	simm.s32 $0x5000;
	[dreg:$0xf] =	wrdreg s22  }
0x10: {  	s15 =	simm.s32 $0x1;
	[dreg:$0x10] =	wrdreg s23;
	s16 =	simm.s32 $0x2  }
0x11: {  	[dreg:$0x11] =	wrdreg s24;
	s17 =	simm.s32 $0x3;
	s18 =	simm.s32 $0x4  }
0x12: {  	s19 =	simm.s32 $0x480;
	s20 =	simm.s32 $0xC00;
	s21 =	simm.s32 $0xC80  }
0x13: {  	s22 =	simm.s32 $0x500;
	s23 =	simm.s32 $0x580;
	s24 =	simm.s32 $0xD00  }
0x14: {  	s25 =	sshrl.u32 s1, $0x1;
	s26 =	sshrl.u32 s10, $0x2;
	s7 =	sadd.s32 s6, s4  }
0x15: {  	s4 =	sadd.s32 $0xE600, s0;
	s6 =	sadd.s32 s6, s0;
	s1 =	ssub.s32 s1, s25  }
0x16: {  	s25 =	simm.s32 $0xB80;
	s8 =	sshrl.u32 s7, $0x3;
	s6 =	sadd.s32 $0x86600, s6  }
0x17: {  	s1 =	smax.u32 s1, $0x1;
	[dreg:$0x12] =	wrdreg s25;
	s25 =	simm.s32 $0xD80  }
0x18: {  	s9 =	sadd.s32 s8, s0;
	s0 =	sadd.s32 s7, s0;
	[dreg:$0x14] =	wrdreg s6  }
0x19: {  	s5 =	sadd.s32 s8, s5;
	s7 =	sadd.s32 s26, s2;
	[dreg:$0x17] =	wrdreg s1  }
0x1a: {  	s8 =	sor.u32 $0x1C05, s13;
	s26 =	simm.s32 $0x400;
	[dreg:$0x4] =	wrdreg s5  }
0x1b: {  	s13 =	simm.s32 $0x1000;
	s1 =	simm.s32 $0x780;
	[dreg:$0x13] =	wrdreg s26  }
0x1c: {  	s10 =	sadd.s32 $0x4600, s9;
	s0 =	sadd.s32 $0xAE600, s0;
	[dreg:$0x15] =	wrdreg s8  }
0x1d: {  	s7 =	sshrl.u32 s7, $0x3;
	s26 =	simm.s32 $0x600;
	[dreg:$0x5] =	wrdreg s10  }
0x1e: {  	s5 =	simm.s32 $0xF80;
	s9 =	simm.s32 $0x0;
	[dreg:$0x16] =	wrdreg s0  }
0x1f: {  	s10 =	simm.s32 $0x5;
	s0 =	simm.s32 $0xF00;
	[dreg:$0x18] =	wrdreg s7  }
.LBB2_1:
0x20: {  	[dreg:$0x19] =	wrdreg s9  }
0x21: {  	s6 =	rddreg [dreg:$0x14]  }
0x22: {  	[spmem:s7], [sflag:s8] =	dma.local [hbm:s6], $0x2800  }
0x23: {  	_ =	swait.ge [sflag:s10], $0x2800  }
0x24: {  	[sflag:s10] =	ssyncset.done $0x0  }
0x25: {  	[sflag:s10] =	ssyncadd.s32 $0xFFFFD800  }
0x26: {  	[bflag:$0x0] =	sbarrier.arrive $0xFFFF  }
0x27: {  	s9 =	rddreg [dreg:$0x5]  }
0x28: {  	s6 =	sadd.s32 $0x0, s9  }
0x29: {  	[tilespmem:s3], [sflag:$0x5] =	stream.linear.gather [hbm4b:s6+s3], $0x800, $0x38;
	[tilespmem:$0x1D000] =	vst v63  }
0x2a: {  	_ =	swait.ge [sflag:s10], $0x800  }
0x2b: {  	s7 =	rddreg [dreg:$0x4];
	[sflag:s10] =	ssyncset.done $0x0  }
0x2c: {  	[sflag:s10] =	ssyncadd.s32 $0xFFFFF800;
	s6 =	sadd.s32 $0x0, s7  }
0x2d: {  	[tilespmem:s11], [sflag:$0x5] =	stream.linear.gather [hbm4b:s6+s3], $0x800, $0x38;
	[tilespmem:$0x1D000] =	vst v63  }
0x2e: {  	_ =	swait.ge [sflag:s10], $0x800  }
0x2f: {  	[sflag:s10] =	ssyncset.done $0x0  }
0x30: {  	[sflag:s10] =	ssyncadd.s32 $0xFFFFF800  }
0x31: {  	[tilespmem:s13], [sflag:$0x1] =	stream.indirect.gather [hbm4b:s4+s12], $0x80, s3, s12, $0xb8;
	[tilespmem:$0x1D000] =	vst v63  }
0x32: {  	_ = 	snop  }
0x33: {  	[tilespmem:s14], [sflag:$0x2] =	stream.indirect.gather [hbm4b:s4+s12], $0x80, s12, s12, $0xb8;
	[tilespmem:$0x1D000] =	vst v63  }
0x34: {  	_ =	swait.ge [sflag:s15], $0x4000  }
0x35: {  	[sflag:s15] =	ssyncset.done $0x0  }
0x36: {  	[sflag:s15] =	ssyncadd.s32 $0xFFFFC000  }
0x37: {  	[spmem:s2] =	stream.indirect.scatter.add.f32 [tilespmem:s13], [sflag:$0x3], $0x80, s11, s12, $0xb8;
	[tilespmem:$0x1D000] =	vst v63  }
0x38: {  	_ =	swait.ge [sflag:s16], $0x4000  }
0x39: {  	[sflag:s16] =	ssyncset.done $0x0  }
0x3a: {  	s8 =	rddreg [dreg:$0x6];
	[sflag:s16] =	ssyncadd.s32 $0xFFFFC000  }
0x3b: {  	[spmem:s2] =	stream.indirect.scatter.add.f32 [tilespmem:s14], [sflag:$0x4], $0x80, s8, s12, $0xb8;
	[tilespmem:$0x1D000] =	vst v63  }
0x3c: {  	_ =	swait.ge [sflag:s17], $0x4000  }
0x3d: {  	[sflag:s17] =	ssyncset.done $0x0  }
0x3e: {  	s9 =	rddreg [dreg:$0x7];
	[sflag:s17] =	ssyncadd.s32 $0xFFFFC000  }
0x3f: {  	[tilespmem:s13], [sflag:$0x1] =	stream.indirect.gather [hbm4b:s4+s12], $0x80, s9, s12, $0xb8;
	[tilespmem:$0x1D000] =	vst v63  }
0x40: {  	_ =	swait.ge [sflag:s18], $0x4000  }
0x41: {  	[sflag:s18] =	ssyncset.done $0x0  }
0x42: {  	s7 =	rddreg [dreg:$0x8];
	[sflag:s18] =	ssyncadd.s32 $0xFFFFC000  }
0x43: {  	[tilespmem:s14], [sflag:$0x2] =	stream.indirect.gather [hbm4b:s4+s12], $0x80, s7, s12, $0xb8;
	[tilespmem:$0x1D000] =	vst v63  }
0x44: {  	_ =	swait.ge [sflag:s15], $0x4000  }
0x45: {  	[sflag:s15] =	ssyncset.done $0x0  }
0x46: {  	s8 =	rddreg [dreg:$0x9];
	[sflag:s15] =	ssyncadd.s32 $0xFFFFC000  }
0x47: {  	[spmem:s2] =	stream.indirect.scatter.add.f32 [tilespmem:s13], [sflag:$0x3], $0x80, s8, s12, $0xb8;
	[tilespmem:$0x1D000] =	vst v63  }
0x48: {  	_ =	swait.ge [sflag:s16], $0x4000  }
0x49: {  	[sflag:s16] =	ssyncset.done $0x0  }
0x4a: {  	s9 =	rddreg [dreg:$0xa];
	[sflag:s16] =	ssyncadd.s32 $0xFFFFC000  }
0x4b: {  	[spmem:s2] =	stream.indirect.scatter.add.f32 [tilespmem:s14], [sflag:$0x4], $0x80, s9, s12, $0xb8;
	[tilespmem:$0x1D000] =	vst v63  }
0x4c: {  	_ =	swait.ge [sflag:s17], $0x4000  }
0x4d: {  	[sflag:s17] =	ssyncset.done $0x0  }
0x4e: {  	s7 =	rddreg [dreg:$0xb];
	[sflag:s17] =	ssyncadd.s32 $0xFFFFC000  }
0x4f: {  	[tilespmem:s13], [sflag:$0x1] =	stream.indirect.gather [hbm4b:s4+s12], $0x80, s7, s12, $0xb8;
	[tilespmem:$0x1D000] =	vst v63  }
0x50: {  	_ =	swait.ge [sflag:s18], $0x4000  }
0x51: {  	[sflag:s18] =	ssyncset.done $0x0  }
0x52: {  	s8 =	rddreg [dreg:$0xc];
	[sflag:s18] =	ssyncadd.s32 $0xFFFFC000  }
0x53: {  	[tilespmem:s14], [sflag:$0x2] =	stream.indirect.gather [hbm4b:s4+s12], $0x80, s8, s12, $0xb8;
	[tilespmem:$0x1D000] =	vst v63  }
0x54: {  	_ =	swait.ge [sflag:s15], $0x4000  }
0x55: {  	[sflag:s15] =	ssyncset.done $0x0  }
0x56: {  	s9 =	rddreg [dreg:$0xd];
	[sflag:s15] =	ssyncadd.s32 $0xFFFFC000  }
0x57: {  	[spmem:s2] =	stream.indirect.scatter.add.f32 [tilespmem:s13], [sflag:$0x3], $0x80, s9, s12, $0xb8;
	[tilespmem:$0x1D000] =	vst v63  }
0x58: {  	_ =	swait.ge [sflag:s16], $0x4000  }
0x59: {  	[sflag:s16] =	ssyncset.done $0x0  }
0x5a: {  	s7 =	rddreg [dreg:$0xe];
	[sflag:s16] =	ssyncadd.s32 $0xFFFFC000  }
0x5b: {  	[spmem:s2] =	stream.indirect.scatter.add.f32 [tilespmem:s14], [sflag:$0x4], $0x80, s7, s12, $0xb8;
	[tilespmem:$0x1D000] =	vst v63  }
0x5c: {  	_ =	swait.ge [sflag:s17], $0x4000  }
0x5d: {  	[sflag:s17] =	ssyncset.done $0x0  }
0x5e: {  	s8 =	rddreg [dreg:$0xf];
	[sflag:s17] =	ssyncadd.s32 $0xFFFFC000  }
0x5f: {  	[tilespmem:s13], [sflag:$0x1] =	stream.indirect.gather [hbm4b:s4+s12], $0x80, s8, s12, $0xb8;
	[tilespmem:$0x1D000] =	vst v63  }
0x60: {  	_ =	swait.ge [sflag:s18], $0x4000  }
0x61: {  	[sflag:s18] =	ssyncset.done $0x0  }
0x62: {  	s9 =	rddreg [dreg:$0x10];
	[sflag:s18] =	ssyncadd.s32 $0xFFFFC000  }
0x63: {  	[tilespmem:s14], [sflag:$0x2] =	stream.indirect.gather [hbm4b:s4+s12], $0x80, s9, s12, $0xb8;
	[tilespmem:$0x1D000] =	vst v63  }
0x64: {  	_ =	swait.ge [sflag:s15], $0x4000  }
0x65: {  	[sflag:s15] =	ssyncset.done $0x0  }
0x66: {  	s7 =	rddreg [dreg:$0x11];
	[sflag:s15] =	ssyncadd.s32 $0xFFFFC000  }
0x67: {  	[spmem:s2] =	stream.indirect.scatter.add.f32 [tilespmem:s13], [sflag:$0x3], $0x80, s7, s12, $0xb8;
	[tilespmem:$0x1D000] =	vst v63  }
0x68: {  	_ =	swait.ge [sflag:s16], $0x4000  }
0x69: {  	[sflag:s16] =	ssyncset.done $0x0  }
0x6a: {  	s8 =	rddreg [dreg:$0x12];
	[sflag:s16] =	ssyncadd.s32 $0xFFFFC000  }
0x6b: {  	[spmem:s2] =	stream.indirect.scatter.add.f32 [tilespmem:s14], [sflag:$0x4], $0x80, s8, s12, $0xb8;
	[tilespmem:$0x1D000] =	vst v63  }
0x6c: {  	_ =	swait.ge [sflag:s17], $0x4000  }
0x6d: {  	[sflag:s17] =	ssyncset.done $0x0  }
0x6e: {  	s9 =	rddreg [dreg:$0x13];
	[sflag:s17] =	ssyncadd.s32 $0xFFFFC000  }
0x6f: {  	[tilespmem:s13], [sflag:$0x1] =	stream.indirect.gather [hbm4b:s4+s12], $0x80, s9, s12, $0xb8;
	[tilespmem:$0x1D000] =	vst v63  }
0x70: {  	_ =	swait.ge [sflag:s18], $0x4000  }
0x71: {  	[sflag:s18] =	ssyncset.done $0x0  }
0x72: {  	[sflag:s18] =	ssyncadd.s32 $0xFFFFC000  }
0x73: {  	[tilespmem:s14], [sflag:$0x2] =	stream.indirect.gather [hbm4b:s4+s12], $0x80, s19, s12, $0xb8;
	[tilespmem:$0x1D000] =	vst v63  }
0x74: {  	_ =	swait.ge [sflag:s15], $0x4000  }
0x75: {  	[sflag:s15] =	ssyncset.done $0x0  }
0x76: {  	[sflag:s15] =	ssyncadd.s32 $0xFFFFC000  }
0x77: {  	[spmem:s2] =	stream.indirect.scatter.add.f32 [tilespmem:s13], [sflag:$0x3], $0x80, s20, s12, $0xb8;
	[tilespmem:$0x1D000] =	vst v63  }
0x78: {  	_ =	swait.ge [sflag:s16], $0x4000  }
0x79: {  	[sflag:s16] =	ssyncset.done $0x0  }
0x7a: {  	[sflag:s16] =	ssyncadd.s32 $0xFFFFC000  }
0x7b: {  	[spmem:s2] =	stream.indirect.scatter.add.f32 [tilespmem:s14], [sflag:$0x4], $0x80, s21, s12, $0xb8;
	[tilespmem:$0x1D000] =	vst v63  }
0x7c: {  	_ =	swait.ge [sflag:s17], $0x4000  }
0x7d: {  	[sflag:s17] =	ssyncset.done $0x0  }
0x7e: {  	[sflag:s17] =	ssyncadd.s32 $0xFFFFC000  }
0x7f: {  	[tilespmem:s13], [sflag:$0x1] =	stream.indirect.gather [hbm4b:s4+s12], $0x80, s22, s12, $0xb8;
	[tilespmem:$0x1D000] =	vst v63  }
0x80: {  	_ =	swait.ge [sflag:s18], $0x4000  }
0x81: {  	[sflag:s18] =	ssyncset.done $0x0  }
0x82: {  	[sflag:s18] =	ssyncadd.s32 $0xFFFFC000  }
0x83: {  	[tilespmem:s14], [sflag:$0x2] =	stream.indirect.gather [hbm4b:s4+s12], $0x80, s23, s12, $0xb8;
	[tilespmem:$0x1D000] =	vst v63  }
0x84: {  	_ =	swait.ge [sflag:s15], $0x4000  }
0x85: {  	[sflag:s15] =	ssyncset.done $0x0  }
0x86: {  	[sflag:s15] =	ssyncadd.s32 $0xFFFFC000  }
0x87: {  	[spmem:s2] =	stream.indirect.scatter.add.f32 [tilespmem:s13], [sflag:$0x3], $0x80, s24, s12, $0xb8;
	[tilespmem:$0x1D000] =	vst v63  }
0x88: {  	_ =	swait.ge [sflag:s16], $0x4000  }
0x89: {  	[sflag:s16] =	ssyncset.done $0x0  }
0x8a: {  	[sflag:s16] =	ssyncadd.s32 $0xFFFFC000  }
0x8b: {  	[spmem:s2] =	stream.indirect.scatter.add.f32 [tilespmem:s14], [sflag:$0x4], $0x80, s25, s12, $0xb8;
	[tilespmem:$0x1D000] =	vst v63  }
0x8c: {  	_ =	swait.ge [sflag:s17], $0x4000  }
0x8d: {  	[sflag:s17] =	ssyncset.done $0x0  }
0x8e: {  	[sflag:s17] =	ssyncadd.s32 $0xFFFFC000  }
0x8f: {  	[tilespmem:s13], [sflag:$0x1] =	stream.indirect.gather [hbm4b:s4+s12], $0x80, s26, s12, $0xb8;
	[tilespmem:$0x1D000] =	vst v63  }
0x90: {  	_ =	swait.ge [sflag:s18], $0x4000  }
0x91: {  	[sflag:s18] =	ssyncset.done $0x0  }
0x92: {  	[sflag:s18] =	ssyncadd.s32 $0xFFFFC000  }
0x93: {  	[tilespmem:s14], [sflag:$0x2] =	stream.indirect.gather [hbm4b:s4+s12], $0x80, s28, s12, $0xb8;
	[tilespmem:$0x1D000] =	vst v63  }
0x94: {  	_ =	swait.ge [sflag:s15], $0x4000  }
0x95: {  	[sflag:s15] =	ssyncset.done $0x0  }
0x96: {  	[sflag:s15] =	ssyncadd.s32 $0xFFFFC000  }
0x97: {  	[spmem:s2] =	stream.indirect.scatter.add.f32 [tilespmem:s13], [sflag:$0x3], $0x80, s29, s12, $0xb8;
	[tilespmem:$0x1D000] =	vst v63  }
0x98: {  	_ =	swait.ge [sflag:s16], $0x4000  }
0x99: {  	[sflag:s16] =	ssyncset.done $0x0  }
0x9a: {  	[sflag:s16] =	ssyncadd.s32 $0xFFFFC000  }
0x9b: {  	[spmem:s2] =	stream.indirect.scatter.add.f32 [tilespmem:s14], [sflag:$0x4], $0x80, s30, s12, $0xb8;
	[tilespmem:$0x1D000] =	vst v63  }
0x9c: {  	_ =	swait.ge [sflag:s17], $0x4000  }
0x9d: {  	[sflag:s17] =	ssyncset.done $0x0  }
0x9e: {  	[sflag:s17] =	ssyncadd.s32 $0xFFFFC000  }
0x9f: {  	[tilespmem:s13], [sflag:$0x1] =	stream.indirect.gather [hbm4b:s4+s12], $0x80, s31, s12, $0xb8;
	[tilespmem:$0x1D000] =	vst v63  }
0xa0: {  	_ =	swait.ge [sflag:s18], $0x4000  }
0xa1: {  	[sflag:s18] =	ssyncset.done $0x0  }
0xa2: {  	[sflag:s18] =	ssyncadd.s32 $0xFFFFC000  }
0xa3: {  	[tilespmem:s14], [sflag:$0x2] =	stream.indirect.gather [hbm4b:s4+s12], $0x80, s1, s12, $0xb8;
	[tilespmem:$0x1D000] =	vst v63  }
0xa4: {  	_ =	swait.ge [sflag:s15], $0x4000  }
0xa5: {  	[sflag:s15] =	ssyncset.done $0x0  }
0xa6: {  	[sflag:s15] =	ssyncadd.s32 $0xFFFFC000  }
0xa7: {  	[spmem:s2] =	stream.indirect.scatter.add.f32 [tilespmem:s13], [sflag:$0x3], $0x80, s0, s12, $0xb8;
	[tilespmem:$0x1D000] =	vst v63  }
0xa8: {  	_ =	swait.ge [sflag:s16], $0x4000  }
0xa9: {  	[sflag:s16] =	ssyncset.done $0x0  }
0xaa: {  	[sflag:s16] =	ssyncadd.s32 $0xFFFFC000  }
0xab: {  	[spmem:s2] =	stream.indirect.scatter.add.f32 [tilespmem:s14], [sflag:$0x4], $0x80, s5, s12, $0xb8;
	[tilespmem:$0x1D000] =	vst v63  }
0xac: {  	_ =	swait.ge [sflag:s17], $0x4000  }
0xad: {  	[sflag:s17] =	ssyncset.done $0x0  }
0xae: {  	[sflag:s17] =	ssyncadd.s32 $0xFFFFC000  }
0xaf: {  	s6 =	simm.s32 $0x200;
	_ =	swait.ge [sflag:s18], $0x4000  }
0xb0: {  	s8 =	simm.s32 $0x100;
	s9 =	rddreg [dreg:$0x5];
	[sflag:s18] =	ssyncset.done $0x0  }
.LBB2_2:
0xb1: {  	[sflag:s18] =	ssyncadd.s32 $0xFFFFC000;
	s9 =	sadd.s32 s8, s9  }
0xb2: {  	[tilespmem:s3], [sflag:$0x5] =	stream.linear.gather [hbm4b:s9+s3], $0x800, $0x38;
	[tilespmem:$0x1D000] =	vst v63  }
0xb3: {  	_ =	swait.ge [sflag:s10], $0x800  }
0xb4: {  	s9 =	rddreg [dreg:$0x4];
	[sflag:s10] =	ssyncset.done $0x0  }
0xb5: {  	[sflag:s10] =	ssyncadd.s32 $0xFFFFF800;
	s9 =	sadd.s32 s8, s9  }
0xb6: {  	[tilespmem:s11], [sflag:$0x5] =	stream.linear.gather [hbm4b:s9+s3], $0x800, $0x38;
	[tilespmem:$0x1D000] =	vst v63  }
0xb7: {  	_ =	swait.ge [sflag:s10], $0x800  }
0xb8: {  	[sflag:s10] =	ssyncset.done $0x0  }
0xb9: {  	[sflag:s10] =	ssyncadd.s32 $0xFFFFF800  }
0xba: {  	[tilespmem:s13], [sflag:$0x1] =	stream.indirect.gather [hbm4b:s4+s12], $0x80, s3, s12, $0xb8;
	[tilespmem:$0x1D000] =	vst v63  }
0xbb: {  	_ = 	snop  }
0xbc: {  	[tilespmem:s14], [sflag:$0x2] =	stream.indirect.gather [hbm4b:s4+s12], $0x80, s12, s12, $0xb8;
	[tilespmem:$0x1D000] =	vst v63  }
0xbd: {  	_ =	swait.ge [sflag:s15], $0x4000  }
0xbe: {  	[sflag:s15] =	ssyncset.done $0x0  }
0xbf: {  	[sflag:s15] =	ssyncadd.s32 $0xFFFFC000  }
0xc0: {  	[spmem:s2] =	stream.indirect.scatter.add.f32 [tilespmem:s13], [sflag:$0x3], $0x80, s11, s12, $0xb8;
	[tilespmem:$0x1D000] =	vst v63  }
0xc1: {  	_ =	swait.ge [sflag:s16], $0x4000  }
0xc2: {  	[sflag:s16] =	ssyncset.done $0x0  }
0xc3: {  	s9 =	rddreg [dreg:$0x6];
	[sflag:s16] =	ssyncadd.s32 $0xFFFFC000  }
0xc4: {  	[spmem:s2] =	stream.indirect.scatter.add.f32 [tilespmem:s14], [sflag:$0x4], $0x80, s9, s12, $0xb8;
	[tilespmem:$0x1D000] =	vst v63  }
0xc5: {  	_ =	swait.ge [sflag:s17], $0x4000  }
0xc6: {  	[sflag:s17] =	ssyncset.done $0x0  }
0xc7: {  	s9 =	rddreg [dreg:$0x7];
	[sflag:s17] =	ssyncadd.s32 $0xFFFFC000  }
0xc8: {  	[tilespmem:s13], [sflag:$0x1] =	stream.indirect.gather [hbm4b:s4+s12], $0x80, s9, s12, $0xb8;
	[tilespmem:$0x1D000] =	vst v63  }
0xc9: {  	_ =	swait.ge [sflag:s18], $0x4000  }
0xca: {  	[sflag:s18] =	ssyncset.done $0x0  }
0xcb: {  	s9 =	rddreg [dreg:$0x8];
	[sflag:s18] =	ssyncadd.s32 $0xFFFFC000  }
0xcc: {  	[tilespmem:s14], [sflag:$0x2] =	stream.indirect.gather [hbm4b:s4+s12], $0x80, s9, s12, $0xb8;
	[tilespmem:$0x1D000] =	vst v63  }
0xcd: {  	_ =	swait.ge [sflag:s15], $0x4000  }
0xce: {  	[sflag:s15] =	ssyncset.done $0x0  }
0xcf: {  	s9 =	rddreg [dreg:$0x9];
	[sflag:s15] =	ssyncadd.s32 $0xFFFFC000  }
0xd0: {  	[spmem:s2] =	stream.indirect.scatter.add.f32 [tilespmem:s13], [sflag:$0x3], $0x80, s9, s12, $0xb8;
	[tilespmem:$0x1D000] =	vst v63  }
0xd1: {  	_ =	swait.ge [sflag:s16], $0x4000  }
0xd2: {  	[sflag:s16] =	ssyncset.done $0x0  }
0xd3: {  	s9 =	rddreg [dreg:$0xa];
	[sflag:s16] =	ssyncadd.s32 $0xFFFFC000  }
0xd4: {  	[spmem:s2] =	stream.indirect.scatter.add.f32 [tilespmem:s14], [sflag:$0x4], $0x80, s9, s12, $0xb8;
	[tilespmem:$0x1D000] =	vst v63  }
0xd5: {  	_ =	swait.ge [sflag:s17], $0x4000  }
0xd6: {  	[sflag:s17] =	ssyncset.done $0x0  }
0xd7: {  	s9 =	rddreg [dreg:$0xb];
	[sflag:s17] =	ssyncadd.s32 $0xFFFFC000  }
0xd8: {  	[tilespmem:s13], [sflag:$0x1] =	stream.indirect.gather [hbm4b:s4+s12], $0x80, s9, s12, $0xb8;
	[tilespmem:$0x1D000] =	vst v63  }
0xd9: {  	_ =	swait.ge [sflag:s18], $0x4000  }
0xda: {  	[sflag:s18] =	ssyncset.done $0x0  }
0xdb: {  	s9 =	rddreg [dreg:$0xc];
	[sflag:s18] =	ssyncadd.s32 $0xFFFFC000  }
0xdc: {  	[tilespmem:s14], [sflag:$0x2] =	stream.indirect.gather [hbm4b:s4+s12], $0x80, s9, s12, $0xb8;
	[tilespmem:$0x1D000] =	vst v63  }
0xdd: {  	_ =	swait.ge [sflag:s15], $0x4000  }
0xde: {  	[sflag:s15] =	ssyncset.done $0x0  }
0xdf: {  	s9 =	rddreg [dreg:$0xd];
	[sflag:s15] =	ssyncadd.s32 $0xFFFFC000  }
0xe0: {  	[spmem:s2] =	stream.indirect.scatter.add.f32 [tilespmem:s13], [sflag:$0x3], $0x80, s9, s12, $0xb8;
	[tilespmem:$0x1D000] =	vst v63  }
0xe1: {  	_ =	swait.ge [sflag:s16], $0x4000  }
0xe2: {  	[sflag:s16] =	ssyncset.done $0x0  }
0xe3: {  	s9 =	rddreg [dreg:$0xe];
	[sflag:s16] =	ssyncadd.s32 $0xFFFFC000  }
0xe4: {  	[spmem:s2] =	stream.indirect.scatter.add.f32 [tilespmem:s14], [sflag:$0x4], $0x80, s9, s12, $0xb8;
	[tilespmem:$0x1D000] =	vst v63  }
0xe5: {  	_ =	swait.ge [sflag:s17], $0x4000  }
0xe6: {  	[sflag:s17] =	ssyncset.done $0x0  }
0xe7: {  	s9 =	rddreg [dreg:$0xf];
	[sflag:s17] =	ssyncadd.s32 $0xFFFFC000  }
0xe8: {  	[tilespmem:s13], [sflag:$0x1] =	stream.indirect.gather [hbm4b:s4+s12], $0x80, s9, s12, $0xb8;
	[tilespmem:$0x1D000] =	vst v63  }
0xe9: {  	_ =	swait.ge [sflag:s18], $0x4000  }
0xea: {  	[sflag:s18] =	ssyncset.done $0x0  }
0xeb: {  	s9 =	rddreg [dreg:$0x10];
	[sflag:s18] =	ssyncadd.s32 $0xFFFFC000  }
0xec: {  	[tilespmem:s14], [sflag:$0x2] =	stream.indirect.gather [hbm4b:s4+s12], $0x80, s9, s12, $0xb8;
	[tilespmem:$0x1D000] =	vst v63  }
0xed: {  	_ =	swait.ge [sflag:s15], $0x4000  }
0xee: {  	[sflag:s15] =	ssyncset.done $0x0  }
0xef: {  	s9 =	rddreg [dreg:$0x11];
	[sflag:s15] =	ssyncadd.s32 $0xFFFFC000  }
0xf0: {  	[spmem:s2] =	stream.indirect.scatter.add.f32 [tilespmem:s13], [sflag:$0x3], $0x80, s9, s12, $0xb8;
	[tilespmem:$0x1D000] =	vst v63  }
0xf1: {  	_ =	swait.ge [sflag:s16], $0x4000  }
0xf2: {  	[sflag:s16] =	ssyncset.done $0x0  }
0xf3: {  	s9 =	rddreg [dreg:$0x12];
	[sflag:s16] =	ssyncadd.s32 $0xFFFFC000  }
0xf4: {  	[spmem:s2] =	stream.indirect.scatter.add.f32 [tilespmem:s14], [sflag:$0x4], $0x80, s9, s12, $0xb8;
	[tilespmem:$0x1D000] =	vst v63  }
0xf5: {  	_ =	swait.ge [sflag:s17], $0x4000  }
0xf6: {  	[sflag:s17] =	ssyncset.done $0x0  }
0xf7: {  	s9 =	rddreg [dreg:$0x13];
	[sflag:s17] =	ssyncadd.s32 $0xFFFFC000  }
0xf8: {  	[tilespmem:s13], [sflag:$0x1] =	stream.indirect.gather [hbm4b:s4+s12], $0x80, s9, s12, $0xb8;
	[tilespmem:$0x1D000] =	vst v63  }
0xf9: {  	_ =	swait.ge [sflag:s18], $0x4000  }
0xfa: {  	[sflag:s18] =	ssyncset.done $0x0  }
0xfb: {  	[sflag:s18] =	ssyncadd.s32 $0xFFFFC000  }
0xfc: {  	[tilespmem:s14], [sflag:$0x2] =	stream.indirect.gather [hbm4b:s4+s12], $0x80, s19, s12, $0xb8;
	[tilespmem:$0x1D000] =	vst v63  }
0xfd: {  	_ =	swait.ge [sflag:s15], $0x4000  }
0xfe: {  	[sflag:s15] =	ssyncset.done $0x0  }
0xff: {  	[sflag:s15] =	ssyncadd.s32 $0xFFFFC000  }
0x100: {  	[spmem:s2] =	stream.indirect.scatter.add.f32 [tilespmem:s13], [sflag:$0x3], $0x80, s20, s12, $0xb8;
	[tilespmem:$0x1D000] =	vst v63  }
0x101: {  	_ =	swait.ge [sflag:s16], $0x4000  }
0x102: {  	[sflag:s16] =	ssyncset.done $0x0  }
0x103: {  	[sflag:s16] =	ssyncadd.s32 $0xFFFFC000  }
0x104: {  	[spmem:s2] =	stream.indirect.scatter.add.f32 [tilespmem:s14], [sflag:$0x4], $0x80, s21, s12, $0xb8;
	[tilespmem:$0x1D000] =	vst v63  }
0x105: {  	_ =	swait.ge [sflag:s17], $0x4000  }
0x106: {  	[sflag:s17] =	ssyncset.done $0x0  }
0x107: {  	[sflag:s17] =	ssyncadd.s32 $0xFFFFC000  }
0x108: {  	[tilespmem:s13], [sflag:$0x1] =	stream.indirect.gather [hbm4b:s4+s12], $0x80, s22, s12, $0xb8;
	[tilespmem:$0x1D000] =	vst v63  }
0x109: {  	_ =	swait.ge [sflag:s18], $0x4000  }
0x10a: {  	[sflag:s18] =	ssyncset.done $0x0  }
0x10b: {  	[sflag:s18] =	ssyncadd.s32 $0xFFFFC000  }
0x10c: {  	[tilespmem:s14], [sflag:$0x2] =	stream.indirect.gather [hbm4b:s4+s12], $0x80, s23, s12, $0xb8;
	[tilespmem:$0x1D000] =	vst v63  }
0x10d: {  	_ =	swait.ge [sflag:s15], $0x4000  }
0x10e: {  	[sflag:s15] =	ssyncset.done $0x0  }
0x10f: {  	[sflag:s15] =	ssyncadd.s32 $0xFFFFC000  }
0x110: {  	[spmem:s2] =	stream.indirect.scatter.add.f32 [tilespmem:s13], [sflag:$0x3], $0x80, s24, s12, $0xb8;
	[tilespmem:$0x1D000] =	vst v63  }
0x111: {  	_ =	swait.ge [sflag:s16], $0x4000  }
0x112: {  	[sflag:s16] =	ssyncset.done $0x0  }
0x113: {  	[sflag:s16] =	ssyncadd.s32 $0xFFFFC000  }
0x114: {  	[spmem:s2] =	stream.indirect.scatter.add.f32 [tilespmem:s14], [sflag:$0x4], $0x80, s25, s12, $0xb8;
	[tilespmem:$0x1D000] =	vst v63  }
0x115: {  	_ =	swait.ge [sflag:s17], $0x4000  }
0x116: {  	[sflag:s17] =	ssyncset.done $0x0  }
0x117: {  	[sflag:s17] =	ssyncadd.s32 $0xFFFFC000  }
0x118: {  	[tilespmem:s13], [sflag:$0x1] =	stream.indirect.gather [hbm4b:s4+s12], $0x80, s26, s12, $0xb8;
	[tilespmem:$0x1D000] =	vst v63  }
0x119: {  	_ =	swait.ge [sflag:s18], $0x4000  }
0x11a: {  	[sflag:s18] =	ssyncset.done $0x0  }
0x11b: {  	[sflag:s18] =	ssyncadd.s32 $0xFFFFC000  }
0x11c: {  	[tilespmem:s14], [sflag:$0x2] =	stream.indirect.gather [hbm4b:s4+s12], $0x80, s28, s12, $0xb8;
	[tilespmem:$0x1D000] =	vst v63  }
0x11d: {  	_ =	swait.ge [sflag:s15], $0x4000  }
0x11e: {  	[sflag:s15] =	ssyncset.done $0x0  }
0x11f: {  	[sflag:s15] =	ssyncadd.s32 $0xFFFFC000  }
0x120: {  	[spmem:s2] =	stream.indirect.scatter.add.f32 [tilespmem:s13], [sflag:$0x3], $0x80, s29, s12, $0xb8;
	[tilespmem:$0x1D000] =	vst v63  }
0x121: {  	_ =	swait.ge [sflag:s16], $0x4000  }
0x122: {  	[sflag:s16] =	ssyncset.done $0x0  }
0x123: {  	[sflag:s16] =	ssyncadd.s32 $0xFFFFC000  }
0x124: {  	[spmem:s2] =	stream.indirect.scatter.add.f32 [tilespmem:s14], [sflag:$0x4], $0x80, s30, s12, $0xb8;
	[tilespmem:$0x1D000] =	vst v63  }
0x125: {  	_ =	swait.ge [sflag:s17], $0x4000  }
0x126: {  	[sflag:s17] =	ssyncset.done $0x0  }
0x127: {  	[sflag:s17] =	ssyncadd.s32 $0xFFFFC000  }
0x128: {  	[tilespmem:s13], [sflag:$0x1] =	stream.indirect.gather [hbm4b:s4+s12], $0x80, s31, s12, $0xb8;
	[tilespmem:$0x1D000] =	vst v63  }
0x129: {  	_ =	swait.ge [sflag:s18], $0x4000  }
0x12a: {  	[sflag:s18] =	ssyncset.done $0x0  }
0x12b: {  	[sflag:s18] =	ssyncadd.s32 $0xFFFFC000  }
0x12c: {  	[tilespmem:s14], [sflag:$0x2] =	stream.indirect.gather [hbm4b:s4+s12], $0x80, s1, s12, $0xb8;
	[tilespmem:$0x1D000] =	vst v63  }
0x12d: {  	_ =	swait.ge [sflag:s15], $0x4000  }
0x12e: {  	[sflag:s15] =	ssyncset.done $0x0  }
0x12f: {  	[sflag:s15] =	ssyncadd.s32 $0xFFFFC000  }
0x130: {  	[spmem:s2] =	stream.indirect.scatter.add.f32 [tilespmem:s13], [sflag:$0x3], $0x80, s0, s12, $0xb8;
	[tilespmem:$0x1D000] =	vst v63  }
0x131: {  	_ =	swait.ge [sflag:s16], $0x4000  }
0x132: {  	[sflag:s16] =	ssyncset.done $0x0  }
0x133: {  	p0 =	sne.s32 s6, $0x400;
	[sflag:s16] =	ssyncadd.s32 $0xFFFFC000  }
0x134: {  	[spmem:s2] =	stream.indirect.scatter.add.f32 [tilespmem:s14], [sflag:$0x4], $0x80, s5, s12, $0xb8;
	[tilespmem:$0x1D000] =	vst v63  }
.Ltmp0:
0x135: {  	_ =	swait.ge [sflag:s17], $0x4000;
	(pc) =	sbr.rel @p0 .LBB2_2-.Ltmp0, $4  }
0x136: {  	[sflag:s17] =	ssyncset.done $0x0  }
0x137: {  	[sflag:s17] =	ssyncadd.s32 $0xFFFFC000  }
0x138: {  	s7 =	smov.u32 s6;
	s6 =	sadd.s32 $0x100, s6;
	_ =	swait.ge [sflag:s18], $0x4000  }
0x139: {  	s8 =	smov.u32 s7;
	s9 =	rddreg [dreg:$0x5];
	[sflag:s18] =	ssyncset.done $0x0  }
0x13a: {  	[sflag:s18] =	ssyncadd.s32 $0xFFFFC000;
	s6 =	sadd.s32 s8, s9  }
0x13b: {  	[tilespmem:s3], [sflag:$0x5] =	stream.linear.gather [hbm4b:s6+s3], $0x800, $0x38;
	[tilespmem:$0x1D000] =	vst v63  }
0x13c: {  	_ =	swait.ge [sflag:s10], $0x800  }
0x13d: {  	s9 =	rddreg [dreg:$0x4];
	[sflag:s10] =	ssyncset.done $0x0  }
0x13e: {  	s6 =	sadd.s32 s8, s9;
	[sflag:s10] =	ssyncadd.s32 $0xFFFFF800  }
0x13f: {  	[tilespmem:s11], [sflag:$0x5] =	stream.linear.gather [hbm4b:s6+s3], $0x800, $0x38;
	[tilespmem:$0x1D000] =	vst v63  }
0x140: {  	_ =	swait.ge [sflag:s10], $0x800  }
0x141: {  	[sflag:s10] =	ssyncset.done $0x0  }
0x142: {  	[sflag:s10] =	ssyncadd.s32 $0xFFFFF800  }
0x143: {  	[tilespmem:s13], [sflag:$0x1] =	stream.indirect.gather [hbm4b:s4+s12], $0x80, s3, s12, $0xb8;
	[tilespmem:$0x1D000] =	vst v63  }
0x144: {  	_ = 	snop  }
0x145: {  	[tilespmem:s14], [sflag:$0x2] =	stream.indirect.gather [hbm4b:s4+s12], $0x80, s12, s12, $0xb8;
	[tilespmem:$0x1D000] =	vst v63  }
0x146: {  	_ =	swait.ge [sflag:s15], $0x4000  }
0x147: {  	[sflag:s15] =	ssyncset.done $0x0  }
0x148: {  	[sflag:s15] =	ssyncadd.s32 $0xFFFFC000  }
0x149: {  	[spmem:s2] =	stream.indirect.scatter.add.f32 [tilespmem:s13], [sflag:$0x3], $0x80, s11, s12, $0xb8;
	[tilespmem:$0x1D000] =	vst v63  }
0x14a: {  	_ =	swait.ge [sflag:s16], $0x4000  }
0x14b: {  	[sflag:s16] =	ssyncset.done $0x0  }
0x14c: {  	s7 =	rddreg [dreg:$0x6];
	[sflag:s16] =	ssyncadd.s32 $0xFFFFC000  }
0x14d: {  	[spmem:s2] =	stream.indirect.scatter.add.f32 [tilespmem:s14], [sflag:$0x4], $0x80, s7, s12, $0xb8;
	[tilespmem:$0x1D000] =	vst v63  }
0x14e: {  	_ =	swait.ge [sflag:s17], $0x4000  }
0x14f: {  	[sflag:s17] =	ssyncset.done $0x0  }
0x150: {  	s8 =	rddreg [dreg:$0x7];
	[sflag:s17] =	ssyncadd.s32 $0xFFFFC000  }
0x151: {  	[tilespmem:s13], [sflag:$0x1] =	stream.indirect.gather [hbm4b:s4+s12], $0x80, s8, s12, $0xb8;
	[tilespmem:$0x1D000] =	vst v63  }
0x152: {  	_ =	swait.ge [sflag:s18], $0x4000  }
0x153: {  	[sflag:s18] =	ssyncset.done $0x0  }
0x154: {  	s9 =	rddreg [dreg:$0x8];
	[sflag:s18] =	ssyncadd.s32 $0xFFFFC000  }
0x155: {  	[tilespmem:s14], [sflag:$0x2] =	stream.indirect.gather [hbm4b:s4+s12], $0x80, s9, s12, $0xb8;
	[tilespmem:$0x1D000] =	vst v63  }
0x156: {  	_ =	swait.ge [sflag:s15], $0x4000  }
0x157: {  	[sflag:s15] =	ssyncset.done $0x0  }
0x158: {  	s7 =	rddreg [dreg:$0x9];
	[sflag:s15] =	ssyncadd.s32 $0xFFFFC000  }
0x159: {  	[spmem:s2] =	stream.indirect.scatter.add.f32 [tilespmem:s13], [sflag:$0x3], $0x80, s7, s12, $0xb8;
	[tilespmem:$0x1D000] =	vst v63  }
0x15a: {  	_ =	swait.ge [sflag:s16], $0x4000  }
0x15b: {  	[sflag:s16] =	ssyncset.done $0x0  }
0x15c: {  	s8 =	rddreg [dreg:$0xa];
	[sflag:s16] =	ssyncadd.s32 $0xFFFFC000  }
0x15d: {  	[spmem:s2] =	stream.indirect.scatter.add.f32 [tilespmem:s14], [sflag:$0x4], $0x80, s8, s12, $0xb8;
	[tilespmem:$0x1D000] =	vst v63  }
0x15e: {  	_ =	swait.ge [sflag:s17], $0x4000  }
0x15f: {  	[sflag:s17] =	ssyncset.done $0x0  }
0x160: {  	s9 =	rddreg [dreg:$0xb];
	[sflag:s17] =	ssyncadd.s32 $0xFFFFC000  }
0x161: {  	[tilespmem:s13], [sflag:$0x1] =	stream.indirect.gather [hbm4b:s4+s12], $0x80, s9, s12, $0xb8;
	[tilespmem:$0x1D000] =	vst v63  }
0x162: {  	_ =	swait.ge [sflag:s18], $0x4000  }
0x163: {  	[sflag:s18] =	ssyncset.done $0x0  }
0x164: {  	s7 =	rddreg [dreg:$0xc];
	[sflag:s18] =	ssyncadd.s32 $0xFFFFC000  }
0x165: {  	[tilespmem:s14], [sflag:$0x2] =	stream.indirect.gather [hbm4b:s4+s12], $0x80, s7, s12, $0xb8;
	[tilespmem:$0x1D000] =	vst v63  }
0x166: {  	_ =	swait.ge [sflag:s15], $0x4000  }
0x167: {  	[sflag:s15] =	ssyncset.done $0x0  }
0x168: {  	s8 =	rddreg [dreg:$0xd];
	[sflag:s15] =	ssyncadd.s32 $0xFFFFC000  }
0x169: {  	[spmem:s2] =	stream.indirect.scatter.add.f32 [tilespmem:s13], [sflag:$0x3], $0x80, s8, s12, $0xb8;
	[tilespmem:$0x1D000] =	vst v63  }
0x16a: {  	_ =	swait.ge [sflag:s16], $0x4000  }
0x16b: {  	[sflag:s16] =	ssyncset.done $0x0  }
0x16c: {  	s9 =	rddreg [dreg:$0xe];
	[sflag:s16] =	ssyncadd.s32 $0xFFFFC000  }
0x16d: {  	[spmem:s2] =	stream.indirect.scatter.add.f32 [tilespmem:s14], [sflag:$0x4], $0x80, s9, s12, $0xb8;
	[tilespmem:$0x1D000] =	vst v63  }
0x16e: {  	_ =	swait.ge [sflag:s17], $0x4000  }
0x16f: {  	[sflag:s17] =	ssyncset.done $0x0  }
0x170: {  	s7 =	rddreg [dreg:$0xf];
	[sflag:s17] =	ssyncadd.s32 $0xFFFFC000  }
0x171: {  	[tilespmem:s13], [sflag:$0x1] =	stream.indirect.gather [hbm4b:s4+s12], $0x80, s7, s12, $0xb8;
	[tilespmem:$0x1D000] =	vst v63  }
0x172: {  	_ =	swait.ge [sflag:s18], $0x4000  }
0x173: {  	[sflag:s18] =	ssyncset.done $0x0  }
0x174: {  	s8 =	rddreg [dreg:$0x10];
	[sflag:s18] =	ssyncadd.s32 $0xFFFFC000  }
0x175: {  	[tilespmem:s14], [sflag:$0x2] =	stream.indirect.gather [hbm4b:s4+s12], $0x80, s8, s12, $0xb8;
	[tilespmem:$0x1D000] =	vst v63  }
0x176: {  	_ =	swait.ge [sflag:s15], $0x4000  }
0x177: {  	[sflag:s15] =	ssyncset.done $0x0  }
0x178: {  	s9 =	rddreg [dreg:$0x11];
	[sflag:s15] =	ssyncadd.s32 $0xFFFFC000  }
0x179: {  	[spmem:s2] =	stream.indirect.scatter.add.f32 [tilespmem:s13], [sflag:$0x3], $0x80, s9, s12, $0xb8;
	[tilespmem:$0x1D000] =	vst v63  }
0x17a: {  	_ =	swait.ge [sflag:s16], $0x4000  }
0x17b: {  	[sflag:s16] =	ssyncset.done $0x0  }
0x17c: {  	s7 =	rddreg [dreg:$0x12];
	[sflag:s16] =	ssyncadd.s32 $0xFFFFC000  }
0x17d: {  	[spmem:s2] =	stream.indirect.scatter.add.f32 [tilespmem:s14], [sflag:$0x4], $0x80, s7, s12, $0xb8;
	[tilespmem:$0x1D000] =	vst v63  }
0x17e: {  	_ =	swait.ge [sflag:s17], $0x4000  }
0x17f: {  	[sflag:s17] =	ssyncset.done $0x0  }
0x180: {  	s8 =	rddreg [dreg:$0x13];
	[sflag:s17] =	ssyncadd.s32 $0xFFFFC000  }
0x181: {  	[tilespmem:s13], [sflag:$0x1] =	stream.indirect.gather [hbm4b:s4+s12], $0x80, s8, s12, $0xb8;
	[tilespmem:$0x1D000] =	vst v63  }
0x182: {  	_ =	swait.ge [sflag:s18], $0x4000  }
0x183: {  	[sflag:s18] =	ssyncset.done $0x0  }
0x184: {  	[sflag:s18] =	ssyncadd.s32 $0xFFFFC000  }
0x185: {  	[tilespmem:s14], [sflag:$0x2] =	stream.indirect.gather [hbm4b:s4+s12], $0x80, s19, s12, $0xb8;
	[tilespmem:$0x1D000] =	vst v63  }
0x186: {  	_ =	swait.ge [sflag:s15], $0x4000  }
0x187: {  	[sflag:s15] =	ssyncset.done $0x0  }
0x188: {  	[sflag:s15] =	ssyncadd.s32 $0xFFFFC000  }
0x189: {  	[spmem:s2] =	stream.indirect.scatter.add.f32 [tilespmem:s13], [sflag:$0x3], $0x80, s20, s12, $0xb8;
	[tilespmem:$0x1D000] =	vst v63  }
0x18a: {  	_ =	swait.ge [sflag:s16], $0x4000  }
0x18b: {  	[sflag:s16] =	ssyncset.done $0x0  }
0x18c: {  	[sflag:s16] =	ssyncadd.s32 $0xFFFFC000  }
0x18d: {  	[spmem:s2] =	stream.indirect.scatter.add.f32 [tilespmem:s14], [sflag:$0x4], $0x80, s21, s12, $0xb8;
	[tilespmem:$0x1D000] =	vst v63  }
0x18e: {  	_ =	swait.ge [sflag:s17], $0x4000  }
0x18f: {  	[sflag:s17] =	ssyncset.done $0x0  }
0x190: {  	[sflag:s17] =	ssyncadd.s32 $0xFFFFC000  }
0x191: {  	[tilespmem:s13], [sflag:$0x1] =	stream.indirect.gather [hbm4b:s4+s12], $0x80, s22, s12, $0xb8;
	[tilespmem:$0x1D000] =	vst v63  }
0x192: {  	_ =	swait.ge [sflag:s18], $0x4000  }
0x193: {  	[sflag:s18] =	ssyncset.done $0x0  }
0x194: {  	[sflag:s18] =	ssyncadd.s32 $0xFFFFC000  }
0x195: {  	[tilespmem:s14], [sflag:$0x2] =	stream.indirect.gather [hbm4b:s4+s12], $0x80, s23, s12, $0xb8;
	[tilespmem:$0x1D000] =	vst v63  }
0x196: {  	_ =	swait.ge [sflag:s15], $0x4000  }
0x197: {  	[sflag:s15] =	ssyncset.done $0x0  }
0x198: {  	[sflag:s15] =	ssyncadd.s32 $0xFFFFC000  }
0x199: {  	[spmem:s2] =	stream.indirect.scatter.add.f32 [tilespmem:s13], [sflag:$0x3], $0x80, s24, s12, $0xb8;
	[tilespmem:$0x1D000] =	vst v63  }
0x19a: {  	_ =	swait.ge [sflag:s16], $0x4000  }
0x19b: {  	[sflag:s16] =	ssyncset.done $0x0  }
0x19c: {  	[sflag:s16] =	ssyncadd.s32 $0xFFFFC000  }
0x19d: {  	[spmem:s2] =	stream.indirect.scatter.add.f32 [tilespmem:s14], [sflag:$0x4], $0x80, s25, s12, $0xb8;
	[tilespmem:$0x1D000] =	vst v63  }
0x19e: {  	_ =	swait.ge [sflag:s17], $0x4000  }
0x19f: {  	[sflag:s17] =	ssyncset.done $0x0  }
0x1a0: {  	[sflag:s17] =	ssyncadd.s32 $0xFFFFC000  }
0x1a1: {  	[tilespmem:s13], [sflag:$0x1] =	stream.indirect.gather [hbm4b:s4+s12], $0x80, s26, s12, $0xb8;
	[tilespmem:$0x1D000] =	vst v63  }
0x1a2: {  	_ =	swait.ge [sflag:s18], $0x4000  }
0x1a3: {  	[sflag:s18] =	ssyncset.done $0x0  }
0x1a4: {  	[sflag:s18] =	ssyncadd.s32 $0xFFFFC000  }
0x1a5: {  	[tilespmem:s14], [sflag:$0x2] =	stream.indirect.gather [hbm4b:s4+s12], $0x80, s28, s12, $0xb8;
	[tilespmem:$0x1D000] =	vst v63  }
0x1a6: {  	_ =	swait.ge [sflag:s15], $0x4000  }
0x1a7: {  	[sflag:s15] =	ssyncset.done $0x0  }
0x1a8: {  	[sflag:s15] =	ssyncadd.s32 $0xFFFFC000  }
0x1a9: {  	[spmem:s2] =	stream.indirect.scatter.add.f32 [tilespmem:s13], [sflag:$0x3], $0x80, s29, s12, $0xb8;
	[tilespmem:$0x1D000] =	vst v63  }
0x1aa: {  	_ =	swait.ge [sflag:s16], $0x4000  }
0x1ab: {  	[sflag:s16] =	ssyncset.done $0x0  }
0x1ac: {  	[sflag:s16] =	ssyncadd.s32 $0xFFFFC000  }
0x1ad: {  	[spmem:s2] =	stream.indirect.scatter.add.f32 [tilespmem:s14], [sflag:$0x4], $0x80, s30, s12, $0xb8;
	[tilespmem:$0x1D000] =	vst v63  }
0x1ae: {  	_ =	swait.ge [sflag:s17], $0x4000  }
0x1af: {  	[sflag:s17] =	ssyncset.done $0x0  }
0x1b0: {  	[sflag:s17] =	ssyncadd.s32 $0xFFFFC000  }
0x1b1: {  	[tilespmem:s13], [sflag:$0x1] =	stream.indirect.gather [hbm4b:s4+s12], $0x80, s31, s12, $0xb8;
	[tilespmem:$0x1D000] =	vst v63  }
0x1b2: {  	_ =	swait.ge [sflag:s18], $0x4000  }
0x1b3: {  	[sflag:s18] =	ssyncset.done $0x0  }
0x1b4: {  	[sflag:s18] =	ssyncadd.s32 $0xFFFFC000  }
0x1b5: {  	[tilespmem:s14], [sflag:$0x2] =	stream.indirect.gather [hbm4b:s4+s12], $0x80, s1, s12, $0xb8;
	[tilespmem:$0x1D000] =	vst v63  }
0x1b6: {  	_ =	swait.ge [sflag:s15], $0x4000  }
0x1b7: {  	[sflag:s15] =	ssyncset.done $0x0  }
0x1b8: {  	[sflag:s15] =	ssyncadd.s32 $0xFFFFC000  }
0x1b9: {  	[spmem:s2] =	stream.indirect.scatter.add.f32 [tilespmem:s13], [sflag:$0x3], $0x80, s0, s12, $0xb8;
	[tilespmem:$0x1D000] =	vst v63  }
0x1ba: {  	_ =	swait.ge [sflag:s16], $0x4000  }
0x1bb: {  	[sflag:s16] =	ssyncset.done $0x0  }
0x1bc: {  	[sflag:s16] =	ssyncadd.s32 $0xFFFFC000  }
0x1bd: {  	[spmem:s2] =	stream.indirect.scatter.add.f32 [tilespmem:s14], [sflag:$0x4], $0x80, s5, s12, $0xb8;
	[tilespmem:$0x1D000] =	vst v63  }
0x1be: {  	_ =	swait.ge [sflag:s17], $0x4000  }
0x1bf: {  	[sflag:s17] =	ssyncset.done $0x0  }
0x1c0: {  	[sflag:s17] =	ssyncadd.s32 $0xFFFFC000  }
0x1c1: {  	_ =	swait.ge [sflag:s18], $0x4000  }
0x1c2: {  	[sflag:s18] =	ssyncset.done $0x0  }
0x1c3: {  	[sflag:s18] =	ssyncadd.s32 $0xFFFFC000  }
0x1c4: {  	[bflag:$0x0] =	sbarrier.arrive $0xFFFF  }
0x1c5: {  	s8 =	rddreg [dreg:$0x15]  }
0x1c6: {  	s9 =	rddreg [dreg:$0x16]  }
0x1c7: {  	s7 =	rddreg [dreg:$0x18]  }
0x1c8: {  	[hbm:s9], [sflag:s8] =	dma.local [spmem:s7], $0x2800  }
0x1c9: {  	_ =	swait.ge [sflag:s10], $0x2800  }
0x1ca: {  	s6 =	rddreg [dreg:$0x19]  }
0x1cb: {  	s9 =	sadd.s32 $0x1, s6;
	s6 =	rddreg [dreg:$0x17]  }
0x1cc: {  	p0 =	sne.s32 s9, s6  }
.Ltmp1:
0x1cd: {  	_ = 	snop;
	(pc) =	sbr.rel @p0 .LBB2_1-.Ltmp1, $3  }
0x1ce: {  	_ =	sdelay $0x1  }
0x1cf: {  	[sflag:s10] =	ssyncset.done $0x0  }
0x1d0: {  	[sflag:s10] =	ssyncadd.s32 $0xFFFFD800  }
0x1d1: {  	_ =	sfence.sel $0x180000  }
0x1d2: {  	[bflag:$0x0] =	sbarrier.arrive $0xFFFF  }
0x1d3: {  	_ =	strace $0x90000047  }
0x1d4: {  	s0 =	stileid.u32;
	[bflag:$0x2] =	sbarrier.arrive $0xFFFF  }
0x1d5: {  	p0 =	sne.s32 s0, $0x0;
	s0 =	rddreg [dreg:$0x3]  }
0x1d6: {  	s0 =	sadd.s32 @!p0 $0x100000, s0  }
0x1d7: {  	[sflag:s0] =	ssyncadd.tile.s32 @!p0 $0x1;
	_ =	shalt  }
.Lfunc_end2:
_tile_overlayer_lowered:
.L_overlay_start_2:
0x1d8: {  	(tag) =	ssettag $0x2  }
0x1d9: {  	s0 =	rddreg [dreg:$0x0];
	s2 =	stileid.u32  }
0x1da: {  	s1 =	rddreg [dreg:$0x1];
	p0 =	sne.s32 s2, $0x0  }
0x1db: {  	s3 =	rddreg [dreg:$0x2];
	[bflag:$0x3] =	sbarrier.arrive $0xFFFF;
	s2 =	simm.s32 @!p0 $0x1C05  }
0x1dc: {  	[timem:s3], [sflag:s2] =	dma.local @!p0 [hbm:s0], s1  }
0x1dd: {  	s0 =	simm.s32 @!p0 $0x5  }
0x1de: {  	_ =	swait.ge @!p0 [sflag:s0], s1  }
0x1df: {  	s1 =	ssub.s32 @!p0 $0x0, s1;
	[sflag:s0] =	ssyncset.done @!p0 $0x0  }
0x1e0: {  	[sflag:s0] =	ssyncadd.s32 @!p0 s1  }
0x1e1: {  	[bflag:$0x3] =	sbarrier.arrive $0xFFFF  }
0x1e2: {  	_ =	shalt  }

// kernel: kernel.16.cloned.1.call-start
scs
__scs_entry_jumppad:
0x0: {  	(pc) =	sbr.rel $0x88, $3  }
0x1: {  	(tag) =	ssettag $0x0;
	lr =	simm.s32 $0x1  }
0x2: {  	[smem:$0x3F94] =	sst lr;
	_ =	strace $0xD0000000  }
0x3: {  	_ = 	snop  }
0x4: {  	_ = 	snop  }
0x5: {  	_ = 	snop  }
0x6: {  	_ = 	snop  }
0x7: {  	_ = 	snop  }
__scs_overlays_trampoline_lowered:
0x8: {  	[smem:$0x3FA3] =	sst s0  }
0x9: {  	[smem:$0x3FA4] =	sst s1  }
0xa: {  	[smem:$0x3FA5] =	sst s2  }
0xb: {  	[smem:$0x3FA6] =	sst s3  }
0xc: {  	[smem:$0x3FA7] =	sst s4  }
0xd: {  	[smem:$0x3FA8] =	sst s5  }
0xe: {  	[smem:$0x3FA9] =	sst s6  }
0xf: {  	[smem:$0x3FAA] =	sst s7  }
0x10: {  	[smem:$0x3FAB] =	sst s8  }
0x11: {  	[smem:$0x3FAC] =	sst s9;
	s0 =	simm.s32 @!p0 $0x0  }
0x12: {  	s1 =	sld [smem:$0x3F92];
	s0 =	simm.s32 @p0 $0x1  }
0x13: {  	[smem:$0x3FAD] =	sst s0;
	s0 =	simm.s32 @!p1 $0x0  }
0x14: {  	s2 =	sld [smem:$0x3F91];
	s0 =	simm.s32 @p1 $0x1  }
0x15: {  	[smem:$0x3FAE] =	sst s0;
	s0 =	simm.s32 @!p2 $0x0  }
0x16: {  	s3 =	sld [smem:$0x3FDB];
	s0 =	simm.s32 @p2 $0x1  }
0x17: {  	s4 =	simm.s32 $0x1BF5;
	[smem:$0x3FB0] =	sst s0  }
0x18: {  	s0 =	sld [smem:$0x3F93];
	_ =	swait.ge [sflag:s4], $0x0  }
0x19: {  	s7 =	sld [smem:$0x3F94]  }
0x1a: {  	s8 =	sadd.s32 $0xFFFFE003, lr  }
0x1b: {  	s9 =	sadd.s32 $0xFFFFFEF7, lr;
	s5 =	simm.s32 $0xFFFFFFFF;
	p2 =	slt.u32 s8, $0xFFFFF086  }
0x1c: {  	p1 =	slt.u32 s9, $0xF7A;
	s5 =	simm.s32 @!p2 $0x0  }
0x1d: {  	s5 =	simm.s32 @p1 $0x1;
	p0 =	seq.s32 s7, s2  }
0x1e: {  	s7 =	smul.u32 @!p0 $0xF7A, s2;
	p2 =	seq.s32 @!p0 s5, $0x0  }
0x1f: {  	s9 =	smul.u32 $0xF7A, s1;
	s8 =	simm.s32 @!p0 $0x1BF5;
	p2 =	por !p2, p0  }
0x20: {  	[sflag:s8] =	ssyncset.s32 @!p0 $0xFFFFF086;
	s6 =	sadd.s32 @!p0 s3, s7;
	s7 =	simm.s32 @!p0 $0x108  }
0x21: {  	s3 =	sadd.s32 s3, s9;
	s6 =	sadd.s32 @!p0 $0x88, s6;
	s7 =	simm.s32 @p2 $0x1082  }
0x22: {  	[simem:s7], [sflag:s8] =	dma.local @!p0 [hbm:s6], $0xF7A  }
0x23: {  	s9 =	sor.u32 $0xD0000000, s2;
	s6 =	simm.s32 $0x108;
	_ =	swait.ge @!p0 [sflag:s8], $0x0  }
0x24: {  	s3 =	sadd.s32 $0x88, s3;
	s6 =	simm.s32 @!p1 $0x1082;
	[sflag:s4] =	ssyncset.s32 $0xFFFFF086  }
0x25: {  	[simem:s6], [sflag:s4] =	dma.local [hbm:s3], $0xF7A  }
0x26: {  	[smem:$0x3F94] =	sst s1;
	(tag) =	ssettag s2;
	_ =	strace s9  }
0x27: {  	s1 =	sld [smem:$0x3FA4]  }
0x28: {  	s2 =	sld [smem:$0x3FA5]  }
0x29: {  	s4 =	sld [smem:$0x3FA7]  }
0x2a: {  	p0 =	seq.s32 s5, $0x0;
	s5 =	sld [smem:$0x3FA8]  }
0x2b: {  	s6 =	sld [smem:$0x3FA9]  }
0x2c: {  	s7 =	sld [smem:$0x3FAA]  }
0x2d: {  	s3 =	simm.s32 $0x108;
	s8 =	sld [smem:$0x3FAB]  }
0x2e: {  	s3 =	simm.s32 @!p0 $0x1082;
	s9 =	sld [smem:$0x3FAC]  }
0x2f: {  	lr =	sadd.s32 s0, s3;
	s0 =	sld [smem:$0x3FA3]  }
0x30: {  	s3 =	sld [smem:$0x3FA6]  }
0x31: {  	[smem:$0x3FAF] =	sst s10  }
0x32: {  	s10 =	sld [smem:$0x3FAD];
	_ =	sdelay $0x3  }
0x33: {  	p0 =	seq.s32 s10, $0x1;
	s10 =	sld [smem:$0x3FAF];
	_ =	sdelay $0x3  }
0x34: {  	[smem:$0x3FAF] =	sst s10  }
0x35: {  	s10 =	sld [smem:$0x3FAE];
	_ =	sdelay $0x3  }
0x36: {  	p1 =	seq.s32 s10, $0x1;
	s10 =	sld [smem:$0x3FAF];
	_ =	sdelay $0x3  }
0x37: {  	[smem:$0x3FAF] =	sst s10  }
0x38: {  	s10 =	sld [smem:$0x3FB0]  }
0x39: {  	_ = 	snop;
	(pc) =	sbr.ind lr, $3  }
0x3a: {  	_ = 	snop  }
0x3b: {  	_ = 	snop  }
0x3c: {  	p2 =	seq.s32 s10, $0x1;
	s10 =	sld [smem:$0x3FAF]  }
0x3d: {  	_ =	shalt  }
0x3e: {  	_ =	shalt  }
0x3f: {  	_ =	shalt  }
0x40: {  	_ =	shalt  }
0x41: {  	_ =	shalt  }
0x42: {  	_ =	shalt  }
0x43: {  	_ =	shalt  }
0x44: {  	_ =	shalt  }
0x45: {  	_ =	shalt  }
0x46: {  	_ =	shalt  }
0x47: {  	_ =	shalt  }
0x48: {  	_ =	shalt  }
0x49: {  	_ =	shalt  }
0x4a: {  	_ =	shalt  }
0x4b: {  	_ =	shalt  }
0x4c: {  	_ =	shalt  }
0x4d: {  	_ =	shalt  }
0x4e: {  	_ =	shalt  }
0x4f: {  	_ =	shalt  }
0x50: {  	_ =	shalt  }
0x51: {  	_ =	shalt  }
0x52: {  	_ =	shalt  }
0x53: {  	_ =	shalt  }
0x54: {  	_ =	shalt  }
0x55: {  	_ =	shalt  }
0x56: {  	_ =	shalt  }
0x57: {  	_ =	shalt  }
0x58: {  	_ =	shalt  }
0x59: {  	_ =	shalt  }
0x5a: {  	_ =	shalt  }
0x5b: {  	_ =	shalt  }
0x5c: {  	_ =	shalt  }
0x5d: {  	_ =	shalt  }
0x5e: {  	_ =	shalt  }
0x5f: {  	_ =	shalt  }
0x60: {  	_ =	shalt  }
0x61: {  	_ =	shalt  }
0x62: {  	_ =	shalt  }
0x63: {  	_ =	shalt  }
0x64: {  	_ =	shalt  }
0x65: {  	_ =	shalt  }
0x66: {  	_ =	shalt  }
0x67: {  	_ =	shalt  }
0x68: {  	_ =	shalt  }
0x69: {  	_ =	shalt  }
0x6a: {  	_ =	shalt  }
0x6b: {  	_ =	shalt  }
0x6c: {  	_ =	shalt  }
0x6d: {  	_ =	shalt  }
0x6e: {  	_ =	shalt  }
0x6f: {  	_ =	shalt  }
0x70: {  	_ =	shalt  }
0x71: {  	_ =	shalt  }
0x72: {  	_ =	shalt  }
0x73: {  	_ =	shalt  }
0x74: {  	_ =	shalt  }
0x75: {  	_ =	shalt  }
0x76: {  	_ =	shalt  }
0x77: {  	_ =	shalt  }
0x78: {  	_ =	shalt  }
0x79: {  	_ =	shalt  }
0x7a: {  	_ =	shalt  }
0x7b: {  	_ =	shalt  }
0x7c: {  	_ =	shalt  }
0x7d: {  	_ =	shalt  }
0x7e: {  	_ =	shalt  }
0x7f: {  	_ =	shalt  }
0x80: {  	_ =	shalt  }
0x81: {  	_ =	shalt  }
0x82: {  	_ =	shalt  }
0x83: {  	_ =	shalt  }
0x84: {  	_ =	shalt  }
0x85: {  	_ =	shalt  }
0x86: {  	_ =	shalt  }
0x87: {  	_ =	shalt  }
.Lfunc_end0:
.L_simem_size_0:
called_computation.2_lowered:
.L_overlay_start_0:
0x88: {  	s2 =	sld [smem:$0x3FD9]  }
0x89: {  	s3 =	sld [smem:$0x3FFE];
	_ =	sdelay $0x1  }
0x8a: {  	s1 =	srdreg.scid  }
0x8b: {  	s0 =	sand.u32 $0x1, s1  }
0x8c: {  	s17 =	sshll.u32 s0, $0xA;
	s2 =	sadd.s32 s3, s2  }
0x8d: {  	s2 =	sadd.s32 s2, s17  }
0x8e: {  	[smem:$0x3FBB] =	sst s2  }
0x8f: {  	_ = 	snop  }
0x90: {  	s2 =	sld [smem:$0x3FD0];
	(tm) =	ssettm $0x1  }
0x91: {  	s18 =	sld [smem:$0x3FFB];
	_ =	sdelay $0x3  }
0x92: {  	_ =	strace s18  }
0x93: {  	s3 =	sld [smem:$0x3FFC];
	_ =	sdelay $0x3  }
0x94: {  	_ =	strace s3  }
0x95: {  	s3 =	sld [smem:$0x3FFD];
	_ =	sdelay $0x3  }
0x96: {  	_ =	strace s3  }
0x97: {  	_ =	strace $0x8FFFFFFF  }
0x98: {  	s19 =	sld [smem:$0x3FDB];
	_ =	sdelay $0x1  }
0x99: {  	s4 =	simm.s32 $_scs_section_size  }
0x9a: {  	s5 =	simm.s32 $_size__tile_overlayer_lowered;
	s6 =	simm.s32 $_tile_overlayer_lowered  }
0x9b: {  	s22 =	simm.s32 $0x1BFF;
	s21 =	sshll.u32 s6, $0x1;
	s3 =	sadd.s32 s4, s19  }
0x9c: {  	s7 =	simm.s32 $0x0;
	s20 =	sshll.u32 s5, $0x1;
	s5 =	sadd.s32 s21, s3  }
0x9d: {  	[timem:s7], [sflag:s22] =	dma.local [hbm:s5], s20  }
0x9e: {  	_ =	swait.ge [sflag:s22], s20  }
0x9f: {  	s4 =	ssub.s32 $0x0, s20;
	[sflag:s22] =	ssyncset.done $0x0  }
0xa0: {  	[sflag:s22] =	ssyncadd.s32 s4;
	_ =	sdelay $0x1  }
0xa1: {  	s23 =	simm.s32 $0x1B8B  }
0xa2: {  	_ =	swait.ge [sflag:s23], $0x1  }
0xa3: {  	[sflag:s23] =	ssyncset.done $0x0  }
0xa4: {  	s25 =	simm.s32 $0x1B8E;
	s24 =	sld [smem:$0x3FFE];
	[sflag:s23] =	ssyncadd.s32 $0xFFFFFFFF  }
0xa5: {  	s26 =	simm.s32 $execute0_lowered;
	[smem:$0x3FD2] =	sst s25  }
0xa6: {  	s5 =	sshll.u32 s26, $0x1;
	_ =	strace $0x8000004C;
	[dreg:$0x1] =	wrdreg $0xFFFFFFFF  }
0xa7: {  	s28 =	simm.s32 $_size_execute0_lowered;
	s3 =	sadd.s32 s3, s5;
	[dreg:$0x0] =	wrdreg $0x0  }
0xa8: {  	s5 =	sshll.u32 s28, $0x1;
	[dreg:$0x2] =	wrdreg s3  }
0xa9: {  	[dreg:$0x3] =	wrdreg s5  }
0xaa: {  	[dreg:$0x4] =	wrdreg $0xC0  }
0xab: {  	_ =	task [dreg:s7], $0x5FFFF  }
0xac: {  	[dreg:$0x1] =	wrdreg $0xFFFFFFFF  }
0xad: {  	[dreg:$0x0] =	wrdreg $0x60  }
0xae: {  	[dreg:$0x2] =	wrdreg s24  }
0xaf: {  	[dreg:$0x3] =	wrdreg s2  }
0xb0: {  	[dreg:$0x4] =	wrdreg $0x90000  }
0xb1: {  	[dreg:$0x5] =	wrdreg $0x9  }
0xb2: {  	_ =	task.clear_ibuf [dreg:s7], $0x6FFFF;
	_ =	strace $0x9000004C  }
0xb3: {  	s29 =	simm.s32 $0x9;
	_ =	strace $0x8000004E  }
0xb4: {  	_ =	swait.ge [sflag:s29], $0x1  }
0xb5: {  	[sflag:s29] =	ssyncadd.s32 $0xFFFFFFFF  }
0xb6: {  	_ =	strace $0x9000004E  }
0xb7: {  	_ =	sfence  }
0xb8: {  	s30 =	sld [smem:$0x0];
	_ =	sdelay $0x2  }
0xb9: {  	s31 =	sshll.u32 s1, $0xD;
	s1 =	sshrl.u32 s1, $0x2  }
0xba: {  	s3 =	sand.u32 $0x4000, s31;
	s1 =	sadd.s32 s1, s30  }
0xbb: {  	s0 =	sor.u32 s3, s0;
	s1 =	sshll.u32 s1, $0x11  }
0xbc: {  	s0 =	sor.u32 s1, s0  }
0xbd: {  	s0 =	sadd.s32 $0x8F2B, s0  }
0xbe: {  	[sflag:s0] =	ssyncadd.remote.s32 $0x1  }
0xbf: {  	_ =	sfence.sel $0xFFFF  }
0xc0: {  	[dreg:$0x0] =	wrdreg $0xFFFFFFFF;
	(pc) =	sbr.abs _section_cstart, $3  }
0xc1: {  	[dreg:$0x1] =	wrdreg $0xFFFFFFFF  }
0xc2: {  	_ =	task.clear_ibuf [dreg:s7], $0x2FFFF;
	_ =	strace $0x9FFFFFFF  }
0xc3: {  	(tm) =	ssettm $0x7FFFFFFF  }
tec
execute0_lowered:
.L_overlay_start_1:
0x0: {  	(tag) =	ssettag $0x1  }
0x1: {  	s0 =	rddreg [dreg:$0x0];
	s1 =	srdreg.scid  }
0x2: {  	s11 =	stileid.u32;
	s5 =	rddreg [dreg:$0x1]  }
0x3: {  	s2 =	rddreg [dreg:$0x2];
	s3 =	simm.s32 $0x0;
	s12 =	simm.s32 $0x880  }
0x4: {  	s14 =	simm.s32 $0x100;
	s15 =	simm.s32 $0x180;
	s16 =	simm.s32 $0x900  }
0x5: {  	s17 =	simm.s32 $0x980;
	s18 =	simm.s32 $0x200;
	[smem:$0x7FF] =	sst s3  }
0x6: {  	s19 =	simm.s32 $0x280;
	_ =	strace $0x8000004D;
	[dreg:$0x6] =	wrdreg s12  }
0x7: {  	s20 =	simm.s32 $0xA00;
	s21 =	simm.s32 $0xA80;
	[dreg:$0x7] =	wrdreg s14  }
0x8: {  	s22 =	simm.s32 $0x300;
	s23 =	simm.s32 $0x380;
	[dreg:$0x8] =	wrdreg s15  }
0x9: {  	s24 =	simm.s32 $0xB00;
	s28 =	simm.s32 $0x680;
	[dreg:$0x9] =	wrdreg s16  }
0xa: {  	s29 =	simm.s32 $0xE00;
	s30 =	simm.s32 $0xE80;
	[dreg:$0xa] =	wrdreg s17  }
0xb: {  	s31 =	simm.s32 $0x700;
	s6 =	smul.u32 $0x2800, s11;
	[dreg:$0xb] =	wrdreg s18  }
0xc: {  	s1 =	sand.u32 $0x1, s1;
	s10 =	smul.u32 $0x50000, s11;
	[dreg:$0xc] =	wrdreg s19  }
0xd: {  	s13 =	sshll.u32 s11, $0x6;
	s11 =	simm.s32 $0x800;
	[dreg:$0xd] =	wrdreg s20  }
0xe: {  	s4 =	smul.u32 $0x28000, s1;
	s1 =	ssub.s32 $0x2, s1;
	[dreg:$0xe] =	wrdreg s21  }
0xf: {  	s12 =	simm.s32 $0x80;
	s14 =	simm.s32 $0x5000;
	[dreg:$0xf] =	wrdreg s22  }
0x10: {  	s15 =	simm.s32 $0x1;
	[dreg:$0x10] =	wrdreg s23;
	s16 =	simm.s32 $0x2  }
0x11: {  	[dreg:$0x11] =	wrdreg s24;
	s17 =	simm.s32 $0x3;
	s18 =	simm.s32 $0x4  }
0x12: {  	s19 =	simm.s32 $0x480;
	s20 =	simm.s32 $0xC00;
	s21 =	simm.s32 $0xC80  }
0x13: {  	s22 =	simm.s32 $0x500;
	s23 =	simm.s32 $0x580;
	s24 =	simm.s32 $0xD00  }
0x14: {  	s25 =	sshrl.u32 s1, $0x1;
	s26 =	sshrl.u32 s10, $0x2;
	s7 =	sadd.s32 s6, s4  }
0x15: {  	s4 =	sadd.s32 $0x5E600, s0;
	s6 =	sadd.s32 s6, s0;
	s1 =	ssub.s32 s1, s25  }
0x16: {  	s25 =	simm.s32 $0xB80;
	s8 =	sshrl.u32 s7, $0x3;
	s6 =	sadd.s32 $0x86600, s6  }
0x17: {  	s1 =	smax.u32 s1, $0x1;
	[dreg:$0x12] =	wrdreg s25;
	s25 =	simm.s32 $0xD80  }
0x18: {  	s9 =	sadd.s32 s8, s0;
	s0 =	sadd.s32 s7, s0;
	[dreg:$0x14] =	wrdreg s6  }
0x19: {  	s5 =	sadd.s32 s8, s5;
	s7 =	sadd.s32 s26, s2;
	[dreg:$0x17] =	wrdreg s1  }
0x1a: {  	s8 =	sor.u32 $0x1C05, s13;
	s26 =	simm.s32 $0x400;
	[dreg:$0x4] =	wrdreg s5  }
0x1b: {  	s13 =	simm.s32 $0x1000;
	s1 =	simm.s32 $0x780;
	[dreg:$0x13] =	wrdreg s26  }
0x1c: {  	s10 =	sadd.s32 $0x4600, s9;
	s0 =	sadd.s32 $0xFE600, s0;
	[dreg:$0x15] =	wrdreg s8  }
0x1d: {  	s7 =	sshrl.u32 s7, $0x3;
	s26 =	simm.s32 $0x600;
	[dreg:$0x5] =	wrdreg s10  }
0x1e: {  	s5 =	simm.s32 $0xF80;
	s9 =	simm.s32 $0x0;
	[dreg:$0x16] =	wrdreg s0  }
0x1f: {  	s10 =	simm.s32 $0x5;
	s0 =	simm.s32 $0xF00;
	[dreg:$0x18] =	wrdreg s7  }
.LBB2_1:
0x20: {  	[dreg:$0x19] =	wrdreg s9  }
0x21: {  	s6 =	rddreg [dreg:$0x14]  }
0x22: {  	[spmem:s7], [sflag:s8] =	dma.local [hbm:s6], $0x2800  }
0x23: {  	_ =	swait.ge [sflag:s10], $0x2800  }
0x24: {  	[sflag:s10] =	ssyncset.done $0x0  }
0x25: {  	[sflag:s10] =	ssyncadd.s32 $0xFFFFD800  }
0x26: {  	[bflag:$0x0] =	sbarrier.arrive $0xFFFF  }
0x27: {  	s9 =	rddreg [dreg:$0x5]  }
0x28: {  	s6 =	sadd.s32 $0x0, s9  }
0x29: {  	[tilespmem:s3], [sflag:$0x5] =	stream.linear.gather [hbm4b:s6+s3], $0x800, $0x38;
	[tilespmem:$0x1D000] =	vst v63  }
0x2a: {  	_ =	swait.ge [sflag:s10], $0x800  }
0x2b: {  	s7 =	rddreg [dreg:$0x4];
	[sflag:s10] =	ssyncset.done $0x0  }
0x2c: {  	[sflag:s10] =	ssyncadd.s32 $0xFFFFF800;
	s6 =	sadd.s32 $0x0, s7  }
0x2d: {  	[tilespmem:s11], [sflag:$0x5] =	stream.linear.gather [hbm4b:s6+s3], $0x800, $0x38;
	[tilespmem:$0x1D000] =	vst v63  }
0x2e: {  	_ =	swait.ge [sflag:s10], $0x800  }
0x2f: {  	[sflag:s10] =	ssyncset.done $0x0  }
0x30: {  	[sflag:s10] =	ssyncadd.s32 $0xFFFFF800  }
0x31: {  	[tilespmem:s13], [sflag:$0x1] =	stream.indirect.gather [hbm4b:s4+s12], $0x80, s3, s12, $0xb8;
	[tilespmem:$0x1D000] =	vst v63  }
0x32: {  	_ = 	snop  }
0x33: {  	[tilespmem:s14], [sflag:$0x2] =	stream.indirect.gather [hbm4b:s4+s12], $0x80, s12, s12, $0xb8;
	[tilespmem:$0x1D000] =	vst v63  }
0x34: {  	_ =	swait.ge [sflag:s15], $0x4000  }
0x35: {  	[sflag:s15] =	ssyncset.done $0x0  }
0x36: {  	[sflag:s15] =	ssyncadd.s32 $0xFFFFC000  }
0x37: {  	[spmem:s2] =	stream.indirect.scatter.add.f32 [tilespmem:s13], [sflag:$0x3], $0x80, s11, s12, $0xb8;
	[tilespmem:$0x1D000] =	vst v63  }
0x38: {  	_ =	swait.ge [sflag:s16], $0x4000  }
0x39: {  	[sflag:s16] =	ssyncset.done $0x0  }
0x3a: {  	s8 =	rddreg [dreg:$0x6];
	[sflag:s16] =	ssyncadd.s32 $0xFFFFC000  }
0x3b: {  	[spmem:s2] =	stream.indirect.scatter.add.f32 [tilespmem:s14], [sflag:$0x4], $0x80, s8, s12, $0xb8;
	[tilespmem:$0x1D000] =	vst v63  }
0x3c: {  	_ =	swait.ge [sflag:s17], $0x4000  }
0x3d: {  	[sflag:s17] =	ssyncset.done $0x0  }
0x3e: {  	s9 =	rddreg [dreg:$0x7];
	[sflag:s17] =	ssyncadd.s32 $0xFFFFC000  }
0x3f: {  	[tilespmem:s13], [sflag:$0x1] =	stream.indirect.gather [hbm4b:s4+s12], $0x80, s9, s12, $0xb8;
	[tilespmem:$0x1D000] =	vst v63  }
0x40: {  	_ =	swait.ge [sflag:s18], $0x4000  }
0x41: {  	[sflag:s18] =	ssyncset.done $0x0  }
0x42: {  	s7 =	rddreg [dreg:$0x8];
	[sflag:s18] =	ssyncadd.s32 $0xFFFFC000  }
0x43: {  	[tilespmem:s14], [sflag:$0x2] =	stream.indirect.gather [hbm4b:s4+s12], $0x80, s7, s12, $0xb8;
	[tilespmem:$0x1D000] =	vst v63  }
0x44: {  	_ =	swait.ge [sflag:s15], $0x4000  }
0x45: {  	[sflag:s15] =	ssyncset.done $0x0  }
0x46: {  	s8 =	rddreg [dreg:$0x9];
	[sflag:s15] =	ssyncadd.s32 $0xFFFFC000  }
0x47: {  	[spmem:s2] =	stream.indirect.scatter.add.f32 [tilespmem:s13], [sflag:$0x3], $0x80, s8, s12, $0xb8;
	[tilespmem:$0x1D000] =	vst v63  }
0x48: {  	_ =	swait.ge [sflag:s16], $0x4000  }
0x49: {  	[sflag:s16] =	ssyncset.done $0x0  }
0x4a: {  	s9 =	rddreg [dreg:$0xa];
	[sflag:s16] =	ssyncadd.s32 $0xFFFFC000  }
0x4b: {  	[spmem:s2] =	stream.indirect.scatter.add.f32 [tilespmem:s14], [sflag:$0x4], $0x80, s9, s12, $0xb8;
	[tilespmem:$0x1D000] =	vst v63  }
0x4c: {  	_ =	swait.ge [sflag:s17], $0x4000  }
0x4d: {  	[sflag:s17] =	ssyncset.done $0x0  }
0x4e: {  	s7 =	rddreg [dreg:$0xb];
	[sflag:s17] =	ssyncadd.s32 $0xFFFFC000  }
0x4f: {  	[tilespmem:s13], [sflag:$0x1] =	stream.indirect.gather [hbm4b:s4+s12], $0x80, s7, s12, $0xb8;
	[tilespmem:$0x1D000] =	vst v63  }
0x50: {  	_ =	swait.ge [sflag:s18], $0x4000  }
0x51: {  	[sflag:s18] =	ssyncset.done $0x0  }
0x52: {  	s8 =	rddreg [dreg:$0xc];
	[sflag:s18] =	ssyncadd.s32 $0xFFFFC000  }
0x53: {  	[tilespmem:s14], [sflag:$0x2] =	stream.indirect.gather [hbm4b:s4+s12], $0x80, s8, s12, $0xb8;
	[tilespmem:$0x1D000] =	vst v63  }
0x54: {  	_ =	swait.ge [sflag:s15], $0x4000  }
0x55: {  	[sflag:s15] =	ssyncset.done $0x0  }
0x56: {  	s9 =	rddreg [dreg:$0xd];
	[sflag:s15] =	ssyncadd.s32 $0xFFFFC000  }
0x57: {  	[spmem:s2] =	stream.indirect.scatter.add.f32 [tilespmem:s13], [sflag:$0x3], $0x80, s9, s12, $0xb8;
	[tilespmem:$0x1D000] =	vst v63  }
0x58: {  	_ =	swait.ge [sflag:s16], $0x4000  }
0x59: {  	[sflag:s16] =	ssyncset.done $0x0  }
0x5a: {  	s7 =	rddreg [dreg:$0xe];
	[sflag:s16] =	ssyncadd.s32 $0xFFFFC000  }
0x5b: {  	[spmem:s2] =	stream.indirect.scatter.add.f32 [tilespmem:s14], [sflag:$0x4], $0x80, s7, s12, $0xb8;
	[tilespmem:$0x1D000] =	vst v63  }
0x5c: {  	_ =	swait.ge [sflag:s17], $0x4000  }
0x5d: {  	[sflag:s17] =	ssyncset.done $0x0  }
0x5e: {  	s8 =	rddreg [dreg:$0xf];
	[sflag:s17] =	ssyncadd.s32 $0xFFFFC000  }
0x5f: {  	[tilespmem:s13], [sflag:$0x1] =	stream.indirect.gather [hbm4b:s4+s12], $0x80, s8, s12, $0xb8;
	[tilespmem:$0x1D000] =	vst v63  }
0x60: {  	_ =	swait.ge [sflag:s18], $0x4000  }
0x61: {  	[sflag:s18] =	ssyncset.done $0x0  }
0x62: {  	s9 =	rddreg [dreg:$0x10];
	[sflag:s18] =	ssyncadd.s32 $0xFFFFC000  }
0x63: {  	[tilespmem:s14], [sflag:$0x2] =	stream.indirect.gather [hbm4b:s4+s12], $0x80, s9, s12, $0xb8;
	[tilespmem:$0x1D000] =	vst v63  }
0x64: {  	_ =	swait.ge [sflag:s15], $0x4000  }
0x65: {  	[sflag:s15] =	ssyncset.done $0x0  }
0x66: {  	s7 =	rddreg [dreg:$0x11];
	[sflag:s15] =	ssyncadd.s32 $0xFFFFC000  }
0x67: {  	[spmem:s2] =	stream.indirect.scatter.add.f32 [tilespmem:s13], [sflag:$0x3], $0x80, s7, s12, $0xb8;
	[tilespmem:$0x1D000] =	vst v63  }
0x68: {  	_ =	swait.ge [sflag:s16], $0x4000  }
0x69: {  	[sflag:s16] =	ssyncset.done $0x0  }
0x6a: {  	s8 =	rddreg [dreg:$0x12];
	[sflag:s16] =	ssyncadd.s32 $0xFFFFC000  }
0x6b: {  	[spmem:s2] =	stream.indirect.scatter.add.f32 [tilespmem:s14], [sflag:$0x4], $0x80, s8, s12, $0xb8;
	[tilespmem:$0x1D000] =	vst v63  }
0x6c: {  	_ =	swait.ge [sflag:s17], $0x4000  }
0x6d: {  	[sflag:s17] =	ssyncset.done $0x0  }
0x6e: {  	s9 =	rddreg [dreg:$0x13];
	[sflag:s17] =	ssyncadd.s32 $0xFFFFC000  }
0x6f: {  	[tilespmem:s13], [sflag:$0x1] =	stream.indirect.gather [hbm4b:s4+s12], $0x80, s9, s12, $0xb8;
	[tilespmem:$0x1D000] =	vst v63  }
0x70: {  	_ =	swait.ge [sflag:s18], $0x4000  }
0x71: {  	[sflag:s18] =	ssyncset.done $0x0  }
0x72: {  	[sflag:s18] =	ssyncadd.s32 $0xFFFFC000  }
0x73: {  	[tilespmem:s14], [sflag:$0x2] =	stream.indirect.gather [hbm4b:s4+s12], $0x80, s19, s12, $0xb8;
	[tilespmem:$0x1D000] =	vst v63  }
0x74: {  	_ =	swait.ge [sflag:s15], $0x4000  }
0x75: {  	[sflag:s15] =	ssyncset.done $0x0  }
0x76: {  	[sflag:s15] =	ssyncadd.s32 $0xFFFFC000  }
0x77: {  	[spmem:s2] =	stream.indirect.scatter.add.f32 [tilespmem:s13], [sflag:$0x3], $0x80, s20, s12, $0xb8;
	[tilespmem:$0x1D000] =	vst v63  }
0x78: {  	_ =	swait.ge [sflag:s16], $0x4000  }
0x79: {  	[sflag:s16] =	ssyncset.done $0x0  }
0x7a: {  	[sflag:s16] =	ssyncadd.s32 $0xFFFFC000  }
0x7b: {  	[spmem:s2] =	stream.indirect.scatter.add.f32 [tilespmem:s14], [sflag:$0x4], $0x80, s21, s12, $0xb8;
	[tilespmem:$0x1D000] =	vst v63  }
0x7c: {  	_ =	swait.ge [sflag:s17], $0x4000  }
0x7d: {  	[sflag:s17] =	ssyncset.done $0x0  }
0x7e: {  	[sflag:s17] =	ssyncadd.s32 $0xFFFFC000  }
0x7f: {  	[tilespmem:s13], [sflag:$0x1] =	stream.indirect.gather [hbm4b:s4+s12], $0x80, s22, s12, $0xb8;
	[tilespmem:$0x1D000] =	vst v63  }
0x80: {  	_ =	swait.ge [sflag:s18], $0x4000  }
0x81: {  	[sflag:s18] =	ssyncset.done $0x0  }
0x82: {  	[sflag:s18] =	ssyncadd.s32 $0xFFFFC000  }
0x83: {  	[tilespmem:s14], [sflag:$0x2] =	stream.indirect.gather [hbm4b:s4+s12], $0x80, s23, s12, $0xb8;
	[tilespmem:$0x1D000] =	vst v63  }
0x84: {  	_ =	swait.ge [sflag:s15], $0x4000  }
0x85: {  	[sflag:s15] =	ssyncset.done $0x0  }
0x86: {  	[sflag:s15] =	ssyncadd.s32 $0xFFFFC000  }
0x87: {  	[spmem:s2] =	stream.indirect.scatter.add.f32 [tilespmem:s13], [sflag:$0x3], $0x80, s24, s12, $0xb8;
	[tilespmem:$0x1D000] =	vst v63  }
0x88: {  	_ =	swait.ge [sflag:s16], $0x4000  }
0x89: {  	[sflag:s16] =	ssyncset.done $0x0  }
0x8a: {  	[sflag:s16] =	ssyncadd.s32 $0xFFFFC000  }
0x8b: {  	[spmem:s2] =	stream.indirect.scatter.add.f32 [tilespmem:s14], [sflag:$0x4], $0x80, s25, s12, $0xb8;
	[tilespmem:$0x1D000] =	vst v63  }
0x8c: {  	_ =	swait.ge [sflag:s17], $0x4000  }
0x8d: {  	[sflag:s17] =	ssyncset.done $0x0  }
0x8e: {  	[sflag:s17] =	ssyncadd.s32 $0xFFFFC000  }
0x8f: {  	[tilespmem:s13], [sflag:$0x1] =	stream.indirect.gather [hbm4b:s4+s12], $0x80, s26, s12, $0xb8;
	[tilespmem:$0x1D000] =	vst v63  }
0x90: {  	_ =	swait.ge [sflag:s18], $0x4000  }
0x91: {  	[sflag:s18] =	ssyncset.done $0x0  }
0x92: {  	[sflag:s18] =	ssyncadd.s32 $0xFFFFC000  }
0x93: {  	[tilespmem:s14], [sflag:$0x2] =	stream.indirect.gather [hbm4b:s4+s12], $0x80, s28, s12, $0xb8;
	[tilespmem:$0x1D000] =	vst v63  }
0x94: {  	_ =	swait.ge [sflag:s15], $0x4000  }
0x95: {  	[sflag:s15] =	ssyncset.done $0x0  }
0x96: {  	[sflag:s15] =	ssyncadd.s32 $0xFFFFC000  }
0x97: {  	[spmem:s2] =	stream.indirect.scatter.add.f32 [tilespmem:s13], [sflag:$0x3], $0x80, s29, s12, $0xb8;
	[tilespmem:$0x1D000] =	vst v63  }
0x98: {  	_ =	swait.ge [sflag:s16], $0x4000  }
0x99: {  	[sflag:s16] =	ssyncset.done $0x0  }
0x9a: {  	[sflag:s16] =	ssyncadd.s32 $0xFFFFC000  }
0x9b: {  	[spmem:s2] =	stream.indirect.scatter.add.f32 [tilespmem:s14], [sflag:$0x4], $0x80, s30, s12, $0xb8;
	[tilespmem:$0x1D000] =	vst v63  }
0x9c: {  	_ =	swait.ge [sflag:s17], $0x4000  }
0x9d: {  	[sflag:s17] =	ssyncset.done $0x0  }
0x9e: {  	[sflag:s17] =	ssyncadd.s32 $0xFFFFC000  }
0x9f: {  	[tilespmem:s13], [sflag:$0x1] =	stream.indirect.gather [hbm4b:s4+s12], $0x80, s31, s12, $0xb8;
	[tilespmem:$0x1D000] =	vst v63  }
0xa0: {  	_ =	swait.ge [sflag:s18], $0x4000  }
0xa1: {  	[sflag:s18] =	ssyncset.done $0x0  }
0xa2: {  	[sflag:s18] =	ssyncadd.s32 $0xFFFFC000  }
0xa3: {  	[tilespmem:s14], [sflag:$0x2] =	stream.indirect.gather [hbm4b:s4+s12], $0x80, s1, s12, $0xb8;
	[tilespmem:$0x1D000] =	vst v63  }
0xa4: {  	_ =	swait.ge [sflag:s15], $0x4000  }
0xa5: {  	[sflag:s15] =	ssyncset.done $0x0  }
0xa6: {  	[sflag:s15] =	ssyncadd.s32 $0xFFFFC000  }
0xa7: {  	[spmem:s2] =	stream.indirect.scatter.add.f32 [tilespmem:s13], [sflag:$0x3], $0x80, s0, s12, $0xb8;
	[tilespmem:$0x1D000] =	vst v63  }
0xa8: {  	_ =	swait.ge [sflag:s16], $0x4000  }
0xa9: {  	[sflag:s16] =	ssyncset.done $0x0  }
0xaa: {  	[sflag:s16] =	ssyncadd.s32 $0xFFFFC000  }
0xab: {  	[spmem:s2] =	stream.indirect.scatter.add.f32 [tilespmem:s14], [sflag:$0x4], $0x80, s5, s12, $0xb8;
	[tilespmem:$0x1D000] =	vst v63  }
0xac: {  	_ =	swait.ge [sflag:s17], $0x4000  }
0xad: {  	[sflag:s17] =	ssyncset.done $0x0  }
0xae: {  	[sflag:s17] =	ssyncadd.s32 $0xFFFFC000  }
0xaf: {  	s6 =	simm.s32 $0x200;
	_ =	swait.ge [sflag:s18], $0x4000  }
0xb0: {  	s8 =	simm.s32 $0x100;
	s9 =	rddreg [dreg:$0x5];
	[sflag:s18] =	ssyncset.done $0x0  }
.LBB2_2:
0xb1: {  	[sflag:s18] =	ssyncadd.s32 $0xFFFFC000;
	s9 =	sadd.s32 s8, s9  }
0xb2: {  	[tilespmem:s3], [sflag:$0x5] =	stream.linear.gather [hbm4b:s9+s3], $0x800, $0x38;
	[tilespmem:$0x1D000] =	vst v63  }
0xb3: {  	_ =	swait.ge [sflag:s10], $0x800  }
0xb4: {  	s9 =	rddreg [dreg:$0x4];
	[sflag:s10] =	ssyncset.done $0x0  }
0xb5: {  	[sflag:s10] =	ssyncadd.s32 $0xFFFFF800;
	s9 =	sadd.s32 s8, s9  }
0xb6: {  	[tilespmem:s11], [sflag:$0x5] =	stream.linear.gather [hbm4b:s9+s3], $0x800, $0x38;
	[tilespmem:$0x1D000] =	vst v63  }
0xb7: {  	_ =	swait.ge [sflag:s10], $0x800  }
0xb8: {  	[sflag:s10] =	ssyncset.done $0x0  }
0xb9: {  	[sflag:s10] =	ssyncadd.s32 $0xFFFFF800  }
0xba: {  	[tilespmem:s13], [sflag:$0x1] =	stream.indirect.gather [hbm4b:s4+s12], $0x80, s3, s12, $0xb8;
	[tilespmem:$0x1D000] =	vst v63  }
0xbb: {  	_ = 	snop  }
0xbc: {  	[tilespmem:s14], [sflag:$0x2] =	stream.indirect.gather [hbm4b:s4+s12], $0x80, s12, s12, $0xb8;
	[tilespmem:$0x1D000] =	vst v63  }
0xbd: {  	_ =	swait.ge [sflag:s15], $0x4000  }
0xbe: {  	[sflag:s15] =	ssyncset.done $0x0  }
0xbf: {  	[sflag:s15] =	ssyncadd.s32 $0xFFFFC000  }
0xc0: {  	[spmem:s2] =	stream.indirect.scatter.add.f32 [tilespmem:s13], [sflag:$0x3], $0x80, s11, s12, $0xb8;
	[tilespmem:$0x1D000] =	vst v63  }
0xc1: {  	_ =	swait.ge [sflag:s16], $0x4000  }
0xc2: {  	[sflag:s16] =	ssyncset.done $0x0  }
0xc3: {  	s9 =	rddreg [dreg:$0x6];
	[sflag:s16] =	ssyncadd.s32 $0xFFFFC000  }
0xc4: {  	[spmem:s2] =	stream.indirect.scatter.add.f32 [tilespmem:s14], [sflag:$0x4], $0x80, s9, s12, $0xb8;
	[tilespmem:$0x1D000] =	vst v63  }
0xc5: {  	_ =	swait.ge [sflag:s17], $0x4000  }
0xc6: {  	[sflag:s17] =	ssyncset.done $0x0  }
0xc7: {  	s9 =	rddreg [dreg:$0x7];
	[sflag:s17] =	ssyncadd.s32 $0xFFFFC000  }
0xc8: {  	[tilespmem:s13], [sflag:$0x1] =	stream.indirect.gather [hbm4b:s4+s12], $0x80, s9, s12, $0xb8;
	[tilespmem:$0x1D000] =	vst v63  }
0xc9: {  	_ =	swait.ge [sflag:s18], $0x4000  }
0xca: {  	[sflag:s18] =	ssyncset.done $0x0  }
0xcb: {  	s9 =	rddreg [dreg:$0x8];
	[sflag:s18] =	ssyncadd.s32 $0xFFFFC000  }
0xcc: {  	[tilespmem:s14], [sflag:$0x2] =	stream.indirect.gather [hbm4b:s4+s12], $0x80, s9, s12, $0xb8;
	[tilespmem:$0x1D000] =	vst v63  }
0xcd: {  	_ =	swait.ge [sflag:s15], $0x4000  }
0xce: {  	[sflag:s15] =	ssyncset.done $0x0  }
0xcf: {  	s9 =	rddreg [dreg:$0x9];
	[sflag:s15] =	ssyncadd.s32 $0xFFFFC000  }
0xd0: {  	[spmem:s2] =	stream.indirect.scatter.add.f32 [tilespmem:s13], [sflag:$0x3], $0x80, s9, s12, $0xb8;
	[tilespmem:$0x1D000] =	vst v63  }
0xd1: {  	_ =	swait.ge [sflag:s16], $0x4000  }
0xd2: {  	[sflag:s16] =	ssyncset.done $0x0  }
0xd3: {  	s9 =	rddreg [dreg:$0xa];
	[sflag:s16] =	ssyncadd.s32 $0xFFFFC000  }
0xd4: {  	[spmem:s2] =	stream.indirect.scatter.add.f32 [tilespmem:s14], [sflag:$0x4], $0x80, s9, s12, $0xb8;
	[tilespmem:$0x1D000] =	vst v63  }
0xd5: {  	_ =	swait.ge [sflag:s17], $0x4000  }
0xd6: {  	[sflag:s17] =	ssyncset.done $0x0  }
0xd7: {  	s9 =	rddreg [dreg:$0xb];
	[sflag:s17] =	ssyncadd.s32 $0xFFFFC000  }
0xd8: {  	[tilespmem:s13], [sflag:$0x1] =	stream.indirect.gather [hbm4b:s4+s12], $0x80, s9, s12, $0xb8;
	[tilespmem:$0x1D000] =	vst v63  }
0xd9: {  	_ =	swait.ge [sflag:s18], $0x4000  }
0xda: {  	[sflag:s18] =	ssyncset.done $0x0  }
0xdb: {  	s9 =	rddreg [dreg:$0xc];
	[sflag:s18] =	ssyncadd.s32 $0xFFFFC000  }
0xdc: {  	[tilespmem:s14], [sflag:$0x2] =	stream.indirect.gather [hbm4b:s4+s12], $0x80, s9, s12, $0xb8;
	[tilespmem:$0x1D000] =	vst v63  }
0xdd: {  	_ =	swait.ge [sflag:s15], $0x4000  }
0xde: {  	[sflag:s15] =	ssyncset.done $0x0  }
0xdf: {  	s9 =	rddreg [dreg:$0xd];
	[sflag:s15] =	ssyncadd.s32 $0xFFFFC000  }
0xe0: {  	[spmem:s2] =	stream.indirect.scatter.add.f32 [tilespmem:s13], [sflag:$0x3], $0x80, s9, s12, $0xb8;
	[tilespmem:$0x1D000] =	vst v63  }
0xe1: {  	_ =	swait.ge [sflag:s16], $0x4000  }
0xe2: {  	[sflag:s16] =	ssyncset.done $0x0  }
0xe3: {  	s9 =	rddreg [dreg:$0xe];
	[sflag:s16] =	ssyncadd.s32 $0xFFFFC000  }
0xe4: {  	[spmem:s2] =	stream.indirect.scatter.add.f32 [tilespmem:s14], [sflag:$0x4], $0x80, s9, s12, $0xb8;
	[tilespmem:$0x1D000] =	vst v63  }
0xe5: {  	_ =	swait.ge [sflag:s17], $0x4000  }
0xe6: {  	[sflag:s17] =	ssyncset.done $0x0  }
0xe7: {  	s9 =	rddreg [dreg:$0xf];
	[sflag:s17] =	ssyncadd.s32 $0xFFFFC000  }
0xe8: {  	[tilespmem:s13], [sflag:$0x1] =	stream.indirect.gather [hbm4b:s4+s12], $0x80, s9, s12, $0xb8;
	[tilespmem:$0x1D000] =	vst v63  }
0xe9: {  	_ =	swait.ge [sflag:s18], $0x4000  }
0xea: {  	[sflag:s18] =	ssyncset.done $0x0  }
0xeb: {  	s9 =	rddreg [dreg:$0x10];
	[sflag:s18] =	ssyncadd.s32 $0xFFFFC000  }
0xec: {  	[tilespmem:s14], [sflag:$0x2] =	stream.indirect.gather [hbm4b:s4+s12], $0x80, s9, s12, $0xb8;
	[tilespmem:$0x1D000] =	vst v63  }
0xed: {  	_ =	swait.ge [sflag:s15], $0x4000  }
0xee: {  	[sflag:s15] =	ssyncset.done $0x0  }
0xef: {  	s9 =	rddreg [dreg:$0x11];
	[sflag:s15] =	ssyncadd.s32 $0xFFFFC000  }
0xf0: {  	[spmem:s2] =	stream.indirect.scatter.add.f32 [tilespmem:s13], [sflag:$0x3], $0x80, s9, s12, $0xb8;
	[tilespmem:$0x1D000] =	vst v63  }
0xf1: {  	_ =	swait.ge [sflag:s16], $0x4000  }
0xf2: {  	[sflag:s16] =	ssyncset.done $0x0  }
0xf3: {  	s9 =	rddreg [dreg:$0x12];
	[sflag:s16] =	ssyncadd.s32 $0xFFFFC000  }
0xf4: {  	[spmem:s2] =	stream.indirect.scatter.add.f32 [tilespmem:s14], [sflag:$0x4], $0x80, s9, s12, $0xb8;
	[tilespmem:$0x1D000] =	vst v63  }
0xf5: {  	_ =	swait.ge [sflag:s17], $0x4000  }
0xf6: {  	[sflag:s17] =	ssyncset.done $0x0  }
0xf7: {  	s9 =	rddreg [dreg:$0x13];
	[sflag:s17] =	ssyncadd.s32 $0xFFFFC000  }
0xf8: {  	[tilespmem:s13], [sflag:$0x1] =	stream.indirect.gather [hbm4b:s4+s12], $0x80, s9, s12, $0xb8;
	[tilespmem:$0x1D000] =	vst v63  }
0xf9: {  	_ =	swait.ge [sflag:s18], $0x4000  }
0xfa: {  	[sflag:s18] =	ssyncset.done $0x0  }
0xfb: {  	[sflag:s18] =	ssyncadd.s32 $0xFFFFC000  }
0xfc: {  	[tilespmem:s14], [sflag:$0x2] =	stream.indirect.gather [hbm4b:s4+s12], $0x80, s19, s12, $0xb8;
	[tilespmem:$0x1D000] =	vst v63  }
0xfd: {  	_ =	swait.ge [sflag:s15], $0x4000  }
0xfe: {  	[sflag:s15] =	ssyncset.done $0x0  }
0xff: {  	[sflag:s15] =	ssyncadd.s32 $0xFFFFC000  }
0x100: {  	[spmem:s2] =	stream.indirect.scatter.add.f32 [tilespmem:s13], [sflag:$0x3], $0x80, s20, s12, $0xb8;
	[tilespmem:$0x1D000] =	vst v63  }
0x101: {  	_ =	swait.ge [sflag:s16], $0x4000  }
0x102: {  	[sflag:s16] =	ssyncset.done $0x0  }
0x103: {  	[sflag:s16] =	ssyncadd.s32 $0xFFFFC000  }
0x104: {  	[spmem:s2] =	stream.indirect.scatter.add.f32 [tilespmem:s14], [sflag:$0x4], $0x80, s21, s12, $0xb8;
	[tilespmem:$0x1D000] =	vst v63  }
0x105: {  	_ =	swait.ge [sflag:s17], $0x4000  }
0x106: {  	[sflag:s17] =	ssyncset.done $0x0  }
0x107: {  	[sflag:s17] =	ssyncadd.s32 $0xFFFFC000  }
0x108: {  	[tilespmem:s13], [sflag:$0x1] =	stream.indirect.gather [hbm4b:s4+s12], $0x80, s22, s12, $0xb8;
	[tilespmem:$0x1D000] =	vst v63  }
0x109: {  	_ =	swait.ge [sflag:s18], $0x4000  }
0x10a: {  	[sflag:s18] =	ssyncset.done $0x0  }
0x10b: {  	[sflag:s18] =	ssyncadd.s32 $0xFFFFC000  }
0x10c: {  	[tilespmem:s14], [sflag:$0x2] =	stream.indirect.gather [hbm4b:s4+s12], $0x80, s23, s12, $0xb8;
	[tilespmem:$0x1D000] =	vst v63  }
0x10d: {  	_ =	swait.ge [sflag:s15], $0x4000  }
0x10e: {  	[sflag:s15] =	ssyncset.done $0x0  }
0x10f: {  	[sflag:s15] =	ssyncadd.s32 $0xFFFFC000  }
0x110: {  	[spmem:s2] =	stream.indirect.scatter.add.f32 [tilespmem:s13], [sflag:$0x3], $0x80, s24, s12, $0xb8;
	[tilespmem:$0x1D000] =	vst v63  }
0x111: {  	_ =	swait.ge [sflag:s16], $0x4000  }
0x112: {  	[sflag:s16] =	ssyncset.done $0x0  }
0x113: {  	[sflag:s16] =	ssyncadd.s32 $0xFFFFC000  }
0x114: {  	[spmem:s2] =	stream.indirect.scatter.add.f32 [tilespmem:s14], [sflag:$0x4], $0x80, s25, s12, $0xb8;
	[tilespmem:$0x1D000] =	vst v63  }
0x115: {  	_ =	swait.ge [sflag:s17], $0x4000  }
0x116: {  	[sflag:s17] =	ssyncset.done $0x0  }
0x117: {  	[sflag:s17] =	ssyncadd.s32 $0xFFFFC000  }
0x118: {  	[tilespmem:s13], [sflag:$0x1] =	stream.indirect.gather [hbm4b:s4+s12], $0x80, s26, s12, $0xb8;
	[tilespmem:$0x1D000] =	vst v63  }
0x119: {  	_ =	swait.ge [sflag:s18], $0x4000  }
0x11a: {  	[sflag:s18] =	ssyncset.done $0x0  }
0x11b: {  	[sflag:s18] =	ssyncadd.s32 $0xFFFFC000  }
0x11c: {  	[tilespmem:s14], [sflag:$0x2] =	stream.indirect.gather [hbm4b:s4+s12], $0x80, s28, s12, $0xb8;
	[tilespmem:$0x1D000] =	vst v63  }
0x11d: {  	_ =	swait.ge [sflag:s15], $0x4000  }
0x11e: {  	[sflag:s15] =	ssyncset.done $0x0  }
0x11f: {  	[sflag:s15] =	ssyncadd.s32 $0xFFFFC000  }
0x120: {  	[spmem:s2] =	stream.indirect.scatter.add.f32 [tilespmem:s13], [sflag:$0x3], $0x80, s29, s12, $0xb8;
	[tilespmem:$0x1D000] =	vst v63  }
0x121: {  	_ =	swait.ge [sflag:s16], $0x4000  }
0x122: {  	[sflag:s16] =	ssyncset.done $0x0  }
0x123: {  	[sflag:s16] =	ssyncadd.s32 $0xFFFFC000  }
0x124: {  	[spmem:s2] =	stream.indirect.scatter.add.f32 [tilespmem:s14], [sflag:$0x4], $0x80, s30, s12, $0xb8;
	[tilespmem:$0x1D000] =	vst v63  }
0x125: {  	_ =	swait.ge [sflag:s17], $0x4000  }
0x126: {  	[sflag:s17] =	ssyncset.done $0x0  }
0x127: {  	[sflag:s17] =	ssyncadd.s32 $0xFFFFC000  }
0x128: {  	[tilespmem:s13], [sflag:$0x1] =	stream.indirect.gather [hbm4b:s4+s12], $0x80, s31, s12, $0xb8;
	[tilespmem:$0x1D000] =	vst v63  }
0x129: {  	_ =	swait.ge [sflag:s18], $0x4000  }
0x12a: {  	[sflag:s18] =	ssyncset.done $0x0  }
0x12b: {  	[sflag:s18] =	ssyncadd.s32 $0xFFFFC000  }
0x12c: {  	[tilespmem:s14], [sflag:$0x2] =	stream.indirect.gather [hbm4b:s4+s12], $0x80, s1, s12, $0xb8;
	[tilespmem:$0x1D000] =	vst v63  }
0x12d: {  	_ =	swait.ge [sflag:s15], $0x4000  }
0x12e: {  	[sflag:s15] =	ssyncset.done $0x0  }
0x12f: {  	[sflag:s15] =	ssyncadd.s32 $0xFFFFC000  }
0x130: {  	[spmem:s2] =	stream.indirect.scatter.add.f32 [tilespmem:s13], [sflag:$0x3], $0x80, s0, s12, $0xb8;
	[tilespmem:$0x1D000] =	vst v63  }
0x131: {  	_ =	swait.ge [sflag:s16], $0x4000  }
0x132: {  	[sflag:s16] =	ssyncset.done $0x0  }
0x133: {  	p0 =	sne.s32 s6, $0x400;
	[sflag:s16] =	ssyncadd.s32 $0xFFFFC000  }
0x134: {  	[spmem:s2] =	stream.indirect.scatter.add.f32 [tilespmem:s14], [sflag:$0x4], $0x80, s5, s12, $0xb8;
	[tilespmem:$0x1D000] =	vst v63  }
.Ltmp0:
0x135: {  	_ =	swait.ge [sflag:s17], $0x4000;
	(pc) =	sbr.rel @p0 .LBB2_2-.Ltmp0, $4  }
0x136: {  	[sflag:s17] =	ssyncset.done $0x0  }
0x137: {  	[sflag:s17] =	ssyncadd.s32 $0xFFFFC000  }
0x138: {  	s7 =	smov.u32 s6;
	s6 =	sadd.s32 $0x100, s6;
	_ =	swait.ge [sflag:s18], $0x4000  }
0x139: {  	s8 =	smov.u32 s7;
	s9 =	rddreg [dreg:$0x5];
	[sflag:s18] =	ssyncset.done $0x0  }
0x13a: {  	[sflag:s18] =	ssyncadd.s32 $0xFFFFC000;
	s6 =	sadd.s32 s8, s9  }
0x13b: {  	[tilespmem:s3], [sflag:$0x5] =	stream.linear.gather [hbm4b:s6+s3], $0x800, $0x38;
	[tilespmem:$0x1D000] =	vst v63  }
0x13c: {  	_ =	swait.ge [sflag:s10], $0x800  }
0x13d: {  	s9 =	rddreg [dreg:$0x4];
	[sflag:s10] =	ssyncset.done $0x0  }
0x13e: {  	s6 =	sadd.s32 s8, s9;
	[sflag:s10] =	ssyncadd.s32 $0xFFFFF800  }
0x13f: {  	[tilespmem:s11], [sflag:$0x5] =	stream.linear.gather [hbm4b:s6+s3], $0x800, $0x38;
	[tilespmem:$0x1D000] =	vst v63  }
0x140: {  	_ =	swait.ge [sflag:s10], $0x800  }
0x141: {  	[sflag:s10] =	ssyncset.done $0x0  }
0x142: {  	[sflag:s10] =	ssyncadd.s32 $0xFFFFF800  }
0x143: {  	[tilespmem:s13], [sflag:$0x1] =	stream.indirect.gather [hbm4b:s4+s12], $0x80, s3, s12, $0xb8;
	[tilespmem:$0x1D000] =	vst v63  }
0x144: {  	_ = 	snop  }
0x145: {  	[tilespmem:s14], [sflag:$0x2] =	stream.indirect.gather [hbm4b:s4+s12], $0x80, s12, s12, $0xb8;
	[tilespmem:$0x1D000] =	vst v63  }
0x146: {  	_ =	swait.ge [sflag:s15], $0x4000  }
0x147: {  	[sflag:s15] =	ssyncset.done $0x0  }
0x148: {  	[sflag:s15] =	ssyncadd.s32 $0xFFFFC000  }
0x149: {  	[spmem:s2] =	stream.indirect.scatter.add.f32 [tilespmem:s13], [sflag:$0x3], $0x80, s11, s12, $0xb8;
	[tilespmem:$0x1D000] =	vst v63  }
0x14a: {  	_ =	swait.ge [sflag:s16], $0x4000  }
0x14b: {  	[sflag:s16] =	ssyncset.done $0x0  }
0x14c: {  	s7 =	rddreg [dreg:$0x6];
	[sflag:s16] =	ssyncadd.s32 $0xFFFFC000  }
0x14d: {  	[spmem:s2] =	stream.indirect.scatter.add.f32 [tilespmem:s14], [sflag:$0x4], $0x80, s7, s12, $0xb8;
	[tilespmem:$0x1D000] =	vst v63  }
0x14e: {  	_ =	swait.ge [sflag:s17], $0x4000  }
0x14f: {  	[sflag:s17] =	ssyncset.done $0x0  }
0x150: {  	s8 =	rddreg [dreg:$0x7];
	[sflag:s17] =	ssyncadd.s32 $0xFFFFC000  }
0x151: {  	[tilespmem:s13], [sflag:$0x1] =	stream.indirect.gather [hbm4b:s4+s12], $0x80, s8, s12, $0xb8;
	[tilespmem:$0x1D000] =	vst v63  }
0x152: {  	_ =	swait.ge [sflag:s18], $0x4000  }
0x153: {  	[sflag:s18] =	ssyncset.done $0x0  }
0x154: {  	s9 =	rddreg [dreg:$0x8];
	[sflag:s18] =	ssyncadd.s32 $0xFFFFC000  }
0x155: {  	[tilespmem:s14], [sflag:$0x2] =	stream.indirect.gather [hbm4b:s4+s12], $0x80, s9, s12, $0xb8;
	[tilespmem:$0x1D000] =	vst v63  }
0x156: {  	_ =	swait.ge [sflag:s15], $0x4000  }
0x157: {  	[sflag:s15] =	ssyncset.done $0x0  }
0x158: {  	s7 =	rddreg [dreg:$0x9];
	[sflag:s15] =	ssyncadd.s32 $0xFFFFC000  }
0x159: {  	[spmem:s2] =	stream.indirect.scatter.add.f32 [tilespmem:s13], [sflag:$0x3], $0x80, s7, s12, $0xb8;
	[tilespmem:$0x1D000] =	vst v63  }
0x15a: {  	_ =	swait.ge [sflag:s16], $0x4000  }
0x15b: {  	[sflag:s16] =	ssyncset.done $0x0  }
0x15c: {  	s8 =	rddreg [dreg:$0xa];
	[sflag:s16] =	ssyncadd.s32 $0xFFFFC000  }
0x15d: {  	[spmem:s2] =	stream.indirect.scatter.add.f32 [tilespmem:s14], [sflag:$0x4], $0x80, s8, s12, $0xb8;
	[tilespmem:$0x1D000] =	vst v63  }
0x15e: {  	_ =	swait.ge [sflag:s17], $0x4000  }
0x15f: {  	[sflag:s17] =	ssyncset.done $0x0  }
0x160: {  	s9 =	rddreg [dreg:$0xb];
	[sflag:s17] =	ssyncadd.s32 $0xFFFFC000  }
0x161: {  	[tilespmem:s13], [sflag:$0x1] =	stream.indirect.gather [hbm4b:s4+s12], $0x80, s9, s12, $0xb8;
	[tilespmem:$0x1D000] =	vst v63  }
0x162: {  	_ =	swait.ge [sflag:s18], $0x4000  }
0x163: {  	[sflag:s18] =	ssyncset.done $0x0  }
0x164: {  	s7 =	rddreg [dreg:$0xc];
	[sflag:s18] =	ssyncadd.s32 $0xFFFFC000  }
0x165: {  	[tilespmem:s14], [sflag:$0x2] =	stream.indirect.gather [hbm4b:s4+s12], $0x80, s7, s12, $0xb8;
	[tilespmem:$0x1D000] =	vst v63  }
0x166: {  	_ =	swait.ge [sflag:s15], $0x4000  }
0x167: {  	[sflag:s15] =	ssyncset.done $0x0  }
0x168: {  	s8 =	rddreg [dreg:$0xd];
	[sflag:s15] =	ssyncadd.s32 $0xFFFFC000  }
0x169: {  	[spmem:s2] =	stream.indirect.scatter.add.f32 [tilespmem:s13], [sflag:$0x3], $0x80, s8, s12, $0xb8;
	[tilespmem:$0x1D000] =	vst v63  }
0x16a: {  	_ =	swait.ge [sflag:s16], $0x4000  }
0x16b: {  	[sflag:s16] =	ssyncset.done $0x0  }
0x16c: {  	s9 =	rddreg [dreg:$0xe];
	[sflag:s16] =	ssyncadd.s32 $0xFFFFC000  }
0x16d: {  	[spmem:s2] =	stream.indirect.scatter.add.f32 [tilespmem:s14], [sflag:$0x4], $0x80, s9, s12, $0xb8;
	[tilespmem:$0x1D000] =	vst v63  }
0x16e: {  	_ =	swait.ge [sflag:s17], $0x4000  }
0x16f: {  	[sflag:s17] =	ssyncset.done $0x0  }
0x170: {  	s7 =	rddreg [dreg:$0xf];
	[sflag:s17] =	ssyncadd.s32 $0xFFFFC000  }
0x171: {  	[tilespmem:s13], [sflag:$0x1] =	stream.indirect.gather [hbm4b:s4+s12], $0x80, s7, s12, $0xb8;
	[tilespmem:$0x1D000] =	vst v63  }
0x172: {  	_ =	swait.ge [sflag:s18], $0x4000  }
0x173: {  	[sflag:s18] =	ssyncset.done $0x0  }
0x174: {  	s8 =	rddreg [dreg:$0x10];
	[sflag:s18] =	ssyncadd.s32 $0xFFFFC000  }
0x175: {  	[tilespmem:s14], [sflag:$0x2] =	stream.indirect.gather [hbm4b:s4+s12], $0x80, s8, s12, $0xb8;
	[tilespmem:$0x1D000] =	vst v63  }
0x176: {  	_ =	swait.ge [sflag:s15], $0x4000  }
0x177: {  	[sflag:s15] =	ssyncset.done $0x0  }
0x178: {  	s9 =	rddreg [dreg:$0x11];
	[sflag:s15] =	ssyncadd.s32 $0xFFFFC000  }
0x179: {  	[spmem:s2] =	stream.indirect.scatter.add.f32 [tilespmem:s13], [sflag:$0x3], $0x80, s9, s12, $0xb8;
	[tilespmem:$0x1D000] =	vst v63  }
0x17a: {  	_ =	swait.ge [sflag:s16], $0x4000  }
0x17b: {  	[sflag:s16] =	ssyncset.done $0x0  }
0x17c: {  	s7 =	rddreg [dreg:$0x12];
	[sflag:s16] =	ssyncadd.s32 $0xFFFFC000  }
0x17d: {  	[spmem:s2] =	stream.indirect.scatter.add.f32 [tilespmem:s14], [sflag:$0x4], $0x80, s7, s12, $0xb8;
	[tilespmem:$0x1D000] =	vst v63  }
0x17e: {  	_ =	swait.ge [sflag:s17], $0x4000  }
0x17f: {  	[sflag:s17] =	ssyncset.done $0x0  }
0x180: {  	s8 =	rddreg [dreg:$0x13];
	[sflag:s17] =	ssyncadd.s32 $0xFFFFC000  }
0x181: {  	[tilespmem:s13], [sflag:$0x1] =	stream.indirect.gather [hbm4b:s4+s12], $0x80, s8, s12, $0xb8;
	[tilespmem:$0x1D000] =	vst v63  }
0x182: {  	_ =	swait.ge [sflag:s18], $0x4000  }
0x183: {  	[sflag:s18] =	ssyncset.done $0x0  }
0x184: {  	[sflag:s18] =	ssyncadd.s32 $0xFFFFC000  }
0x185: {  	[tilespmem:s14], [sflag:$0x2] =	stream.indirect.gather [hbm4b:s4+s12], $0x80, s19, s12, $0xb8;
	[tilespmem:$0x1D000] =	vst v63  }
0x186: {  	_ =	swait.ge [sflag:s15], $0x4000  }
0x187: {  	[sflag:s15] =	ssyncset.done $0x0  }
0x188: {  	[sflag:s15] =	ssyncadd.s32 $0xFFFFC000  }
0x189: {  	[spmem:s2] =	stream.indirect.scatter.add.f32 [tilespmem:s13], [sflag:$0x3], $0x80, s20, s12, $0xb8;
	[tilespmem:$0x1D000] =	vst v63  }
0x18a: {  	_ =	swait.ge [sflag:s16], $0x4000  }
0x18b: {  	[sflag:s16] =	ssyncset.done $0x0  }
0x18c: {  	[sflag:s16] =	ssyncadd.s32 $0xFFFFC000  }
0x18d: {  	[spmem:s2] =	stream.indirect.scatter.add.f32 [tilespmem:s14], [sflag:$0x4], $0x80, s21, s12, $0xb8;
	[tilespmem:$0x1D000] =	vst v63  }
0x18e: {  	_ =	swait.ge [sflag:s17], $0x4000  }
0x18f: {  	[sflag:s17] =	ssyncset.done $0x0  }
0x190: {  	[sflag:s17] =	ssyncadd.s32 $0xFFFFC000  }
0x191: {  	[tilespmem:s13], [sflag:$0x1] =	stream.indirect.gather [hbm4b:s4+s12], $0x80, s22, s12, $0xb8;
	[tilespmem:$0x1D000] =	vst v63  }
0x192: {  	_ =	swait.ge [sflag:s18], $0x4000  }
0x193: {  	[sflag:s18] =	ssyncset.done $0x0  }
0x194: {  	[sflag:s18] =	ssyncadd.s32 $0xFFFFC000  }
0x195: {  	[tilespmem:s14], [sflag:$0x2] =	stream.indirect.gather [hbm4b:s4+s12], $0x80, s23, s12, $0xb8;
	[tilespmem:$0x1D000] =	vst v63  }
0x196: {  	_ =	swait.ge [sflag:s15], $0x4000  }
0x197: {  	[sflag:s15] =	ssyncset.done $0x0  }
0x198: {  	[sflag:s15] =	ssyncadd.s32 $0xFFFFC000  }
0x199: {  	[spmem:s2] =	stream.indirect.scatter.add.f32 [tilespmem:s13], [sflag:$0x3], $0x80, s24, s12, $0xb8;
	[tilespmem:$0x1D000] =	vst v63  }
0x19a: {  	_ =	swait.ge [sflag:s16], $0x4000  }
0x19b: {  	[sflag:s16] =	ssyncset.done $0x0  }
0x19c: {  	[sflag:s16] =	ssyncadd.s32 $0xFFFFC000  }
0x19d: {  	[spmem:s2] =	stream.indirect.scatter.add.f32 [tilespmem:s14], [sflag:$0x4], $0x80, s25, s12, $0xb8;
	[tilespmem:$0x1D000] =	vst v63  }
0x19e: {  	_ =	swait.ge [sflag:s17], $0x4000  }
0x19f: {  	[sflag:s17] =	ssyncset.done $0x0  }
0x1a0: {  	[sflag:s17] =	ssyncadd.s32 $0xFFFFC000  }
0x1a1: {  	[tilespmem:s13], [sflag:$0x1] =	stream.indirect.gather [hbm4b:s4+s12], $0x80, s26, s12, $0xb8;
	[tilespmem:$0x1D000] =	vst v63  }
0x1a2: {  	_ =	swait.ge [sflag:s18], $0x4000  }
0x1a3: {  	[sflag:s18] =	ssyncset.done $0x0  }
0x1a4: {  	[sflag:s18] =	ssyncadd.s32 $0xFFFFC000  }
0x1a5: {  	[tilespmem:s14], [sflag:$0x2] =	stream.indirect.gather [hbm4b:s4+s12], $0x80, s28, s12, $0xb8;
	[tilespmem:$0x1D000] =	vst v63  }
0x1a6: {  	_ =	swait.ge [sflag:s15], $0x4000  }
0x1a7: {  	[sflag:s15] =	ssyncset.done $0x0  }
0x1a8: {  	[sflag:s15] =	ssyncadd.s32 $0xFFFFC000  }
0x1a9: {  	[spmem:s2] =	stream.indirect.scatter.add.f32 [tilespmem:s13], [sflag:$0x3], $0x80, s29, s12, $0xb8;
	[tilespmem:$0x1D000] =	vst v63  }
0x1aa: {  	_ =	swait.ge [sflag:s16], $0x4000  }
0x1ab: {  	[sflag:s16] =	ssyncset.done $0x0  }
0x1ac: {  	[sflag:s16] =	ssyncadd.s32 $0xFFFFC000  }
0x1ad: {  	[spmem:s2] =	stream.indirect.scatter.add.f32 [tilespmem:s14], [sflag:$0x4], $0x80, s30, s12, $0xb8;
	[tilespmem:$0x1D000] =	vst v63  }
0x1ae: {  	_ =	swait.ge [sflag:s17], $0x4000  }
0x1af: {  	[sflag:s17] =	ssyncset.done $0x0  }
0x1b0: {  	[sflag:s17] =	ssyncadd.s32 $0xFFFFC000  }
0x1b1: {  	[tilespmem:s13], [sflag:$0x1] =	stream.indirect.gather [hbm4b:s4+s12], $0x80, s31, s12, $0xb8;
	[tilespmem:$0x1D000] =	vst v63  }
0x1b2: {  	_ =	swait.ge [sflag:s18], $0x4000  }
0x1b3: {  	[sflag:s18] =	ssyncset.done $0x0  }
0x1b4: {  	[sflag:s18] =	ssyncadd.s32 $0xFFFFC000  }
0x1b5: {  	[tilespmem:s14], [sflag:$0x2] =	stream.indirect.gather [hbm4b:s4+s12], $0x80, s1, s12, $0xb8;
	[tilespmem:$0x1D000] =	vst v63  }
0x1b6: {  	_ =	swait.ge [sflag:s15], $0x4000  }
0x1b7: {  	[sflag:s15] =	ssyncset.done $0x0  }
0x1b8: {  	[sflag:s15] =	ssyncadd.s32 $0xFFFFC000  }
0x1b9: {  	[spmem:s2] =	stream.indirect.scatter.add.f32 [tilespmem:s13], [sflag:$0x3], $0x80, s0, s12, $0xb8;
	[tilespmem:$0x1D000] =	vst v63  }
0x1ba: {  	_ =	swait.ge [sflag:s16], $0x4000  }
0x1bb: {  	[sflag:s16] =	ssyncset.done $0x0  }
0x1bc: {  	[sflag:s16] =	ssyncadd.s32 $0xFFFFC000  }
0x1bd: {  	[spmem:s2] =	stream.indirect.scatter.add.f32 [tilespmem:s14], [sflag:$0x4], $0x80, s5, s12, $0xb8;
	[tilespmem:$0x1D000] =	vst v63  }
0x1be: {  	_ =	swait.ge [sflag:s17], $0x4000  }
0x1bf: {  	[sflag:s17] =	ssyncset.done $0x0  }
0x1c0: {  	[sflag:s17] =	ssyncadd.s32 $0xFFFFC000  }
0x1c1: {  	_ =	swait.ge [sflag:s18], $0x4000  }
0x1c2: {  	[sflag:s18] =	ssyncset.done $0x0  }
0x1c3: {  	[sflag:s18] =	ssyncadd.s32 $0xFFFFC000  }
0x1c4: {  	[bflag:$0x0] =	sbarrier.arrive $0xFFFF  }
0x1c5: {  	s8 =	rddreg [dreg:$0x15]  }
0x1c6: {  	s9 =	rddreg [dreg:$0x16]  }
0x1c7: {  	s7 =	rddreg [dreg:$0x18]  }
0x1c8: {  	[hbm:s9], [sflag:s8] =	dma.local [spmem:s7], $0x2800  }
0x1c9: {  	_ =	swait.ge [sflag:s10], $0x2800  }
0x1ca: {  	s6 =	rddreg [dreg:$0x19]  }
0x1cb: {  	s9 =	sadd.s32 $0x1, s6;
	s6 =	rddreg [dreg:$0x17]  }
0x1cc: {  	p0 =	sne.s32 s9, s6  }
.Ltmp1:
0x1cd: {  	_ = 	snop;
	(pc) =	sbr.rel @p0 .LBB2_1-.Ltmp1, $3  }
0x1ce: {  	_ =	sdelay $0x1  }
0x1cf: {  	[sflag:s10] =	ssyncset.done $0x0  }
0x1d0: {  	[sflag:s10] =	ssyncadd.s32 $0xFFFFD800  }
0x1d1: {  	_ =	sfence.sel $0x180000  }
0x1d2: {  	[bflag:$0x0] =	sbarrier.arrive $0xFFFF  }
0x1d3: {  	_ =	strace $0x9000004D  }
0x1d4: {  	s0 =	stileid.u32;
	[bflag:$0x2] =	sbarrier.arrive $0xFFFF  }
0x1d5: {  	p0 =	sne.s32 s0, $0x0;
	s0 =	rddreg [dreg:$0x3]  }
0x1d6: {  	s0 =	sadd.s32 @!p0 $0x100000, s0  }
0x1d7: {  	[sflag:s0] =	ssyncadd.tile.s32 @!p0 $0x1;
	_ =	shalt  }
.Lfunc_end2:
_tile_overlayer_lowered:
.L_overlay_start_2:
0x1d8: {  	(tag) =	ssettag $0x2  }
0x1d9: {  	s0 =	rddreg [dreg:$0x0];
	s2 =	stileid.u32  }
0x1da: {  	s1 =	rddreg [dreg:$0x1];
	p0 =	sne.s32 s2, $0x0  }
0x1db: {  	s3 =	rddreg [dreg:$0x2];
	[bflag:$0x3] =	sbarrier.arrive $0xFFFF;
	s2 =	simm.s32 @!p0 $0x1C05  }
0x1dc: {  	[timem:s3], [sflag:s2] =	dma.local @!p0 [hbm:s0], s1  }
0x1dd: {  	s0 =	simm.s32 @!p0 $0x5  }
0x1de: {  	_ =	swait.ge @!p0 [sflag:s0], s1  }
0x1df: {  	s1 =	ssub.s32 @!p0 $0x0, s1;
	[sflag:s0] =	ssyncset.done @!p0 $0x0  }
0x1e0: {  	[sflag:s0] =	ssyncadd.s32 @!p0 s1  }
0x1e1: {  	[bflag:$0x3] =	sbarrier.arrive $0xFFFF  }
0x1e2: {  	_ =	shalt  }

// kernel: kernel.19.cloned.1.call-start
scs
__scs_entry_jumppad:
0x0: {  	(pc) =	sbr.rel $0x88, $3  }
0x1: {  	(tag) =	ssettag $0x0;
	lr =	simm.s32 $0x1  }
0x2: {  	[smem:$0x3F94] =	sst lr;
	_ =	strace $0xD0000000  }
0x3: {  	_ = 	snop  }
0x4: {  	_ = 	snop  }
0x5: {  	_ = 	snop  }
0x6: {  	_ = 	snop  }
0x7: {  	_ = 	snop  }
__scs_overlays_trampoline_lowered:
0x8: {  	[smem:$0x3FA3] =	sst s0  }
0x9: {  	[smem:$0x3FA4] =	sst s1  }
0xa: {  	[smem:$0x3FA5] =	sst s2  }
0xb: {  	[smem:$0x3FA6] =	sst s3  }
0xc: {  	[smem:$0x3FA7] =	sst s4  }
0xd: {  	[smem:$0x3FA8] =	sst s5  }
0xe: {  	[smem:$0x3FA9] =	sst s6  }
0xf: {  	[smem:$0x3FAA] =	sst s7  }
0x10: {  	[smem:$0x3FAB] =	sst s8  }
0x11: {  	[smem:$0x3FAC] =	sst s9;
	s0 =	simm.s32 @!p0 $0x0  }
0x12: {  	s1 =	sld [smem:$0x3F92];
	s0 =	simm.s32 @p0 $0x1  }
0x13: {  	[smem:$0x3FAD] =	sst s0;
	s0 =	simm.s32 @!p1 $0x0  }
0x14: {  	s2 =	sld [smem:$0x3F91];
	s0 =	simm.s32 @p1 $0x1  }
0x15: {  	[smem:$0x3FAE] =	sst s0;
	s0 =	simm.s32 @!p2 $0x0  }
0x16: {  	s3 =	sld [smem:$0x3FDB];
	s0 =	simm.s32 @p2 $0x1  }
0x17: {  	s4 =	simm.s32 $0x1BF5;
	[smem:$0x3FB0] =	sst s0  }
0x18: {  	s0 =	sld [smem:$0x3F93];
	_ =	swait.ge [sflag:s4], $0x0  }
0x19: {  	s7 =	sld [smem:$0x3F94]  }
0x1a: {  	s8 =	sadd.s32 $0xFFFFE003, lr  }
0x1b: {  	s9 =	sadd.s32 $0xFFFFFEF7, lr;
	s5 =	simm.s32 $0xFFFFFFFF;
	p2 =	slt.u32 s8, $0xFFFFF086  }
0x1c: {  	p1 =	slt.u32 s9, $0xF7A;
	s5 =	simm.s32 @!p2 $0x0  }
0x1d: {  	s5 =	simm.s32 @p1 $0x1;
	p0 =	seq.s32 s7, s2  }
0x1e: {  	s7 =	smul.u32 @!p0 $0xF7A, s2;
	p2 =	seq.s32 @!p0 s5, $0x0  }
0x1f: {  	s9 =	smul.u32 $0xF7A, s1;
	s8 =	simm.s32 @!p0 $0x1BF5;
	p2 =	por !p2, p0  }
0x20: {  	[sflag:s8] =	ssyncset.s32 @!p0 $0xFFFFF086;
	s6 =	sadd.s32 @!p0 s3, s7;
	s7 =	simm.s32 @!p0 $0x108  }
0x21: {  	s3 =	sadd.s32 s3, s9;
	s6 =	sadd.s32 @!p0 $0x88, s6;
	s7 =	simm.s32 @p2 $0x1082  }
0x22: {  	[simem:s7], [sflag:s8] =	dma.local @!p0 [hbm:s6], $0xF7A  }
0x23: {  	s9 =	sor.u32 $0xD0000000, s2;
	s6 =	simm.s32 $0x108;
	_ =	swait.ge @!p0 [sflag:s8], $0x0  }
0x24: {  	s3 =	sadd.s32 $0x88, s3;
	s6 =	simm.s32 @!p1 $0x1082;
	[sflag:s4] =	ssyncset.s32 $0xFFFFF086  }
0x25: {  	[simem:s6], [sflag:s4] =	dma.local [hbm:s3], $0xF7A  }
0x26: {  	[smem:$0x3F94] =	sst s1;
	(tag) =	ssettag s2;
	_ =	strace s9  }
0x27: {  	s1 =	sld [smem:$0x3FA4]  }
0x28: {  	s2 =	sld [smem:$0x3FA5]  }
0x29: {  	s4 =	sld [smem:$0x3FA7]  }
0x2a: {  	p0 =	seq.s32 s5, $0x0;
	s5 =	sld [smem:$0x3FA8]  }
0x2b: {  	s6 =	sld [smem:$0x3FA9]  }
0x2c: {  	s7 =	sld [smem:$0x3FAA]  }
0x2d: {  	s3 =	simm.s32 $0x108;
	s8 =	sld [smem:$0x3FAB]  }
0x2e: {  	s3 =	simm.s32 @!p0 $0x1082;
	s9 =	sld [smem:$0x3FAC]  }
0x2f: {  	lr =	sadd.s32 s0, s3;
	s0 =	sld [smem:$0x3FA3]  }
0x30: {  	s3 =	sld [smem:$0x3FA6]  }
0x31: {  	[smem:$0x3FAF] =	sst s10  }
0x32: {  	s10 =	sld [smem:$0x3FAD];
	_ =	sdelay $0x3  }
0x33: {  	p0 =	seq.s32 s10, $0x1;
	s10 =	sld [smem:$0x3FAF];
	_ =	sdelay $0x3  }
0x34: {  	[smem:$0x3FAF] =	sst s10  }
0x35: {  	s10 =	sld [smem:$0x3FAE];
	_ =	sdelay $0x3  }
0x36: {  	p1 =	seq.s32 s10, $0x1;
	s10 =	sld [smem:$0x3FAF];
	_ =	sdelay $0x3  }
0x37: {  	[smem:$0x3FAF] =	sst s10  }
0x38: {  	s10 =	sld [smem:$0x3FB0]  }
0x39: {  	_ = 	snop;
	(pc) =	sbr.ind lr, $3  }
0x3a: {  	_ = 	snop  }
0x3b: {  	_ = 	snop  }
0x3c: {  	p2 =	seq.s32 s10, $0x1;
	s10 =	sld [smem:$0x3FAF]  }
0x3d: {  	_ =	shalt  }
0x3e: {  	_ =	shalt  }
0x3f: {  	_ =	shalt  }
0x40: {  	_ =	shalt  }
0x41: {  	_ =	shalt  }
0x42: {  	_ =	shalt  }
0x43: {  	_ =	shalt  }
0x44: {  	_ =	shalt  }
0x45: {  	_ =	shalt  }
0x46: {  	_ =	shalt  }
0x47: {  	_ =	shalt  }
0x48: {  	_ =	shalt  }
0x49: {  	_ =	shalt  }
0x4a: {  	_ =	shalt  }
0x4b: {  	_ =	shalt  }
0x4c: {  	_ =	shalt  }
0x4d: {  	_ =	shalt  }
0x4e: {  	_ =	shalt  }
0x4f: {  	_ =	shalt  }
0x50: {  	_ =	shalt  }
0x51: {  	_ =	shalt  }
0x52: {  	_ =	shalt  }
0x53: {  	_ =	shalt  }
0x54: {  	_ =	shalt  }
0x55: {  	_ =	shalt  }
0x56: {  	_ =	shalt  }
0x57: {  	_ =	shalt  }
0x58: {  	_ =	shalt  }
0x59: {  	_ =	shalt  }
0x5a: {  	_ =	shalt  }
0x5b: {  	_ =	shalt  }
0x5c: {  	_ =	shalt  }
0x5d: {  	_ =	shalt  }
0x5e: {  	_ =	shalt  }
0x5f: {  	_ =	shalt  }
0x60: {  	_ =	shalt  }
0x61: {  	_ =	shalt  }
0x62: {  	_ =	shalt  }
0x63: {  	_ =	shalt  }
0x64: {  	_ =	shalt  }
0x65: {  	_ =	shalt  }
0x66: {  	_ =	shalt  }
0x67: {  	_ =	shalt  }
0x68: {  	_ =	shalt  }
0x69: {  	_ =	shalt  }
0x6a: {  	_ =	shalt  }
0x6b: {  	_ =	shalt  }
0x6c: {  	_ =	shalt  }
0x6d: {  	_ =	shalt  }
0x6e: {  	_ =	shalt  }
0x6f: {  	_ =	shalt  }
0x70: {  	_ =	shalt  }
0x71: {  	_ =	shalt  }
0x72: {  	_ =	shalt  }
0x73: {  	_ =	shalt  }
0x74: {  	_ =	shalt  }
0x75: {  	_ =	shalt  }
0x76: {  	_ =	shalt  }
0x77: {  	_ =	shalt  }
0x78: {  	_ =	shalt  }
0x79: {  	_ =	shalt  }
0x7a: {  	_ =	shalt  }
0x7b: {  	_ =	shalt  }
0x7c: {  	_ =	shalt  }
0x7d: {  	_ =	shalt  }
0x7e: {  	_ =	shalt  }
0x7f: {  	_ =	shalt  }
0x80: {  	_ =	shalt  }
0x81: {  	_ =	shalt  }
0x82: {  	_ =	shalt  }
0x83: {  	_ =	shalt  }
0x84: {  	_ =	shalt  }
0x85: {  	_ =	shalt  }
0x86: {  	_ =	shalt  }
0x87: {  	_ =	shalt  }
.Lfunc_end0:
.L_simem_size_0:
called_computation.3_lowered:
.L_overlay_start_0:
0x88: {  	s2 =	sld [smem:$0x3FD9]  }
0x89: {  	s3 =	sld [smem:$0x3FFE];
	_ =	sdelay $0x1  }
0x8a: {  	s1 =	srdreg.scid  }
0x8b: {  	s0 =	sand.u32 $0x1, s1  }
0x8c: {  	s17 =	sshll.u32 s0, $0xA;
	s2 =	sadd.s32 s3, s2  }
0x8d: {  	s2 =	sadd.s32 s2, s17  }
0x8e: {  	[smem:$0x3FBB] =	sst s2  }
0x8f: {  	_ = 	snop  }
0x90: {  	s2 =	sld [smem:$0x3FD0];
	(tm) =	ssettm $0x1  }
0x91: {  	s18 =	sld [smem:$0x3FFB];
	_ =	sdelay $0x3  }
0x92: {  	_ =	strace s18  }
0x93: {  	s3 =	sld [smem:$0x3FFC];
	_ =	sdelay $0x3  }
0x94: {  	_ =	strace s3  }
0x95: {  	s3 =	sld [smem:$0x3FFD];
	_ =	sdelay $0x3  }
0x96: {  	_ =	strace s3  }
0x97: {  	_ =	strace $0x8FFFFFFF  }
0x98: {  	s19 =	sld [smem:$0x3FDB];
	_ =	sdelay $0x1  }
0x99: {  	s4 =	simm.s32 $_scs_section_size  }
0x9a: {  	s5 =	simm.s32 $_size__tile_overlayer_lowered;
	s6 =	simm.s32 $_tile_overlayer_lowered  }
0x9b: {  	s22 =	simm.s32 $0x1BFF;
	s21 =	sshll.u32 s6, $0x1;
	s3 =	sadd.s32 s4, s19  }
0x9c: {  	s7 =	simm.s32 $0x0;
	s20 =	sshll.u32 s5, $0x1;
	s5 =	sadd.s32 s21, s3  }
0x9d: {  	[timem:s7], [sflag:s22] =	dma.local [hbm:s5], s20  }
0x9e: {  	_ =	swait.ge [sflag:s22], s20  }
0x9f: {  	s4 =	ssub.s32 $0x0, s20;
	[sflag:s22] =	ssyncset.done $0x0  }
0xa0: {  	[sflag:s22] =	ssyncadd.s32 s4;
	_ =	sdelay $0x1  }
0xa1: {  	s23 =	simm.s32 $0x1B8B  }
0xa2: {  	_ =	swait.ge [sflag:s23], $0x1  }
0xa3: {  	[sflag:s23] =	ssyncset.done $0x0  }
0xa4: {  	s25 =	simm.s32 $0x1B8E;
	s24 =	sld [smem:$0x3FFE];
	[sflag:s23] =	ssyncadd.s32 $0xFFFFFFFF  }
0xa5: {  	s26 =	simm.s32 $execute0_lowered;
	[smem:$0x3FD2] =	sst s25  }
0xa6: {  	s5 =	sshll.u32 s26, $0x1;
	_ =	strace $0x8000004F;
	[dreg:$0x1] =	wrdreg $0xFFFFFFFF  }
0xa7: {  	s28 =	simm.s32 $_size_execute0_lowered;
	s3 =	sadd.s32 s3, s5;
	[dreg:$0x0] =	wrdreg $0x0  }
0xa8: {  	s5 =	sshll.u32 s28, $0x1;
	[dreg:$0x2] =	wrdreg s3  }
0xa9: {  	[dreg:$0x3] =	wrdreg s5  }
0xaa: {  	[dreg:$0x4] =	wrdreg $0xC0  }
0xab: {  	_ =	task [dreg:s7], $0x5FFFF  }
0xac: {  	[dreg:$0x1] =	wrdreg $0xFFFFFFFF  }
0xad: {  	[dreg:$0x0] =	wrdreg $0x60  }
0xae: {  	[dreg:$0x2] =	wrdreg s24  }
0xaf: {  	[dreg:$0x3] =	wrdreg s2  }
0xb0: {  	[dreg:$0x4] =	wrdreg $0x90000  }
0xb1: {  	[dreg:$0x5] =	wrdreg $0x9  }
0xb2: {  	_ =	task.clear_ibuf [dreg:s7], $0x6FFFF;
	_ =	strace $0x9000004F  }
0xb3: {  	s29 =	simm.s32 $0x9;
	_ =	strace $0x80000051  }
0xb4: {  	_ =	swait.ge [sflag:s29], $0x1  }
0xb5: {  	[sflag:s29] =	ssyncadd.s32 $0xFFFFFFFF  }
0xb6: {  	_ =	strace $0x90000051  }
0xb7: {  	_ =	sfence  }
0xb8: {  	s30 =	sld [smem:$0x0];
	_ =	sdelay $0x2  }
0xb9: {  	s31 =	sshll.u32 s1, $0xD;
	s1 =	sshrl.u32 s1, $0x2  }
0xba: {  	s3 =	sand.u32 $0x4000, s31;
	s1 =	sadd.s32 s1, s30  }
0xbb: {  	s0 =	sor.u32 s3, s0;
	s1 =	sshll.u32 s1, $0x11  }
0xbc: {  	s0 =	sor.u32 s1, s0  }
0xbd: {  	s0 =	sadd.s32 $0x8F2B, s0  }
0xbe: {  	[sflag:s0] =	ssyncadd.remote.s32 $0x1  }
0xbf: {  	_ =	sfence.sel $0xFFFF  }
0xc0: {  	[dreg:$0x0] =	wrdreg $0xFFFFFFFF;
	(pc) =	sbr.abs _section_cstart, $3  }
0xc1: {  	[dreg:$0x1] =	wrdreg $0xFFFFFFFF  }
0xc2: {  	_ =	task.clear_ibuf [dreg:s7], $0x2FFFF;
	_ =	strace $0x9FFFFFFF  }
0xc3: {  	(tm) =	ssettm $0x7FFFFFFF  }
tec
execute0_lowered:
.L_overlay_start_1:
0x0: {  	(tag) =	ssettag $0x1  }
0x1: {  	s0 =	rddreg [dreg:$0x0];
	s1 =	srdreg.scid  }
0x2: {  	s11 =	stileid.u32;
	s5 =	rddreg [dreg:$0x1]  }
0x3: {  	s2 =	rddreg [dreg:$0x2];
	s3 =	simm.s32 $0x0;
	s12 =	simm.s32 $0x880  }
0x4: {  	s14 =	simm.s32 $0x100;
	s15 =	simm.s32 $0x180;
	s16 =	simm.s32 $0x900  }
0x5: {  	s17 =	simm.s32 $0x980;
	s18 =	simm.s32 $0x200;
	[smem:$0x7FF] =	sst s3  }
0x6: {  	s19 =	simm.s32 $0x280;
	_ =	strace $0x80000050;
	[dreg:$0x6] =	wrdreg s12  }
0x7: {  	s20 =	simm.s32 $0xA00;
	s21 =	simm.s32 $0xA80;
	[dreg:$0x7] =	wrdreg s14  }
0x8: {  	s22 =	simm.s32 $0x300;
	s23 =	simm.s32 $0x380;
	[dreg:$0x8] =	wrdreg s15  }
0x9: {  	s24 =	simm.s32 $0xB00;
	s28 =	simm.s32 $0x680;
	[dreg:$0x9] =	wrdreg s16  }
0xa: {  	s29 =	simm.s32 $0xE00;
	s30 =	simm.s32 $0xE80;
	[dreg:$0xa] =	wrdreg s17  }
0xb: {  	s31 =	simm.s32 $0x700;
	s6 =	smul.u32 $0x2800, s11;
	[dreg:$0xb] =	wrdreg s18  }
0xc: {  	s1 =	sand.u32 $0x1, s1;
	s10 =	smul.u32 $0x50000, s11;
	[dreg:$0xc] =	wrdreg s19  }
0xd: {  	s13 =	sshll.u32 s11, $0x6;
	s11 =	simm.s32 $0x800;
	[dreg:$0xd] =	wrdreg s20  }
0xe: {  	s4 =	smul.u32 $0x28000, s1;
	s1 =	ssub.s32 $0x2, s1;
	[dreg:$0xe] =	wrdreg s21  }
0xf: {  	s12 =	simm.s32 $0x80;
	s14 =	simm.s32 $0x5000;
	[dreg:$0xf] =	wrdreg s22  }
0x10: {  	s15 =	simm.s32 $0x1;
	[dreg:$0x10] =	wrdreg s23;
	s16 =	simm.s32 $0x2  }
0x11: {  	[dreg:$0x11] =	wrdreg s24;
	s17 =	simm.s32 $0x3;
	s18 =	simm.s32 $0x4  }
0x12: {  	s19 =	simm.s32 $0x480;
	s20 =	simm.s32 $0xC00;
	s21 =	simm.s32 $0xC80  }
0x13: {  	s22 =	simm.s32 $0x500;
	s23 =	simm.s32 $0x580;
	s24 =	simm.s32 $0xD00  }
0x14: {  	s25 =	sshrl.u32 s1, $0x1;
	s26 =	sshrl.u32 s10, $0x2;
	s7 =	sadd.s32 s6, s4  }
0x15: {  	s4 =	sadd.s32 $0x36600, s0;
	s6 =	sadd.s32 s6, s0;
	s1 =	ssub.s32 s1, s25  }
0x16: {  	s25 =	simm.s32 $0xB80;
	s8 =	sshrl.u32 s7, $0x3;
	s6 =	sadd.s32 $0x86600, s6  }
0x17: {  	s1 =	smax.u32 s1, $0x1;
	[dreg:$0x12] =	wrdreg s25;
	s25 =	simm.s32 $0xD80  }
0x18: {  	s9 =	sadd.s32 s8, s0;
	s0 =	sadd.s32 s7, s0;
	[dreg:$0x14] =	wrdreg s6  }
0x19: {  	s5 =	sadd.s32 s8, s5;
	s7 =	sadd.s32 s26, s2;
	[dreg:$0x17] =	wrdreg s1  }
0x1a: {  	s8 =	sor.u32 $0x1C05, s13;
	s26 =	simm.s32 $0x400;
	[dreg:$0x4] =	wrdreg s5  }
0x1b: {  	s13 =	simm.s32 $0x1000;
	s1 =	simm.s32 $0x780;
	[dreg:$0x13] =	wrdreg s26  }
0x1c: {  	s10 =	sadd.s32 $0x4600, s9;
	s0 =	sadd.s32 $0xD6600, s0;
	[dreg:$0x15] =	wrdreg s8  }
0x1d: {  	s7 =	sshrl.u32 s7, $0x3;
	s26 =	simm.s32 $0x600;
	[dreg:$0x5] =	wrdreg s10  }
0x1e: {  	s5 =	simm.s32 $0xF80;
	s9 =	simm.s32 $0x0;
	[dreg:$0x16] =	wrdreg s0  }
0x1f: {  	s10 =	simm.s32 $0x5;
	s0 =	simm.s32 $0xF00;
	[dreg:$0x18] =	wrdreg s7  }
.LBB2_1:
0x20: {  	[dreg:$0x19] =	wrdreg s9  }
0x21: {  	s6 =	rddreg [dreg:$0x14]  }
0x22: {  	[spmem:s7], [sflag:s8] =	dma.local [hbm:s6], $0x2800  }
0x23: {  	_ =	swait.ge [sflag:s10], $0x2800  }
0x24: {  	[sflag:s10] =	ssyncset.done $0x0  }
0x25: {  	[sflag:s10] =	ssyncadd.s32 $0xFFFFD800  }
0x26: {  	[bflag:$0x0] =	sbarrier.arrive $0xFFFF  }
0x27: {  	s9 =	rddreg [dreg:$0x5]  }
0x28: {  	s6 =	sadd.s32 $0x0, s9  }
0x29: {  	[tilespmem:s3], [sflag:$0x5] =	stream.linear.gather [hbm4b:s6+s3], $0x800, $0x38;
	[tilespmem:$0x1D000] =	vst v63  }
0x2a: {  	_ =	swait.ge [sflag:s10], $0x800  }
0x2b: {  	s7 =	rddreg [dreg:$0x4];
	[sflag:s10] =	ssyncset.done $0x0  }
0x2c: {  	[sflag:s10] =	ssyncadd.s32 $0xFFFFF800;
	s6 =	sadd.s32 $0x0, s7  }
0x2d: {  	[tilespmem:s11], [sflag:$0x5] =	stream.linear.gather [hbm4b:s6+s3], $0x800, $0x38;
	[tilespmem:$0x1D000] =	vst v63  }
0x2e: {  	_ =	swait.ge [sflag:s10], $0x800  }
0x2f: {  	[sflag:s10] =	ssyncset.done $0x0  }
0x30: {  	[sflag:s10] =	ssyncadd.s32 $0xFFFFF800  }
0x31: {  	[tilespmem:s13], [sflag:$0x1] =	stream.indirect.gather [hbm4b:s4+s12], $0x80, s3, s12, $0xb8;
	[tilespmem:$0x1D000] =	vst v63  }
0x32: {  	_ = 	snop  }
0x33: {  	[tilespmem:s14], [sflag:$0x2] =	stream.indirect.gather [hbm4b:s4+s12], $0x80, s12, s12, $0xb8;
	[tilespmem:$0x1D000] =	vst v63  }
0x34: {  	_ =	swait.ge [sflag:s15], $0x4000  }
0x35: {  	[sflag:s15] =	ssyncset.done $0x0  }
0x36: {  	[sflag:s15] =	ssyncadd.s32 $0xFFFFC000  }
0x37: {  	[spmem:s2] =	stream.indirect.scatter.add.f32 [tilespmem:s13], [sflag:$0x3], $0x80, s11, s12, $0xb8;
	[tilespmem:$0x1D000] =	vst v63  }
0x38: {  	_ =	swait.ge [sflag:s16], $0x4000  }
0x39: {  	[sflag:s16] =	ssyncset.done $0x0  }
0x3a: {  	s8 =	rddreg [dreg:$0x6];
	[sflag:s16] =	ssyncadd.s32 $0xFFFFC000  }
0x3b: {  	[spmem:s2] =	stream.indirect.scatter.add.f32 [tilespmem:s14], [sflag:$0x4], $0x80, s8, s12, $0xb8;
	[tilespmem:$0x1D000] =	vst v63  }
0x3c: {  	_ =	swait.ge [sflag:s17], $0x4000  }
0x3d: {  	[sflag:s17] =	ssyncset.done $0x0  }
0x3e: {  	s9 =	rddreg [dreg:$0x7];
	[sflag:s17] =	ssyncadd.s32 $0xFFFFC000  }
0x3f: {  	[tilespmem:s13], [sflag:$0x1] =	stream.indirect.gather [hbm4b:s4+s12], $0x80, s9, s12, $0xb8;
	[tilespmem:$0x1D000] =	vst v63  }
0x40: {  	_ =	swait.ge [sflag:s18], $0x4000  }
0x41: {  	[sflag:s18] =	ssyncset.done $0x0  }
0x42: {  	s7 =	rddreg [dreg:$0x8];
	[sflag:s18] =	ssyncadd.s32 $0xFFFFC000  }
0x43: {  	[tilespmem:s14], [sflag:$0x2] =	stream.indirect.gather [hbm4b:s4+s12], $0x80, s7, s12, $0xb8;
	[tilespmem:$0x1D000] =	vst v63  }
0x44: {  	_ =	swait.ge [sflag:s15], $0x4000  }
0x45: {  	[sflag:s15] =	ssyncset.done $0x0  }
0x46: {  	s8 =	rddreg [dreg:$0x9];
	[sflag:s15] =	ssyncadd.s32 $0xFFFFC000  }
0x47: {  	[spmem:s2] =	stream.indirect.scatter.add.f32 [tilespmem:s13], [sflag:$0x3], $0x80, s8, s12, $0xb8;
	[tilespmem:$0x1D000] =	vst v63  }
0x48: {  	_ =	swait.ge [sflag:s16], $0x4000  }
0x49: {  	[sflag:s16] =	ssyncset.done $0x0  }
0x4a: {  	s9 =	rddreg [dreg:$0xa];
	[sflag:s16] =	ssyncadd.s32 $0xFFFFC000  }
0x4b: {  	[spmem:s2] =	stream.indirect.scatter.add.f32 [tilespmem:s14], [sflag:$0x4], $0x80, s9, s12, $0xb8;
	[tilespmem:$0x1D000] =	vst v63  }
0x4c: {  	_ =	swait.ge [sflag:s17], $0x4000  }
0x4d: {  	[sflag:s17] =	ssyncset.done $0x0  }
0x4e: {  	s7 =	rddreg [dreg:$0xb];
	[sflag:s17] =	ssyncadd.s32 $0xFFFFC000  }
0x4f: {  	[tilespmem:s13], [sflag:$0x1] =	stream.indirect.gather [hbm4b:s4+s12], $0x80, s7, s12, $0xb8;
	[tilespmem:$0x1D000] =	vst v63  }
0x50: {  	_ =	swait.ge [sflag:s18], $0x4000  }
0x51: {  	[sflag:s18] =	ssyncset.done $0x0  }
0x52: {  	s8 =	rddreg [dreg:$0xc];
	[sflag:s18] =	ssyncadd.s32 $0xFFFFC000  }
0x53: {  	[tilespmem:s14], [sflag:$0x2] =	stream.indirect.gather [hbm4b:s4+s12], $0x80, s8, s12, $0xb8;
	[tilespmem:$0x1D000] =	vst v63  }
0x54: {  	_ =	swait.ge [sflag:s15], $0x4000  }
0x55: {  	[sflag:s15] =	ssyncset.done $0x0  }
0x56: {  	s9 =	rddreg [dreg:$0xd];
	[sflag:s15] =	ssyncadd.s32 $0xFFFFC000  }
0x57: {  	[spmem:s2] =	stream.indirect.scatter.add.f32 [tilespmem:s13], [sflag:$0x3], $0x80, s9, s12, $0xb8;
	[tilespmem:$0x1D000] =	vst v63  }
0x58: {  	_ =	swait.ge [sflag:s16], $0x4000  }
0x59: {  	[sflag:s16] =	ssyncset.done $0x0  }
0x5a: {  	s7 =	rddreg [dreg:$0xe];
	[sflag:s16] =	ssyncadd.s32 $0xFFFFC000  }
0x5b: {  	[spmem:s2] =	stream.indirect.scatter.add.f32 [tilespmem:s14], [sflag:$0x4], $0x80, s7, s12, $0xb8;
	[tilespmem:$0x1D000] =	vst v63  }
0x5c: {  	_ =	swait.ge [sflag:s17], $0x4000  }
0x5d: {  	[sflag:s17] =	ssyncset.done $0x0  }
0x5e: {  	s8 =	rddreg [dreg:$0xf];
	[sflag:s17] =	ssyncadd.s32 $0xFFFFC000  }
0x5f: {  	[tilespmem:s13], [sflag:$0x1] =	stream.indirect.gather [hbm4b:s4+s12], $0x80, s8, s12, $0xb8;
	[tilespmem:$0x1D000] =	vst v63  }
0x60: {  	_ =	swait.ge [sflag:s18], $0x4000  }
0x61: {  	[sflag:s18] =	ssyncset.done $0x0  }
0x62: {  	s9 =	rddreg [dreg:$0x10];
	[sflag:s18] =	ssyncadd.s32 $0xFFFFC000  }
0x63: {  	[tilespmem:s14], [sflag:$0x2] =	stream.indirect.gather [hbm4b:s4+s12], $0x80, s9, s12, $0xb8;
	[tilespmem:$0x1D000] =	vst v63  }
0x64: {  	_ =	swait.ge [sflag:s15], $0x4000  }
0x65: {  	[sflag:s15] =	ssyncset.done $0x0  }
0x66: {  	s7 =	rddreg [dreg:$0x11];
	[sflag:s15] =	ssyncadd.s32 $0xFFFFC000  }
0x67: {  	[spmem:s2] =	stream.indirect.scatter.add.f32 [tilespmem:s13], [sflag:$0x3], $0x80, s7, s12, $0xb8;
	[tilespmem:$0x1D000] =	vst v63  }
0x68: {  	_ =	swait.ge [sflag:s16], $0x4000  }
0x69: {  	[sflag:s16] =	ssyncset.done $0x0  }
0x6a: {  	s8 =	rddreg [dreg:$0x12];
	[sflag:s16] =	ssyncadd.s32 $0xFFFFC000  }
0x6b: {  	[spmem:s2] =	stream.indirect.scatter.add.f32 [tilespmem:s14], [sflag:$0x4], $0x80, s8, s12, $0xb8;
	[tilespmem:$0x1D000] =	vst v63  }
0x6c: {  	_ =	swait.ge [sflag:s17], $0x4000  }
0x6d: {  	[sflag:s17] =	ssyncset.done $0x0  }
0x6e: {  	s9 =	rddreg [dreg:$0x13];
	[sflag:s17] =	ssyncadd.s32 $0xFFFFC000  }
0x6f: {  	[tilespmem:s13], [sflag:$0x1] =	stream.indirect.gather [hbm4b:s4+s12], $0x80, s9, s12, $0xb8;
	[tilespmem:$0x1D000] =	vst v63  }
0x70: {  	_ =	swait.ge [sflag:s18], $0x4000  }
0x71: {  	[sflag:s18] =	ssyncset.done $0x0  }
0x72: {  	[sflag:s18] =	ssyncadd.s32 $0xFFFFC000  }
0x73: {  	[tilespmem:s14], [sflag:$0x2] =	stream.indirect.gather [hbm4b:s4+s12], $0x80, s19, s12, $0xb8;
	[tilespmem:$0x1D000] =	vst v63  }
0x74: {  	_ =	swait.ge [sflag:s15], $0x4000  }
0x75: {  	[sflag:s15] =	ssyncset.done $0x0  }
0x76: {  	[sflag:s15] =	ssyncadd.s32 $0xFFFFC000  }
0x77: {  	[spmem:s2] =	stream.indirect.scatter.add.f32 [tilespmem:s13], [sflag:$0x3], $0x80, s20, s12, $0xb8;
	[tilespmem:$0x1D000] =	vst v63  }
0x78: {  	_ =	swait.ge [sflag:s16], $0x4000  }
0x79: {  	[sflag:s16] =	ssyncset.done $0x0  }
0x7a: {  	[sflag:s16] =	ssyncadd.s32 $0xFFFFC000  }
0x7b: {  	[spmem:s2] =	stream.indirect.scatter.add.f32 [tilespmem:s14], [sflag:$0x4], $0x80, s21, s12, $0xb8;
	[tilespmem:$0x1D000] =	vst v63  }
0x7c: {  	_ =	swait.ge [sflag:s17], $0x4000  }
0x7d: {  	[sflag:s17] =	ssyncset.done $0x0  }
0x7e: {  	[sflag:s17] =	ssyncadd.s32 $0xFFFFC000  }
0x7f: {  	[tilespmem:s13], [sflag:$0x1] =	stream.indirect.gather [hbm4b:s4+s12], $0x80, s22, s12, $0xb8;
	[tilespmem:$0x1D000] =	vst v63  }
0x80: {  	_ =	swait.ge [sflag:s18], $0x4000  }
0x81: {  	[sflag:s18] =	ssyncset.done $0x0  }
0x82: {  	[sflag:s18] =	ssyncadd.s32 $0xFFFFC000  }
0x83: {  	[tilespmem:s14], [sflag:$0x2] =	stream.indirect.gather [hbm4b:s4+s12], $0x80, s23, s12, $0xb8;
	[tilespmem:$0x1D000] =	vst v63  }
0x84: {  	_ =	swait.ge [sflag:s15], $0x4000  }
0x85: {  	[sflag:s15] =	ssyncset.done $0x0  }
0x86: {  	[sflag:s15] =	ssyncadd.s32 $0xFFFFC000  }
0x87: {  	[spmem:s2] =	stream.indirect.scatter.add.f32 [tilespmem:s13], [sflag:$0x3], $0x80, s24, s12, $0xb8;
	[tilespmem:$0x1D000] =	vst v63  }
0x88: {  	_ =	swait.ge [sflag:s16], $0x4000  }
0x89: {  	[sflag:s16] =	ssyncset.done $0x0  }
0x8a: {  	[sflag:s16] =	ssyncadd.s32 $0xFFFFC000  }
0x8b: {  	[spmem:s2] =	stream.indirect.scatter.add.f32 [tilespmem:s14], [sflag:$0x4], $0x80, s25, s12, $0xb8;
	[tilespmem:$0x1D000] =	vst v63  }
0x8c: {  	_ =	swait.ge [sflag:s17], $0x4000  }
0x8d: {  	[sflag:s17] =	ssyncset.done $0x0  }
0x8e: {  	[sflag:s17] =	ssyncadd.s32 $0xFFFFC000  }
0x8f: {  	[tilespmem:s13], [sflag:$0x1] =	stream.indirect.gather [hbm4b:s4+s12], $0x80, s26, s12, $0xb8;
	[tilespmem:$0x1D000] =	vst v63  }
0x90: {  	_ =	swait.ge [sflag:s18], $0x4000  }
0x91: {  	[sflag:s18] =	ssyncset.done $0x0  }
0x92: {  	[sflag:s18] =	ssyncadd.s32 $0xFFFFC000  }
0x93: {  	[tilespmem:s14], [sflag:$0x2] =	stream.indirect.gather [hbm4b:s4+s12], $0x80, s28, s12, $0xb8;
	[tilespmem:$0x1D000] =	vst v63  }
0x94: {  	_ =	swait.ge [sflag:s15], $0x4000  }
0x95: {  	[sflag:s15] =	ssyncset.done $0x0  }
0x96: {  	[sflag:s15] =	ssyncadd.s32 $0xFFFFC000  }
0x97: {  	[spmem:s2] =	stream.indirect.scatter.add.f32 [tilespmem:s13], [sflag:$0x3], $0x80, s29, s12, $0xb8;
	[tilespmem:$0x1D000] =	vst v63  }
0x98: {  	_ =	swait.ge [sflag:s16], $0x4000  }
0x99: {  	[sflag:s16] =	ssyncset.done $0x0  }
0x9a: {  	[sflag:s16] =	ssyncadd.s32 $0xFFFFC000  }
0x9b: {  	[spmem:s2] =	stream.indirect.scatter.add.f32 [tilespmem:s14], [sflag:$0x4], $0x80, s30, s12, $0xb8;
	[tilespmem:$0x1D000] =	vst v63  }
0x9c: {  	_ =	swait.ge [sflag:s17], $0x4000  }
0x9d: {  	[sflag:s17] =	ssyncset.done $0x0  }
0x9e: {  	[sflag:s17] =	ssyncadd.s32 $0xFFFFC000  }
0x9f: {  	[tilespmem:s13], [sflag:$0x1] =	stream.indirect.gather [hbm4b:s4+s12], $0x80, s31, s12, $0xb8;
	[tilespmem:$0x1D000] =	vst v63  }
0xa0: {  	_ =	swait.ge [sflag:s18], $0x4000  }
0xa1: {  	[sflag:s18] =	ssyncset.done $0x0  }
0xa2: {  	[sflag:s18] =	ssyncadd.s32 $0xFFFFC000  }
0xa3: {  	[tilespmem:s14], [sflag:$0x2] =	stream.indirect.gather [hbm4b:s4+s12], $0x80, s1, s12, $0xb8;
	[tilespmem:$0x1D000] =	vst v63  }
0xa4: {  	_ =	swait.ge [sflag:s15], $0x4000  }
0xa5: {  	[sflag:s15] =	ssyncset.done $0x0  }
0xa6: {  	[sflag:s15] =	ssyncadd.s32 $0xFFFFC000  }
0xa7: {  	[spmem:s2] =	stream.indirect.scatter.add.f32 [tilespmem:s13], [sflag:$0x3], $0x80, s0, s12, $0xb8;
	[tilespmem:$0x1D000] =	vst v63  }
0xa8: {  	_ =	swait.ge [sflag:s16], $0x4000  }
0xa9: {  	[sflag:s16] =	ssyncset.done $0x0  }
0xaa: {  	[sflag:s16] =	ssyncadd.s32 $0xFFFFC000  }
0xab: {  	[spmem:s2] =	stream.indirect.scatter.add.f32 [tilespmem:s14], [sflag:$0x4], $0x80, s5, s12, $0xb8;
	[tilespmem:$0x1D000] =	vst v63  }
0xac: {  	_ =	swait.ge [sflag:s17], $0x4000  }
0xad: {  	[sflag:s17] =	ssyncset.done $0x0  }
0xae: {  	[sflag:s17] =	ssyncadd.s32 $0xFFFFC000  }
0xaf: {  	s6 =	simm.s32 $0x200;
	_ =	swait.ge [sflag:s18], $0x4000  }
0xb0: {  	s8 =	simm.s32 $0x100;
	s9 =	rddreg [dreg:$0x5];
	[sflag:s18] =	ssyncset.done $0x0  }
.LBB2_2:
0xb1: {  	[sflag:s18] =	ssyncadd.s32 $0xFFFFC000;
	s9 =	sadd.s32 s8, s9  }
0xb2: {  	[tilespmem:s3], [sflag:$0x5] =	stream.linear.gather [hbm4b:s9+s3], $0x800, $0x38;
	[tilespmem:$0x1D000] =	vst v63  }
0xb3: {  	_ =	swait.ge [sflag:s10], $0x800  }
0xb4: {  	s9 =	rddreg [dreg:$0x4];
	[sflag:s10] =	ssyncset.done $0x0  }
0xb5: {  	[sflag:s10] =	ssyncadd.s32 $0xFFFFF800;
	s9 =	sadd.s32 s8, s9  }
0xb6: {  	[tilespmem:s11], [sflag:$0x5] =	stream.linear.gather [hbm4b:s9+s3], $0x800, $0x38;
	[tilespmem:$0x1D000] =	vst v63  }
0xb7: {  	_ =	swait.ge [sflag:s10], $0x800  }
0xb8: {  	[sflag:s10] =	ssyncset.done $0x0  }
0xb9: {  	[sflag:s10] =	ssyncadd.s32 $0xFFFFF800  }
0xba: {  	[tilespmem:s13], [sflag:$0x1] =	stream.indirect.gather [hbm4b:s4+s12], $0x80, s3, s12, $0xb8;
	[tilespmem:$0x1D000] =	vst v63  }
0xbb: {  	_ = 	snop  }
0xbc: {  	[tilespmem:s14], [sflag:$0x2] =	stream.indirect.gather [hbm4b:s4+s12], $0x80, s12, s12, $0xb8;
	[tilespmem:$0x1D000] =	vst v63  }
0xbd: {  	_ =	swait.ge [sflag:s15], $0x4000  }
0xbe: {  	[sflag:s15] =	ssyncset.done $0x0  }
0xbf: {  	[sflag:s15] =	ssyncadd.s32 $0xFFFFC000  }
0xc0: {  	[spmem:s2] =	stream.indirect.scatter.add.f32 [tilespmem:s13], [sflag:$0x3], $0x80, s11, s12, $0xb8;
	[tilespmem:$0x1D000] =	vst v63  }
0xc1: {  	_ =	swait.ge [sflag:s16], $0x4000  }
0xc2: {  	[sflag:s16] =	ssyncset.done $0x0  }
0xc3: {  	s9 =	rddreg [dreg:$0x6];
	[sflag:s16] =	ssyncadd.s32 $0xFFFFC000  }
0xc4: {  	[spmem:s2] =	stream.indirect.scatter.add.f32 [tilespmem:s14], [sflag:$0x4], $0x80, s9, s12, $0xb8;
	[tilespmem:$0x1D000] =	vst v63  }
0xc5: {  	_ =	swait.ge [sflag:s17], $0x4000  }
0xc6: {  	[sflag:s17] =	ssyncset.done $0x0  }
0xc7: {  	s9 =	rddreg [dreg:$0x7];
	[sflag:s17] =	ssyncadd.s32 $0xFFFFC000  }
0xc8: {  	[tilespmem:s13], [sflag:$0x1] =	stream.indirect.gather [hbm4b:s4+s12], $0x80, s9, s12, $0xb8;
	[tilespmem:$0x1D000] =	vst v63  }
0xc9: {  	_ =	swait.ge [sflag:s18], $0x4000  }
0xca: {  	[sflag:s18] =	ssyncset.done $0x0  }
0xcb: {  	s9 =	rddreg [dreg:$0x8];
	[sflag:s18] =	ssyncadd.s32 $0xFFFFC000  }
0xcc: {  	[tilespmem:s14], [sflag:$0x2] =	stream.indirect.gather [hbm4b:s4+s12], $0x80, s9, s12, $0xb8;
	[tilespmem:$0x1D000] =	vst v63  }
0xcd: {  	_ =	swait.ge [sflag:s15], $0x4000  }
0xce: {  	[sflag:s15] =	ssyncset.done $0x0  }
0xcf: {  	s9 =	rddreg [dreg:$0x9];
	[sflag:s15] =	ssyncadd.s32 $0xFFFFC000  }
0xd0: {  	[spmem:s2] =	stream.indirect.scatter.add.f32 [tilespmem:s13], [sflag:$0x3], $0x80, s9, s12, $0xb8;
	[tilespmem:$0x1D000] =	vst v63  }
0xd1: {  	_ =	swait.ge [sflag:s16], $0x4000  }
0xd2: {  	[sflag:s16] =	ssyncset.done $0x0  }
0xd3: {  	s9 =	rddreg [dreg:$0xa];
	[sflag:s16] =	ssyncadd.s32 $0xFFFFC000  }
0xd4: {  	[spmem:s2] =	stream.indirect.scatter.add.f32 [tilespmem:s14], [sflag:$0x4], $0x80, s9, s12, $0xb8;
	[tilespmem:$0x1D000] =	vst v63  }
0xd5: {  	_ =	swait.ge [sflag:s17], $0x4000  }
0xd6: {  	[sflag:s17] =	ssyncset.done $0x0  }
0xd7: {  	s9 =	rddreg [dreg:$0xb];
	[sflag:s17] =	ssyncadd.s32 $0xFFFFC000  }
0xd8: {  	[tilespmem:s13], [sflag:$0x1] =	stream.indirect.gather [hbm4b:s4+s12], $0x80, s9, s12, $0xb8;
	[tilespmem:$0x1D000] =	vst v63  }
0xd9: {  	_ =	swait.ge [sflag:s18], $0x4000  }
0xda: {  	[sflag:s18] =	ssyncset.done $0x0  }
0xdb: {  	s9 =	rddreg [dreg:$0xc];
	[sflag:s18] =	ssyncadd.s32 $0xFFFFC000  }
0xdc: {  	[tilespmem:s14], [sflag:$0x2] =	stream.indirect.gather [hbm4b:s4+s12], $0x80, s9, s12, $0xb8;
	[tilespmem:$0x1D000] =	vst v63  }
0xdd: {  	_ =	swait.ge [sflag:s15], $0x4000  }
0xde: {  	[sflag:s15] =	ssyncset.done $0x0  }
0xdf: {  	s9 =	rddreg [dreg:$0xd];
	[sflag:s15] =	ssyncadd.s32 $0xFFFFC000  }
0xe0: {  	[spmem:s2] =	stream.indirect.scatter.add.f32 [tilespmem:s13], [sflag:$0x3], $0x80, s9, s12, $0xb8;
	[tilespmem:$0x1D000] =	vst v63  }
0xe1: {  	_ =	swait.ge [sflag:s16], $0x4000  }
0xe2: {  	[sflag:s16] =	ssyncset.done $0x0  }
0xe3: {  	s9 =	rddreg [dreg:$0xe];
	[sflag:s16] =	ssyncadd.s32 $0xFFFFC000  }
0xe4: {  	[spmem:s2] =	stream.indirect.scatter.add.f32 [tilespmem:s14], [sflag:$0x4], $0x80, s9, s12, $0xb8;
	[tilespmem:$0x1D000] =	vst v63  }
0xe5: {  	_ =	swait.ge [sflag:s17], $0x4000  }
0xe6: {  	[sflag:s17] =	ssyncset.done $0x0  }
0xe7: {  	s9 =	rddreg [dreg:$0xf];
	[sflag:s17] =	ssyncadd.s32 $0xFFFFC000  }
0xe8: {  	[tilespmem:s13], [sflag:$0x1] =	stream.indirect.gather [hbm4b:s4+s12], $0x80, s9, s12, $0xb8;
	[tilespmem:$0x1D000] =	vst v63  }
0xe9: {  	_ =	swait.ge [sflag:s18], $0x4000  }
0xea: {  	[sflag:s18] =	ssyncset.done $0x0  }
0xeb: {  	s9 =	rddreg [dreg:$0x10];
	[sflag:s18] =	ssyncadd.s32 $0xFFFFC000  }
0xec: {  	[tilespmem:s14], [sflag:$0x2] =	stream.indirect.gather [hbm4b:s4+s12], $0x80, s9, s12, $0xb8;
	[tilespmem:$0x1D000] =	vst v63  }
0xed: {  	_ =	swait.ge [sflag:s15], $0x4000  }
0xee: {  	[sflag:s15] =	ssyncset.done $0x0  }
0xef: {  	s9 =	rddreg [dreg:$0x11];
	[sflag:s15] =	ssyncadd.s32 $0xFFFFC000  }
0xf0: {  	[spmem:s2] =	stream.indirect.scatter.add.f32 [tilespmem:s13], [sflag:$0x3], $0x80, s9, s12, $0xb8;
	[tilespmem:$0x1D000] =	vst v63  }
0xf1: {  	_ =	swait.ge [sflag:s16], $0x4000  }
0xf2: {  	[sflag:s16] =	ssyncset.done $0x0  }
0xf3: {  	s9 =	rddreg [dreg:$0x12];
	[sflag:s16] =	ssyncadd.s32 $0xFFFFC000  }
0xf4: {  	[spmem:s2] =	stream.indirect.scatter.add.f32 [tilespmem:s14], [sflag:$0x4], $0x80, s9, s12, $0xb8;
	[tilespmem:$0x1D000] =	vst v63  }
0xf5: {  	_ =	swait.ge [sflag:s17], $0x4000  }
0xf6: {  	[sflag:s17] =	ssyncset.done $0x0  }
0xf7: {  	s9 =	rddreg [dreg:$0x13];
	[sflag:s17] =	ssyncadd.s32 $0xFFFFC000  }
0xf8: {  	[tilespmem:s13], [sflag:$0x1] =	stream.indirect.gather [hbm4b:s4+s12], $0x80, s9, s12, $0xb8;
	[tilespmem:$0x1D000] =	vst v63  }
0xf9: {  	_ =	swait.ge [sflag:s18], $0x4000  }
0xfa: {  	[sflag:s18] =	ssyncset.done $0x0  }
0xfb: {  	[sflag:s18] =	ssyncadd.s32 $0xFFFFC000  }
0xfc: {  	[tilespmem:s14], [sflag:$0x2] =	stream.indirect.gather [hbm4b:s4+s12], $0x80, s19, s12, $0xb8;
	[tilespmem:$0x1D000] =	vst v63  }
0xfd: {  	_ =	swait.ge [sflag:s15], $0x4000  }
0xfe: {  	[sflag:s15] =	ssyncset.done $0x0  }
0xff: {  	[sflag:s15] =	ssyncadd.s32 $0xFFFFC000  }
0x100: {  	[spmem:s2] =	stream.indirect.scatter.add.f32 [tilespmem:s13], [sflag:$0x3], $0x80, s20, s12, $0xb8;
	[tilespmem:$0x1D000] =	vst v63  }
0x101: {  	_ =	swait.ge [sflag:s16], $0x4000  }
0x102: {  	[sflag:s16] =	ssyncset.done $0x0  }
0x103: {  	[sflag:s16] =	ssyncadd.s32 $0xFFFFC000  }
0x104: {  	[spmem:s2] =	stream.indirect.scatter.add.f32 [tilespmem:s14], [sflag:$0x4], $0x80, s21, s12, $0xb8;
	[tilespmem:$0x1D000] =	vst v63  }
0x105: {  	_ =	swait.ge [sflag:s17], $0x4000  }
0x106: {  	[sflag:s17] =	ssyncset.done $0x0  }
0x107: {  	[sflag:s17] =	ssyncadd.s32 $0xFFFFC000  }
0x108: {  	[tilespmem:s13], [sflag:$0x1] =	stream.indirect.gather [hbm4b:s4+s12], $0x80, s22, s12, $0xb8;
	[tilespmem:$0x1D000] =	vst v63  }
0x109: {  	_ =	swait.ge [sflag:s18], $0x4000  }
0x10a: {  	[sflag:s18] =	ssyncset.done $0x0  }
0x10b: {  	[sflag:s18] =	ssyncadd.s32 $0xFFFFC000  }
0x10c: {  	[tilespmem:s14], [sflag:$0x2] =	stream.indirect.gather [hbm4b:s4+s12], $0x80, s23, s12, $0xb8;
	[tilespmem:$0x1D000] =	vst v63  }
0x10d: {  	_ =	swait.ge [sflag:s15], $0x4000  }
0x10e: {  	[sflag:s15] =	ssyncset.done $0x0  }
0x10f: {  	[sflag:s15] =	ssyncadd.s32 $0xFFFFC000  }
0x110: {  	[spmem:s2] =	stream.indirect.scatter.add.f32 [tilespmem:s13], [sflag:$0x3], $0x80, s24, s12, $0xb8;
	[tilespmem:$0x1D000] =	vst v63  }
0x111: {  	_ =	swait.ge [sflag:s16], $0x4000  }
0x112: {  	[sflag:s16] =	ssyncset.done $0x0  }
0x113: {  	[sflag:s16] =	ssyncadd.s32 $0xFFFFC000  }
0x114: {  	[spmem:s2] =	stream.indirect.scatter.add.f32 [tilespmem:s14], [sflag:$0x4], $0x80, s25, s12, $0xb8;
	[tilespmem:$0x1D000] =	vst v63  }
0x115: {  	_ =	swait.ge [sflag:s17], $0x4000  }
0x116: {  	[sflag:s17] =	ssyncset.done $0x0  }
0x117: {  	[sflag:s17] =	ssyncadd.s32 $0xFFFFC000  }
0x118: {  	[tilespmem:s13], [sflag:$0x1] =	stream.indirect.gather [hbm4b:s4+s12], $0x80, s26, s12, $0xb8;
	[tilespmem:$0x1D000] =	vst v63  }
0x119: {  	_ =	swait.ge [sflag:s18], $0x4000  }
0x11a: {  	[sflag:s18] =	ssyncset.done $0x0  }
0x11b: {  	[sflag:s18] =	ssyncadd.s32 $0xFFFFC000  }
0x11c: {  	[tilespmem:s14], [sflag:$0x2] =	stream.indirect.gather [hbm4b:s4+s12], $0x80, s28, s12, $0xb8;
	[tilespmem:$0x1D000] =	vst v63  }
0x11d: {  	_ =	swait.ge [sflag:s15], $0x4000  }
0x11e: {  	[sflag:s15] =	ssyncset.done $0x0  }
0x11f: {  	[sflag:s15] =	ssyncadd.s32 $0xFFFFC000  }
0x120: {  	[spmem:s2] =	stream.indirect.scatter.add.f32 [tilespmem:s13], [sflag:$0x3], $0x80, s29, s12, $0xb8;
	[tilespmem:$0x1D000] =	vst v63  }
0x121: {  	_ =	swait.ge [sflag:s16], $0x4000  }
0x122: {  	[sflag:s16] =	ssyncset.done $0x0  }
0x123: {  	[sflag:s16] =	ssyncadd.s32 $0xFFFFC000  }
0x124: {  	[spmem:s2] =	stream.indirect.scatter.add.f32 [tilespmem:s14], [sflag:$0x4], $0x80, s30, s12, $0xb8;
	[tilespmem:$0x1D000] =	vst v63  }
0x125: {  	_ =	swait.ge [sflag:s17], $0x4000  }
0x126: {  	[sflag:s17] =	ssyncset.done $0x0  }
0x127: {  	[sflag:s17] =	ssyncadd.s32 $0xFFFFC000  }
0x128: {  	[tilespmem:s13], [sflag:$0x1] =	stream.indirect.gather [hbm4b:s4+s12], $0x80, s31, s12, $0xb8;
	[tilespmem:$0x1D000] =	vst v63  }
0x129: {  	_ =	swait.ge [sflag:s18], $0x4000  }
0x12a: {  	[sflag:s18] =	ssyncset.done $0x0  }
0x12b: {  	[sflag:s18] =	ssyncadd.s32 $0xFFFFC000  }
0x12c: {  	[tilespmem:s14], [sflag:$0x2] =	stream.indirect.gather [hbm4b:s4+s12], $0x80, s1, s12, $0xb8;
	[tilespmem:$0x1D000] =	vst v63  }
0x12d: {  	_ =	swait.ge [sflag:s15], $0x4000  }
0x12e: {  	[sflag:s15] =	ssyncset.done $0x0  }
0x12f: {  	[sflag:s15] =	ssyncadd.s32 $0xFFFFC000  }
0x130: {  	[spmem:s2] =	stream.indirect.scatter.add.f32 [tilespmem:s13], [sflag:$0x3], $0x80, s0, s12, $0xb8;
	[tilespmem:$0x1D000] =	vst v63  }
0x131: {  	_ =	swait.ge [sflag:s16], $0x4000  }
0x132: {  	[sflag:s16] =	ssyncset.done $0x0  }
0x133: {  	p0 =	sne.s32 s6, $0x400;
	[sflag:s16] =	ssyncadd.s32 $0xFFFFC000  }
0x134: {  	[spmem:s2] =	stream.indirect.scatter.add.f32 [tilespmem:s14], [sflag:$0x4], $0x80, s5, s12, $0xb8;
	[tilespmem:$0x1D000] =	vst v63  }
.Ltmp0:
0x135: {  	_ =	swait.ge [sflag:s17], $0x4000;
	(pc) =	sbr.rel @p0 .LBB2_2-.Ltmp0, $4  }
0x136: {  	[sflag:s17] =	ssyncset.done $0x0  }
0x137: {  	[sflag:s17] =	ssyncadd.s32 $0xFFFFC000  }
0x138: {  	s7 =	smov.u32 s6;
	s6 =	sadd.s32 $0x100, s6;
	_ =	swait.ge [sflag:s18], $0x4000  }
0x139: {  	s8 =	smov.u32 s7;
	s9 =	rddreg [dreg:$0x5];
	[sflag:s18] =	ssyncset.done $0x0  }
0x13a: {  	[sflag:s18] =	ssyncadd.s32 $0xFFFFC000;
	s6 =	sadd.s32 s8, s9  }
0x13b: {  	[tilespmem:s3], [sflag:$0x5] =	stream.linear.gather [hbm4b:s6+s3], $0x800, $0x38;
	[tilespmem:$0x1D000] =	vst v63  }
0x13c: {  	_ =	swait.ge [sflag:s10], $0x800  }
0x13d: {  	s9 =	rddreg [dreg:$0x4];
	[sflag:s10] =	ssyncset.done $0x0  }
0x13e: {  	s6 =	sadd.s32 s8, s9;
	[sflag:s10] =	ssyncadd.s32 $0xFFFFF800  }
0x13f: {  	[tilespmem:s11], [sflag:$0x5] =	stream.linear.gather [hbm4b:s6+s3], $0x800, $0x38;
	[tilespmem:$0x1D000] =	vst v63  }
0x140: {  	_ =	swait.ge [sflag:s10], $0x800  }
0x141: {  	[sflag:s10] =	ssyncset.done $0x0  }
0x142: {  	[sflag:s10] =	ssyncadd.s32 $0xFFFFF800  }
0x143: {  	[tilespmem:s13], [sflag:$0x1] =	stream.indirect.gather [hbm4b:s4+s12], $0x80, s3, s12, $0xb8;
	[tilespmem:$0x1D000] =	vst v63  }
0x144: {  	_ = 	snop  }
0x145: {  	[tilespmem:s14], [sflag:$0x2] =	stream.indirect.gather [hbm4b:s4+s12], $0x80, s12, s12, $0xb8;
	[tilespmem:$0x1D000] =	vst v63  }
0x146: {  	_ =	swait.ge [sflag:s15], $0x4000  }
0x147: {  	[sflag:s15] =	ssyncset.done $0x0  }
0x148: {  	[sflag:s15] =	ssyncadd.s32 $0xFFFFC000  }
0x149: {  	[spmem:s2] =	stream.indirect.scatter.add.f32 [tilespmem:s13], [sflag:$0x3], $0x80, s11, s12, $0xb8;
	[tilespmem:$0x1D000] =	vst v63  }
0x14a: {  	_ =	swait.ge [sflag:s16], $0x4000  }
0x14b: {  	[sflag:s16] =	ssyncset.done $0x0  }
0x14c: {  	s7 =	rddreg [dreg:$0x6];
	[sflag:s16] =	ssyncadd.s32 $0xFFFFC000  }
0x14d: {  	[spmem:s2] =	stream.indirect.scatter.add.f32 [tilespmem:s14], [sflag:$0x4], $0x80, s7, s12, $0xb8;
	[tilespmem:$0x1D000] =	vst v63  }
0x14e: {  	_ =	swait.ge [sflag:s17], $0x4000  }
0x14f: {  	[sflag:s17] =	ssyncset.done $0x0  }
0x150: {  	s8 =	rddreg [dreg:$0x7];
	[sflag:s17] =	ssyncadd.s32 $0xFFFFC000  }
0x151: {  	[tilespmem:s13], [sflag:$0x1] =	stream.indirect.gather [hbm4b:s4+s12], $0x80, s8, s12, $0xb8;
	[tilespmem:$0x1D000] =	vst v63  }
0x152: {  	_ =	swait.ge [sflag:s18], $0x4000  }
0x153: {  	[sflag:s18] =	ssyncset.done $0x0  }
0x154: {  	s9 =	rddreg [dreg:$0x8];
	[sflag:s18] =	ssyncadd.s32 $0xFFFFC000  }
0x155: {  	[tilespmem:s14], [sflag:$0x2] =	stream.indirect.gather [hbm4b:s4+s12], $0x80, s9, s12, $0xb8;
	[tilespmem:$0x1D000] =	vst v63  }
0x156: {  	_ =	swait.ge [sflag:s15], $0x4000  }
0x157: {  	[sflag:s15] =	ssyncset.done $0x0  }
0x158: {  	s7 =	rddreg [dreg:$0x9];
	[sflag:s15] =	ssyncadd.s32 $0xFFFFC000  }
0x159: {  	[spmem:s2] =	stream.indirect.scatter.add.f32 [tilespmem:s13], [sflag:$0x3], $0x80, s7, s12, $0xb8;
	[tilespmem:$0x1D000] =	vst v63  }
0x15a: {  	_ =	swait.ge [sflag:s16], $0x4000  }
0x15b: {  	[sflag:s16] =	ssyncset.done $0x0  }
0x15c: {  	s8 =	rddreg [dreg:$0xa];
	[sflag:s16] =	ssyncadd.s32 $0xFFFFC000  }
0x15d: {  	[spmem:s2] =	stream.indirect.scatter.add.f32 [tilespmem:s14], [sflag:$0x4], $0x80, s8, s12, $0xb8;
	[tilespmem:$0x1D000] =	vst v63  }
0x15e: {  	_ =	swait.ge [sflag:s17], $0x4000  }
0x15f: {  	[sflag:s17] =	ssyncset.done $0x0  }
0x160: {  	s9 =	rddreg [dreg:$0xb];
	[sflag:s17] =	ssyncadd.s32 $0xFFFFC000  }
0x161: {  	[tilespmem:s13], [sflag:$0x1] =	stream.indirect.gather [hbm4b:s4+s12], $0x80, s9, s12, $0xb8;
	[tilespmem:$0x1D000] =	vst v63  }
0x162: {  	_ =	swait.ge [sflag:s18], $0x4000  }
0x163: {  	[sflag:s18] =	ssyncset.done $0x0  }
0x164: {  	s7 =	rddreg [dreg:$0xc];
	[sflag:s18] =	ssyncadd.s32 $0xFFFFC000  }
0x165: {  	[tilespmem:s14], [sflag:$0x2] =	stream.indirect.gather [hbm4b:s4+s12], $0x80, s7, s12, $0xb8;
	[tilespmem:$0x1D000] =	vst v63  }
0x166: {  	_ =	swait.ge [sflag:s15], $0x4000  }
0x167: {  	[sflag:s15] =	ssyncset.done $0x0  }
0x168: {  	s8 =	rddreg [dreg:$0xd];
	[sflag:s15] =	ssyncadd.s32 $0xFFFFC000  }
0x169: {  	[spmem:s2] =	stream.indirect.scatter.add.f32 [tilespmem:s13], [sflag:$0x3], $0x80, s8, s12, $0xb8;
	[tilespmem:$0x1D000] =	vst v63  }
0x16a: {  	_ =	swait.ge [sflag:s16], $0x4000  }
0x16b: {  	[sflag:s16] =	ssyncset.done $0x0  }
0x16c: {  	s9 =	rddreg [dreg:$0xe];
	[sflag:s16] =	ssyncadd.s32 $0xFFFFC000  }
0x16d: {  	[spmem:s2] =	stream.indirect.scatter.add.f32 [tilespmem:s14], [sflag:$0x4], $0x80, s9, s12, $0xb8;
	[tilespmem:$0x1D000] =	vst v63  }
0x16e: {  	_ =	swait.ge [sflag:s17], $0x4000  }
0x16f: {  	[sflag:s17] =	ssyncset.done $0x0  }
0x170: {  	s7 =	rddreg [dreg:$0xf];
	[sflag:s17] =	ssyncadd.s32 $0xFFFFC000  }
0x171: {  	[tilespmem:s13], [sflag:$0x1] =	stream.indirect.gather [hbm4b:s4+s12], $0x80, s7, s12, $0xb8;
	[tilespmem:$0x1D000] =	vst v63  }
0x172: {  	_ =	swait.ge [sflag:s18], $0x4000  }
0x173: {  	[sflag:s18] =	ssyncset.done $0x0  }
0x174: {  	s8 =	rddreg [dreg:$0x10];
	[sflag:s18] =	ssyncadd.s32 $0xFFFFC000  }
0x175: {  	[tilespmem:s14], [sflag:$0x2] =	stream.indirect.gather [hbm4b:s4+s12], $0x80, s8, s12, $0xb8;
	[tilespmem:$0x1D000] =	vst v63  }
0x176: {  	_ =	swait.ge [sflag:s15], $0x4000  }
0x177: {  	[sflag:s15] =	ssyncset.done $0x0  }
0x178: {  	s9 =	rddreg [dreg:$0x11];
	[sflag:s15] =	ssyncadd.s32 $0xFFFFC000  }
0x179: {  	[spmem:s2] =	stream.indirect.scatter.add.f32 [tilespmem:s13], [sflag:$0x3], $0x80, s9, s12, $0xb8;
	[tilespmem:$0x1D000] =	vst v63  }
0x17a: {  	_ =	swait.ge [sflag:s16], $0x4000  }
0x17b: {  	[sflag:s16] =	ssyncset.done $0x0  }
0x17c: {  	s7 =	rddreg [dreg:$0x12];
	[sflag:s16] =	ssyncadd.s32 $0xFFFFC000  }
0x17d: {  	[spmem:s2] =	stream.indirect.scatter.add.f32 [tilespmem:s14], [sflag:$0x4], $0x80, s7, s12, $0xb8;
	[tilespmem:$0x1D000] =	vst v63  }
0x17e: {  	_ =	swait.ge [sflag:s17], $0x4000  }
0x17f: {  	[sflag:s17] =	ssyncset.done $0x0  }
0x180: {  	s8 =	rddreg [dreg:$0x13];
	[sflag:s17] =	ssyncadd.s32 $0xFFFFC000  }
0x181: {  	[tilespmem:s13], [sflag:$0x1] =	stream.indirect.gather [hbm4b:s4+s12], $0x80, s8, s12, $0xb8;
	[tilespmem:$0x1D000] =	vst v63  }
0x182: {  	_ =	swait.ge [sflag:s18], $0x4000  }
0x183: {  	[sflag:s18] =	ssyncset.done $0x0  }
0x184: {  	[sflag:s18] =	ssyncadd.s32 $0xFFFFC000  }
0x185: {  	[tilespmem:s14], [sflag:$0x2] =	stream.indirect.gather [hbm4b:s4+s12], $0x80, s19, s12, $0xb8;
	[tilespmem:$0x1D000] =	vst v63  }
0x186: {  	_ =	swait.ge [sflag:s15], $0x4000  }
0x187: {  	[sflag:s15] =	ssyncset.done $0x0  }
0x188: {  	[sflag:s15] =	ssyncadd.s32 $0xFFFFC000  }
0x189: {  	[spmem:s2] =	stream.indirect.scatter.add.f32 [tilespmem:s13], [sflag:$0x3], $0x80, s20, s12, $0xb8;
	[tilespmem:$0x1D000] =	vst v63  }
0x18a: {  	_ =	swait.ge [sflag:s16], $0x4000  }
0x18b: {  	[sflag:s16] =	ssyncset.done $0x0  }
0x18c: {  	[sflag:s16] =	ssyncadd.s32 $0xFFFFC000  }
0x18d: {  	[spmem:s2] =	stream.indirect.scatter.add.f32 [tilespmem:s14], [sflag:$0x4], $0x80, s21, s12, $0xb8;
	[tilespmem:$0x1D000] =	vst v63  }
0x18e: {  	_ =	swait.ge [sflag:s17], $0x4000  }
0x18f: {  	[sflag:s17] =	ssyncset.done $0x0  }
0x190: {  	[sflag:s17] =	ssyncadd.s32 $0xFFFFC000  }
0x191: {  	[tilespmem:s13], [sflag:$0x1] =	stream.indirect.gather [hbm4b:s4+s12], $0x80, s22, s12, $0xb8;
	[tilespmem:$0x1D000] =	vst v63  }
0x192: {  	_ =	swait.ge [sflag:s18], $0x4000  }
0x193: {  	[sflag:s18] =	ssyncset.done $0x0  }
0x194: {  	[sflag:s18] =	ssyncadd.s32 $0xFFFFC000  }
0x195: {  	[tilespmem:s14], [sflag:$0x2] =	stream.indirect.gather [hbm4b:s4+s12], $0x80, s23, s12, $0xb8;
	[tilespmem:$0x1D000] =	vst v63  }
0x196: {  	_ =	swait.ge [sflag:s15], $0x4000  }
0x197: {  	[sflag:s15] =	ssyncset.done $0x0  }
0x198: {  	[sflag:s15] =	ssyncadd.s32 $0xFFFFC000  }
0x199: {  	[spmem:s2] =	stream.indirect.scatter.add.f32 [tilespmem:s13], [sflag:$0x3], $0x80, s24, s12, $0xb8;
	[tilespmem:$0x1D000] =	vst v63  }
0x19a: {  	_ =	swait.ge [sflag:s16], $0x4000  }
0x19b: {  	[sflag:s16] =	ssyncset.done $0x0  }
0x19c: {  	[sflag:s16] =	ssyncadd.s32 $0xFFFFC000  }
0x19d: {  	[spmem:s2] =	stream.indirect.scatter.add.f32 [tilespmem:s14], [sflag:$0x4], $0x80, s25, s12, $0xb8;
	[tilespmem:$0x1D000] =	vst v63  }
0x19e: {  	_ =	swait.ge [sflag:s17], $0x4000  }
0x19f: {  	[sflag:s17] =	ssyncset.done $0x0  }
0x1a0: {  	[sflag:s17] =	ssyncadd.s32 $0xFFFFC000  }
0x1a1: {  	[tilespmem:s13], [sflag:$0x1] =	stream.indirect.gather [hbm4b:s4+s12], $0x80, s26, s12, $0xb8;
	[tilespmem:$0x1D000] =	vst v63  }
0x1a2: {  	_ =	swait.ge [sflag:s18], $0x4000  }
0x1a3: {  	[sflag:s18] =	ssyncset.done $0x0  }
0x1a4: {  	[sflag:s18] =	ssyncadd.s32 $0xFFFFC000  }
0x1a5: {  	[tilespmem:s14], [sflag:$0x2] =	stream.indirect.gather [hbm4b:s4+s12], $0x80, s28, s12, $0xb8;
	[tilespmem:$0x1D000] =	vst v63  }
0x1a6: {  	_ =	swait.ge [sflag:s15], $0x4000  }
0x1a7: {  	[sflag:s15] =	ssyncset.done $0x0  }
0x1a8: {  	[sflag:s15] =	ssyncadd.s32 $0xFFFFC000  }
0x1a9: {  	[spmem:s2] =	stream.indirect.scatter.add.f32 [tilespmem:s13], [sflag:$0x3], $0x80, s29, s12, $0xb8;
	[tilespmem:$0x1D000] =	vst v63  }
0x1aa: {  	_ =	swait.ge [sflag:s16], $0x4000  }
0x1ab: {  	[sflag:s16] =	ssyncset.done $0x0  }
0x1ac: {  	[sflag:s16] =	ssyncadd.s32 $0xFFFFC000  }
0x1ad: {  	[spmem:s2] =	stream.indirect.scatter.add.f32 [tilespmem:s14], [sflag:$0x4], $0x80, s30, s12, $0xb8;
	[tilespmem:$0x1D000] =	vst v63  }
0x1ae: {  	_ =	swait.ge [sflag:s17], $0x4000  }
0x1af: {  	[sflag:s17] =	ssyncset.done $0x0  }
0x1b0: {  	[sflag:s17] =	ssyncadd.s32 $0xFFFFC000  }
0x1b1: {  	[tilespmem:s13], [sflag:$0x1] =	stream.indirect.gather [hbm4b:s4+s12], $0x80, s31, s12, $0xb8;
	[tilespmem:$0x1D000] =	vst v63  }
0x1b2: {  	_ =	swait.ge [sflag:s18], $0x4000  }
0x1b3: {  	[sflag:s18] =	ssyncset.done $0x0  }
0x1b4: {  	[sflag:s18] =	ssyncadd.s32 $0xFFFFC000  }
0x1b5: {  	[tilespmem:s14], [sflag:$0x2] =	stream.indirect.gather [hbm4b:s4+s12], $0x80, s1, s12, $0xb8;
	[tilespmem:$0x1D000] =	vst v63  }
0x1b6: {  	_ =	swait.ge [sflag:s15], $0x4000  }
0x1b7: {  	[sflag:s15] =	ssyncset.done $0x0  }
0x1b8: {  	[sflag:s15] =	ssyncadd.s32 $0xFFFFC000  }
0x1b9: {  	[spmem:s2] =	stream.indirect.scatter.add.f32 [tilespmem:s13], [sflag:$0x3], $0x80, s0, s12, $0xb8;
	[tilespmem:$0x1D000] =	vst v63  }
0x1ba: {  	_ =	swait.ge [sflag:s16], $0x4000  }
0x1bb: {  	[sflag:s16] =	ssyncset.done $0x0  }
0x1bc: {  	[sflag:s16] =	ssyncadd.s32 $0xFFFFC000  }
0x1bd: {  	[spmem:s2] =	stream.indirect.scatter.add.f32 [tilespmem:s14], [sflag:$0x4], $0x80, s5, s12, $0xb8;
	[tilespmem:$0x1D000] =	vst v63  }
0x1be: {  	_ =	swait.ge [sflag:s17], $0x4000  }
0x1bf: {  	[sflag:s17] =	ssyncset.done $0x0  }
0x1c0: {  	[sflag:s17] =	ssyncadd.s32 $0xFFFFC000  }
0x1c1: {  	_ =	swait.ge [sflag:s18], $0x4000  }
0x1c2: {  	[sflag:s18] =	ssyncset.done $0x0  }
0x1c3: {  	[sflag:s18] =	ssyncadd.s32 $0xFFFFC000  }
0x1c4: {  	[bflag:$0x0] =	sbarrier.arrive $0xFFFF  }
0x1c5: {  	s8 =	rddreg [dreg:$0x15]  }
0x1c6: {  	s9 =	rddreg [dreg:$0x16]  }
0x1c7: {  	s7 =	rddreg [dreg:$0x18]  }
0x1c8: {  	[hbm:s9], [sflag:s8] =	dma.local [spmem:s7], $0x2800  }
0x1c9: {  	_ =	swait.ge [sflag:s10], $0x2800  }
0x1ca: {  	s6 =	rddreg [dreg:$0x19]  }
0x1cb: {  	s9 =	sadd.s32 $0x1, s6;
	s6 =	rddreg [dreg:$0x17]  }
0x1cc: {  	p0 =	sne.s32 s9, s6  }
.Ltmp1:
0x1cd: {  	_ = 	snop;
	(pc) =	sbr.rel @p0 .LBB2_1-.Ltmp1, $3  }
0x1ce: {  	_ =	sdelay $0x1  }
0x1cf: {  	[sflag:s10] =	ssyncset.done $0x0  }
0x1d0: {  	[sflag:s10] =	ssyncadd.s32 $0xFFFFD800  }
0x1d1: {  	_ =	sfence.sel $0x180000  }
0x1d2: {  	[bflag:$0x0] =	sbarrier.arrive $0xFFFF  }
0x1d3: {  	_ =	strace $0x90000050  }
0x1d4: {  	s0 =	stileid.u32;
	[bflag:$0x2] =	sbarrier.arrive $0xFFFF  }
0x1d5: {  	p0 =	sne.s32 s0, $0x0;
	s0 =	rddreg [dreg:$0x3]  }
0x1d6: {  	s0 =	sadd.s32 @!p0 $0x100000, s0  }
0x1d7: {  	[sflag:s0] =	ssyncadd.tile.s32 @!p0 $0x1;
	_ =	shalt  }
.Lfunc_end2:
_tile_overlayer_lowered:
.L_overlay_start_2:
0x1d8: {  	(tag) =	ssettag $0x2  }
0x1d9: {  	s0 =	rddreg [dreg:$0x0];
	s2 =	stileid.u32  }
0x1da: {  	s1 =	rddreg [dreg:$0x1];
	p0 =	sne.s32 s2, $0x0  }
0x1db: {  	s3 =	rddreg [dreg:$0x2];
	[bflag:$0x3] =	sbarrier.arrive $0xFFFF;
	s2 =	simm.s32 @!p0 $0x1C05  }
0x1dc: {  	[timem:s3], [sflag:s2] =	dma.local @!p0 [hbm:s0], s1  }
0x1dd: {  	s0 =	simm.s32 @!p0 $0x5  }
0x1de: {  	_ =	swait.ge @!p0 [sflag:s0], s1  }
0x1df: {  	s1 =	ssub.s32 @!p0 $0x0, s1;
	[sflag:s0] =	ssyncset.done @!p0 $0x0  }
0x1e0: {  	[sflag:s0] =	ssyncadd.s32 @!p0 s1  }
0x1e1: {  	[bflag:$0x3] =	sbarrier.arrive $0xFFFF  }
0x1e2: {  	_ =	shalt  }

</sc_bundles>
